<compile_context>
chip_gen: v7x
topology: tpu7x:2x2x1
jax: 0.10.2.dev20260603
libtpu: 0.0.44.dev20260713+nightly
codegen_flags: <defaults>
</compile_context>

<pallas_src>
import functools

import jax
import jax.numpy as jnp
from jax import lax
from jax.experimental import pallas as pl
from jax.experimental.pallas import tpu as pltpu
from jax.experimental.pallas import tpu_sc as plsc

F32 = jnp.float32
I32 = jnp.int32

_DATA = 0
_DFLAT = 16
_L0 = 48
_L1 = 73
_L2 = 178
_FW0 = 288
_FB0 = 4384
_FW1 = 4448
_FB1 = 8544
_FW2 = 8608
_FB2 = 10656
_FW3 = 10688
_FB3 = 10752
_TOTAL = 10768

_mesh = plsc.VectorSubcoreMesh(core_axis_name="c", subcore_axis_name="s",
                               num_cores=1, num_subcores=16)


def _leaky(v):
    return jnp.where(v > 0, v, 0.01 * v)


def _sigmoid(z):
    zc = jnp.clip(z, -30.0, 30.0)
    t = -zc * 1.4426950408889634
    kf = (t + 12582912.0) - 12582912.0
    r = (-zc - kf * 0.693359375) - kf * (-2.12194440e-4)
    p = 1.0 / 720.0
    p = p * r + 1.0 / 120.0
    p = p * r + 1.0 / 24.0
    p = p * r + 1.0 / 6.0
    p = p * r + 0.5
    e = (p * r + 1.0) * r + 1.0
    ki = kf.astype(jnp.int32)
    scale = lax.bitcast_convert_type(
        lax.shift_left(ki + 127, 23), jnp.float32)
    den = 1.0 + e * scale
    q = 1.0 / den
    return q * (2.0 - den * q)




@functools.partial(
    pl.kernel,
    mesh=_mesh,
    compiler_params=pltpu.CompilerParams(needs_layout_passes=False),
    out_type=jax.ShapeDtypeStruct((2,), F32),
    scratch_types=[
        pltpu.VMEM((_TOTAL,), F32),
        pltpu.VMEM((32,), I32),
        pltpu.VMEM((80,), F32),
        pltpu.VMEM((80,), F32),
        pltpu.VMEM((80,), F32),
        pltpu.VMEM((80,), F32),
        pltpu.VMEM((64,), F32),
        pltpu.VMEM((64,), F32),
        pltpu.VMEM((16,), F32),
        pltpu.SemaphoreType.DMA,
        pltpu.SemaphoreType.DMA,
    ],
)
def _sc_forward(flat_hbm, ei_hbm, out_hbm, flat_v, ei_v, bhT, chT, dhT,
                aggT, x_v, x2_v, out_v, sem0, sem1):
    wid = lax.axis_index("s")

    @pl.when(wid == 0)
    def _():
        cp0 = pltpu.async_copy(flat_hbm, flat_v, sem0)
        cp1 = pltpu.async_copy(ei_hbm, ei_v, sem1)
        cp0.wait()
        cp1.wait()

        iota = lax.iota(I32, 16)
        iota0 = iota * 0
        src = ei_v[pl.ds(0, 16)]
        dst = ei_v[pl.ds(16, 16)]

        def bc(k):
            return plsc.load_gather(flat_v, [iota0 + k])

        def dense_cols(rows, w_off, d_in, d_out):
            cols = []
            for o in range(d_out):
                acc = rows[0] * bc(w_off + o)
                for i in range(1, d_in):
                    acc = acc + rows[i] * bc(w_off + i * d_out + o)
                cols.append(acc)
            return cols

        def gated_layer(rows, off, d_in):
            A = dense_cols(rows, off, d_in, 5)
            B = dense_cols(rows, off + d_in * 5, d_in, 5)
            C = dense_cols(rows, off + 2 * d_in * 5, d_in, 5)
            D = dense_cols(rows, off + 3 * d_in * 5, d_in, 5)
            b_off = off + 4 * d_in * 5
            zero = jnp.zeros((16,), F32)
            for f in range(5):
                bhT[pl.ds(16 * f, 16)] = B[f]
                chT[pl.ds(16 * f, 16)] = C[f]
                dhT[pl.ds(16 * f, 16)] = D[f]
                aggT[pl.ds(16 * f, 16)] = zero
            for f in range(5):
                sidx = src + 16 * f
                didx = dst + 16 * f
                bh = plsc.load_gather(bhT, [sidx])
                ch = plsc.load_gather(chT, [didx])
                dh = plsc.load_gather(dhT, [sidx])
                eta = _sigmoid(ch + dh)
                plsc.addupdate_scatter(aggT, [didx], eta * bh)
            out_rows = []
            for f in range(5):
                v = A[f] + aggT[pl.ds(16 * f, 16)] + bc(b_off + f)
                out_rows.append(_leaky(v))
            return out_rows

        rows = [flat_v[pl.ds(_DATA, 16)]]
        rows = gated_layer(rows, _L0, 1)
        rows = gated_layer(rows, _L1, 5)
        rows = gated_layer(rows, _L2, 5)

        mask8 = iota < 8
        for f in range(5):
            plsc.store_scatter(x_v, [iota * 5 + f], rows[f], mask=mask8)
        plsc.store_scatter(x_v, [iota + 40], flat_v[pl.ds(_DFLAT, 16)])
        plsc.store_scatter(x_v, [iota + 56], flat_v[pl.ds(_DFLAT + 16, 16)],
                           mask=mask8)

        def mlp_layer(xref, w_off, b_off, d_in, d_out):
            nchunk = d_out // 16
            U = 4
            zero = jnp.zeros((16,), F32)
            init = []
            for u in range(U):
                for c in range(nchunk):
                    init.append(flat_v[pl.ds(b_off + 16 * c, 16)]
                                if u == 0 else zero)
            def body(ii, accs):
                accs = list(accs)
                for u in range(U):
                    i = ii * U + u
                    xv = plsc.load_gather(xref, [iota0 + i])
                    base = w_off + i * d_out
                    for c in range(nchunk):
                        w = plsc.load_gather(flat_v, [base + 16 * c + iota])
                        accs[u * nchunk + c] = accs[u * nchunk + c] + xv * w
                return tuple(accs)
            accs = lax.fori_loop(0, d_in // U, body, tuple(init))
            outs = []
            for c in range(nchunk):
                s = accs[c]
                for u in range(1, U):
                    s = s + accs[u * nchunk + c]
                outs.append(_leaky(s))
            return outs

        o1 = mlp_layer(x_v, _FW0, _FB0, 64, 64)
        for c in range(4):
            x2_v[pl.ds(16 * c, 16)] = o1[c]
        o2 = mlp_layer(x2_v, _FW1, _FB1, 64, 64)
        for c in range(4):
            x_v[pl.ds(16 * c, 16)] = o2[c]
        y = mlp_layer(x_v, _FW2, _FB2, 64, 32)

        sums = []
        for o in range(2):
            acc = jnp.zeros((16,), F32)
            for c in range(2):
                col = plsc.load_gather(
                    flat_v, [_FW3 + (iota + 16 * c) * 2 + o])
                acc = acc + y[c] * col
            sums.append(jnp.sum(acc))
        fb3v = plsc.load_gather(flat_v, [_FB3 + iota % 2])
        z = jnp.where(iota == 0, sums[0], sums[1]) + fb3v
        out_v[...] = _sigmoid(z)
        pltpu.sync_copy(out_v.at[pl.ds(0, 2)], out_hbm)


def kernel(data, d, edge_index, A0, B0, C0, D0, b0, A1, B1, C1, D1, b1,
           A2, B2, C2, D2, b2, fW0, fb0, fW1, fb1, fW2, fb2, fW3, fb3):
    z8 = jnp.zeros((8,), F32)
    flat = jnp.concatenate([
        data.reshape(-1), z8,
        d.reshape(-1), z8,
        A0.reshape(-1), B0.reshape(-1), C0.reshape(-1), D0.reshape(-1), b0,
        A1.reshape(-1), B1.reshape(-1), C1.reshape(-1), D1.reshape(-1), b1,
        A2.reshape(-1), B2.reshape(-1), C2.reshape(-1), D2.reshape(-1), b2,
        jnp.zeros((5,), F32),
        fW0.reshape(-1), fb0,
        fW1.reshape(-1), fb1,
        fW2.reshape(-1), fb2,
        fW3.reshape(-1), fb3,
        jnp.zeros((14,), F32),
    ])
    ei = edge_index.reshape(-1)
    return _sc_forward(flat, ei)

# --- scband reference (transcript-rebuilt; emitter-appended) ---
"""Pipeline reference for scband-energy-latency-gnn-1-4-41446434406432 (READ-ONLY COPY).

The authoritative reference and input builder live on the scoring server;
editing this copy changes nothing except your own understanding.
"""

import jax, jax.numpy as jnp
import numpy as np


def _glorot(key, shape):
    s = (6.0 / (shape[0] + shape[1])) ** 0.5
    return jax.random.uniform(key, shape, jnp.float32, -s, s)


def setup_inputs(seed: int = 0) -> dict:
    key = jax.random.key(seed)
    ks = jax.random.split(key, 64)
    inp = {}
    inp["data"] = jax.random.normal(ks[0], (8, 1), jnp.float32)
    inp["d"] = jax.random.normal(ks[1], (4, 6), jnp.float32)
    inp["edge_index"] = jax.random.randint(ks[2], (2, 16), 0, 8, jnp.int32)
    # GatedRGCN layer params: layer0 (1->5), layer1 (5->5), layer2 (5->5)
    dims = [(1, 5), (5, 5), (5, 5)]
    k = 3
    for i, (di, do) in enumerate(dims):
        inp[f"A{i}"] = _glorot(ks[k], (di, do)); k += 1
        inp[f"B{i}"] = _glorot(ks[k], (di, do)); k += 1
        inp[f"C{i}"] = _glorot(ks[k], (di, do)); k += 1
        inp[f"D{i}"] = _glorot(ks[k], (di, do)); k += 1
        inp[f"b{i}"] = jnp.zeros((do,), jnp.float32)
    # 'find' MLP: 64->64->64->32->2
    fdims = [(64, 64), (64, 64), (64, 32), (32, 2)]
    for i, (di, do) in enumerate(fdims):
        inp[f"fW{i}"] = _glorot(ks[k], (di, do)); k += 1
        inp[f"fb{i}"] = jnp.zeros((do,), jnp.float32)
    return inp


def _leaky(x):
    return jnp.where(x > 0, x, 0.01 * x)


def _gated_layer(h, src, dst, A, B, C, D, b, n_nodes):
    # Gated RGCN-style message passing (Bresson & Laurent gated GCN):
    # h_i' = act(A h_i + sum_{j->i} sigmoid(C h_i + D h_j) * (B h_j) + b)
    self_term = h @ A
    Bh = h @ B
    Ch = h @ C
    Dh = h @ D
    eta = jax.nn.sigmoid(Ch[dst] + Dh[src])
    msgs = eta * Bh[src]
    agg = jax.ops.segment_sum(msgs, dst, num_segments=n_nodes)
    return _leaky(self_term + agg + b)


def reference(data, d, edge_index, A0, B0, C0, D0, b0, A1, B1, C1, D1, b1, A2, B2, C2, D2, b2, fW0, fb0, fW1, fb1, fW2, fb2, fW3, fb3):
    n_nodes = data.shape[0]
    src = edge_index[0]
    dst = edge_index[1]
    h = data
    h = _gated_layer(h, src, dst, A0, B0, C0, D0, b0, n_nodes)
    h = _gated_layer(h, src, dst, A1, B1, C1, D1, b1, n_nodes)
    h = _gated_layer(h, src, dst, A2, B2, C2, D2, b2, n_nodes)
    x = h.reshape(-1)
    x = jnp.concatenate([x, d.reshape(-1)])
    x = _leaky(x @ fW0 + fb0)
    x = _leaky(x @ fW1 + fb1)
    x = _leaky(x @ fW2 + fb2)
    x = jax.nn.sigmoid(x @ fW3 + fb3)
    return x

if __name__ == "__main__":
    import jax
    _d = setup_inputs()
    print(jax.jit(kernel)(*tuple(_d.values())))

</pallas_src>

<mosaic_0001>
#map = affine_map<(d0, d1) -> (0)>
module attributes {stable_mosaic.version = 14 : i64} {
  func.func @_sc_forward(%arg0: i32, %arg1: i32, %arg2: memref<10768xf32, #tpu.memory_space<hbm>>, %arg3: memref<32xi32, #tpu.memory_space<hbm>>, %arg4: memref<2xf32, #tpu.memory_space<hbm>>, %arg5: memref<10768xf32, #tpu.memory_space<vmem>>, %arg6: memref<32xi32, #tpu.memory_space<vmem>>, %arg7: memref<80xf32, #tpu.memory_space<vmem>>, %arg8: memref<80xf32, #tpu.memory_space<vmem>>, %arg9: memref<80xf32, #tpu.memory_space<vmem>>, %arg10: memref<80xf32, #tpu.memory_space<vmem>>, %arg11: memref<64xf32, #tpu.memory_space<vmem>>, %arg12: memref<64xf32, #tpu.memory_space<vmem>>, %arg13: memref<16xf32, #tpu.memory_space<vmem>>, %arg14: memref<!tpu.dma_semaphore, #tpu.memory_space<semaphore_mem>>, %arg15: memref<!tpu.dma_semaphore, #tpu.memory_space<semaphore_mem>>) attributes {dimension_semantics = [#tpu.dimension_semantics<core_parallel>, #tpu.dimension_semantics<subcore_parallel>], iteration_bounds = array<i64: 1, 16>, scalar_prefetch = 0 : i64, scratch_operands = 11 : i64, tpu.core_type = #tpu.core_type<sc_vector_subcore>, window_params = [{transform_indices = #map}, {transform_indices = #map}, {transform_indices = #map}]} {
    %eq3A = arith.constant 0 : i32
    %eq3A_0 = arith.cmpi eq, %arg1, %eq3A : i32
    %convert_element_type3A = arith.extui %eq3A_0 : i1 to i32
    %cond3A = arith.constant 0 : i32
    %cond3A_1 = arith.cmpi ne, %convert_element_type3A, %cond3A : i32
    scf.if %cond3A_1 {
      tpu.enqueue_dma source(%arg2 : memref<10768xf32, #tpu.memory_space<hbm>>) target(%arg5 : memref<10768xf32, #tpu.memory_space<vmem>>) target_semaphore(%arg14 : memref<!tpu.dma_semaphore, #tpu.memory_space<semaphore_mem>>)
      tpu.enqueue_dma source(%arg3 : memref<32xi32, #tpu.memory_space<hbm>>) target(%arg6 : memref<32xi32, #tpu.memory_space<vmem>>) target_semaphore(%arg15 : memref<!tpu.dma_semaphore, #tpu.memory_space<semaphore_mem>>)
      tpu.wait_dma2 semaphore(%arg14 : memref<!tpu.dma_semaphore, #tpu.memory_space<semaphore_mem>>) src(%arg2 : memref<10768xf32, #tpu.memory_space<hbm>>) dst(%arg5 : memref<10768xf32, #tpu.memory_space<vmem>>)
      tpu.wait_dma2 semaphore(%arg15 : memref<!tpu.dma_semaphore, #tpu.memory_space<semaphore_mem>>) src(%arg3 : memref<32xi32, #tpu.memory_space<hbm>>) dst(%arg6 : memref<32xi32, #tpu.memory_space<vmem>>)
      %iota3A = tpu.iota {dimensions = array<i32: 0>} : vector<16xi32>
      %mul3A = arith.constant 0 : i32
      %mul3A_2 = vector.broadcast %mul3A : i32 to vector<16xi32>
      %mul3A_3 = arith.muli %iota3A, %mul3A_2 : vector<16xi32>
      %get3A = arith.constant 0 : index
      %get3A_4 = tpu.vector_load %arg6[%get3A] {strides = array<i32>} : memref<32xi32, #tpu.memory_space<vmem>>, vector<16xi32>,
      %get3A_5 = arith.constant 16 : index
      %get3A_6 = tpu.vector_load %arg6[%get3A_5] {strides = array<i32>} : memref<32xi32, #tpu.memory_space<vmem>>, vector<16xi32>,
      %get3A_7 = arith.constant 0 : index
      %get3A_8 = tpu.vector_load %arg5[%get3A_7] {strides = array<i32>} : memref<10768xf32, #tpu.memory_space<vmem>>, vector<16xf32>,
      %add3A = arith.constant 48 : i32
      %add3A_9 = vector.broadcast %add3A : i32 to vector<16xi32>
      %add3A_10 = arith.addi %mul3A_3, %add3A_9 : vector<16xi32>
      %gather3A = tpu.vector_load_idx %arg5[%add3A_10] : memref<10768xf32, #tpu.memory_space<vmem>>[vector<16xi32>], vector<16xf32>,
      %mul3A_11 = arith.mulf %get3A_8, %gather3A : vector<16xf32>
      %add3A_12 = arith.constant 49 : i32
      %add3A_13 = vector.broadcast %add3A_12 : i32 to vector<16xi32>
      %add3A_14 = arith.addi %mul3A_3, %add3A_13 : vector<16xi32>
      %gather3A_15 = tpu.vector_load_idx %arg5[%add3A_14] : memref<10768xf32, #tpu.memory_space<vmem>>[vector<16xi32>], vector<16xf32>,
      %mul3A_16 = arith.mulf %get3A_8, %gather3A_15 : vector<16xf32>
      %add3A_17 = arith.constant 50 : i32
      %add3A_18 = vector.broadcast %add3A_17 : i32 to vector<16xi32>
      %add3A_19 = arith.addi %mul3A_3, %add3A_18 : vector<16xi32>
      %gather3A_20 = tpu.vector_load_idx %arg5[%add3A_19] : memref<10768xf32, #tpu.memory_space<vmem>>[vector<16xi32>], vector<16xf32>,
      %mul3A_21 = arith.mulf %get3A_8, %gather3A_20 : vector<16xf32>
      %add3A_22 = arith.constant 51 : i32
      %add3A_23 = vector.broadcast %add3A_22 : i32 to vector<16xi32>
      %add3A_24 = arith.addi %mul3A_3, %add3A_23 : vector<16xi32>
      %gather3A_25 = tpu.vector_load_idx %arg5[%add3A_24] : memref<10768xf32, #tpu.memory_space<vmem>>[vector<16xi32>], vector<16xf32>,
      %mul3A_26 = arith.mulf %get3A_8, %gather3A_25 : vector<16xf32>
      %add3A_27 = arith.constant 52 : i32
      %add3A_28 = vector.broadcast %add3A_27 : i32 to vector<16xi32>
      %add3A_29 = arith.addi %mul3A_3, %add3A_28 : vector<16xi32>
      %gather3A_30 = tpu.vector_load_idx %arg5[%add3A_29] : memref<10768xf32, #tpu.memory_space<vmem>>[vector<16xi32>], vector<16xf32>,
      %mul3A_31 = arith.mulf %get3A_8, %gather3A_30 : vector<16xf32>
      %add3A_32 = arith.constant 53 : i32
      %add3A_33 = vector.broadcast %add3A_32 : i32 to vector<16xi32>
      %add3A_34 = arith.addi %mul3A_3, %add3A_33 : vector<16xi32>
      %gather3A_35 = tpu.vector_load_idx %arg5[%add3A_34] : memref<10768xf32, #tpu.memory_space<vmem>>[vector<16xi32>], vector<16xf32>,
      %mul3A_36 = arith.mulf %get3A_8, %gather3A_35 : vector<16xf32>
      %add3A_37 = arith.constant 54 : i32
      %add3A_38 = vector.broadcast %add3A_37 : i32 to vector<16xi32>
      %add3A_39 = arith.addi %mul3A_3, %add3A_38 : vector<16xi32>
      %gather3A_40 = tpu.vector_load_idx %arg5[%add3A_39] : memref<10768xf32, #tpu.memory_space<vmem>>[vector<16xi32>], vector<16xf32>,
      %mul3A_41 = arith.mulf %get3A_8, %gather3A_40 : vector<16xf32>
      %add3A_42 = arith.constant 55 : i32
      %add3A_43 = vector.broadcast %add3A_42 : i32 to vector<16xi32>
      %add3A_44 = arith.addi %mul3A_3, %add3A_43 : vector<16xi32>
      %gather3A_45 = tpu.vector_load_idx %arg5[%add3A_44] : memref<10768xf32, #tpu.memory_space<vmem>>[vector<16xi32>], vector<16xf32>,
      %mul3A_46 = arith.mulf %get3A_8, %gather3A_45 : vector<16xf32>
      %add3A_47 = arith.constant 56 : i32
      %add3A_48 = vector.broadcast %add3A_47 : i32 to vector<16xi32>
      %add3A_49 = arith.addi %mul3A_3, %add3A_48 : vector<16xi32>
      %gather3A_50 = tpu.vector_load_idx %arg5[%add3A_49] : memref<10768xf32, #tpu.memory_space<vmem>>[vector<16xi32>], vector<16xf32>,
      %mul3A_51 = arith.mulf %get3A_8, %gather3A_50 : vector<16xf32>
      %add3A_52 = arith.constant 57 : i32
      %add3A_53 = vector.broadcast %add3A_52 : i32 to vector<16xi32>
      %add3A_54 = arith.addi %mul3A_3, %add3A_53 : vector<16xi32>
      %gather3A_55 = tpu.vector_load_idx %arg5[%add3A_54] : memref<10768xf32, #tpu.memory_space<vmem>>[vector<16xi32>], vector<16xf32>,
      %mul3A_56 = arith.mulf %get3A_8, %gather3A_55 : vector<16xf32>
      %add3A_57 = arith.constant 58 : i32
      %add3A_58 = vector.broadcast %add3A_57 : i32 to vector<16xi32>
      %add3A_59 = arith.addi %mul3A_3, %add3A_58 : vector<16xi32>
      %gather3A_60 = tpu.vector_load_idx %arg5[%add3A_59] : memref<10768xf32, #tpu.memory_space<vmem>>[vector<16xi32>], vector<16xf32>,
      %mul3A_61 = arith.mulf %get3A_8, %gather3A_60 : vector<16xf32>
      %add3A_62 = arith.constant 59 : i32
      %add3A_63 = vector.broadcast %add3A_62 : i32 to vector<16xi32>
      %add3A_64 = arith.addi %mul3A_3, %add3A_63 : vector<16xi32>
      %gather3A_65 = tpu.vector_load_idx %arg5[%add3A_64] : memref<10768xf32, #tpu.memory_space<vmem>>[vector<16xi32>], vector<16xf32>,
      %mul3A_66 = arith.mulf %get3A_8, %gather3A_65 : vector<16xf32>
      %add3A_67 = arith.constant 60 : i32
      %add3A_68 = vector.broadcast %add3A_67 : i32 to vector<16xi32>
      %add3A_69 = arith.addi %mul3A_3, %add3A_68 : vector<16xi32>
      %gather3A_70 = tpu.vector_load_idx %arg5[%add3A_69] : memref<10768xf32, #tpu.memory_space<vmem>>[vector<16xi32>], vector<16xf32>,
      %mul3A_71 = arith.mulf %get3A_8, %gather3A_70 : vector<16xf32>
      %add3A_72 = arith.constant 61 : i32
      %add3A_73 = vector.broadcast %add3A_72 : i32 to vector<16xi32>
      %add3A_74 = arith.addi %mul3A_3, %add3A_73 : vector<16xi32>
      %gather3A_75 = tpu.vector_load_idx %arg5[%add3A_74] : memref<10768xf32, #tpu.memory_space<vmem>>[vector<16xi32>], vector<16xf32>,
      %mul3A_76 = arith.mulf %get3A_8, %gather3A_75 : vector<16xf32>
      %add3A_77 = arith.constant 62 : i32
      %add3A_78 = vector.broadcast %add3A_77 : i32 to vector<16xi32>
      %add3A_79 = arith.addi %mul3A_3, %add3A_78 : vector<16xi32>
      %gather3A_80 = tpu.vector_load_idx %arg5[%add3A_79] : memref<10768xf32, #tpu.memory_space<vmem>>[vector<16xi32>], vector<16xf32>,
      %mul3A_81 = arith.mulf %get3A_8, %gather3A_80 : vector<16xf32>
      %add3A_82 = arith.constant 63 : i32
      %add3A_83 = vector.broadcast %add3A_82 : i32 to vector<16xi32>
      %add3A_84 = arith.addi %mul3A_3, %add3A_83 : vector<16xi32>
      %gather3A_85 = tpu.vector_load_idx %arg5[%add3A_84] : memref<10768xf32, #tpu.memory_space<vmem>>[vector<16xi32>], vector<16xf32>,
      %mul3A_86 = arith.mulf %get3A_8, %gather3A_85 : vector<16xf32>
      %add3A_87 = arith.constant 64 : i32
      %add3A_88 = vector.broadcast %add3A_87 : i32 to vector<16xi32>
      %add3A_89 = arith.addi %mul3A_3, %add3A_88 : vector<16xi32>
      %gather3A_90 = tpu.vector_load_idx %arg5[%add3A_89] : memref<10768xf32, #tpu.memory_space<vmem>>[vector<16xi32>], vector<16xf32>,
      %mul3A_91 = arith.mulf %get3A_8, %gather3A_90 : vector<16xf32>
      %add3A_92 = arith.constant 65 : i32
      %add3A_93 = vector.broadcast %add3A_92 : i32 to vector<16xi32>
      %add3A_94 = arith.addi %mul3A_3, %add3A_93 : vector<16xi32>
      %gather3A_95 = tpu.vector_load_idx %arg5[%add3A_94] : memref<10768xf32, #tpu.memory_space<vmem>>[vector<16xi32>], vector<16xf32>,
      %mul3A_96 = arith.mulf %get3A_8, %gather3A_95 : vector<16xf32>
      %add3A_97 = arith.constant 66 : i32
      %add3A_98 = vector.broadcast %add3A_97 : i32 to vector<16xi32>
      %add3A_99 = arith.addi %mul3A_3, %add3A_98 : vector<16xi32>
      %gather3A_100 = tpu.vector_load_idx %arg5[%add3A_99] : memref<10768xf32, #tpu.memory_space<vmem>>[vector<16xi32>], vector<16xf32>,
      %mul3A_101 = arith.mulf %get3A_8, %gather3A_100 : vector<16xf32>
      %add3A_102 = arith.constant 67 : i32
      %add3A_103 = vector.broadcast %add3A_102 : i32 to vector<16xi32>
      %add3A_104 = arith.addi %mul3A_3, %add3A_103 : vector<16xi32>
      %gather3A_105 = tpu.vector_load_idx %arg5[%add3A_104] : memref<10768xf32, #tpu.memory_space<vmem>>[vector<16xi32>], vector<16xf32>,
      %mul3A_106 = arith.mulf %get3A_8, %gather3A_105 : vector<16xf32>
      %broadcast_in_dim3A = arith.constant 0.000000e+00 : f32
      %broadcast_in_dim3A_107 = vector.broadcast %broadcast_in_dim3A : f32 to vector<16xf32>
      %swap3A = arith.constant 0 : index
      %swap3A_108 = tpu.vector_load %arg7[%swap3A] {strides = array<i32>} : memref<80xf32, #tpu.memory_space<vmem>>, vector<16xf32>,
      tpu.vector_store %arg7[%swap3A], %mul3A_36 {strides = array<i32>} : memref<80xf32, #tpu.memory_space<vmem>>, vector<16xf32>,
      %swap3A_109 = arith.constant 0 : index
      %swap3A_110 = tpu.vector_load %arg8[%swap3A_109] {strides = array<i32>} : memref<80xf32, #tpu.memory_space<vmem>>, vector<16xf32>,
      tpu.vector_store %arg8[%swap3A_109], %mul3A_61 {strides = array<i32>} : memref<80xf32, #tpu.memory_space<vmem>>, vector<16xf32>,
      %swap3A_111 = arith.constant 0 : index
      %swap3A_112 = tpu.vector_load %arg9[%swap3A_111] {strides = array<i32>} : memref<80xf32, #tpu.memory_space<vmem>>, vector<16xf32>,
      tpu.vector_store %arg9[%swap3A_111], %mul3A_86 {strides = array<i32>} : memref<80xf32, #tpu.memory_space<vmem>>, vector<16xf32>,
      %swap3A_113 = arith.constant 0 : index
      %swap3A_114 = tpu.vector_load %arg10[%swap3A_113] {strides = array<i32>} : memref<80xf32, #tpu.memory_space<vmem>>, vector<16xf32>,
      tpu.vector_store %arg10[%swap3A_113], %broadcast_in_dim3A_107 {strides = array<i32>} : memref<80xf32, #tpu.memory_space<vmem>>, vector<16xf32>,
      %swap3A_115 = arith.constant 16 : index
      %swap3A_116 = tpu.vector_load %arg7[%swap3A_115] {strides = array<i32>} : memref<80xf32, #tpu.memory_space<vmem>>, vector<16xf32>,
      tpu.vector_store %arg7[%swap3A_115], %mul3A_41 {strides = array<i32>} : memref<80xf32, #tpu.memory_space<vmem>>, vector<16xf32>,
      %swap3A_117 = arith.constant 16 : index
      %swap3A_118 = tpu.vector_load %arg8[%swap3A_117] {strides = array<i32>} : memref<80xf32, #tpu.memory_space<vmem>>, vector<16xf32>,
      tpu.vector_store %arg8[%swap3A_117], %mul3A_66 {strides = array<i32>} : memref<80xf32, #tpu.memory_space<vmem>>, vector<16xf32>,
      %swap3A_119 = arith.constant 16 : index
      %swap3A_120 = tpu.vector_load %arg9[%swap3A_119] {strides = array<i32>} : memref<80xf32, #tpu.memory_space<vmem>>, vector<16xf32>,
      tpu.vector_store %arg9[%swap3A_119], %mul3A_91 {strides = array<i32>} : memref<80xf32, #tpu.memory_space<vmem>>, vector<16xf32>,
      %swap3A_121 = arith.constant 16 : index
      %swap3A_122 = tpu.vector_load %arg10[%swap3A_121] {strides = array<i32>} : memref<80xf32, #tpu.memory_space<vmem>>, vector<16xf32>,
      tpu.vector_store %arg10[%swap3A_121], %broadcast_in_dim3A_107 {strides = array<i32>} : memref<80xf32, #tpu.memory_space<vmem>>, vector<16xf32>,
      %swap3A_123 = arith.constant 32 : index
      %swap3A_124 = tpu.vector_load %arg7[%swap3A_123] {strides = array<i32>} : memref<80xf32, #tpu.memory_space<vmem>>, vector<16xf32>,
      tpu.vector_store %arg7[%swap3A_123], %mul3A_46 {strides = array<i32>} : memref<80xf32, #tpu.memory_space<vmem>>, vector<16xf32>,
      %swap3A_125 = arith.constant 32 : index
      %swap3A_126 = tpu.vector_load %arg8[%swap3A_125] {strides = array<i32>} : memref<80xf32, #tpu.memory_space<vmem>>, vector<16xf32>,
      tpu.vector_store %arg8[%swap3A_125], %mul3A_71 {strides = array<i32>} : memref<80xf32, #tpu.memory_space<vmem>>, vector<16xf32>,
      %swap3A_127 = arith.constant 32 : index
      %swap3A_128 = tpu.vector_load %arg9[%swap3A_127] {strides = array<i32>} : memref<80xf32, #tpu.memory_space<vmem>>, vector<16xf32>,
      tpu.vector_store %arg9[%swap3A_127], %mul3A_96 {strides = array<i32>} : memref<80xf32, #tpu.memory_space<vmem>>, vector<16xf32>,
      %swap3A_129 = arith.constant 32 : index
      %swap3A_130 = tpu.vector_load %arg10[%swap3A_129] {strides = array<i32>} : memref<80xf32, #tpu.memory_space<vmem>>, vector<16xf32>,
      tpu.vector_store %arg10[%swap3A_129], %broadcast_in_dim3A_107 {strides = array<i32>} : memref<80xf32, #tpu.memory_space<vmem>>, vector<16xf32>,
      %swap3A_131 = arith.constant 48 : index
      %swap3A_132 = tpu.vector_load %arg7[%swap3A_131] {strides = array<i32>} : memref<80xf32, #tpu.memory_space<vmem>>, vector<16xf32>,
      tpu.vector_store %arg7[%swap3A_131], %mul3A_51 {strides = array<i32>} : memref<80xf32, #tpu.memory_space<vmem>>, vector<16xf32>,
      %swap3A_133 = arith.constant 48 : index
      %swap3A_134 = tpu.vector_load %arg8[%swap3A_133] {strides = array<i32>} : memref<80xf32, #tpu.memory_space<vmem>>, vector<16xf32>,
      tpu.vector_store %arg8[%swap3A_133], %mul3A_76 {strides = array<i32>} : memref<80xf32, #tpu.memory_space<vmem>>, vector<16xf32>,
      %swap3A_135 = arith.constant 48 : index
      %swap3A_136 = tpu.vector_load %arg9[%swap3A_135] {strides = array<i32>} : memref<80xf32, #tpu.memory_space<vmem>>, vector<16xf32>,
      tpu.vector_store %arg9[%swap3A_135], %mul3A_101 {strides = array<i32>} : memref<80xf32, #tpu.memory_space<vmem>>, vector<16xf32>,
      %swap3A_137 = arith.constant 48 : index
      %swap3A_138 = tpu.vector_load %arg10[%swap3A_137] {strides = array<i32>} : memref<80xf32, #tpu.memory_space<vmem>>, vector<16xf32>,
      tpu.vector_store %arg10[%swap3A_137], %broadcast_in_dim3A_107 {strides = array<i32>} : memref<80xf32, #tpu.memory_space<vmem>>, vector<16xf32>,
      %swap3A_139 = arith.constant 64 : index
      %swap3A_140 = tpu.vector_load %arg7[%swap3A_139] {strides = array<i32>} : memref<80xf32, #tpu.memory_space<vmem>>, vector<16xf32>,
      tpu.vector_store %arg7[%swap3A_139], %mul3A_56 {strides = array<i32>} : memref<80xf32, #tpu.memory_space<vmem>>, vector<16xf32>,
      %swap3A_141 = arith.constant 64 : index
      %swap3A_142 = tpu.vector_load %arg8[%swap3A_141] {strides = array<i32>} : memref<80xf32, #tpu.memory_space<vmem>>, vector<16xf32>,
      tpu.vector_store %arg8[%swap3A_141], %mul3A_81 {strides = array<i32>} : memref<80xf32, #tpu.memory_space<vmem>>, vector<16xf32>,
      %swap3A_143 = arith.constant 64 : index
      %swap3A_144 = tpu.vector_load %arg9[%swap3A_143] {strides = array<i32>} : memref<80xf32, #tpu.memory_space<vmem>>, vector<16xf32>,
      tpu.vector_store %arg9[%swap3A_143], %mul3A_106 {strides = array<i32>} : memref<80xf32, #tpu.memory_space<vmem>>, vector<16xf32>,
      %swap3A_145 = arith.constant 64 : index
      %swap3A_146 = tpu.vector_load %arg10[%swap3A_145] {strides = array<i32>} : memref<80xf32, #tpu.memory_space<vmem>>, vector<16xf32>,
      tpu.vector_store %arg10[%swap3A_145], %broadcast_in_dim3A_107 {strides = array<i32>} : memref<80xf32, #tpu.memory_space<vmem>>, vector<16xf32>,
      %add3A_147 = arith.constant 0 : i32
      %add3A_148 = vector.broadcast %add3A_147 : i32 to vector<16xi32>
      %add3A_149 = arith.addi %get3A_4, %add3A_148 : vector<16xi32>
      %add3A_150 = arith.constant 0 : i32
      %add3A_151 = vector.broadcast %add3A_150 : i32 to vector<16xi32>
      %add3A_152 = arith.addi %get3A_6, %add3A_151 : vector<16xi32>
      %gather3A_153 = tpu.vector_load_idx %arg7[%add3A_149] : memref<80xf32, #tpu.memory_space<vmem>>[vector<16xi32>], vector<16xf32>,
      %gather3A_154 = tpu.vector_load_idx %arg8[%add3A_152] : memref<80xf32, #tpu.memory_space<vmem>>[vector<16xi32>], vector<16xf32>,
      %gather3A_155 = tpu.vector_load_idx %arg9[%add3A_149] : memref<80xf32, #tpu.memory_space<vmem>>[vector<16xi32>], vector<16xf32>,
      %add3A_156 = arith.addf %gather3A_154, %gather3A_155 : vector<16xf32>
      %jit3A = arith.constant -3.000000e+01 : f32
      %jit3A_157 = arith.constant 3.000000e+01 : f32
      %max3A = vector.broadcast %jit3A : f32 to vector<16xf32>
      %max3A_158 = arith.maximumf %max3A, %add3A_156 : vector<16xf32>
      %min3A = vector.broadcast %jit3A_157 : f32 to vector<16xf32>
      %min3A_159 = arith.minimumf %min3A, %max3A_158 : vector<16xf32>
      %neg3A = arith.constant 0.000000e+00 : f32
      %neg3A_160 = vector.broadcast %neg3A : f32 to vector<16xf32>
      %neg3A_161 = arith.subf %neg3A_160, %min3A_159 : vector<16xf32>
      %mul3A_162 = arith.constant 1.44269502 : f32
      %mul3A_163 = vector.broadcast %mul3A_162 : f32 to vector<16xf32>
      %mul3A_164 = arith.mulf %neg3A_161, %mul3A_163 : vector<16xf32>
      %add3A_165 = arith.constant 0x4B400000 : f32
      %add3A_166 = vector.broadcast %add3A_165 : f32 to vector<16xf32>
      %add3A_167 = arith.addf %mul3A_164, %add3A_166 : vector<16xf32>
      %sub3A = arith.constant 0x4B400000 : f32
      %sub3A_168 = vector.broadcast %sub3A : f32 to vector<16xf32>
      %sub3A_169 = arith.subf %add3A_167, %sub3A_168 : vector<16xf32>
      %neg3A_170 = arith.constant 0.000000e+00 : f32
      %neg3A_171 = vector.broadcast %neg3A_170 : f32 to vector<16xf32>
      %neg3A_172 = arith.subf %neg3A_171, %min3A_159 : vector<16xf32>
      %mul3A_173 = arith.constant 0.693359375 : f32
      %mul3A_174 = vector.broadcast %mul3A_173 : f32 to vector<16xf32>
      %mul3A_175 = arith.mulf %sub3A_169, %mul3A_174 : vector<16xf32>
      %sub3A_176 = arith.subf %neg3A_172, %mul3A_175 : vector<16xf32>
      %mul3A_177 = arith.constant -2.12194442E-4 : f32
      %mul3A_178 = vector.broadcast %mul3A_177 : f32 to vector<16xf32>
      %mul3A_179 = arith.mulf %sub3A_169, %mul3A_178 : vector<16xf32>
      %sub3A_180 = arith.subf %sub3A_176, %mul3A_179 : vector<16xf32>
      %mul3A_181 = arith.constant 0.00138888892 : f32
      %mul3A_182 = vector.broadcast %mul3A_181 : f32 to vector<16xf32>
      %mul3A_183 = arith.mulf %mul3A_182, %sub3A_180 : vector<16xf32>
      %add3A_184 = arith.constant 0.00833333377 : f32
      %add3A_185 = vector.broadcast %add3A_184 : f32 to vector<16xf32>
      %add3A_186 = arith.addf %mul3A_183, %add3A_185 : vector<16xf32>
      %mul3A_187 = arith.mulf %add3A_186, %sub3A_180 : vector<16xf32>
      %add3A_188 = arith.constant 0.0416666679 : f32
      %add3A_189 = vector.broadcast %add3A_188 : f32 to vector<16xf32>
      %add3A_190 = arith.addf %mul3A_187, %add3A_189 : vector<16xf32>
      %mul3A_191 = arith.mulf %add3A_190, %sub3A_180 : vector<16xf32>
      %add3A_192 = arith.constant 0.166666672 : f32
      %add3A_193 = vector.broadcast %add3A_192 : f32 to vector<16xf32>
      %add3A_194 = arith.addf %mul3A_191, %add3A_193 : vector<16xf32>
      %mul3A_195 = arith.mulf %add3A_194, %sub3A_180 : vector<16xf32>
      %add3A_196 = arith.constant 5.000000e-01 : f32
      %add3A_197 = vector.broadcast %add3A_196 : f32 to vector<16xf32>
      %add3A_198 = arith.addf %mul3A_195, %add3A_197 : vector<16xf32>
      %mul3A_199 = arith.mulf %add3A_198, %sub3A_180 : vector<16xf32>
      %add3A_200 = arith.constant 1.000000e+00 : f32
      %add3A_201 = vector.broadcast %add3A_200 : f32 to vector<16xf32>
      %add3A_202 = arith.addf %mul3A_199, %add3A_201 : vector<16xf32>
      %mul3A_203 = arith.mulf %add3A_202, %sub3A_180 : vector<16xf32>
      %add3A_204 = arith.constant 1.000000e+00 : f32
      %add3A_205 = vector.broadcast %add3A_204 : f32 to vector<16xf32>
      %add3A_206 = arith.addf %mul3A_203, %add3A_205 : vector<16xf32>
      %convert_element_type3A_207 = arith.fptosi %sub3A_169 : vector<16xf32> to vector<16xi32>
      %add3A_208 = arith.constant 127 : i32
      %add3A_209 = vector.broadcast %add3A_208 : i32 to vector<16xi32>
      %add3A_210 = arith.addi %convert_element_type3A_207, %add3A_209 : vector<16xi32>
      %shift_left3A = arith.constant 23 : i32
      %shift_left3A_211 = vector.broadcast %shift_left3A : i32 to vector<16xi32>
      %shift_left3A_212 = arith.shli %add3A_210, %shift_left3A_211 : vector<16xi32>
      %bitcast_convert_type3A = tpu.bitcast %shift_left3A_212 : vector<16xi32> -> vector<16xf32>
      %mul3A_213 = arith.mulf %add3A_206, %bitcast_convert_type3A : vector<16xf32>
      %add3A_214 = arith.constant 1.000000e+00 : f32
      %add3A_215 = vector.broadcast %add3A_214 : f32 to vector<16xf32>
      %add3A_216 = arith.addf %add3A_215, %mul3A_213 : vector<16xf32>
      %div3A = arith.constant 1.000000e+00 : f32
      %div3A_217 = vector.broadcast %div3A : f32 to vector<16xf32>
      %div3A_218 = arith.divf %div3A_217, %add3A_216 : vector<16xf32>
      %mul3A_219 = arith.mulf %add3A_216, %div3A_218 : vector<16xf32>
      %sub3A_220 = arith.constant 2.000000e+00 : f32
      %sub3A_221 = vector.broadcast %sub3A_220 : f32 to vector<16xf32>
      %sub3A_222 = arith.subf %sub3A_221, %mul3A_219 : vector<16xf32>
      %mul3A_223 = arith.mulf %div3A_218, %sub3A_222 : vector<16xf32>
      %mul3A_224 = arith.mulf %mul3A_223, %gather3A_153 : vector<16xf32>
      tpu.vector_store_idx %arg10[%add3A_152], %mul3A_224 {add = true} : memref<80xf32, #tpu.memory_space<vmem>>[vector<16xi32>], vector<16xf32>,
      %add3A_225 = arith.constant 16 : i32
      %add3A_226 = vector.broadcast %add3A_225 : i32 to vector<16xi32>
      %add3A_227 = arith.addi %get3A_4, %add3A_226 : vector<16xi32>
      %add3A_228 = arith.constant 16 : i32
      %add3A_229 = vector.broadcast %add3A_228 : i32 to vector<16xi32>
      %add3A_230 = arith.addi %get3A_6, %add3A_229 : vector<16xi32>
      %gather3A_231 = tpu.vector_load_idx %arg7[%add3A_227] : memref<80xf32, #tpu.memory_space<vmem>>[vector<16xi32>], vector<16xf32>,
      %gather3A_232 = tpu.vector_load_idx %arg8[%add3A_230] : memref<80xf32, #tpu.memory_space<vmem>>[vector<16xi32>], vector<16xf32>,
      %gather3A_233 = tpu.vector_load_idx %arg9[%add3A_227] : memref<80xf32, #tpu.memory_space<vmem>>[vector<16xi32>], vector<16xf32>,
      %add3A_234 = arith.addf %gather3A_232, %gather3A_233 : vector<16xf32>
      %jit3A_235 = arith.constant -3.000000e+01 : f32
      %jit3A_236 = arith.constant 3.000000e+01 : f32
      %max3A_237 = vector.broadcast %jit3A_235 : f32 to vector<16xf32>
      %max3A_238 = arith.maximumf %max3A_237, %add3A_234 : vector<16xf32>
      %min3A_239 = vector.broadcast %jit3A_236 : f32 to vector<16xf32>
      %min3A_240 = arith.minimumf %min3A_239, %max3A_238 : vector<16xf32>
      %neg3A_241 = arith.constant 0.000000e+00 : f32
      %neg3A_242 = vector.broadcast %neg3A_241 : f32 to vector<16xf32>
      %neg3A_243 = arith.subf %neg3A_242, %min3A_240 : vector<16xf32>
      %mul3A_244 = arith.constant 1.44269502 : f32
      %mul3A_245 = vector.broadcast %mul3A_244 : f32 to vector<16xf32>
      %mul3A_246 = arith.mulf %neg3A_243, %mul3A_245 : vector<16xf32>
      %add3A_247 = arith.constant 0x4B400000 : f32
      %add3A_248 = vector.broadcast %add3A_247 : f32 to vector<16xf32>
      %add3A_249 = arith.addf %mul3A_246, %add3A_248 : vector<16xf32>
      %sub3A_250 = arith.constant 0x4B400000 : f32
      %sub3A_251 = vector.broadcast %sub3A_250 : f32 to vector<16xf32>
      %sub3A_252 = arith.subf %add3A_249, %sub3A_251 : vector<16xf32>
      %neg3A_253 = arith.constant 0.000000e+00 : f32
      %neg3A_254 = vector.broadcast %neg3A_253 : f32 to vector<16xf32>
      %neg3A_255 = arith.subf %neg3A_254, %min3A_240 : vector<16xf32>
      %mul3A_256 = arith.constant 0.693359375 : f32
      %mul3A_257 = vector.broadcast %mul3A_256 : f32 to vector<16xf32>
      %mul3A_258 = arith.mulf %sub3A_252, %mul3A_257 : vector<16xf32>
      %sub3A_259 = arith.subf %neg3A_255, %mul3A_258 : vector<16xf32>
      %mul3A_260 = arith.constant -2.12194442E-4 : f32
      %mul3A_261 = vector.broadcast %mul3A_260 : f32 to vector<16xf32>
      %mul3A_262 = arith.mulf %sub3A_252, %mul3A_261 : vector<16xf32>
      %sub3A_263 = arith.subf %sub3A_259, %mul3A_262 : vector<16xf32>
      %mul3A_264 = arith.constant 0.00138888892 : f32
      %mul3A_265 = vector.broadcast %mul3A_264 : f32 to vector<16xf32>
      %mul3A_266 = arith.mulf %mul3A_265, %sub3A_263 : vector<16xf32>
      %add3A_267 = arith.constant 0.00833333377 : f32
      %add3A_268 = vector.broadcast %add3A_267 : f32 to vector<16xf32>
      %add3A_269 = arith.addf %mul3A_266, %add3A_268 : vector<16xf32>
      %mul3A_270 = arith.mulf %add3A_269, %sub3A_263 : vector<16xf32>
      %add3A_271 = arith.constant 0.0416666679 : f32
      %add3A_272 = vector.broadcast %add3A_271 : f32 to vector<16xf32>
      %add3A_273 = arith.addf %mul3A_270, %add3A_272 : vector<16xf32>
      %mul3A_274 = arith.mulf %add3A_273, %sub3A_263 : vector<16xf32>
      %add3A_275 = arith.constant 0.166666672 : f32
      %add3A_276 = vector.broadcast %add3A_275 : f32 to vector<16xf32>
      %add3A_277 = arith.addf %mul3A_274, %add3A_276 : vector<16xf32>
      %mul3A_278 = arith.mulf %add3A_277, %sub3A_263 : vector<16xf32>
      %add3A_279 = arith.constant 5.000000e-01 : f32
      %add3A_280 = vector.broadcast %add3A_279 : f32 to vector<16xf32>
      %add3A_281 = arith.addf %mul3A_278, %add3A_280 : vector<16xf32>
      %mul3A_282 = arith.mulf %add3A_281, %sub3A_263 : vector<16xf32>
      %add3A_283 = arith.constant 1.000000e+00 : f32
      %add3A_284 = vector.broadcast %add3A_283 : f32 to vector<16xf32>
      %add3A_285 = arith.addf %mul3A_282, %add3A_284 : vector<16xf32>
      %mul3A_286 = arith.mulf %add3A_285, %sub3A_263 : vector<16xf32>
      %add3A_287 = arith.constant 1.000000e+00 : f32
      %add3A_288 = vector.broadcast %add3A_287 : f32 to vector<16xf32>
      %add3A_289 = arith.addf %mul3A_286, %add3A_288 : vector<16xf32>
      %convert_element_type3A_290 = arith.fptosi %sub3A_252 : vector<16xf32> to vector<16xi32>
      %add3A_291 = arith.constant 127 : i32
      %add3A_292 = vector.broadcast %add3A_291 : i32 to vector<16xi32>
      %add3A_293 = arith.addi %convert_element_type3A_290, %add3A_292 : vector<16xi32>
      %shift_left3A_294 = arith.constant 23 : i32
      %shift_left3A_295 = vector.broadcast %shift_left3A_294 : i32 to vector<16xi32>
      %shift_left3A_296 = arith.shli %add3A_293, %shift_left3A_295 : vector<16xi32>
      %bitcast_convert_type3A_297 = tpu.bitcast %shift_left3A_296 : vector<16xi32> -> vector<16xf32>
      %mul3A_298 = arith.mulf %add3A_289, %bitcast_convert_type3A_297 : vector<16xf32>
      %add3A_299 = arith.constant 1.000000e+00 : f32
      %add3A_300 = vector.broadcast %add3A_299 : f32 to vector<16xf32>
      %add3A_301 = arith.addf %add3A_300, %mul3A_298 : vector<16xf32>
      %div3A_302 = arith.constant 1.000000e+00 : f32
      %div3A_303 = vector.broadcast %div3A_302 : f32 to vector<16xf32>
      %div3A_304 = arith.divf %div3A_303, %add3A_301 : vector<16xf32>
      %mul3A_305 = arith.mulf %add3A_301, %div3A_304 : vector<16xf32>
      %sub3A_306 = arith.constant 2.000000e+00 : f32
      %sub3A_307 = vector.broadcast %sub3A_306 : f32 to vector<16xf32>
      %sub3A_308 = arith.subf %sub3A_307, %mul3A_305 : vector<16xf32>
      %mul3A_309 = arith.mulf %div3A_304, %sub3A_308 : vector<16xf32>
      %mul3A_310 = arith.mulf %mul3A_309, %gather3A_231 : vector<16xf32>
      tpu.vector_store_idx %arg10[%add3A_230], %mul3A_310 {add = true} : memref<80xf32, #tpu.memory_space<vmem>>[vector<16xi32>], vector<16xf32>,
      %add3A_311 = arith.constant 32 : i32
      %add3A_312 = vector.broadcast %add3A_311 : i32 to vector<16xi32>
      %add3A_313 = arith.addi %get3A_4, %add3A_312 : vector<16xi32>
      %add3A_314 = arith.constant 32 : i32
      %add3A_315 = vector.broadcast %add3A_314 : i32 to vector<16xi32>
      %add3A_316 = arith.addi %get3A_6, %add3A_315 : vector<16xi32>
      %gather3A_317 = tpu.vector_load_idx %arg7[%add3A_313] : memref<80xf32, #tpu.memory_space<vmem>>[vector<16xi32>], vector<16xf32>,
      %gather3A_318 = tpu.vector_load_idx %arg8[%add3A_316] : memref<80xf32, #tpu.memory_space<vmem>>[vector<16xi32>], vector<16xf32>,
      %gather3A_319 = tpu.vector_load_idx %arg9[%add3A_313] : memref<80xf32, #tpu.memory_space<vmem>>[vector<16xi32>], vector<16xf32>,
      %add3A_320 = arith.addf %gather3A_318, %gather3A_319 : vector<16xf32>
      %jit3A_321 = arith.constant -3.000000e+01 : f32
      %jit3A_322 = arith.constant 3.000000e+01 : f32
      %max3A_323 = vector.broadcast %jit3A_321 : f32 to vector<16xf32>
      %max3A_324 = arith.maximumf %max3A_323, %add3A_320 : vector<16xf32>
      %min3A_325 = vector.broadcast %jit3A_322 : f32 to vector<16xf32>
      %min3A_326 = arith.minimumf %min3A_325, %max3A_324 : vector<16xf32>
      %neg3A_327 = arith.constant 0.000000e+00 : f32
      %neg3A_328 = vector.broadcast %neg3A_327 : f32 to vector<16xf32>
      %neg3A_329 = arith.subf %neg3A_328, %min3A_326 : vector<16xf32>
      %mul3A_330 = arith.constant 1.44269502 : f32
      %mul3A_331 = vector.broadcast %mul3A_330 : f32 to vector<16xf32>
      %mul3A_332 = arith.mulf %neg3A_329, %mul3A_331 : vector<16xf32>
      %add3A_333 = arith.constant 0x4B400000 : f32
      %add3A_334 = vector.broadcast %add3A_333 : f32 to vector<16xf32>
      %add3A_335 = arith.addf %mul3A_332, %add3A_334 : vector<16xf32>
      %sub3A_336 = arith.constant 0x4B400000 : f32
      %sub3A_337 = vector.broadcast %sub3A_336 : f32 to vector<16xf32>
      %sub3A_338 = arith.subf %add3A_335, %sub3A_337 : vector<16xf32>
      %neg3A_339 = arith.constant 0.000000e+00 : f32
      %neg3A_340 = vector.broadcast %neg3A_339 : f32 to vector<16xf32>
      %neg3A_341 = arith.subf %neg3A_340, %min3A_326 : vector<16xf32>
      %mul3A_342 = arith.constant 0.693359375 : f32
      %mul3A_343 = vector.broadcast %mul3A_342 : f32 to vector<16xf32>
      %mul3A_344 = arith.mulf %sub3A_338, %mul3A_343 : vector<16xf32>
      %sub3A_345 = arith.subf %neg3A_341, %mul3A_344 : vector<16xf32>
      %mul3A_346 = arith.constant -2.12194442E-4 : f32
      %mul3A_347 = vector.broadcast %mul3A_346 : f32 to vector<16xf32>
      %mul3A_348 = arith.mulf %sub3A_338, %mul3A_347 : vector<16xf32>
      %sub3A_349 = arith.subf %sub3A_345, %mul3A_348 : vector<16xf32>
      %mul3A_350 = arith.constant 0.00138888892 : f32
      %mul3A_351 = vector.broadcast %mul3A_350 : f32 to vector<16xf32>
      %mul3A_352 = arith.mulf %mul3A_351, %sub3A_349 : vector<16xf32>
      %add3A_353 = arith.constant 0.00833333377 : f32
      %add3A_354 = vector.broadcast %add3A_353 : f32 to vector<16xf32>
      %add3A_355 = arith.addf %mul3A_352, %add3A_354 : vector<16xf32>
      %mul3A_356 = arith.mulf %add3A_355, %sub3A_349 : vector<16xf32>
      %add3A_357 = arith.constant 0.0416666679 : f32
      %add3A_358 = vector.broadcast %add3A_357 : f32 to vector<16xf32>
      %add3A_359 = arith.addf %mul3A_356, %add3A_358 : vector<16xf32>
      %mul3A_360 = arith.mulf %add3A_359, %sub3A_349 : vector<16xf32>
      %add3A_361 = arith.constant 0.166666672 : f32
      %add3A_362 = vector.broadcast %add3A_361 : f32 to vector<16xf32>
      %add3A_363 = arith.addf %mul3A_360, %add3A_362 : vector<16xf32>
      %mul3A_364 = arith.mulf %add3A_363, %sub3A_349 : vector<16xf32>
      %add3A_365 = arith.constant 5.000000e-01 : f32
      %add3A_366 = vector.broadcast %add3A_365 : f32 to vector<16xf32>
      %add3A_367 = arith.addf %mul3A_364, %add3A_366 : vector<16xf32>
      %mul3A_368 = arith.mulf %add3A_367, %sub3A_349 : vector<16xf32>
      %add3A_369 = arith.constant 1.000000e+00 : f32
      %add3A_370 = vector.broadcast %add3A_369 : f32 to vector<16xf32>
      %add3A_371 = arith.addf %mul3A_368, %add3A_370 : vector<16xf32>
      %mul3A_372 = arith.mulf %add3A_371, %sub3A_349 : vector<16xf32>
      %add3A_373 = arith.constant 1.000000e+00 : f32
      %add3A_374 = vector.broadcast %add3A_373 : f32 to vector<16xf32>
      %add3A_375 = arith.addf %mul3A_372, %add3A_374 : vector<16xf32>
      %convert_element_type3A_376 = arith.fptosi %sub3A_338 : vector<16xf32> to vector<16xi32>
      %add3A_377 = arith.constant 127 : i32
      %add3A_378 = vector.broadcast %add3A_377 : i32 to vector<16xi32>
      %add3A_379 = arith.addi %convert_element_type3A_376, %add3A_378 : vector<16xi32>
      %shift_left3A_380 = arith.constant 23 : i32
      %shift_left3A_381 = vector.broadcast %shift_left3A_380 : i32 to vector<16xi32>
      %shift_left3A_382 = arith.shli %add3A_379, %shift_left3A_381 : vector<16xi32>
      %bitcast_convert_type3A_383 = tpu.bitcast %shift_left3A_382 : vector<16xi32> -> vector<16xf32>
      %mul3A_384 = arith.mulf %add3A_375, %bitcast_convert_type3A_383 : vector<16xf32>
      %add3A_385 = arith.constant 1.000000e+00 : f32
      %add3A_386 = vector.broadcast %add3A_385 : f32 to vector<16xf32>
      %add3A_387 = arith.addf %add3A_386, %mul3A_384 : vector<16xf32>
      %div3A_388 = arith.constant 1.000000e+00 : f32
      %div3A_389 = vector.broadcast %div3A_388 : f32 to vector<16xf32>
      %div3A_390 = arith.divf %div3A_389, %add3A_387 : vector<16xf32>
      %mul3A_391 = arith.mulf %add3A_387, %div3A_390 : vector<16xf32>
      %sub3A_392 = arith.constant 2.000000e+00 : f32
      %sub3A_393 = vector.broadcast %sub3A_392 : f32 to vector<16xf32>
      %sub3A_394 = arith.subf %sub3A_393, %mul3A_391 : vector<16xf32>
      %mul3A_395 = arith.mulf %div3A_390, %sub3A_394 : vector<16xf32>
      %mul3A_396 = arith.mulf %mul3A_395, %gather3A_317 : vector<16xf32>
      tpu.vector_store_idx %arg10[%add3A_316], %mul3A_396 {add = true} : memref<80xf32, #tpu.memory_space<vmem>>[vector<16xi32>], vector<16xf32>,
      %add3A_397 = arith.constant 48 : i32
      %add3A_398 = vector.broadcast %add3A_397 : i32 to vector<16xi32>
      %add3A_399 = arith.addi %get3A_4, %add3A_398 : vector<16xi32>
      %add3A_400 = arith.constant 48 : i32
      %add3A_401 = vector.broadcast %add3A_400 : i32 to vector<16xi32>
      %add3A_402 = arith.addi %get3A_6, %add3A_401 : vector<16xi32>
      %gather3A_403 = tpu.vector_load_idx %arg7[%add3A_399] : memref<80xf32, #tpu.memory_space<vmem>>[vector<16xi32>], vector<16xf32>,
      %gather3A_404 = tpu.vector_load_idx %arg8[%add3A_402] : memref<80xf32, #tpu.memory_space<vmem>>[vector<16xi32>], vector<16xf32>,
      %gather3A_405 = tpu.vector_load_idx %arg9[%add3A_399] : memref<80xf32, #tpu.memory_space<vmem>>[vector<16xi32>], vector<16xf32>,
      %add3A_406 = arith.addf %gather3A_404, %gather3A_405 : vector<16xf32>
      %jit3A_407 = arith.constant -3.000000e+01 : f32
      %jit3A_408 = arith.constant 3.000000e+01 : f32
      %max3A_409 = vector.broadcast %jit3A_407 : f32 to vector<16xf32>
      %max3A_410 = arith.maximumf %max3A_409, %add3A_406 : vector<16xf32>
      %min3A_411 = vector.broadcast %jit3A_408 : f32 to vector<16xf32>
      %min3A_412 = arith.minimumf %min3A_411, %max3A_410 : vector<16xf32>
      %neg3A_413 = arith.constant 0.000000e+00 : f32
      %neg3A_414 = vector.broadcast %neg3A_413 : f32 to vector<16xf32>
      %neg3A_415 = arith.subf %neg3A_414, %min3A_412 : vector<16xf32>
      %mul3A_416 = arith.constant 1.44269502 : f32
      %mul3A_417 = vector.broadcast %mul3A_416 : f32 to vector<16xf32>
      %mul3A_418 = arith.mulf %neg3A_415, %mul3A_417 : vector<16xf32>
      %add3A_419 = arith.constant 0x4B400000 : f32
      %add3A_420 = vector.broadcast %add3A_419 : f32 to vector<16xf32>
      %add3A_421 = arith.addf %mul3A_418, %add3A_420 : vector<16xf32>
      %sub3A_422 = arith.constant 0x4B400000 : f32
      %sub3A_423 = vector.broadcast %sub3A_422 : f32 to vector<16xf32>
      %sub3A_424 = arith.subf %add3A_421, %sub3A_423 : vector<16xf32>
      %neg3A_425 = arith.constant 0.000000e+00 : f32
      %neg3A_426 = vector.broadcast %neg3A_425 : f32 to vector<16xf32>
      %neg3A_427 = arith.subf %neg3A_426, %min3A_412 : vector<16xf32>
      %mul3A_428 = arith.constant 0.693359375 : f32
      %mul3A_429 = vector.broadcast %mul3A_428 : f32 to vector<16xf32>
      %mul3A_430 = arith.mulf %sub3A_424, %mul3A_429 : vector<16xf32>
      %sub3A_431 = arith.subf %neg3A_427, %mul3A_430 : vector<16xf32>
      %mul3A_432 = arith.constant -2.12194442E-4 : f32
      %mul3A_433 = vector.broadcast %mul3A_432 : f32 to vector<16xf32>
      %mul3A_434 = arith.mulf %sub3A_424, %mul3A_433 : vector<16xf32>
      %sub3A_435 = arith.subf %sub3A_431, %mul3A_434 : vector<16xf32>
      %mul3A_436 = arith.constant 0.00138888892 : f32
      %mul3A_437 = vector.broadcast %mul3A_436 : f32 to vector<16xf32>
      %mul3A_438 = arith.mulf %mul3A_437, %sub3A_435 : vector<16xf32>
      %add3A_439 = arith.constant 0.00833333377 : f32
      %add3A_440 = vector.broadcast %add3A_439 : f32 to vector<16xf32>
      %add3A_441 = arith.addf %mul3A_438, %add3A_440 : vector<16xf32>
      %mul3A_442 = arith.mulf %add3A_441, %sub3A_435 : vector<16xf32>
      %add3A_443 = arith.constant 0.0416666679 : f32
      %add3A_444 = vector.broadcast %add3A_443 : f32 to vector<16xf32>
      %add3A_445 = arith.addf %mul3A_442, %add3A_444 : vector<16xf32>
      %mul3A_446 = arith.mulf %add3A_445, %sub3A_435 : vector<16xf32>
      %add3A_447 = arith.constant 0.166666672 : f32
      %add3A_448 = vector.broadcast %add3A_447 : f32 to vector<16xf32>
      %add3A_449 = arith.addf %mul3A_446, %add3A_448 : vector<16xf32>
      %mul3A_450 = arith.mulf %add3A_449, %sub3A_435 : vector<16xf32>
      %add3A_451 = arith.constant 5.000000e-01 : f32
      %add3A_452 = vector.broadcast %add3A_451 : f32 to vector<16xf32>
      %add3A_453 = arith.addf %mul3A_450, %add3A_452 : vector<16xf32>
      %mul3A_454 = arith.mulf %add3A_453, %sub3A_435 : vector<16xf32>
      %add3A_455 = arith.constant 1.000000e+00 : f32
      %add3A_456 = vector.broadcast %add3A_455 : f32 to vector<16xf32>
      %add3A_457 = arith.addf %mul3A_454, %add3A_456 : vector<16xf32>
      %mul3A_458 = arith.mulf %add3A_457, %sub3A_435 : vector<16xf32>
      %add3A_459 = arith.constant 1.000000e+00 : f32
      %add3A_460 = vector.broadcast %add3A_459 : f32 to vector<16xf32>
      %add3A_461 = arith.addf %mul3A_458, %add3A_460 : vector<16xf32>
      %convert_element_type3A_462 = arith.fptosi %sub3A_424 : vector<16xf32> to vector<16xi32>
      %add3A_463 = arith.constant 127 : i32
      %add3A_464 = vector.broadcast %add3A_463 : i32 to vector<16xi32>
      %add3A_465 = arith.addi %convert_element_type3A_462, %add3A_464 : vector<16xi32>
      %shift_left3A_466 = arith.constant 23 : i32
      %shift_left3A_467 = vector.broadcast %shift_left3A_466 : i32 to vector<16xi32>
      %shift_left3A_468 = arith.shli %add3A_465, %shift_left3A_467 : vector<16xi32>
      %bitcast_convert_type3A_469 = tpu.bitcast %shift_left3A_468 : vector<16xi32> -> vector<16xf32>
      %mul3A_470 = arith.mulf %add3A_461, %bitcast_convert_type3A_469 : vector<16xf32>
      %add3A_471 = arith.constant 1.000000e+00 : f32
      %add3A_472 = vector.broadcast %add3A_471 : f32 to vector<16xf32>
      %add3A_473 = arith.addf %add3A_472, %mul3A_470 : vector<16xf32>
      %div3A_474 = arith.constant 1.000000e+00 : f32
      %div3A_475 = vector.broadcast %div3A_474 : f32 to vector<16xf32>
      %div3A_476 = arith.divf %div3A_475, %add3A_473 : vector<16xf32>
      %mul3A_477 = arith.mulf %add3A_473, %div3A_476 : vector<16xf32>
      %sub3A_478 = arith.constant 2.000000e+00 : f32
      %sub3A_479 = vector.broadcast %sub3A_478 : f32 to vector<16xf32>
      %sub3A_480 = arith.subf %sub3A_479, %mul3A_477 : vector<16xf32>
      %mul3A_481 = arith.mulf %div3A_476, %sub3A_480 : vector<16xf32>
      %mul3A_482 = arith.mulf %mul3A_481, %gather3A_403 : vector<16xf32>
      tpu.vector_store_idx %arg10[%add3A_402], %mul3A_482 {add = true} : memref<80xf32, #tpu.memory_space<vmem>>[vector<16xi32>], vector<16xf32>,
      %add3A_483 = arith.constant 64 : i32
      %add3A_484 = vector.broadcast %add3A_483 : i32 to vector<16xi32>
      %add3A_485 = arith.addi %get3A_4, %add3A_484 : vector<16xi32>
      %add3A_486 = arith.constant 64 : i32
      %add3A_487 = vector.broadcast %add3A_486 : i32 to vector<16xi32>
      %add3A_488 = arith.addi %get3A_6, %add3A_487 : vector<16xi32>
      %gather3A_489 = tpu.vector_load_idx %arg7[%add3A_485] : memref<80xf32, #tpu.memory_space<vmem>>[vector<16xi32>], vector<16xf32>,
      %gather3A_490 = tpu.vector_load_idx %arg8[%add3A_488] : memref<80xf32, #tpu.memory_space<vmem>>[vector<16xi32>], vector<16xf32>,
      %gather3A_491 = tpu.vector_load_idx %arg9[%add3A_485] : memref<80xf32, #tpu.memory_space<vmem>>[vector<16xi32>], vector<16xf32>,
      %add3A_492 = arith.addf %gather3A_490, %gather3A_491 : vector<16xf32>
      %jit3A_493 = arith.constant -3.000000e+01 : f32
      %jit3A_494 = arith.constant 3.000000e+01 : f32
      %max3A_495 = vector.broadcast %jit3A_493 : f32 to vector<16xf32>
      %max3A_496 = arith.maximumf %max3A_495, %add3A_492 : vector<16xf32>
      %min3A_497 = vector.broadcast %jit3A_494 : f32 to vector<16xf32>
      %min3A_498 = arith.minimumf %min3A_497, %max3A_496 : vector<16xf32>
      %neg3A_499 = arith.constant 0.000000e+00 : f32
      %neg3A_500 = vector.broadcast %neg3A_499 : f32 to vector<16xf32>
      %neg3A_501 = arith.subf %neg3A_500, %min3A_498 : vector<16xf32>
      %mul3A_502 = arith.constant 1.44269502 : f32
      %mul3A_503 = vector.broadcast %mul3A_502 : f32 to vector<16xf32>
      %mul3A_504 = arith.mulf %neg3A_501, %mul3A_503 : vector<16xf32>
      %add3A_505 = arith.constant 0x4B400000 : f32
      %add3A_506 = vector.broadcast %add3A_505 : f32 to vector<16xf32>
      %add3A_507 = arith.addf %mul3A_504, %add3A_506 : vector<16xf32>
      %sub3A_508 = arith.constant 0x4B400000 : f32
      %sub3A_509 = vector.broadcast %sub3A_508 : f32 to vector<16xf32>
      %sub3A_510 = arith.subf %add3A_507, %sub3A_509 : vector<16xf32>
      %neg3A_511 = arith.constant 0.000000e+00 : f32
      %neg3A_512 = vector.broadcast %neg3A_511 : f32 to vector<16xf32>
      %neg3A_513 = arith.subf %neg3A_512, %min3A_498 : vector<16xf32>
      %mul3A_514 = arith.constant 0.693359375 : f32
      %mul3A_515 = vector.broadcast %mul3A_514 : f32 to vector<16xf32>
      %mul3A_516 = arith.mulf %sub3A_510, %mul3A_515 : vector<16xf32>
      %sub3A_517 = arith.subf %neg3A_513, %mul3A_516 : vector<16xf32>
      %mul3A_518 = arith.constant -2.12194442E-4 : f32
      %mul3A_519 = vector.broadcast %mul3A_518 : f32 to vector<16xf32>
      %mul3A_520 = arith.mulf %sub3A_510, %mul3A_519 : vector<16xf32>
      %sub3A_521 = arith.subf %sub3A_517, %mul3A_520 : vector<16xf32>
      %mul3A_522 = arith.constant 0.00138888892 : f32
      %mul3A_523 = vector.broadcast %mul3A_522 : f32 to vector<16xf32>
      %mul3A_524 = arith.mulf %mul3A_523, %sub3A_521 : vector<16xf32>
      %add3A_525 = arith.constant 0.00833333377 : f32
      %add3A_526 = vector.broadcast %add3A_525 : f32 to vector<16xf32>
      %add3A_527 = arith.addf %mul3A_524, %add3A_526 : vector<16xf32>
      %mul3A_528 = arith.mulf %add3A_527, %sub3A_521 : vector<16xf32>
      %add3A_529 = arith.constant 0.0416666679 : f32
      %add3A_530 = vector.broadcast %add3A_529 : f32 to vector<16xf32>
      %add3A_531 = arith.addf %mul3A_528, %add3A_530 : vector<16xf32>
      %mul3A_532 = arith.mulf %add3A_531, %sub3A_521 : vector<16xf32>
      %add3A_533 = arith.constant 0.166666672 : f32
      %add3A_534 = vector.broadcast %add3A_533 : f32 to vector<16xf32>
      %add3A_535 = arith.addf %mul3A_532, %add3A_534 : vector<16xf32>
      %mul3A_536 = arith.mulf %add3A_535, %sub3A_521 : vector<16xf32>
      %add3A_537 = arith.constant 5.000000e-01 : f32
      %add3A_538 = vector.broadcast %add3A_537 : f32 to vector<16xf32>
      %add3A_539 = arith.addf %mul3A_536, %add3A_538 : vector<16xf32>
      %mul3A_540 = arith.mulf %add3A_539, %sub3A_521 : vector<16xf32>
      %add3A_541 = arith.constant 1.000000e+00 : f32
      %add3A_542 = vector.broadcast %add3A_541 : f32 to vector<16xf32>
      %add3A_543 = arith.addf %mul3A_540, %add3A_542 : vector<16xf32>
      %mul3A_544 = arith.mulf %add3A_543, %sub3A_521 : vector<16xf32>
      %add3A_545 = arith.constant 1.000000e+00 : f32
      %add3A_546 = vector.broadcast %add3A_545 : f32 to vector<16xf32>
      %add3A_547 = arith.addf %mul3A_544, %add3A_546 : vector<16xf32>
      %convert_element_type3A_548 = arith.fptosi %sub3A_510 : vector<16xf32> to vector<16xi32>
      %add3A_549 = arith.constant 127 : i32
      %add3A_550 = vector.broadcast %add3A_549 : i32 to vector<16xi32>
      %add3A_551 = arith.addi %convert_element_type3A_548, %add3A_550 : vector<16xi32>
      %shift_left3A_552 = arith.constant 23 : i32
      %shift_left3A_553 = vector.broadcast %shift_left3A_552 : i32 to vector<16xi32>
      %shift_left3A_554 = arith.shli %add3A_551, %shift_left3A_553 : vector<16xi32>
      %bitcast_convert_type3A_555 = tpu.bitcast %shift_left3A_554 : vector<16xi32> -> vector<16xf32>
      %mul3A_556 = arith.mulf %add3A_547, %bitcast_convert_type3A_555 : vector<16xf32>
      %add3A_557 = arith.constant 1.000000e+00 : f32
      %add3A_558 = vector.broadcast %add3A_557 : f32 to vector<16xf32>
      %add3A_559 = arith.addf %add3A_558, %mul3A_556 : vector<16xf32>
      %div3A_560 = arith.constant 1.000000e+00 : f32
      %div3A_561 = vector.broadcast %div3A_560 : f32 to vector<16xf32>
      %div3A_562 = arith.divf %div3A_561, %add3A_559 : vector<16xf32>
      %mul3A_563 = arith.mulf %add3A_559, %div3A_562 : vector<16xf32>
      %sub3A_564 = arith.constant 2.000000e+00 : f32
      %sub3A_565 = vector.broadcast %sub3A_564 : f32 to vector<16xf32>
      %sub3A_566 = arith.subf %sub3A_565, %mul3A_563 : vector<16xf32>
      %mul3A_567 = arith.mulf %div3A_562, %sub3A_566 : vector<16xf32>
      %mul3A_568 = arith.mulf %mul3A_567, %gather3A_489 : vector<16xf32>
      tpu.vector_store_idx %arg10[%add3A_488], %mul3A_568 {add = true} : memref<80xf32, #tpu.memory_space<vmem>>[vector<16xi32>], vector<16xf32>,
      %get3A_569 = arith.constant 0 : index
      %get3A_570 = tpu.vector_load %arg10[%get3A_569] {strides = array<i32>} : memref<80xf32, #tpu.memory_space<vmem>>, vector<16xf32>,
      %add3A_571 = arith.addf %mul3A_11, %get3A_570 : vector<16xf32>
      %add3A_572 = arith.constant 68 : i32
      %add3A_573 = vector.broadcast %add3A_572 : i32 to vector<16xi32>
      %add3A_574 = arith.addi %mul3A_3, %add3A_573 : vector<16xi32>
      %gather3A_575 = tpu.vector_load_idx %arg5[%add3A_574] : memref<10768xf32, #tpu.memory_space<vmem>>[vector<16xi32>], vector<16xf32>,
      %add3A_576 = arith.addf %add3A_571, %gather3A_575 : vector<16xf32>
      %gt3A = arith.constant 0.000000e+00 : f32
      %gt3A_577 = vector.broadcast %gt3A : f32 to vector<16xf32>
      %gt3A_578 = arith.cmpf ogt, %add3A_576, %gt3A_577 : vector<16xf32>
      %mul3A_579 = arith.constant 0.00999999977 : f32
      %mul3A_580 = vector.broadcast %mul3A_579 : f32 to vector<16xf32>
      %mul3A_581 = arith.mulf %mul3A_580, %add3A_576 : vector<16xf32>
      %select_n3A = arith.select %gt3A_578, %add3A_576, %mul3A_581 : vector<16xi1>, vector<16xf32>
      %get3A_582 = arith.constant 16 : index
      %get3A_583 = tpu.vector_load %arg10[%get3A_582] {strides = array<i32>} : memref<80xf32, #tpu.memory_space<vmem>>, vector<16xf32>,
      %add3A_584 = arith.addf %mul3A_16, %get3A_583 : vector<16xf32>
      %add3A_585 = arith.constant 69 : i32
      %add3A_586 = vector.broadcast %add3A_585 : i32 to vector<16xi32>
      %add3A_587 = arith.addi %mul3A_3, %add3A_586 : vector<16xi32>
      %gather3A_588 = tpu.vector_load_idx %arg5[%add3A_587] : memref<10768xf32, #tpu.memory_space<vmem>>[vector<16xi32>], vector<16xf32>,
      %add3A_589 = arith.addf %add3A_584, %gather3A_588 : vector<16xf32>
      %gt3A_590 = arith.constant 0.000000e+00 : f32
      %gt3A_591 = vector.broadcast %gt3A_590 : f32 to vector<16xf32>
      %gt3A_592 = arith.cmpf ogt, %add3A_589, %gt3A_591 : vector<16xf32>
      %mul3A_593 = arith.constant 0.00999999977 : f32
      %mul3A_594 = vector.broadcast %mul3A_593 : f32 to vector<16xf32>
      %mul3A_595 = arith.mulf %mul3A_594, %add3A_589 : vector<16xf32>
      %select_n3A_596 = arith.select %gt3A_592, %add3A_589, %mul3A_595 : vector<16xi1>, vector<16xf32>
      %get3A_597 = arith.constant 32 : index
      %get3A_598 = tpu.vector_load %arg10[%get3A_597] {strides = array<i32>} : memref<80xf32, #tpu.memory_space<vmem>>, vector<16xf32>,
      %add3A_599 = arith.addf %mul3A_21, %get3A_598 : vector<16xf32>
      %add3A_600 = arith.constant 70 : i32
      %add3A_601 = vector.broadcast %add3A_600 : i32 to vector<16xi32>
      %add3A_602 = arith.addi %mul3A_3, %add3A_601 : vector<16xi32>
      %gather3A_603 = tpu.vector_load_idx %arg5[%add3A_602] : memref<10768xf32, #tpu.memory_space<vmem>>[vector<16xi32>], vector<16xf32>,
      %add3A_604 = arith.addf %add3A_599, %gather3A_603 : vector<16xf32>
      %gt3A_605 = arith.constant 0.000000e+00 : f32
      %gt3A_606 = vector.broadcast %gt3A_605 : f32 to vector<16xf32>
      %gt3A_607 = arith.cmpf ogt, %add3A_604, %gt3A_606 : vector<16xf32>
      %mul3A_608 = arith.constant 0.00999999977 : f32
      %mul3A_609 = vector.broadcast %mul3A_608 : f32 to vector<16xf32>
      %mul3A_610 = arith.mulf %mul3A_609, %add3A_604 : vector<16xf32>
      %select_n3A_611 = arith.select %gt3A_607, %add3A_604, %mul3A_610 : vector<16xi1>, vector<16xf32>
      %get3A_612 = arith.constant 48 : index
      %get3A_613 = tpu.vector_load %arg10[%get3A_612] {strides = array<i32>} : memref<80xf32, #tpu.memory_space<vmem>>, vector<16xf32>,
      %add3A_614 = arith.addf %mul3A_26, %get3A_613 : vector<16xf32>
      %add3A_615 = arith.constant 71 : i32
      %add3A_616 = vector.broadcast %add3A_615 : i32 to vector<16xi32>
      %add3A_617 = arith.addi %mul3A_3, %add3A_616 : vector<16xi32>
      %gather3A_618 = tpu.vector_load_idx %arg5[%add3A_617] : memref<10768xf32, #tpu.memory_space<vmem>>[vector<16xi32>], vector<16xf32>,
      %add3A_619 = arith.addf %add3A_614, %gather3A_618 : vector<16xf32>
      %gt3A_620 = arith.constant 0.000000e+00 : f32
      %gt3A_621 = vector.broadcast %gt3A_620 : f32 to vector<16xf32>
      %gt3A_622 = arith.cmpf ogt, %add3A_619, %gt3A_621 : vector<16xf32>
      %mul3A_623 = arith.constant 0.00999999977 : f32
      %mul3A_624 = vector.broadcast %mul3A_623 : f32 to vector<16xf32>
      %mul3A_625 = arith.mulf %mul3A_624, %add3A_619 : vector<16xf32>
      %select_n3A_626 = arith.select %gt3A_622, %add3A_619, %mul3A_625 : vector<16xi1>, vector<16xf32>
      %get3A_627 = arith.constant 64 : index
      %get3A_628 = tpu.vector_load %arg10[%get3A_627] {strides = array<i32>} : memref<80xf32, #tpu.memory_space<vmem>>, vector<16xf32>,
      %add3A_629 = arith.addf %mul3A_31, %get3A_628 : vector<16xf32>
      %add3A_630 = arith.constant 72 : i32
      %add3A_631 = vector.broadcast %add3A_630 : i32 to vector<16xi32>
      %add3A_632 = arith.addi %mul3A_3, %add3A_631 : vector<16xi32>
      %gather3A_633 = tpu.vector_load_idx %arg5[%add3A_632] : memref<10768xf32, #tpu.memory_space<vmem>>[vector<16xi32>], vector<16xf32>,
      %add3A_634 = arith.addf %add3A_629, %gather3A_633 : vector<16xf32>
      %gt3A_635 = arith.constant 0.000000e+00 : f32
      %gt3A_636 = vector.broadcast %gt3A_635 : f32 to vector<16xf32>
      %gt3A_637 = arith.cmpf ogt, %add3A_634, %gt3A_636 : vector<16xf32>
      %mul3A_638 = arith.constant 0.00999999977 : f32
      %mul3A_639 = vector.broadcast %mul3A_638 : f32 to vector<16xf32>
      %mul3A_640 = arith.mulf %mul3A_639, %add3A_634 : vector<16xf32>
      %select_n3A_641 = arith.select %gt3A_637, %add3A_634, %mul3A_640 : vector<16xi1>, vector<16xf32>
      %add3A_642 = arith.constant 73 : i32
      %add3A_643 = vector.broadcast %add3A_642 : i32 to vector<16xi32>
      %add3A_644 = arith.addi %mul3A_3, %add3A_643 : vector<16xi32>
      %gather3A_645 = tpu.vector_load_idx %arg5[%add3A_644] : memref<10768xf32, #tpu.memory_space<vmem>>[vector<16xi32>], vector<16xf32>,
      %mul3A_646 = arith.mulf %select_n3A, %gather3A_645 : vector<16xf32>
      %add3A_647 = arith.constant 78 : i32
      %add3A_648 = vector.broadcast %add3A_647 : i32 to vector<16xi32>
      %add3A_649 = arith.addi %mul3A_3, %add3A_648 : vector<16xi32>
      %gather3A_650 = tpu.vector_load_idx %arg5[%add3A_649] : memref<10768xf32, #tpu.memory_space<vmem>>[vector<16xi32>], vector<16xf32>,
      %mul3A_651 = arith.mulf %select_n3A_596, %gather3A_650 : vector<16xf32>
      %add3A_652 = arith.addf %mul3A_646, %mul3A_651 : vector<16xf32>
      %add3A_653 = arith.constant 83 : i32
      %add3A_654 = vector.broadcast %add3A_653 : i32 to vector<16xi32>
      %add3A_655 = arith.addi %mul3A_3, %add3A_654 : vector<16xi32>
      %gather3A_656 = tpu.vector_load_idx %arg5[%add3A_655] : memref<10768xf32, #tpu.memory_space<vmem>>[vector<16xi32>], vector<16xf32>,
      %mul3A_657 = arith.mulf %select_n3A_611, %gather3A_656 : vector<16xf32>
      %add3A_658 = arith.addf %add3A_652, %mul3A_657 : vector<16xf32>
      %add3A_659 = arith.constant 88 : i32
      %add3A_660 = vector.broadcast %add3A_659 : i32 to vector<16xi32>
      %add3A_661 = arith.addi %mul3A_3, %add3A_660 : vector<16xi32>
      %gather3A_662 = tpu.vector_load_idx %arg5[%add3A_661] : memref<10768xf32, #tpu.memory_space<vmem>>[vector<16xi32>], vector<16xf32>,
      %mul3A_663 = arith.mulf %select_n3A_626, %gather3A_662 : vector<16xf32>
      %add3A_664 = arith.addf %add3A_658, %mul3A_663 : vector<16xf32>
      %add3A_665 = arith.constant 93 : i32
      %add3A_666 = vector.broadcast %add3A_665 : i32 to vector<16xi32>
      %add3A_667 = arith.addi %mul3A_3, %add3A_666 : vector<16xi32>
      %gather3A_668 = tpu.vector_load_idx %arg5[%add3A_667] : memref<10768xf32, #tpu.memory_space<vmem>>[vector<16xi32>], vector<16xf32>,
      %mul3A_669 = arith.mulf %select_n3A_641, %gather3A_668 : vector<16xf32>
      %add3A_670 = arith.addf %add3A_664, %mul3A_669 : vector<16xf32>
      %add3A_671 = arith.constant 74 : i32
      %add3A_672 = vector.broadcast %add3A_671 : i32 to vector<16xi32>
      %add3A_673 = arith.addi %mul3A_3, %add3A_672 : vector<16xi32>
      %gather3A_674 = tpu.vector_load_idx %arg5[%add3A_673] : memref<10768xf32, #tpu.memory_space<vmem>>[vector<16xi32>], vector<16xf32>,
      %mul3A_675 = arith.mulf %select_n3A, %gather3A_674 : vector<16xf32>
      %add3A_676 = arith.constant 79 : i32
      %add3A_677 = vector.broadcast %add3A_676 : i32 to vector<16xi32>
      %add3A_678 = arith.addi %mul3A_3, %add3A_677 : vector<16xi32>
      %gather3A_679 = tpu.vector_load_idx %arg5[%add3A_678] : memref<10768xf32, #tpu.memory_space<vmem>>[vector<16xi32>], vector<16xf32>,
      %mul3A_680 = arith.mulf %select_n3A_596, %gather3A_679 : vector<16xf32>
      %add3A_681 = arith.addf %mul3A_675, %mul3A_680 : vector<16xf32>
      %add3A_682 = arith.constant 84 : i32
      %add3A_683 = vector.broadcast %add3A_682 : i32 to vector<16xi32>
      %add3A_684 = arith.addi %mul3A_3, %add3A_683 : vector<16xi32>
      %gather3A_685 = tpu.vector_load_idx %arg5[%add3A_684] : memref<10768xf32, #tpu.memory_space<vmem>>[vector<16xi32>], vector<16xf32>,
      %mul3A_686 = arith.mulf %select_n3A_611, %gather3A_685 : vector<16xf32>
      %add3A_687 = arith.addf %add3A_681, %mul3A_686 : vector<16xf32>
      %add3A_688 = arith.constant 89 : i32
      %add3A_689 = vector.broadcast %add3A_688 : i32 to vector<16xi32>
      %add3A_690 = arith.addi %mul3A_3, %add3A_689 : vector<16xi32>
      %gather3A_691 = tpu.vector_load_idx %arg5[%add3A_690] : memref<10768xf32, #tpu.memory_space<vmem>>[vector<16xi32>], vector<16xf32>,
      %mul3A_692 = arith.mulf %select_n3A_626, %gather3A_691 : vector<16xf32>
      %add3A_693 = arith.addf %add3A_687, %mul3A_692 : vector<16xf32>
      %add3A_694 = arith.constant 94 : i32
      %add3A_695 = vector.broadcast %add3A_694 : i32 to vector<16xi32>
      %add3A_696 = arith.addi %mul3A_3, %add3A_695 : vector<16xi32>
      %gather3A_697 = tpu.vector_load_idx %arg5[%add3A_696] : memref<10768xf32, #tpu.memory_space<vmem>>[vector<16xi32>], vector<16xf32>,
      %mul3A_698 = arith.mulf %select_n3A_641, %gather3A_697 : vector<16xf32>
      %add3A_699 = arith.addf %add3A_693, %mul3A_698 : vector<16xf32>
      %add3A_700 = arith.constant 75 : i32
      %add3A_701 = vector.broadcast %add3A_700 : i32 to vector<16xi32>
      %add3A_702 = arith.addi %mul3A_3, %add3A_701 : vector<16xi32>
      %gather3A_703 = tpu.vector_load_idx %arg5[%add3A_702] : memref<10768xf32, #tpu.memory_space<vmem>>[vector<16xi32>], vector<16xf32>,
      %mul3A_704 = arith.mulf %select_n3A, %gather3A_703 : vector<16xf32>
      %add3A_705 = arith.constant 80 : i32
      %add3A_706 = vector.broadcast %add3A_705 : i32 to vector<16xi32>
      %add3A_707 = arith.addi %mul3A_3, %add3A_706 : vector<16xi32>
      %gather3A_708 = tpu.vector_load_idx %arg5[%add3A_707] : memref<10768xf32, #tpu.memory_space<vmem>>[vector<16xi32>], vector<16xf32>,
      %mul3A_709 = arith.mulf %select_n3A_596, %gather3A_708 : vector<16xf32>
      %add3A_710 = arith.addf %mul3A_704, %mul3A_709 : vector<16xf32>
      %add3A_711 = arith.constant 85 : i32
      %add3A_712 = vector.broadcast %add3A_711 : i32 to vector<16xi32>
      %add3A_713 = arith.addi %mul3A_3, %add3A_712 : vector<16xi32>
      %gather3A_714 = tpu.vector_load_idx %arg5[%add3A_713] : memref<10768xf32, #tpu.memory_space<vmem>>[vector<16xi32>], vector<16xf32>,
      %mul3A_715 = arith.mulf %select_n3A_611, %gather3A_714 : vector<16xf32>
      %add3A_716 = arith.addf %add3A_710, %mul3A_715 : vector<16xf32>
      %add3A_717 = arith.constant 90 : i32
      %add3A_718 = vector.broadcast %add3A_717 : i32 to vector<16xi32>
      %add3A_719 = arith.addi %mul3A_3, %add3A_718 : vector<16xi32>
      %gather3A_720 = tpu.vector_load_idx %arg5[%add3A_719] : memref<10768xf32, #tpu.memory_space<vmem>>[vector<16xi32>], vector<16xf32>,
      %mul3A_721 = arith.mulf %select_n3A_626, %gather3A_720 : vector<16xf32>
      %add3A_722 = arith.addf %add3A_716, %mul3A_721 : vector<16xf32>
      %add3A_723 = arith.constant 95 : i32
      %add3A_724 = vector.broadcast %add3A_723 : i32 to vector<16xi32>
      %add3A_725 = arith.addi %mul3A_3, %add3A_724 : vector<16xi32>
      %gather3A_726 = tpu.vector_load_idx %arg5[%add3A_725] : memref<10768xf32, #tpu.memory_space<vmem>>[vector<16xi32>], vector<16xf32>,
      %mul3A_727 = arith.mulf %select_n3A_641, %gather3A_726 : vector<16xf32>
      %add3A_728 = arith.addf %add3A_722, %mul3A_727 : vector<16xf32>
      %add3A_729 = arith.constant 76 : i32
      %add3A_730 = vector.broadcast %add3A_729 : i32 to vector<16xi32>
      %add3A_731 = arith.addi %mul3A_3, %add3A_730 : vector<16xi32>
      %gather3A_732 = tpu.vector_load_idx %arg5[%add3A_731] : memref<10768xf32, #tpu.memory_space<vmem>>[vector<16xi32>], vector<16xf32>,
      %mul3A_733 = arith.mulf %select_n3A, %gather3A_732 : vector<16xf32>
      %add3A_734 = arith.constant 81 : i32
      %add3A_735 = vector.broadcast %add3A_734 : i32 to vector<16xi32>
      %add3A_736 = arith.addi %mul3A_3, %add3A_735 : vector<16xi32>
      %gather3A_737 = tpu.vector_load_idx %arg5[%add3A_736] : memref<10768xf32, #tpu.memory_space<vmem>>[vector<16xi32>], vector<16xf32>,
      %mul3A_738 = arith.mulf %select_n3A_596, %gather3A_737 : vector<16xf32>
      %add3A_739 = arith.addf %mul3A_733, %mul3A_738 : vector<16xf32>
      %add3A_740 = arith.constant 86 : i32
      %add3A_741 = vector.broadcast %add3A_740 : i32 to vector<16xi32>
      %add3A_742 = arith.addi %mul3A_3, %add3A_741 : vector<16xi32>
      %gather3A_743 = tpu.vector_load_idx %arg5[%add3A_742] : memref<10768xf32, #tpu.memory_space<vmem>>[vector<16xi32>], vector<16xf32>,
      %mul3A_744 = arith.mulf %select_n3A_611, %gather3A_743 : vector<16xf32>
      %add3A_745 = arith.addf %add3A_739, %mul3A_744 : vector<16xf32>
      %add3A_746 = arith.constant 91 : i32
      %add3A_747 = vector.broadcast %add3A_746 : i32 to vector<16xi32>
      %add3A_748 = arith.addi %mul3A_3, %add3A_747 : vector<16xi32>
      %gather3A_749 = tpu.vector_load_idx %arg5[%add3A_748] : memref<10768xf32, #tpu.memory_space<vmem>>[vector<16xi32>], vector<16xf32>,
      %mul3A_750 = arith.mulf %select_n3A_626, %gather3A_749 : vector<16xf32>
      %add3A_751 = arith.addf %add3A_745, %mul3A_750 : vector<16xf32>
      %add3A_752 = arith.constant 96 : i32
      %add3A_753 = vector.broadcast %add3A_752 : i32 to vector<16xi32>
      %add3A_754 = arith.addi %mul3A_3, %add3A_753 : vector<16xi32>
      %gather3A_755 = tpu.vector_load_idx %arg5[%add3A_754] : memref<10768xf32, #tpu.memory_space<vmem>>[vector<16xi32>], vector<16xf32>,
      %mul3A_756 = arith.mulf %select_n3A_641, %gather3A_755 : vector<16xf32>
      %add3A_757 = arith.addf %add3A_751, %mul3A_756 : vector<16xf32>
      %add3A_758 = arith.constant 77 : i32
      %add3A_759 = vector.broadcast %add3A_758 : i32 to vector<16xi32>
      %add3A_760 = arith.addi %mul3A_3, %add3A_759 : vector<16xi32>
      %gather3A_761 = tpu.vector_load_idx %arg5[%add3A_760] : memref<10768xf32, #tpu.memory_space<vmem>>[vector<16xi32>], vector<16xf32>,
      %mul3A_762 = arith.mulf %select_n3A, %gather3A_761 : vector<16xf32>
      %add3A_763 = arith.constant 82 : i32
      %add3A_764 = vector.broadcast %add3A_763 : i32 to vector<16xi32>
      %add3A_765 = arith.addi %mul3A_3, %add3A_764 : vector<16xi32>
      %gather3A_766 = tpu.vector_load_idx %arg5[%add3A_765] : memref<10768xf32, #tpu.memory_space<vmem>>[vector<16xi32>], vector<16xf32>,
      %mul3A_767 = arith.mulf %select_n3A_596, %gather3A_766 : vector<16xf32>
      %add3A_768 = arith.addf %mul3A_762, %mul3A_767 : vector<16xf32>
      %add3A_769 = arith.constant 87 : i32
      %add3A_770 = vector.broadcast %add3A_769 : i32 to vector<16xi32>
      %add3A_771 = arith.addi %mul3A_3, %add3A_770 : vector<16xi32>
      %gather3A_772 = tpu.vector_load_idx %arg5[%add3A_771] : memref<10768xf32, #tpu.memory_space<vmem>>[vector<16xi32>], vector<16xf32>,
      %mul3A_773 = arith.mulf %select_n3A_611, %gather3A_772 : vector<16xf32>
      %add3A_774 = arith.addf %add3A_768, %mul3A_773 : vector<16xf32>
      %add3A_775 = arith.constant 92 : i32
      %add3A_776 = vector.broadcast %add3A_775 : i32 to vector<16xi32>
      %add3A_777 = arith.addi %mul3A_3, %add3A_776 : vector<16xi32>
      %gather3A_778 = tpu.vector_load_idx %arg5[%add3A_777] : memref<10768xf32, #tpu.memory_space<vmem>>[vector<16xi32>], vector<16xf32>,
      %mul3A_779 = arith.mulf %select_n3A_626, %gather3A_778 : vector<16xf32>
      %add3A_780 = arith.addf %add3A_774, %mul3A_779 : vector<16xf32>
      %add3A_781 = arith.constant 97 : i32
      %add3A_782 = vector.broadcast %add3A_781 : i32 to vector<16xi32>
      %add3A_783 = arith.addi %mul3A_3, %add3A_782 : vector<16xi32>
      %gather3A_784 = tpu.vector_load_idx %arg5[%add3A_783] : memref<10768xf32, #tpu.memory_space<vmem>>[vector<16xi32>], vector<16xf32>,
      %mul3A_785 = arith.mulf %select_n3A_641, %gather3A_784 : vector<16xf32>
      %add3A_786 = arith.addf %add3A_780, %mul3A_785 : vector<16xf32>
      %add3A_787 = arith.constant 98 : i32
      %add3A_788 = vector.broadcast %add3A_787 : i32 to vector<16xi32>
      %add3A_789 = arith.addi %mul3A_3, %add3A_788 : vector<16xi32>
      %gather3A_790 = tpu.vector_load_idx %arg5[%add3A_789] : memref<10768xf32, #tpu.memory_space<vmem>>[vector<16xi32>], vector<16xf32>,
      %mul3A_791 = arith.mulf %select_n3A, %gather3A_790 : vector<16xf32>
      %add3A_792 = arith.constant 103 : i32
      %add3A_793 = vector.broadcast %add3A_792 : i32 to vector<16xi32>
      %add3A_794 = arith.addi %mul3A_3, %add3A_793 : vector<16xi32>
      %gather3A_795 = tpu.vector_load_idx %arg5[%add3A_794] : memref<10768xf32, #tpu.memory_space<vmem>>[vector<16xi32>], vector<16xf32>,
      %mul3A_796 = arith.mulf %select_n3A_596, %gather3A_795 : vector<16xf32>
      %add3A_797 = arith.addf %mul3A_791, %mul3A_796 : vector<16xf32>
      %add3A_798 = arith.constant 108 : i32
      %add3A_799 = vector.broadcast %add3A_798 : i32 to vector<16xi32>
      %add3A_800 = arith.addi %mul3A_3, %add3A_799 : vector<16xi32>
      %gather3A_801 = tpu.vector_load_idx %arg5[%add3A_800] : memref<10768xf32, #tpu.memory_space<vmem>>[vector<16xi32>], vector<16xf32>,
      %mul3A_802 = arith.mulf %select_n3A_611, %gather3A_801 : vector<16xf32>
      %add3A_803 = arith.addf %add3A_797, %mul3A_802 : vector<16xf32>
      %add3A_804 = arith.constant 113 : i32
      %add3A_805 = vector.broadcast %add3A_804 : i32 to vector<16xi32>
      %add3A_806 = arith.addi %mul3A_3, %add3A_805 : vector<16xi32>
      %gather3A_807 = tpu.vector_load_idx %arg5[%add3A_806] : memref<10768xf32, #tpu.memory_space<vmem>>[vector<16xi32>], vector<16xf32>,
      %mul3A_808 = arith.mulf %select_n3A_626, %gather3A_807 : vector<16xf32>
      %add3A_809 = arith.addf %add3A_803, %mul3A_808 : vector<16xf32>
      %add3A_810 = arith.constant 118 : i32
      %add3A_811 = vector.broadcast %add3A_810 : i32 to vector<16xi32>
      %add3A_812 = arith.addi %mul3A_3, %add3A_811 : vector<16xi32>
      %gather3A_813 = tpu.vector_load_idx %arg5[%add3A_812] : memref<10768xf32, #tpu.memory_space<vmem>>[vector<16xi32>], vector<16xf32>,
      %mul3A_814 = arith.mulf %select_n3A_641, %gather3A_813 : vector<16xf32>
      %add3A_815 = arith.addf %add3A_809, %mul3A_814 : vector<16xf32>
      %add3A_816 = arith.constant 99 : i32
      %add3A_817 = vector.broadcast %add3A_816 : i32 to vector<16xi32>
      %add3A_818 = arith.addi %mul3A_3, %add3A_817 : vector<16xi32>
      %gather3A_819 = tpu.vector_load_idx %arg5[%add3A_818] : memref<10768xf32, #tpu.memory_space<vmem>>[vector<16xi32>], vector<16xf32>,
      %mul3A_820 = arith.mulf %select_n3A, %gather3A_819 : vector<16xf32>
      %add3A_821 = arith.constant 104 : i32
      %add3A_822 = vector.broadcast %add3A_821 : i32 to vector<16xi32>
      %add3A_823 = arith.addi %mul3A_3, %add3A_822 : vector<16xi32>
      %gather3A_824 = tpu.vector_load_idx %arg5[%add3A_823] : memref<10768xf32, #tpu.memory_space<vmem>>[vector<16xi32>], vector<16xf32>,
      %mul3A_825 = arith.mulf %select_n3A_596, %gather3A_824 : vector<16xf32>
      %add3A_826 = arith.addf %mul3A_820, %mul3A_825 : vector<16xf32>
      %add3A_827 = arith.constant 109 : i32
      %add3A_828 = vector.broadcast %add3A_827 : i32 to vector<16xi32>
      %add3A_829 = arith.addi %mul3A_3, %add3A_828 : vector<16xi32>
      %gather3A_830 = tpu.vector_load_idx %arg5[%add3A_829] : memref<10768xf32, #tpu.memory_space<vmem>>[vector<16xi32>], vector<16xf32>,
      %mul3A_831 = arith.mulf %select_n3A_611, %gather3A_830 : vector<16xf32>
      %add3A_832 = arith.addf %add3A_826, %mul3A_831 : vector<16xf32>
      %add3A_833 = arith.constant 114 : i32
      %add3A_834 = vector.broadcast %add3A_833 : i32 to vector<16xi32>
      %add3A_835 = arith.addi %mul3A_3, %add3A_834 : vector<16xi32>
      %gather3A_836 = tpu.vector_load_idx %arg5[%add3A_835] : memref<10768xf32, #tpu.memory_space<vmem>>[vector<16xi32>], vector<16xf32>,
      %mul3A_837 = arith.mulf %select_n3A_626, %gather3A_836 : vector<16xf32>
      %add3A_838 = arith.addf %add3A_832, %mul3A_837 : vector<16xf32>
      %add3A_839 = arith.constant 119 : i32
      %add3A_840 = vector.broadcast %add3A_839 : i32 to vector<16xi32>
      %add3A_841 = arith.addi %mul3A_3, %add3A_840 : vector<16xi32>
      %gather3A_842 = tpu.vector_load_idx %arg5[%add3A_841] : memref<10768xf32, #tpu.memory_space<vmem>>[vector<16xi32>], vector<16xf32>,
      %mul3A_843 = arith.mulf %select_n3A_641, %gather3A_842 : vector<16xf32>
      %add3A_844 = arith.addf %add3A_838, %mul3A_843 : vector<16xf32>
      %add3A_845 = arith.constant 100 : i32
      %add3A_846 = vector.broadcast %add3A_845 : i32 to vector<16xi32>
      %add3A_847 = arith.addi %mul3A_3, %add3A_846 : vector<16xi32>
      %gather3A_848 = tpu.vector_load_idx %arg5[%add3A_847] : memref<10768xf32, #tpu.memory_space<vmem>>[vector<16xi32>], vector<16xf32>,
      %mul3A_849 = arith.mulf %select_n3A, %gather3A_848 : vector<16xf32>
      %add3A_850 = arith.constant 105 : i32
      %add3A_851 = vector.broadcast %add3A_850 : i32 to vector<16xi32>
      %add3A_852 = arith.addi %mul3A_3, %add3A_851 : vector<16xi32>
      %gather3A_853 = tpu.vector_load_idx %arg5[%add3A_852] : memref<10768xf32, #tpu.memory_space<vmem>>[vector<16xi32>], vector<16xf32>,
      %mul3A_854 = arith.mulf %select_n3A_596, %gather3A_853 : vector<16xf32>
      %add3A_855 = arith.addf %mul3A_849, %mul3A_854 : vector<16xf32>
      %add3A_856 = arith.constant 110 : i32
      %add3A_857 = vector.broadcast %add3A_856 : i32 to vector<16xi32>
      %add3A_858 = arith.addi %mul3A_3, %add3A_857 : vector<16xi32>
      %gather3A_859 = tpu.vector_load_idx %arg5[%add3A_858] : memref<10768xf32, #tpu.memory_space<vmem>>[vector<16xi32>], vector<16xf32>,
      %mul3A_860 = arith.mulf %select_n3A_611, %gather3A_859 : vector<16xf32>
      %add3A_861 = arith.addf %add3A_855, %mul3A_860 : vector<16xf32>
      %add3A_862 = arith.constant 115 : i32
      %add3A_863 = vector.broadcast %add3A_862 : i32 to vector<16xi32>
      %add3A_864 = arith.addi %mul3A_3, %add3A_863 : vector<16xi32>
      %gather3A_865 = tpu.vector_load_idx %arg5[%add3A_864] : memref<10768xf32, #tpu.memory_space<vmem>>[vector<16xi32>], vector<16xf32>,
      %mul3A_866 = arith.mulf %select_n3A_626, %gather3A_865 : vector<16xf32>
      %add3A_867 = arith.addf %add3A_861, %mul3A_866 : vector<16xf32>
      %add3A_868 = arith.constant 120 : i32
      %add3A_869 = vector.broadcast %add3A_868 : i32 to vector<16xi32>
      %add3A_870 = arith.addi %mul3A_3, %add3A_869 : vector<16xi32>
      %gather3A_871 = tpu.vector_load_idx %arg5[%add3A_870] : memref<10768xf32, #tpu.memory_space<vmem>>[vector<16xi32>], vector<16xf32>,
      %mul3A_872 = arith.mulf %select_n3A_641, %gather3A_871 : vector<16xf32>
      %add3A_873 = arith.addf %add3A_867, %mul3A_872 : vector<16xf32>
      %add3A_874 = arith.constant 101 : i32
      %add3A_875 = vector.broadcast %add3A_874 : i32 to vector<16xi32>
      %add3A_876 = arith.addi %mul3A_3, %add3A_875 : vector<16xi32>
      %gather3A_877 = tpu.vector_load_idx %arg5[%add3A_876] : memref<10768xf32, #tpu.memory_space<vmem>>[vector<16xi32>], vector<16xf32>,
      %mul3A_878 = arith.mulf %select_n3A, %gather3A_877 : vector<16xf32>
      %add3A_879 = arith.constant 106 : i32
      %add3A_880 = vector.broadcast %add3A_879 : i32 to vector<16xi32>
      %add3A_881 = arith.addi %mul3A_3, %add3A_880 : vector<16xi32>
      %gather3A_882 = tpu.vector_load_idx %arg5[%add3A_881] : memref<10768xf32, #tpu.memory_space<vmem>>[vector<16xi32>], vector<16xf32>,
      %mul3A_883 = arith.mulf %select_n3A_596, %gather3A_882 : vector<16xf32>
      %add3A_884 = arith.addf %mul3A_878, %mul3A_883 : vector<16xf32>
      %add3A_885 = arith.constant 111 : i32
      %add3A_886 = vector.broadcast %add3A_885 : i32 to vector<16xi32>
      %add3A_887 = arith.addi %mul3A_3, %add3A_886 : vector<16xi32>
      %gather3A_888 = tpu.vector_load_idx %arg5[%add3A_887] : memref<10768xf32, #tpu.memory_space<vmem>>[vector<16xi32>], vector<16xf32>,
      %mul3A_889 = arith.mulf %select_n3A_611, %gather3A_888 : vector<16xf32>
      %add3A_890 = arith.addf %add3A_884, %mul3A_889 : vector<16xf32>
      %add3A_891 = arith.constant 116 : i32
      %add3A_892 = vector.broadcast %add3A_891 : i32 to vector<16xi32>
      %add3A_893 = arith.addi %mul3A_3, %add3A_892 : vector<16xi32>
      %gather3A_894 = tpu.vector_load_idx %arg5[%add3A_893] : memref<10768xf32, #tpu.memory_space<vmem>>[vector<16xi32>], vector<16xf32>,
      %mul3A_895 = arith.mulf %select_n3A_626, %gather3A_894 : vector<16xf32>
      %add3A_896 = arith.addf %add3A_890, %mul3A_895 : vector<16xf32>
      %add3A_897 = arith.constant 121 : i32
      %add3A_898 = vector.broadcast %add3A_897 : i32 to vector<16xi32>
      %add3A_899 = arith.addi %mul3A_3, %add3A_898 : vector<16xi32>
      %gather3A_900 = tpu.vector_load_idx %arg5[%add3A_899] : memref<10768xf32, #tpu.memory_space<vmem>>[vector<16xi32>], vector<16xf32>,
      %mul3A_901 = arith.mulf %select_n3A_641, %gather3A_900 : vector<16xf32>
      %add3A_902 = arith.addf %add3A_896, %mul3A_901 : vector<16xf32>
      %add3A_903 = arith.constant 102 : i32
      %add3A_904 = vector.broadcast %add3A_903 : i32 to vector<16xi32>
      %add3A_905 = arith.addi %mul3A_3, %add3A_904 : vector<16xi32>
      %gather3A_906 = tpu.vector_load_idx %arg5[%add3A_905] : memref<10768xf32, #tpu.memory_space<vmem>>[vector<16xi32>], vector<16xf32>,
      %mul3A_907 = arith.mulf %select_n3A, %gather3A_906 : vector<16xf32>
      %add3A_908 = arith.constant 107 : i32
      %add3A_909 = vector.broadcast %add3A_908 : i32 to vector<16xi32>
      %add3A_910 = arith.addi %mul3A_3, %add3A_909 : vector<16xi32>
      %gather3A_911 = tpu.vector_load_idx %arg5[%add3A_910] : memref<10768xf32, #tpu.memory_space<vmem>>[vector<16xi32>], vector<16xf32>,
      %mul3A_912 = arith.mulf %select_n3A_596, %gather3A_911 : vector<16xf32>
      %add3A_913 = arith.addf %mul3A_907, %mul3A_912 : vector<16xf32>
      %add3A_914 = arith.constant 112 : i32
      %add3A_915 = vector.broadcast %add3A_914 : i32 to vector<16xi32>
      %add3A_916 = arith.addi %mul3A_3, %add3A_915 : vector<16xi32>
      %gather3A_917 = tpu.vector_load_idx %arg5[%add3A_916] : memref<10768xf32, #tpu.memory_space<vmem>>[vector<16xi32>], vector<16xf32>,
      %mul3A_918 = arith.mulf %select_n3A_611, %gather3A_917 : vector<16xf32>
      %add3A_919 = arith.addf %add3A_913, %mul3A_918 : vector<16xf32>
      %add3A_920 = arith.constant 117 : i32
      %add3A_921 = vector.broadcast %add3A_920 : i32 to vector<16xi32>
      %add3A_922 = arith.addi %mul3A_3, %add3A_921 : vector<16xi32>
      %gather3A_923 = tpu.vector_load_idx %arg5[%add3A_922] : memref<10768xf32, #tpu.memory_space<vmem>>[vector<16xi32>], vector<16xf32>,
      %mul3A_924 = arith.mulf %select_n3A_626, %gather3A_923 : vector<16xf32>
      %add3A_925 = arith.addf %add3A_919, %mul3A_924 : vector<16xf32>
      %add3A_926 = arith.constant 122 : i32
      %add3A_927 = vector.broadcast %add3A_926 : i32 to vector<16xi32>
      %add3A_928 = arith.addi %mul3A_3, %add3A_927 : vector<16xi32>
      %gather3A_929 = tpu.vector_load_idx %arg5[%add3A_928] : memref<10768xf32, #tpu.memory_space<vmem>>[vector<16xi32>], vector<16xf32>,
      %mul3A_930 = arith.mulf %select_n3A_641, %gather3A_929 : vector<16xf32>
      %add3A_931 = arith.addf %add3A_925, %mul3A_930 : vector<16xf32>
      %add3A_932 = arith.constant 123 : i32
      %add3A_933 = vector.broadcast %add3A_932 : i32 to vector<16xi32>
      %add3A_934 = arith.addi %mul3A_3, %add3A_933 : vector<16xi32>
      %gather3A_935 = tpu.vector_load_idx %arg5[%add3A_934] : memref<10768xf32, #tpu.memory_space<vmem>>[vector<16xi32>], vector<16xf32>,
      %mul3A_936 = arith.mulf %select_n3A, %gather3A_935 : vector<16xf32>
      %add3A_937 = arith.constant 128 : i32
      %add3A_938 = vector.broadcast %add3A_937 : i32 to vector<16xi32>
      %add3A_939 = arith.addi %mul3A_3, %add3A_938 : vector<16xi32>
      %gather3A_940 = tpu.vector_load_idx %arg5[%add3A_939] : memref<10768xf32, #tpu.memory_space<vmem>>[vector<16xi32>], vector<16xf32>,
      %mul3A_941 = arith.mulf %select_n3A_596, %gather3A_940 : vector<16xf32>
      %add3A_942 = arith.addf %mul3A_936, %mul3A_941 : vector<16xf32>
      %add3A_943 = arith.constant 133 : i32
      %add3A_944 = vector.broadcast %add3A_943 : i32 to vector<16xi32>
      %add3A_945 = arith.addi %mul3A_3, %add3A_944 : vector<16xi32>
      %gather3A_946 = tpu.vector_load_idx %arg5[%add3A_945] : memref<10768xf32, #tpu.memory_space<vmem>>[vector<16xi32>], vector<16xf32>,
      %mul3A_947 = arith.mulf %select_n3A_611, %gather3A_946 : vector<16xf32>
      %add3A_948 = arith.addf %add3A_942, %mul3A_947 : vector<16xf32>
      %add3A_949 = arith.constant 138 : i32
      %add3A_950 = vector.broadcast %add3A_949 : i32 to vector<16xi32>
      %add3A_951 = arith.addi %mul3A_3, %add3A_950 : vector<16xi32>
      %gather3A_952 = tpu.vector_load_idx %arg5[%add3A_951] : memref<10768xf32, #tpu.memory_space<vmem>>[vector<16xi32>], vector<16xf32>,
      %mul3A_953 = arith.mulf %select_n3A_626, %gather3A_952 : vector<16xf32>
      %add3A_954 = arith.addf %add3A_948, %mul3A_953 : vector<16xf32>
      %add3A_955 = arith.constant 143 : i32
      %add3A_956 = vector.broadcast %add3A_955 : i32 to vector<16xi32>
      %add3A_957 = arith.addi %mul3A_3, %add3A_956 : vector<16xi32>
      %gather3A_958 = tpu.vector_load_idx %arg5[%add3A_957] : memref<10768xf32, #tpu.memory_space<vmem>>[vector<16xi32>], vector<16xf32>,
      %mul3A_959 = arith.mulf %select_n3A_641, %gather3A_958 : vector<16xf32>
      %add3A_960 = arith.addf %add3A_954, %mul3A_959 : vector<16xf32>
      %add3A_961 = arith.constant 124 : i32
      %add3A_962 = vector.broadcast %add3A_961 : i32 to vector<16xi32>
      %add3A_963 = arith.addi %mul3A_3, %add3A_962 : vector<16xi32>
      %gather3A_964 = tpu.vector_load_idx %arg5[%add3A_963] : memref<10768xf32, #tpu.memory_space<vmem>>[vector<16xi32>], vector<16xf32>,
      %mul3A_965 = arith.mulf %select_n3A, %gather3A_964 : vector<16xf32>
      %add3A_966 = arith.constant 129 : i32
      %add3A_967 = vector.broadcast %add3A_966 : i32 to vector<16xi32>
      %add3A_968 = arith.addi %mul3A_3, %add3A_967 : vector<16xi32>
      %gather3A_969 = tpu.vector_load_idx %arg5[%add3A_968] : memref<10768xf32, #tpu.memory_space<vmem>>[vector<16xi32>], vector<16xf32>,
      %mul3A_970 = arith.mulf %select_n3A_596, %gather3A_969 : vector<16xf32>
      %add3A_971 = arith.addf %mul3A_965, %mul3A_970 : vector<16xf32>
      %add3A_972 = arith.constant 134 : i32
      %add3A_973 = vector.broadcast %add3A_972 : i32 to vector<16xi32>
      %add3A_974 = arith.addi %mul3A_3, %add3A_973 : vector<16xi32>
      %gather3A_975 = tpu.vector_load_idx %arg5[%add3A_974] : memref<10768xf32, #tpu.memory_space<vmem>>[vector<16xi32>], vector<16xf32>,
      %mul3A_976 = arith.mulf %select_n3A_611, %gather3A_975 : vector<16xf32>
      %add3A_977 = arith.addf %add3A_971, %mul3A_976 : vector<16xf32>
      %add3A_978 = arith.constant 139 : i32
      %add3A_979 = vector.broadcast %add3A_978 : i32 to vector<16xi32>
      %add3A_980 = arith.addi %mul3A_3, %add3A_979 : vector<16xi32>
      %gather3A_981 = tpu.vector_load_idx %arg5[%add3A_980] : memref<10768xf32, #tpu.memory_space<vmem>>[vector<16xi32>], vector<16xf32>,
      %mul3A_982 = arith.mulf %select_n3A_626, %gather3A_981 : vector<16xf32>
      %add3A_983 = arith.addf %add3A_977, %mul3A_982 : vector<16xf32>
      %add3A_984 = arith.constant 144 : i32
      %add3A_985 = vector.broadcast %add3A_984 : i32 to vector<16xi32>
      %add3A_986 = arith.addi %mul3A_3, %add3A_985 : vector<16xi32>
      %gather3A_987 = tpu.vector_load_idx %arg5[%add3A_986] : memref<10768xf32, #tpu.memory_space<vmem>>[vector<16xi32>], vector<16xf32>,
      %mul3A_988 = arith.mulf %select_n3A_641, %gather3A_987 : vector<16xf32>
      %add3A_989 = arith.addf %add3A_983, %mul3A_988 : vector<16xf32>
      %add3A_990 = arith.constant 125 : i32
      %add3A_991 = vector.broadcast %add3A_990 : i32 to vector<16xi32>
      %add3A_992 = arith.addi %mul3A_3, %add3A_991 : vector<16xi32>
      %gather3A_993 = tpu.vector_load_idx %arg5[%add3A_992] : memref<10768xf32, #tpu.memory_space<vmem>>[vector<16xi32>], vector<16xf32>,
      %mul3A_994 = arith.mulf %select_n3A, %gather3A_993 : vector<16xf32>
      %add3A_995 = arith.constant 130 : i32
      %add3A_996 = vector.broadcast %add3A_995 : i32 to vector<16xi32>
      %add3A_997 = arith.addi %mul3A_3, %add3A_996 : vector<16xi32>
      %gather3A_998 = tpu.vector_load_idx %arg5[%add3A_997] : memref<10768xf32, #tpu.memory_space<vmem>>[vector<16xi32>], vector<16xf32>,
      %mul3A_999 = arith.mulf %select_n3A_596, %gather3A_998 : vector<16xf32>
      %add3A_1000 = arith.addf %mul3A_994, %mul3A_999 : vector<16xf32>
      %add3A_1001 = arith.constant 135 : i32
      %add3A_1002 = vector.broadcast %add3A_1001 : i32 to vector<16xi32>
      %add3A_1003 = arith.addi %mul3A_3, %add3A_1002 : vector<16xi32>
      %gather3A_1004 = tpu.vector_load_idx %arg5[%add3A_1003] : memref<10768xf32, #tpu.memory_space<vmem>>[vector<16xi32>], vector<16xf32>,
      %mul3A_1005 = arith.mulf %select_n3A_611, %gather3A_1004 : vector<16xf32>
      %add3A_1006 = arith.addf %add3A_1000, %mul3A_1005 : vector<16xf32>
      %add3A_1007 = arith.constant 140 : i32
      %add3A_1008 = vector.broadcast %add3A_1007 : i32 to vector<16xi32>
      %add3A_1009 = arith.addi %mul3A_3, %add3A_1008 : vector<16xi32>
      %gather3A_1010 = tpu.vector_load_idx %arg5[%add3A_1009] : memref<10768xf32, #tpu.memory_space<vmem>>[vector<16xi32>], vector<16xf32>,
      %mul3A_1011 = arith.mulf %select_n3A_626, %gather3A_1010 : vector<16xf32>
      %add3A_1012 = arith.addf %add3A_1006, %mul3A_1011 : vector<16xf32>
      %add3A_1013 = arith.constant 145 : i32
      %add3A_1014 = vector.broadcast %add3A_1013 : i32 to vector<16xi32>
      %add3A_1015 = arith.addi %mul3A_3, %add3A_1014 : vector<16xi32>
      %gather3A_1016 = tpu.vector_load_idx %arg5[%add3A_1015] : memref<10768xf32, #tpu.memory_space<vmem>>[vector<16xi32>], vector<16xf32>,
      %mul3A_1017 = arith.mulf %select_n3A_641, %gather3A_1016 : vector<16xf32>
      %add3A_1018 = arith.addf %add3A_1012, %mul3A_1017 : vector<16xf32>
      %add3A_1019 = arith.constant 126 : i32
      %add3A_1020 = vector.broadcast %add3A_1019 : i32 to vector<16xi32>
      %add3A_1021 = arith.addi %mul3A_3, %add3A_1020 : vector<16xi32>
      %gather3A_1022 = tpu.vector_load_idx %arg5[%add3A_1021] : memref<10768xf32, #tpu.memory_space<vmem>>[vector<16xi32>], vector<16xf32>,
      %mul3A_1023 = arith.mulf %select_n3A, %gather3A_1022 : vector<16xf32>
      %add3A_1024 = arith.constant 131 : i32
      %add3A_1025 = vector.broadcast %add3A_1024 : i32 to vector<16xi32>
      %add3A_1026 = arith.addi %mul3A_3, %add3A_1025 : vector<16xi32>
      %gather3A_1027 = tpu.vector_load_idx %arg5[%add3A_1026] : memref<10768xf32, #tpu.memory_space<vmem>>[vector<16xi32>], vector<16xf32>,
      %mul3A_1028 = arith.mulf %select_n3A_596, %gather3A_1027 : vector<16xf32>
      %add3A_1029 = arith.addf %mul3A_1023, %mul3A_1028 : vector<16xf32>
      %add3A_1030 = arith.constant 136 : i32
      %add3A_1031 = vector.broadcast %add3A_1030 : i32 to vector<16xi32>
      %add3A_1032 = arith.addi %mul3A_3, %add3A_1031 : vector<16xi32>
      %gather3A_1033 = tpu.vector_load_idx %arg5[%add3A_1032] : memref<10768xf32, #tpu.memory_space<vmem>>[vector<16xi32>], vector<16xf32>,
      %mul3A_1034 = arith.mulf %select_n3A_611, %gather3A_1033 : vector<16xf32>
      %add3A_1035 = arith.addf %add3A_1029, %mul3A_1034 : vector<16xf32>
      %add3A_1036 = arith.constant 141 : i32
      %add3A_1037 = vector.broadcast %add3A_1036 : i32 to vector<16xi32>
      %add3A_1038 = arith.addi %mul3A_3, %add3A_1037 : vector<16xi32>
      %gather3A_1039 = tpu.vector_load_idx %arg5[%add3A_1038] : memref<10768xf32, #tpu.memory_space<vmem>>[vector<16xi32>], vector<16xf32>,
      %mul3A_1040 = arith.mulf %select_n3A_626, %gather3A_1039 : vector<16xf32>
      %add3A_1041 = arith.addf %add3A_1035, %mul3A_1040 : vector<16xf32>
      %add3A_1042 = arith.constant 146 : i32
      %add3A_1043 = vector.broadcast %add3A_1042 : i32 to vector<16xi32>
      %add3A_1044 = arith.addi %mul3A_3, %add3A_1043 : vector<16xi32>
      %gather3A_1045 = tpu.vector_load_idx %arg5[%add3A_1044] : memref<10768xf32, #tpu.memory_space<vmem>>[vector<16xi32>], vector<16xf32>,
      %mul3A_1046 = arith.mulf %select_n3A_641, %gather3A_1045 : vector<16xf32>
      %add3A_1047 = arith.addf %add3A_1041, %mul3A_1046 : vector<16xf32>
      %add3A_1048 = arith.constant 127 : i32
      %add3A_1049 = vector.broadcast %add3A_1048 : i32 to vector<16xi32>
      %add3A_1050 = arith.addi %mul3A_3, %add3A_1049 : vector<16xi32>
      %gather3A_1051 = tpu.vector_load_idx %arg5[%add3A_1050] : memref<10768xf32, #tpu.memory_space<vmem>>[vector<16xi32>], vector<16xf32>,
      %mul3A_1052 = arith.mulf %select_n3A, %gather3A_1051 : vector<16xf32>
      %add3A_1053 = arith.constant 132 : i32
      %add3A_1054 = vector.broadcast %add3A_1053 : i32 to vector<16xi32>
      %add3A_1055 = arith.addi %mul3A_3, %add3A_1054 : vector<16xi32>
      %gather3A_1056 = tpu.vector_load_idx %arg5[%add3A_1055] : memref<10768xf32, #tpu.memory_space<vmem>>[vector<16xi32>], vector<16xf32>,
      %mul3A_1057 = arith.mulf %select_n3A_596, %gather3A_1056 : vector<16xf32>
      %add3A_1058 = arith.addf %mul3A_1052, %mul3A_1057 : vector<16xf32>
      %add3A_1059 = arith.constant 137 : i32
      %add3A_1060 = vector.broadcast %add3A_1059 : i32 to vector<16xi32>
      %add3A_1061 = arith.addi %mul3A_3, %add3A_1060 : vector<16xi32>
      %gather3A_1062 = tpu.vector_load_idx %arg5[%add3A_1061] : memref<10768xf32, #tpu.memory_space<vmem>>[vector<16xi32>], vector<16xf32>,
      %mul3A_1063 = arith.mulf %select_n3A_611, %gather3A_1062 : vector<16xf32>
      %add3A_1064 = arith.addf %add3A_1058, %mul3A_1063 : vector<16xf32>
      %add3A_1065 = arith.constant 142 : i32
      %add3A_1066 = vector.broadcast %add3A_1065 : i32 to vector<16xi32>
      %add3A_1067 = arith.addi %mul3A_3, %add3A_1066 : vector<16xi32>
      %gather3A_1068 = tpu.vector_load_idx %arg5[%add3A_1067] : memref<10768xf32, #tpu.memory_space<vmem>>[vector<16xi32>], vector<16xf32>,
      %mul3A_1069 = arith.mulf %select_n3A_626, %gather3A_1068 : vector<16xf32>
      %add3A_1070 = arith.addf %add3A_1064, %mul3A_1069 : vector<16xf32>
      %add3A_1071 = arith.constant 147 : i32
      %add3A_1072 = vector.broadcast %add3A_1071 : i32 to vector<16xi32>
      %add3A_1073 = arith.addi %mul3A_3, %add3A_1072 : vector<16xi32>
      %gather3A_1074 = tpu.vector_load_idx %arg5[%add3A_1073] : memref<10768xf32, #tpu.memory_space<vmem>>[vector<16xi32>], vector<16xf32>,
      %mul3A_1075 = arith.mulf %select_n3A_641, %gather3A_1074 : vector<16xf32>
      %add3A_1076 = arith.addf %add3A_1070, %mul3A_1075 : vector<16xf32>
      %add3A_1077 = arith.constant 148 : i32
      %add3A_1078 = vector.broadcast %add3A_1077 : i32 to vector<16xi32>
      %add3A_1079 = arith.addi %mul3A_3, %add3A_1078 : vector<16xi32>
      %gather3A_1080 = tpu.vector_load_idx %arg5[%add3A_1079] : memref<10768xf32, #tpu.memory_space<vmem>>[vector<16xi32>], vector<16xf32>,
      %mul3A_1081 = arith.mulf %select_n3A, %gather3A_1080 : vector<16xf32>
      %add3A_1082 = arith.constant 153 : i32
      %add3A_1083 = vector.broadcast %add3A_1082 : i32 to vector<16xi32>
      %add3A_1084 = arith.addi %mul3A_3, %add3A_1083 : vector<16xi32>
      %gather3A_1085 = tpu.vector_load_idx %arg5[%add3A_1084] : memref<10768xf32, #tpu.memory_space<vmem>>[vector<16xi32>], vector<16xf32>,
      %mul3A_1086 = arith.mulf %select_n3A_596, %gather3A_1085 : vector<16xf32>
      %add3A_1087 = arith.addf %mul3A_1081, %mul3A_1086 : vector<16xf32>
      %add3A_1088 = arith.constant 158 : i32
      %add3A_1089 = vector.broadcast %add3A_1088 : i32 to vector<16xi32>
      %add3A_1090 = arith.addi %mul3A_3, %add3A_1089 : vector<16xi32>
      %gather3A_1091 = tpu.vector_load_idx %arg5[%add3A_1090] : memref<10768xf32, #tpu.memory_space<vmem>>[vector<16xi32>], vector<16xf32>,
      %mul3A_1092 = arith.mulf %select_n3A_611, %gather3A_1091 : vector<16xf32>
      %add3A_1093 = arith.addf %add3A_1087, %mul3A_1092 : vector<16xf32>
      %add3A_1094 = arith.constant 163 : i32
      %add3A_1095 = vector.broadcast %add3A_1094 : i32 to vector<16xi32>
      %add3A_1096 = arith.addi %mul3A_3, %add3A_1095 : vector<16xi32>
      %gather3A_1097 = tpu.vector_load_idx %arg5[%add3A_1096] : memref<10768xf32, #tpu.memory_space<vmem>>[vector<16xi32>], vector<16xf32>,
      %mul3A_1098 = arith.mulf %select_n3A_626, %gather3A_1097 : vector<16xf32>
      %add3A_1099 = arith.addf %add3A_1093, %mul3A_1098 : vector<16xf32>
      %add3A_1100 = arith.constant 168 : i32
      %add3A_1101 = vector.broadcast %add3A_1100 : i32 to vector<16xi32>
      %add3A_1102 = arith.addi %mul3A_3, %add3A_1101 : vector<16xi32>
      %gather3A_1103 = tpu.vector_load_idx %arg5[%add3A_1102] : memref<10768xf32, #tpu.memory_space<vmem>>[vector<16xi32>], vector<16xf32>,
      %mul3A_1104 = arith.mulf %select_n3A_641, %gather3A_1103 : vector<16xf32>
      %add3A_1105 = arith.addf %add3A_1099, %mul3A_1104 : vector<16xf32>
      %add3A_1106 = arith.constant 149 : i32
      %add3A_1107 = vector.broadcast %add3A_1106 : i32 to vector<16xi32>
      %add3A_1108 = arith.addi %mul3A_3, %add3A_1107 : vector<16xi32>
      %gather3A_1109 = tpu.vector_load_idx %arg5[%add3A_1108] : memref<10768xf32, #tpu.memory_space<vmem>>[vector<16xi32>], vector<16xf32>,
      %mul3A_1110 = arith.mulf %select_n3A, %gather3A_1109 : vector<16xf32>
      %add3A_1111 = arith.constant 154 : i32
      %add3A_1112 = vector.broadcast %add3A_1111 : i32 to vector<16xi32>
      %add3A_1113 = arith.addi %mul3A_3, %add3A_1112 : vector<16xi32>
      %gather3A_1114 = tpu.vector_load_idx %arg5[%add3A_1113] : memref<10768xf32, #tpu.memory_space<vmem>>[vector<16xi32>], vector<16xf32>,
      %mul3A_1115 = arith.mulf %select_n3A_596, %gather3A_1114 : vector<16xf32>
      %add3A_1116 = arith.addf %mul3A_1110, %mul3A_1115 : vector<16xf32>
      %add3A_1117 = arith.constant 159 : i32
      %add3A_1118 = vector.broadcast %add3A_1117 : i32 to vector<16xi32>
      %add3A_1119 = arith.addi %mul3A_3, %add3A_1118 : vector<16xi32>
      %gather3A_1120 = tpu.vector_load_idx %arg5[%add3A_1119] : memref<10768xf32, #tpu.memory_space<vmem>>[vector<16xi32>], vector<16xf32>,
      %mul3A_1121 = arith.mulf %select_n3A_611, %gather3A_1120 : vector<16xf32>
      %add3A_1122 = arith.addf %add3A_1116, %mul3A_1121 : vector<16xf32>
      %add3A_1123 = arith.constant 164 : i32
      %add3A_1124 = vector.broadcast %add3A_1123 : i32 to vector<16xi32>
      %add3A_1125 = arith.addi %mul3A_3, %add3A_1124 : vector<16xi32>
      %gather3A_1126 = tpu.vector_load_idx %arg5[%add3A_1125] : memref<10768xf32, #tpu.memory_space<vmem>>[vector<16xi32>], vector<16xf32>,
      %mul3A_1127 = arith.mulf %select_n3A_626, %gather3A_1126 : vector<16xf32>
      %add3A_1128 = arith.addf %add3A_1122, %mul3A_1127 : vector<16xf32>
      %add3A_1129 = arith.constant 169 : i32
      %add3A_1130 = vector.broadcast %add3A_1129 : i32 to vector<16xi32>
      %add3A_1131 = arith.addi %mul3A_3, %add3A_1130 : vector<16xi32>
      %gather3A_1132 = tpu.vector_load_idx %arg5[%add3A_1131] : memref<10768xf32, #tpu.memory_space<vmem>>[vector<16xi32>], vector<16xf32>,
      %mul3A_1133 = arith.mulf %select_n3A_641, %gather3A_1132 : vector<16xf32>
      %add3A_1134 = arith.addf %add3A_1128, %mul3A_1133 : vector<16xf32>
      %add3A_1135 = arith.constant 150 : i32
      %add3A_1136 = vector.broadcast %add3A_1135 : i32 to vector<16xi32>
      %add3A_1137 = arith.addi %mul3A_3, %add3A_1136 : vector<16xi32>
      %gather3A_1138 = tpu.vector_load_idx %arg5[%add3A_1137] : memref<10768xf32, #tpu.memory_space<vmem>>[vector<16xi32>], vector<16xf32>,
      %mul3A_1139 = arith.mulf %select_n3A, %gather3A_1138 : vector<16xf32>
      %add3A_1140 = arith.constant 155 : i32
      %add3A_1141 = vector.broadcast %add3A_1140 : i32 to vector<16xi32>
      %add3A_1142 = arith.addi %mul3A_3, %add3A_1141 : vector<16xi32>
      %gather3A_1143 = tpu.vector_load_idx %arg5[%add3A_1142] : memref<10768xf32, #tpu.memory_space<vmem>>[vector<16xi32>], vector<16xf32>,
      %mul3A_1144 = arith.mulf %select_n3A_596, %gather3A_1143 : vector<16xf32>
      %add3A_1145 = arith.addf %mul3A_1139, %mul3A_1144 : vector<16xf32>
      %add3A_1146 = arith.constant 160 : i32
      %add3A_1147 = vector.broadcast %add3A_1146 : i32 to vector<16xi32>
      %add3A_1148 = arith.addi %mul3A_3, %add3A_1147 : vector<16xi32>
      %gather3A_1149 = tpu.vector_load_idx %arg5[%add3A_1148] : memref<10768xf32, #tpu.memory_space<vmem>>[vector<16xi32>], vector<16xf32>,
      %mul3A_1150 = arith.mulf %select_n3A_611, %gather3A_1149 : vector<16xf32>
      %add3A_1151 = arith.addf %add3A_1145, %mul3A_1150 : vector<16xf32>
      %add3A_1152 = arith.constant 165 : i32
      %add3A_1153 = vector.broadcast %add3A_1152 : i32 to vector<16xi32>
      %add3A_1154 = arith.addi %mul3A_3, %add3A_1153 : vector<16xi32>
      %gather3A_1155 = tpu.vector_load_idx %arg5[%add3A_1154] : memref<10768xf32, #tpu.memory_space<vmem>>[vector<16xi32>], vector<16xf32>,
      %mul3A_1156 = arith.mulf %select_n3A_626, %gather3A_1155 : vector<16xf32>
      %add3A_1157 = arith.addf %add3A_1151, %mul3A_1156 : vector<16xf32>
      %add3A_1158 = arith.constant 170 : i32
      %add3A_1159 = vector.broadcast %add3A_1158 : i32 to vector<16xi32>
      %add3A_1160 = arith.addi %mul3A_3, %add3A_1159 : vector<16xi32>
      %gather3A_1161 = tpu.vector_load_idx %arg5[%add3A_1160] : memref<10768xf32, #tpu.memory_space<vmem>>[vector<16xi32>], vector<16xf32>,
      %mul3A_1162 = arith.mulf %select_n3A_641, %gather3A_1161 : vector<16xf32>
      %add3A_1163 = arith.addf %add3A_1157, %mul3A_1162 : vector<16xf32>
      %add3A_1164 = arith.constant 151 : i32
      %add3A_1165 = vector.broadcast %add3A_1164 : i32 to vector<16xi32>
      %add3A_1166 = arith.addi %mul3A_3, %add3A_1165 : vector<16xi32>
      %gather3A_1167 = tpu.vector_load_idx %arg5[%add3A_1166] : memref<10768xf32, #tpu.memory_space<vmem>>[vector<16xi32>], vector<16xf32>,
      %mul3A_1168 = arith.mulf %select_n3A, %gather3A_1167 : vector<16xf32>
      %add3A_1169 = arith.constant 156 : i32
      %add3A_1170 = vector.broadcast %add3A_1169 : i32 to vector<16xi32>
      %add3A_1171 = arith.addi %mul3A_3, %add3A_1170 : vector<16xi32>
      %gather3A_1172 = tpu.vector_load_idx %arg5[%add3A_1171] : memref<10768xf32, #tpu.memory_space<vmem>>[vector<16xi32>], vector<16xf32>,
      %mul3A_1173 = arith.mulf %select_n3A_596, %gather3A_1172 : vector<16xf32>
      %add3A_1174 = arith.addf %mul3A_1168, %mul3A_1173 : vector<16xf32>
      %add3A_1175 = arith.constant 161 : i32
      %add3A_1176 = vector.broadcast %add3A_1175 : i32 to vector<16xi32>
      %add3A_1177 = arith.addi %mul3A_3, %add3A_1176 : vector<16xi32>
      %gather3A_1178 = tpu.vector_load_idx %arg5[%add3A_1177] : memref<10768xf32, #tpu.memory_space<vmem>>[vector<16xi32>], vector<16xf32>,
      %mul3A_1179 = arith.mulf %select_n3A_611, %gather3A_1178 : vector<16xf32>
      %add3A_1180 = arith.addf %add3A_1174, %mul3A_1179 : vector<16xf32>
      %add3A_1181 = arith.constant 166 : i32
      %add3A_1182 = vector.broadcast %add3A_1181 : i32 to vector<16xi32>
      %add3A_1183 = arith.addi %mul3A_3, %add3A_1182 : vector<16xi32>
      %gather3A_1184 = tpu.vector_load_idx %arg5[%add3A_1183] : memref<10768xf32, #tpu.memory_space<vmem>>[vector<16xi32>], vector<16xf32>,
      %mul3A_1185 = arith.mulf %select_n3A_626, %gather3A_1184 : vector<16xf32>
      %add3A_1186 = arith.addf %add3A_1180, %mul3A_1185 : vector<16xf32>
      %add3A_1187 = arith.constant 171 : i32
      %add3A_1188 = vector.broadcast %add3A_1187 : i32 to vector<16xi32>
      %add3A_1189 = arith.addi %mul3A_3, %add3A_1188 : vector<16xi32>
      %gather3A_1190 = tpu.vector_load_idx %arg5[%add3A_1189] : memref<10768xf32, #tpu.memory_space<vmem>>[vector<16xi32>], vector<16xf32>,
      %mul3A_1191 = arith.mulf %select_n3A_641, %gather3A_1190 : vector<16xf32>
      %add3A_1192 = arith.addf %add3A_1186, %mul3A_1191 : vector<16xf32>
      %add3A_1193 = arith.constant 152 : i32
      %add3A_1194 = vector.broadcast %add3A_1193 : i32 to vector<16xi32>
      %add3A_1195 = arith.addi %mul3A_3, %add3A_1194 : vector<16xi32>
      %gather3A_1196 = tpu.vector_load_idx %arg5[%add3A_1195] : memref<10768xf32, #tpu.memory_space<vmem>>[vector<16xi32>], vector<16xf32>,
      %mul3A_1197 = arith.mulf %select_n3A, %gather3A_1196 : vector<16xf32>
      %add3A_1198 = arith.constant 157 : i32
      %add3A_1199 = vector.broadcast %add3A_1198 : i32 to vector<16xi32>
      %add3A_1200 = arith.addi %mul3A_3, %add3A_1199 : vector<16xi32>
      %gather3A_1201 = tpu.vector_load_idx %arg5[%add3A_1200] : memref<10768xf32, #tpu.memory_space<vmem>>[vector<16xi32>], vector<16xf32>,
      %mul3A_1202 = arith.mulf %select_n3A_596, %gather3A_1201 : vector<16xf32>
      %add3A_1203 = arith.addf %mul3A_1197, %mul3A_1202 : vector<16xf32>
      %add3A_1204 = arith.constant 162 : i32
      %add3A_1205 = vector.broadcast %add3A_1204 : i32 to vector<16xi32>
      %add3A_1206 = arith.addi %mul3A_3, %add3A_1205 : vector<16xi32>
      %gather3A_1207 = tpu.vector_load_idx %arg5[%add3A_1206] : memref<10768xf32, #tpu.memory_space<vmem>>[vector<16xi32>], vector<16xf32>,
      %mul3A_1208 = arith.mulf %select_n3A_611, %gather3A_1207 : vector<16xf32>
      %add3A_1209 = arith.addf %add3A_1203, %mul3A_1208 : vector<16xf32>
      %add3A_1210 = arith.constant 167 : i32
      %add3A_1211 = vector.broadcast %add3A_1210 : i32 to vector<16xi32>
      %add3A_1212 = arith.addi %mul3A_3, %add3A_1211 : vector<16xi32>
      %gather3A_1213 = tpu.vector_load_idx %arg5[%add3A_1212] : memref<10768xf32, #tpu.memory_space<vmem>>[vector<16xi32>], vector<16xf32>,
      %mul3A_1214 = arith.mulf %select_n3A_626, %gather3A_1213 : vector<16xf32>
      %add3A_1215 = arith.addf %add3A_1209, %mul3A_1214 : vector<16xf32>
      %add3A_1216 = arith.constant 172 : i32
      %add3A_1217 = vector.broadcast %add3A_1216 : i32 to vector<16xi32>
      %add3A_1218 = arith.addi %mul3A_3, %add3A_1217 : vector<16xi32>
      %gather3A_1219 = tpu.vector_load_idx %arg5[%add3A_1218] : memref<10768xf32, #tpu.memory_space<vmem>>[vector<16xi32>], vector<16xf32>,
      %mul3A_1220 = arith.mulf %select_n3A_641, %gather3A_1219 : vector<16xf32>
      %add3A_1221 = arith.addf %add3A_1215, %mul3A_1220 : vector<16xf32>
      %broadcast_in_dim3A_1222 = arith.constant 0.000000e+00 : f32
      %broadcast_in_dim3A_1223 = vector.broadcast %broadcast_in_dim3A_1222 : f32 to vector<16xf32>
      %swap3A_1224 = arith.constant 0 : index
      %swap3A_1225 = tpu.vector_load %arg7[%swap3A_1224] {strides = array<i32>} : memref<80xf32, #tpu.memory_space<vmem>>, vector<16xf32>,
      tpu.vector_store %arg7[%swap3A_1224], %add3A_815 {strides = array<i32>} : memref<80xf32, #tpu.memory_space<vmem>>, vector<16xf32>,
      %swap3A_1226 = arith.constant 0 : index
      %swap3A_1227 = tpu.vector_load %arg8[%swap3A_1226] {strides = array<i32>} : memref<80xf32, #tpu.memory_space<vmem>>, vector<16xf32>,
      tpu.vector_store %arg8[%swap3A_1226], %add3A_960 {strides = array<i32>} : memref<80xf32, #tpu.memory_space<vmem>>, vector<16xf32>,
      %swap3A_1228 = arith.constant 0 : index
      %swap3A_1229 = tpu.vector_load %arg9[%swap3A_1228] {strides = array<i32>} : memref<80xf32, #tpu.memory_space<vmem>>, vector<16xf32>,
      tpu.vector_store %arg9[%swap3A_1228], %add3A_1105 {strides = array<i32>} : memref<80xf32, #tpu.memory_space<vmem>>, vector<16xf32>,
      %swap3A_1230 = arith.constant 0 : index
      %swap3A_1231 = tpu.vector_load %arg10[%swap3A_1230] {strides = array<i32>} : memref<80xf32, #tpu.memory_space<vmem>>, vector<16xf32>,
      tpu.vector_store %arg10[%swap3A_1230], %broadcast_in_dim3A_1223 {strides = array<i32>} : memref<80xf32, #tpu.memory_space<vmem>>, vector<16xf32>,
      %swap3A_1232 = arith.constant 16 : index
      %swap3A_1233 = tpu.vector_load %arg7[%swap3A_1232] {strides = array<i32>} : memref<80xf32, #tpu.memory_space<vmem>>, vector<16xf32>,
      tpu.vector_store %arg7[%swap3A_1232], %add3A_844 {strides = array<i32>} : memref<80xf32, #tpu.memory_space<vmem>>, vector<16xf32>,
      %swap3A_1234 = arith.constant 16 : index
      %swap3A_1235 = tpu.vector_load %arg8[%swap3A_1234] {strides = array<i32>} : memref<80xf32, #tpu.memory_space<vmem>>, vector<16xf32>,
      tpu.vector_store %arg8[%swap3A_1234], %add3A_989 {strides = array<i32>} : memref<80xf32, #tpu.memory_space<vmem>>, vector<16xf32>,
      %swap3A_1236 = arith.constant 16 : index
      %swap3A_1237 = tpu.vector_load %arg9[%swap3A_1236] {strides = array<i32>} : memref<80xf32, #tpu.memory_space<vmem>>, vector<16xf32>,
      tpu.vector_store %arg9[%swap3A_1236], %add3A_1134 {strides = array<i32>} : memref<80xf32, #tpu.memory_space<vmem>>, vector<16xf32>,
      %swap3A_1238 = arith.constant 16 : index
      %swap3A_1239 = tpu.vector_load %arg10[%swap3A_1238] {strides = array<i32>} : memref<80xf32, #tpu.memory_space<vmem>>, vector<16xf32>,
      tpu.vector_store %arg10[%swap3A_1238], %broadcast_in_dim3A_1223 {strides = array<i32>} : memref<80xf32, #tpu.memory_space<vmem>>, vector<16xf32>,
      %swap3A_1240 = arith.constant 32 : index
      %swap3A_1241 = tpu.vector_load %arg7[%swap3A_1240] {strides = array<i32>} : memref<80xf32, #tpu.memory_space<vmem>>, vector<16xf32>,
      tpu.vector_store %arg7[%swap3A_1240], %add3A_873 {strides = array<i32>} : memref<80xf32, #tpu.memory_space<vmem>>, vector<16xf32>,
      %swap3A_1242 = arith.constant 32 : index
      %swap3A_1243 = tpu.vector_load %arg8[%swap3A_1242] {strides = array<i32>} : memref<80xf32, #tpu.memory_space<vmem>>, vector<16xf32>,
      tpu.vector_store %arg8[%swap3A_1242], %add3A_1018 {strides = array<i32>} : memref<80xf32, #tpu.memory_space<vmem>>, vector<16xf32>,
      %swap3A_1244 = arith.constant 32 : index
      %swap3A_1245 = tpu.vector_load %arg9[%swap3A_1244] {strides = array<i32>} : memref<80xf32, #tpu.memory_space<vmem>>, vector<16xf32>,
      tpu.vector_store %arg9[%swap3A_1244], %add3A_1163 {strides = array<i32>} : memref<80xf32, #tpu.memory_space<vmem>>, vector<16xf32>,
      %swap3A_1246 = arith.constant 32 : index
      %swap3A_1247 = tpu.vector_load %arg10[%swap3A_1246] {strides = array<i32>} : memref<80xf32, #tpu.memory_space<vmem>>, vector<16xf32>,
      tpu.vector_store %arg10[%swap3A_1246], %broadcast_in_dim3A_1223 {strides = array<i32>} : memref<80xf32, #tpu.memory_space<vmem>>, vector<16xf32>,
      %swap3A_1248 = arith.constant 48 : index
      %swap3A_1249 = tpu.vector_load %arg7[%swap3A_1248] {strides = array<i32>} : memref<80xf32, #tpu.memory_space<vmem>>, vector<16xf32>,
      tpu.vector_store %arg7[%swap3A_1248], %add3A_902 {strides = array<i32>} : memref<80xf32, #tpu.memory_space<vmem>>, vector<16xf32>,
      %swap3A_1250 = arith.constant 48 : index
      %swap3A_1251 = tpu.vector_load %arg8[%swap3A_1250] {strides = array<i32>} : memref<80xf32, #tpu.memory_space<vmem>>, vector<16xf32>,
      tpu.vector_store %arg8[%swap3A_1250], %add3A_1047 {strides = array<i32>} : memref<80xf32, #tpu.memory_space<vmem>>, vector<16xf32>,
      %swap3A_1252 = arith.constant 48 : index
      %swap3A_1253 = tpu.vector_load %arg9[%swap3A_1252] {strides = array<i32>} : memref<80xf32, #tpu.memory_space<vmem>>, vector<16xf32>,
      tpu.vector_store %arg9[%swap3A_1252], %add3A_1192 {strides = array<i32>} : memref<80xf32, #tpu.memory_space<vmem>>, vector<16xf32>,
      %swap3A_1254 = arith.constant 48 : index
      %swap3A_1255 = tpu.vector_load %arg10[%swap3A_1254] {strides = array<i32>} : memref<80xf32, #tpu.memory_space<vmem>>, vector<16xf32>,
      tpu.vector_store %arg10[%swap3A_1254], %broadcast_in_dim3A_1223 {strides = array<i32>} : memref<80xf32, #tpu.memory_space<vmem>>, vector<16xf32>,
      %swap3A_1256 = arith.constant 64 : index
      %swap3A_1257 = tpu.vector_load %arg7[%swap3A_1256] {strides = array<i32>} : memref<80xf32, #tpu.memory_space<vmem>>, vector<16xf32>,
      tpu.vector_store %arg7[%swap3A_1256], %add3A_931 {strides = array<i32>} : memref<80xf32, #tpu.memory_space<vmem>>, vector<16xf32>,
      %swap3A_1258 = arith.constant 64 : index
      %swap3A_1259 = tpu.vector_load %arg8[%swap3A_1258] {strides = array<i32>} : memref<80xf32, #tpu.memory_space<vmem>>, vector<16xf32>,
      tpu.vector_store %arg8[%swap3A_1258], %add3A_1076 {strides = array<i32>} : memref<80xf32, #tpu.memory_space<vmem>>, vector<16xf32>,
      %swap3A_1260 = arith.constant 64 : index
      %swap3A_1261 = tpu.vector_load %arg9[%swap3A_1260] {strides = array<i32>} : memref<80xf32, #tpu.memory_space<vmem>>, vector<16xf32>,
      tpu.vector_store %arg9[%swap3A_1260], %add3A_1221 {strides = array<i32>} : memref<80xf32, #tpu.memory_space<vmem>>, vector<16xf32>,
      %swap3A_1262 = arith.constant 64 : index
      %swap3A_1263 = tpu.vector_load %arg10[%swap3A_1262] {strides = array<i32>} : memref<80xf32, #tpu.memory_space<vmem>>, vector<16xf32>,
      tpu.vector_store %arg10[%swap3A_1262], %broadcast_in_dim3A_1223 {strides = array<i32>} : memref<80xf32, #tpu.memory_space<vmem>>, vector<16xf32>,
      %add3A_1264 = arith.constant 0 : i32
      %add3A_1265 = vector.broadcast %add3A_1264 : i32 to vector<16xi32>
      %add3A_1266 = arith.addi %get3A_4, %add3A_1265 : vector<16xi32>
      %add3A_1267 = arith.constant 0 : i32
      %add3A_1268 = vector.broadcast %add3A_1267 : i32 to vector<16xi32>
      %add3A_1269 = arith.addi %get3A_6, %add3A_1268 : vector<16xi32>
      %gather3A_1270 = tpu.vector_load_idx %arg7[%add3A_1266] : memref<80xf32, #tpu.memory_space<vmem>>[vector<16xi32>], vector<16xf32>,
      %gather3A_1271 = tpu.vector_load_idx %arg8[%add3A_1269] : memref<80xf32, #tpu.memory_space<vmem>>[vector<16xi32>], vector<16xf32>,
      %gather3A_1272 = tpu.vector_load_idx %arg9[%add3A_1266] : memref<80xf32, #tpu.memory_space<vmem>>[vector<16xi32>], vector<16xf32>,
      %add3A_1273 = arith.addf %gather3A_1271, %gather3A_1272 : vector<16xf32>
      %jit3A_1274 = arith.constant -3.000000e+01 : f32
      %jit3A_1275 = arith.constant 3.000000e+01 : f32
      %max3A_1276 = vector.broadcast %jit3A_1274 : f32 to vector<16xf32>
      %max3A_1277 = arith.maximumf %max3A_1276, %add3A_1273 : vector<16xf32>
      %min3A_1278 = vector.broadcast %jit3A_1275 : f32 to vector<16xf32>
      %min3A_1279 = arith.minimumf %min3A_1278, %max3A_1277 : vector<16xf32>
      %neg3A_1280 = arith.constant 0.000000e+00 : f32
      %neg3A_1281 = vector.broadcast %neg3A_1280 : f32 to vector<16xf32>
      %neg3A_1282 = arith.subf %neg3A_1281, %min3A_1279 : vector<16xf32>
      %mul3A_1283 = arith.constant 1.44269502 : f32
      %mul3A_1284 = vector.broadcast %mul3A_1283 : f32 to vector<16xf32>
      %mul3A_1285 = arith.mulf %neg3A_1282, %mul3A_1284 : vector<16xf32>
      %add3A_1286 = arith.constant 0x4B400000 : f32
      %add3A_1287 = vector.broadcast %add3A_1286 : f32 to vector<16xf32>
      %add3A_1288 = arith.addf %mul3A_1285, %add3A_1287 : vector<16xf32>
      %sub3A_1289 = arith.constant 0x4B400000 : f32
      %sub3A_1290 = vector.broadcast %sub3A_1289 : f32 to vector<16xf32>
      %sub3A_1291 = arith.subf %add3A_1288, %sub3A_1290 : vector<16xf32>
      %neg3A_1292 = arith.constant 0.000000e+00 : f32
      %neg3A_1293 = vector.broadcast %neg3A_1292 : f32 to vector<16xf32>
      %neg3A_1294 = arith.subf %neg3A_1293, %min3A_1279 : vector<16xf32>
      %mul3A_1295 = arith.constant 0.693359375 : f32
      %mul3A_1296 = vector.broadcast %mul3A_1295 : f32 to vector<16xf32>
      %mul3A_1297 = arith.mulf %sub3A_1291, %mul3A_1296 : vector<16xf32>
      %sub3A_1298 = arith.subf %neg3A_1294, %mul3A_1297 : vector<16xf32>
      %mul3A_1299 = arith.constant -2.12194442E-4 : f32
      %mul3A_1300 = vector.broadcast %mul3A_1299 : f32 to vector<16xf32>
      %mul3A_1301 = arith.mulf %sub3A_1291, %mul3A_1300 : vector<16xf32>
      %sub3A_1302 = arith.subf %sub3A_1298, %mul3A_1301 : vector<16xf32>
      %mul3A_1303 = arith.constant 0.00138888892 : f32
      %mul3A_1304 = vector.broadcast %mul3A_1303 : f32 to vector<16xf32>
      %mul3A_1305 = arith.mulf %mul3A_1304, %sub3A_1302 : vector<16xf32>
      %add3A_1306 = arith.constant 0.00833333377 : f32
      %add3A_1307 = vector.broadcast %add3A_1306 : f32 to vector<16xf32>
      %add3A_1308 = arith.addf %mul3A_1305, %add3A_1307 : vector<16xf32>
      %mul3A_1309 = arith.mulf %add3A_1308, %sub3A_1302 : vector<16xf32>
      %add3A_1310 = arith.constant 0.0416666679 : f32
      %add3A_1311 = vector.broadcast %add3A_1310 : f32 to vector<16xf32>
      %add3A_1312 = arith.addf %mul3A_1309, %add3A_1311 : vector<16xf32>
      %mul3A_1313 = arith.mulf %add3A_1312, %sub3A_1302 : vector<16xf32>
      %add3A_1314 = arith.constant 0.166666672 : f32
      %add3A_1315 = vector.broadcast %add3A_1314 : f32 to vector<16xf32>
      %add3A_1316 = arith.addf %mul3A_1313, %add3A_1315 : vector<16xf32>
      %mul3A_1317 = arith.mulf %add3A_1316, %sub3A_1302 : vector<16xf32>
      %add3A_1318 = arith.constant 5.000000e-01 : f32
      %add3A_1319 = vector.broadcast %add3A_1318 : f32 to vector<16xf32>
      %add3A_1320 = arith.addf %mul3A_1317, %add3A_1319 : vector<16xf32>
      %mul3A_1321 = arith.mulf %add3A_1320, %sub3A_1302 : vector<16xf32>
      %add3A_1322 = arith.constant 1.000000e+00 : f32
      %add3A_1323 = vector.broadcast %add3A_1322 : f32 to vector<16xf32>
      %add3A_1324 = arith.addf %mul3A_1321, %add3A_1323 : vector<16xf32>
      %mul3A_1325 = arith.mulf %add3A_1324, %sub3A_1302 : vector<16xf32>
      %add3A_1326 = arith.constant 1.000000e+00 : f32
      %add3A_1327 = vector.broadcast %add3A_1326 : f32 to vector<16xf32>
      %add3A_1328 = arith.addf %mul3A_1325, %add3A_1327 : vector<16xf32>
      %convert_element_type3A_1329 = arith.fptosi %sub3A_1291 : vector<16xf32> to vector<16xi32>
      %add3A_1330 = arith.constant 127 : i32
      %add3A_1331 = vector.broadcast %add3A_1330 : i32 to vector<16xi32>
      %add3A_1332 = arith.addi %convert_element_type3A_1329, %add3A_1331 : vector<16xi32>
      %shift_left3A_1333 = arith.constant 23 : i32
      %shift_left3A_1334 = vector.broadcast %shift_left3A_1333 : i32 to vector<16xi32>
      %shift_left3A_1335 = arith.shli %add3A_1332, %shift_left3A_1334 : vector<16xi32>
      %bitcast_convert_type3A_1336 = tpu.bitcast %shift_left3A_1335 : vector<16xi32> -> vector<16xf32>
      %mul3A_1337 = arith.mulf %add3A_1328, %bitcast_convert_type3A_1336 : vector<16xf32>
      %add3A_1338 = arith.constant 1.000000e+00 : f32
      %add3A_1339 = vector.broadcast %add3A_1338 : f32 to vector<16xf32>
      %add3A_1340 = arith.addf %add3A_1339, %mul3A_1337 : vector<16xf32>
      %div3A_1341 = arith.constant 1.000000e+00 : f32
      %div3A_1342 = vector.broadcast %div3A_1341 : f32 to vector<16xf32>
      %div3A_1343 = arith.divf %div3A_1342, %add3A_1340 : vector<16xf32>
      %mul3A_1344 = arith.mulf %add3A_1340, %div3A_1343 : vector<16xf32>
      %sub3A_1345 = arith.constant 2.000000e+00 : f32
      %sub3A_1346 = vector.broadcast %sub3A_1345 : f32 to vector<16xf32>
      %sub3A_1347 = arith.subf %sub3A_1346, %mul3A_1344 : vector<16xf32>
      %mul3A_1348 = arith.mulf %div3A_1343, %sub3A_1347 : vector<16xf32>
      %mul3A_1349 = arith.mulf %mul3A_1348, %gather3A_1270 : vector<16xf32>
      tpu.vector_store_idx %arg10[%add3A_1269], %mul3A_1349 {add = true} : memref<80xf32, #tpu.memory_space<vmem>>[vector<16xi32>], vector<16xf32>,
      %add3A_1350 = arith.constant 16 : i32
      %add3A_1351 = vector.broadcast %add3A_1350 : i32 to vector<16xi32>
      %add3A_1352 = arith.addi %get3A_4, %add3A_1351 : vector<16xi32>
      %add3A_1353 = arith.constant 16 : i32
      %add3A_1354 = vector.broadcast %add3A_1353 : i32 to vector<16xi32>
      %add3A_1355 = arith.addi %get3A_6, %add3A_1354 : vector<16xi32>
      %gather3A_1356 = tpu.vector_load_idx %arg7[%add3A_1352] : memref<80xf32, #tpu.memory_space<vmem>>[vector<16xi32>], vector<16xf32>,
      %gather3A_1357 = tpu.vector_load_idx %arg8[%add3A_1355] : memref<80xf32, #tpu.memory_space<vmem>>[vector<16xi32>], vector<16xf32>,
      %gather3A_1358 = tpu.vector_load_idx %arg9[%add3A_1352] : memref<80xf32, #tpu.memory_space<vmem>>[vector<16xi32>], vector<16xf32>,
      %add3A_1359 = arith.addf %gather3A_1357, %gather3A_1358 : vector<16xf32>
      %jit3A_1360 = arith.constant -3.000000e+01 : f32
      %jit3A_1361 = arith.constant 3.000000e+01 : f32
      %max3A_1362 = vector.broadcast %jit3A_1360 : f32 to vector<16xf32>
      %max3A_1363 = arith.maximumf %max3A_1362, %add3A_1359 : vector<16xf32>
      %min3A_1364 = vector.broadcast %jit3A_1361 : f32 to vector<16xf32>
      %min3A_1365 = arith.minimumf %min3A_1364, %max3A_1363 : vector<16xf32>
      %neg3A_1366 = arith.constant 0.000000e+00 : f32
      %neg3A_1367 = vector.broadcast %neg3A_1366 : f32 to vector<16xf32>
      %neg3A_1368 = arith.subf %neg3A_1367, %min3A_1365 : vector<16xf32>
      %mul3A_1369 = arith.constant 1.44269502 : f32
      %mul3A_1370 = vector.broadcast %mul3A_1369 : f32 to vector<16xf32>
      %mul3A_1371 = arith.mulf %neg3A_1368, %mul3A_1370 : vector<16xf32>
      %add3A_1372 = arith.constant 0x4B400000 : f32
      %add3A_1373 = vector.broadcast %add3A_1372 : f32 to vector<16xf32>
      %add3A_1374 = arith.addf %mul3A_1371, %add3A_1373 : vector<16xf32>
      %sub3A_1375 = arith.constant 0x4B400000 : f32
      %sub3A_1376 = vector.broadcast %sub3A_1375 : f32 to vector<16xf32>
      %sub3A_1377 = arith.subf %add3A_1374, %sub3A_1376 : vector<16xf32>
      %neg3A_1378 = arith.constant 0.000000e+00 : f32
      %neg3A_1379 = vector.broadcast %neg3A_1378 : f32 to vector<16xf32>
      %neg3A_1380 = arith.subf %neg3A_1379, %min3A_1365 : vector<16xf32>
      %mul3A_1381 = arith.constant 0.693359375 : f32
      %mul3A_1382 = vector.broadcast %mul3A_1381 : f32 to vector<16xf32>
      %mul3A_1383 = arith.mulf %sub3A_1377, %mul3A_1382 : vector<16xf32>
      %sub3A_1384 = arith.subf %neg3A_1380, %mul3A_1383 : vector<16xf32>
      %mul3A_1385 = arith.constant -2.12194442E-4 : f32
      %mul3A_1386 = vector.broadcast %mul3A_1385 : f32 to vector<16xf32>
      %mul3A_1387 = arith.mulf %sub3A_1377, %mul3A_1386 : vector<16xf32>
      %sub3A_1388 = arith.subf %sub3A_1384, %mul3A_1387 : vector<16xf32>
      %mul3A_1389 = arith.constant 0.00138888892 : f32
      %mul3A_1390 = vector.broadcast %mul3A_1389 : f32 to vector<16xf32>
      %mul3A_1391 = arith.mulf %mul3A_1390, %sub3A_1388 : vector<16xf32>
      %add3A_1392 = arith.constant 0.00833333377 : f32
      %add3A_1393 = vector.broadcast %add3A_1392 : f32 to vector<16xf32>
      %add3A_1394 = arith.addf %mul3A_1391, %add3A_1393 : vector<16xf32>
      %mul3A_1395 = arith.mulf %add3A_1394, %sub3A_1388 : vector<16xf32>
      %add3A_1396 = arith.constant 0.0416666679 : f32
      %add3A_1397 = vector.broadcast %add3A_1396 : f32 to vector<16xf32>
      %add3A_1398 = arith.addf %mul3A_1395, %add3A_1397 : vector<16xf32>
      %mul3A_1399 = arith.mulf %add3A_1398, %sub3A_1388 : vector<16xf32>
      %add3A_1400 = arith.constant 0.166666672 : f32
      %add3A_1401 = vector.broadcast %add3A_1400 : f32 to vector<16xf32>
      %add3A_1402 = arith.addf %mul3A_1399, %add3A_1401 : vector<16xf32>
      %mul3A_1403 = arith.mulf %add3A_1402, %sub3A_1388 : vector<16xf32>
      %add3A_1404 = arith.constant 5.000000e-01 : f32
      %add3A_1405 = vector.broadcast %add3A_1404 : f32 to vector<16xf32>
      %add3A_1406 = arith.addf %mul3A_1403, %add3A_1405 : vector<16xf32>
      %mul3A_1407 = arith.mulf %add3A_1406, %sub3A_1388 : vector<16xf32>
      %add3A_1408 = arith.constant 1.000000e+00 : f32
      %add3A_1409 = vector.broadcast %add3A_1408 : f32 to vector<16xf32>
      %add3A_1410 = arith.addf %mul3A_1407, %add3A_1409 : vector<16xf32>
      %mul3A_1411 = arith.mulf %add3A_1410, %sub3A_1388 : vector<16xf32>
      %add3A_1412 = arith.constant 1.000000e+00 : f32
      %add3A_1413 = vector.broadcast %add3A_1412 : f32 to vector<16xf32>
      %add3A_1414 = arith.addf %mul3A_1411, %add3A_1413 : vector<16xf32>
      %convert_element_type3A_1415 = arith.fptosi %sub3A_1377 : vector<16xf32> to vector<16xi32>
      %add3A_1416 = arith.constant 127 : i32
      %add3A_1417 = vector.broadcast %add3A_1416 : i32 to vector<16xi32>
      %add3A_1418 = arith.addi %convert_element_type3A_1415, %add3A_1417 : vector<16xi32>
      %shift_left3A_1419 = arith.constant 23 : i32
      %shift_left3A_1420 = vector.broadcast %shift_left3A_1419 : i32 to vector<16xi32>
      %shift_left3A_1421 = arith.shli %add3A_1418, %shift_left3A_1420 : vector<16xi32>
      %bitcast_convert_type3A_1422 = tpu.bitcast %shift_left3A_1421 : vector<16xi32> -> vector<16xf32>
      %mul3A_1423 = arith.mulf %add3A_1414, %bitcast_convert_type3A_1422 : vector<16xf32>
      %add3A_1424 = arith.constant 1.000000e+00 : f32
      %add3A_1425 = vector.broadcast %add3A_1424 : f32 to vector<16xf32>
      %add3A_1426 = arith.addf %add3A_1425, %mul3A_1423 : vector<16xf32>
      %div3A_1427 = arith.constant 1.000000e+00 : f32
      %div3A_1428 = vector.broadcast %div3A_1427 : f32 to vector<16xf32>
      %div3A_1429 = arith.divf %div3A_1428, %add3A_1426 : vector<16xf32>
      %mul3A_1430 = arith.mulf %add3A_1426, %div3A_1429 : vector<16xf32>
      %sub3A_1431 = arith.constant 2.000000e+00 : f32
      %sub3A_1432 = vector.broadcast %sub3A_1431 : f32 to vector<16xf32>
      %sub3A_1433 = arith.subf %sub3A_1432, %mul3A_1430 : vector<16xf32>
      %mul3A_1434 = arith.mulf %div3A_1429, %sub3A_1433 : vector<16xf32>
      %mul3A_1435 = arith.mulf %mul3A_1434, %gather3A_1356 : vector<16xf32>
      tpu.vector_store_idx %arg10[%add3A_1355], %mul3A_1435 {add = true} : memref<80xf32, #tpu.memory_space<vmem>>[vector<16xi32>], vector<16xf32>,
      %add3A_1436 = arith.constant 32 : i32
      %add3A_1437 = vector.broadcast %add3A_1436 : i32 to vector<16xi32>
      %add3A_1438 = arith.addi %get3A_4, %add3A_1437 : vector<16xi32>
      %add3A_1439 = arith.constant 32 : i32
      %add3A_1440 = vector.broadcast %add3A_1439 : i32 to vector<16xi32>
      %add3A_1441 = arith.addi %get3A_6, %add3A_1440 : vector<16xi32>
      %gather3A_1442 = tpu.vector_load_idx %arg7[%add3A_1438] : memref<80xf32, #tpu.memory_space<vmem>>[vector<16xi32>], vector<16xf32>,
      %gather3A_1443 = tpu.vector_load_idx %arg8[%add3A_1441] : memref<80xf32, #tpu.memory_space<vmem>>[vector<16xi32>], vector<16xf32>,
      %gather3A_1444 = tpu.vector_load_idx %arg9[%add3A_1438] : memref<80xf32, #tpu.memory_space<vmem>>[vector<16xi32>], vector<16xf32>,
      %add3A_1445 = arith.addf %gather3A_1443, %gather3A_1444 : vector<16xf32>
      %jit3A_1446 = arith.constant -3.000000e+01 : f32
      %jit3A_1447 = arith.constant 3.000000e+01 : f32
      %max3A_1448 = vector.broadcast %jit3A_1446 : f32 to vector<16xf32>
      %max3A_1449 = arith.maximumf %max3A_1448, %add3A_1445 : vector<16xf32>
      %min3A_1450 = vector.broadcast %jit3A_1447 : f32 to vector<16xf32>
      %min3A_1451 = arith.minimumf %min3A_1450, %max3A_1449 : vector<16xf32>
      %neg3A_1452 = arith.constant 0.000000e+00 : f32
      %neg3A_1453 = vector.broadcast %neg3A_1452 : f32 to vector<16xf32>
      %neg3A_1454 = arith.subf %neg3A_1453, %min3A_1451 : vector<16xf32>
      %mul3A_1455 = arith.constant 1.44269502 : f32
      %mul3A_1456 = vector.broadcast %mul3A_1455 : f32 to vector<16xf32>
      %mul3A_1457 = arith.mulf %neg3A_1454, %mul3A_1456 : vector<16xf32>
      %add3A_1458 = arith.constant 0x4B400000 : f32
      %add3A_1459 = vector.broadcast %add3A_1458 : f32 to vector<16xf32>
      %add3A_1460 = arith.addf %mul3A_1457, %add3A_1459 : vector<16xf32>
      %sub3A_1461 = arith.constant 0x4B400000 : f32
      %sub3A_1462 = vector.broadcast %sub3A_1461 : f32 to vector<16xf32>
      %sub3A_1463 = arith.subf %add3A_1460, %sub3A_1462 : vector<16xf32>
      %neg3A_1464 = arith.constant 0.000000e+00 : f32
      %neg3A_1465 = vector.broadcast %neg3A_1464 : f32 to vector<16xf32>
      %neg3A_1466 = arith.subf %neg3A_1465, %min3A_1451 : vector<16xf32>
      %mul3A_1467 = arith.constant 0.693359375 : f32
      %mul3A_1468 = vector.broadcast %mul3A_1467 : f32 to vector<16xf32>
      %mul3A_1469 = arith.mulf %sub3A_1463, %mul3A_1468 : vector<16xf32>
      %sub3A_1470 = arith.subf %neg3A_1466, %mul3A_1469 : vector<16xf32>
      %mul3A_1471 = arith.constant -2.12194442E-4 : f32
      %mul3A_1472 = vector.broadcast %mul3A_1471 : f32 to vector<16xf32>
      %mul3A_1473 = arith.mulf %sub3A_1463, %mul3A_1472 : vector<16xf32>
      %sub3A_1474 = arith.subf %sub3A_1470, %mul3A_1473 : vector<16xf32>
      %mul3A_1475 = arith.constant 0.00138888892 : f32
      %mul3A_1476 = vector.broadcast %mul3A_1475 : f32 to vector<16xf32>
      %mul3A_1477 = arith.mulf %mul3A_1476, %sub3A_1474 : vector<16xf32>
      %add3A_1478 = arith.constant 0.00833333377 : f32
      %add3A_1479 = vector.broadcast %add3A_1478 : f32 to vector<16xf32>
      %add3A_1480 = arith.addf %mul3A_1477, %add3A_1479 : vector<16xf32>
      %mul3A_1481 = arith.mulf %add3A_1480, %sub3A_1474 : vector<16xf32>
      %add3A_1482 = arith.constant 0.0416666679 : f32
      %add3A_1483 = vector.broadcast %add3A_1482 : f32 to vector<16xf32>
      %add3A_1484 = arith.addf %mul3A_1481, %add3A_1483 : vector<16xf32>
      %mul3A_1485 = arith.mulf %add3A_1484, %sub3A_1474 : vector<16xf32>
      %add3A_1486 = arith.constant 0.166666672 : f32
      %add3A_1487 = vector.broadcast %add3A_1486 : f32 to vector<16xf32>
      %add3A_1488 = arith.addf %mul3A_1485, %add3A_1487 : vector<16xf32>
      %mul3A_1489 = arith.mulf %add3A_1488, %sub3A_1474 : vector<16xf32>
      %add3A_1490 = arith.constant 5.000000e-01 : f32
      %add3A_1491 = vector.broadcast %add3A_1490 : f32 to vector<16xf32>
      %add3A_1492 = arith.addf %mul3A_1489, %add3A_1491 : vector<16xf32>
      %mul3A_1493 = arith.mulf %add3A_1492, %sub3A_1474 : vector<16xf32>
      %add3A_1494 = arith.constant 1.000000e+00 : f32
      %add3A_1495 = vector.broadcast %add3A_1494 : f32 to vector<16xf32>
      %add3A_1496 = arith.addf %mul3A_1493, %add3A_1495 : vector<16xf32>
      %mul3A_1497 = arith.mulf %add3A_1496, %sub3A_1474 : vector<16xf32>
      %add3A_1498 = arith.constant 1.000000e+00 : f32
      %add3A_1499 = vector.broadcast %add3A_1498 : f32 to vector<16xf32>
      %add3A_1500 = arith.addf %mul3A_1497, %add3A_1499 : vector<16xf32>
      %convert_element_type3A_1501 = arith.fptosi %sub3A_1463 : vector<16xf32> to vector<16xi32>
      %add3A_1502 = arith.constant 127 : i32
      %add3A_1503 = vector.broadcast %add3A_1502 : i32 to vector<16xi32>
      %add3A_1504 = arith.addi %convert_element_type3A_1501, %add3A_1503 : vector<16xi32>
      %shift_left3A_1505 = arith.constant 23 : i32
      %shift_left3A_1506 = vector.broadcast %shift_left3A_1505 : i32 to vector<16xi32>
      %shift_left3A_1507 = arith.shli %add3A_1504, %shift_left3A_1506 : vector<16xi32>
      %bitcast_convert_type3A_1508 = tpu.bitcast %shift_left3A_1507 : vector<16xi32> -> vector<16xf32>
      %mul3A_1509 = arith.mulf %add3A_1500, %bitcast_convert_type3A_1508 : vector<16xf32>
      %add3A_1510 = arith.constant 1.000000e+00 : f32
      %add3A_1511 = vector.broadcast %add3A_1510 : f32 to vector<16xf32>
      %add3A_1512 = arith.addf %add3A_1511, %mul3A_1509 : vector<16xf32>
      %div3A_1513 = arith.constant 1.000000e+00 : f32
      %div3A_1514 = vector.broadcast %div3A_1513 : f32 to vector<16xf32>
      %div3A_1515 = arith.divf %div3A_1514, %add3A_1512 : vector<16xf32>
      %mul3A_1516 = arith.mulf %add3A_1512, %div3A_1515 : vector<16xf32>
      %sub3A_1517 = arith.constant 2.000000e+00 : f32
      %sub3A_1518 = vector.broadcast %sub3A_1517 : f32 to vector<16xf32>
      %sub3A_1519 = arith.subf %sub3A_1518, %mul3A_1516 : vector<16xf32>
      %mul3A_1520 = arith.mulf %div3A_1515, %sub3A_1519 : vector<16xf32>
      %mul3A_1521 = arith.mulf %mul3A_1520, %gather3A_1442 : vector<16xf32>
      tpu.vector_store_idx %arg10[%add3A_1441], %mul3A_1521 {add = true} : memref<80xf32, #tpu.memory_space<vmem>>[vector<16xi32>], vector<16xf32>,
      %add3A_1522 = arith.constant 48 : i32
      %add3A_1523 = vector.broadcast %add3A_1522 : i32 to vector<16xi32>
      %add3A_1524 = arith.addi %get3A_4, %add3A_1523 : vector<16xi32>
      %add3A_1525 = arith.constant 48 : i32
      %add3A_1526 = vector.broadcast %add3A_1525 : i32 to vector<16xi32>
      %add3A_1527 = arith.addi %get3A_6, %add3A_1526 : vector<16xi32>
      %gather3A_1528 = tpu.vector_load_idx %arg7[%add3A_1524] : memref<80xf32, #tpu.memory_space<vmem>>[vector<16xi32>], vector<16xf32>,
      %gather3A_1529 = tpu.vector_load_idx %arg8[%add3A_1527] : memref<80xf32, #tpu.memory_space<vmem>>[vector<16xi32>], vector<16xf32>,
      %gather3A_1530 = tpu.vector_load_idx %arg9[%add3A_1524] : memref<80xf32, #tpu.memory_space<vmem>>[vector<16xi32>], vector<16xf32>,
      %add3A_1531 = arith.addf %gather3A_1529, %gather3A_1530 : vector<16xf32>
      %jit3A_1532 = arith.constant -3.000000e+01 : f32
      %jit3A_1533 = arith.constant 3.000000e+01 : f32
      %max3A_1534 = vector.broadcast %jit3A_1532 : f32 to vector<16xf32>
      %max3A_1535 = arith.maximumf %max3A_1534, %add3A_1531 : vector<16xf32>
      %min3A_1536 = vector.broadcast %jit3A_1533 : f32 to vector<16xf32>
      %min3A_1537 = arith.minimumf %min3A_1536, %max3A_1535 : vector<16xf32>
      %neg3A_1538 = arith.constant 0.000000e+00 : f32
      %neg3A_1539 = vector.broadcast %neg3A_1538 : f32 to vector<16xf32>
      %neg3A_1540 = arith.subf %neg3A_1539, %min3A_1537 : vector<16xf32>
      %mul3A_1541 = arith.constant 1.44269502 : f32
      %mul3A_1542 = vector.broadcast %mul3A_1541 : f32 to vector<16xf32>
      %mul3A_1543 = arith.mulf %neg3A_1540, %mul3A_1542 : vector<16xf32>
      %add3A_1544 = arith.constant 0x4B400000 : f32
      %add3A_1545 = vector.broadcast %add3A_1544 : f32 to vector<16xf32>
      %add3A_1546 = arith.addf %mul3A_1543, %add3A_1545 : vector<16xf32>
      %sub3A_1547 = arith.constant 0x4B400000 : f32
      %sub3A_1548 = vector.broadcast %sub3A_1547 : f32 to vector<16xf32>
      %sub3A_1549 = arith.subf %add3A_1546, %sub3A_1548 : vector<16xf32>
      %neg3A_1550 = arith.constant 0.000000e+00 : f32
      %neg3A_1551 = vector.broadcast %neg3A_1550 : f32 to vector<16xf32>
      %neg3A_1552 = arith.subf %neg3A_1551, %min3A_1537 : vector<16xf32>
      %mul3A_1553 = arith.constant 0.693359375 : f32
      %mul3A_1554 = vector.broadcast %mul3A_1553 : f32 to vector<16xf32>
      %mul3A_1555 = arith.mulf %sub3A_1549, %mul3A_1554 : vector<16xf32>
      %sub3A_1556 = arith.subf %neg3A_1552, %mul3A_1555 : vector<16xf32>
      %mul3A_1557 = arith.constant -2.12194442E-4 : f32
      %mul3A_1558 = vector.broadcast %mul3A_1557 : f32 to vector<16xf32>
      %mul3A_1559 = arith.mulf %sub3A_1549, %mul3A_1558 : vector<16xf32>
      %sub3A_1560 = arith.subf %sub3A_1556, %mul3A_1559 : vector<16xf32>
      %mul3A_1561 = arith.constant 0.00138888892 : f32
      %mul3A_1562 = vector.broadcast %mul3A_1561 : f32 to vector<16xf32>
      %mul3A_1563 = arith.mulf %mul3A_1562, %sub3A_1560 : vector<16xf32>
      %add3A_1564 = arith.constant 0.00833333377 : f32
      %add3A_1565 = vector.broadcast %add3A_1564 : f32 to vector<16xf32>
      %add3A_1566 = arith.addf %mul3A_1563, %add3A_1565 : vector<16xf32>
      %mul3A_1567 = arith.mulf %add3A_1566, %sub3A_1560 : vector<16xf32>
      %add3A_1568 = arith.constant 0.0416666679 : f32
      %add3A_1569 = vector.broadcast %add3A_1568 : f32 to vector<16xf32>
      %add3A_1570 = arith.addf %mul3A_1567, %add3A_1569 : vector<16xf32>
      %mul3A_1571 = arith.mulf %add3A_1570, %sub3A_1560 : vector<16xf32>
      %add3A_1572 = arith.constant 0.166666672 : f32
      %add3A_1573 = vector.broadcast %add3A_1572 : f32 to vector<16xf32>
      %add3A_1574 = arith.addf %mul3A_1571, %add3A_1573 : vector<16xf32>
      %mul3A_1575 = arith.mulf %add3A_1574, %sub3A_1560 : vector<16xf32>
      %add3A_1576 = arith.constant 5.000000e-01 : f32
      %add3A_1577 = vector.broadcast %add3A_1576 : f32 to vector<16xf32>
      %add3A_1578 = arith.addf %mul3A_1575, %add3A_1577 : vector<16xf32>
      %mul3A_1579 = arith.mulf %add3A_1578, %sub3A_1560 : vector<16xf32>
      %add3A_1580 = arith.constant 1.000000e+00 : f32
      %add3A_1581 = vector.broadcast %add3A_1580 : f32 to vector<16xf32>
      %add3A_1582 = arith.addf %mul3A_1579, %add3A_1581 : vector<16xf32>
      %mul3A_1583 = arith.mulf %add3A_1582, %sub3A_1560 : vector<16xf32>
      %add3A_1584 = arith.constant 1.000000e+00 : f32
      %add3A_1585 = vector.broadcast %add3A_1584 : f32 to vector<16xf32>
      %add3A_1586 = arith.addf %mul3A_1583, %add3A_1585 : vector<16xf32>
      %convert_element_type3A_1587 = arith.fptosi %sub3A_1549 : vector<16xf32> to vector<16xi32>
      %add3A_1588 = arith.constant 127 : i32
      %add3A_1589 = vector.broadcast %add3A_1588 : i32 to vector<16xi32>
      %add3A_1590 = arith.addi %convert_element_type3A_1587, %add3A_1589 : vector<16xi32>
      %shift_left3A_1591 = arith.constant 23 : i32
      %shift_left3A_1592 = vector.broadcast %shift_left3A_1591 : i32 to vector<16xi32>
      %shift_left3A_1593 = arith.shli %add3A_1590, %shift_left3A_1592 : vector<16xi32>
      %bitcast_convert_type3A_1594 = tpu.bitcast %shift_left3A_1593 : vector<16xi32> -> vector<16xf32>
      %mul3A_1595 = arith.mulf %add3A_1586, %bitcast_convert_type3A_1594 : vector<16xf32>
      %add3A_1596 = arith.constant 1.000000e+00 : f32
      %add3A_1597 = vector.broadcast %add3A_1596 : f32 to vector<16xf32>
      %add3A_1598 = arith.addf %add3A_1597, %mul3A_1595 : vector<16xf32>
      %div3A_1599 = arith.constant 1.000000e+00 : f32
      %div3A_1600 = vector.broadcast %div3A_1599 : f32 to vector<16xf32>
      %div3A_1601 = arith.divf %div3A_1600, %add3A_1598 : vector<16xf32>
      %mul3A_1602 = arith.mulf %add3A_1598, %div3A_1601 : vector<16xf32>
      %sub3A_1603 = arith.constant 2.000000e+00 : f32
      %sub3A_1604 = vector.broadcast %sub3A_1603 : f32 to vector<16xf32>
      %sub3A_1605 = arith.subf %sub3A_1604, %mul3A_1602 : vector<16xf32>
      %mul3A_1606 = arith.mulf %div3A_1601, %sub3A_1605 : vector<16xf32>
      %mul3A_1607 = arith.mulf %mul3A_1606, %gather3A_1528 : vector<16xf32>
      tpu.vector_store_idx %arg10[%add3A_1527], %mul3A_1607 {add = true} : memref<80xf32, #tpu.memory_space<vmem>>[vector<16xi32>], vector<16xf32>,
      %add3A_1608 = arith.constant 64 : i32
      %add3A_1609 = vector.broadcast %add3A_1608 : i32 to vector<16xi32>
      %add3A_1610 = arith.addi %get3A_4, %add3A_1609 : vector<16xi32>
      %add3A_1611 = arith.constant 64 : i32
      %add3A_1612 = vector.broadcast %add3A_1611 : i32 to vector<16xi32>
      %add3A_1613 = arith.addi %get3A_6, %add3A_1612 : vector<16xi32>
      %gather3A_1614 = tpu.vector_load_idx %arg7[%add3A_1610] : memref<80xf32, #tpu.memory_space<vmem>>[vector<16xi32>], vector<16xf32>,
      %gather3A_1615 = tpu.vector_load_idx %arg8[%add3A_1613] : memref<80xf32, #tpu.memory_space<vmem>>[vector<16xi32>], vector<16xf32>,
      %gather3A_1616 = tpu.vector_load_idx %arg9[%add3A_1610] : memref<80xf32, #tpu.memory_space<vmem>>[vector<16xi32>], vector<16xf32>,
      %add3A_1617 = arith.addf %gather3A_1615, %gather3A_1616 : vector<16xf32>
      %jit3A_1618 = arith.constant -3.000000e+01 : f32
      %jit3A_1619 = arith.constant 3.000000e+01 : f32
      %max3A_1620 = vector.broadcast %jit3A_1618 : f32 to vector<16xf32>
      %max3A_1621 = arith.maximumf %max3A_1620, %add3A_1617 : vector<16xf32>
      %min3A_1622 = vector.broadcast %jit3A_1619 : f32 to vector<16xf32>
      %min3A_1623 = arith.minimumf %min3A_1622, %max3A_1621 : vector<16xf32>
      %neg3A_1624 = arith.constant 0.000000e+00 : f32
      %neg3A_1625 = vector.broadcast %neg3A_1624 : f32 to vector<16xf32>
      %neg3A_1626 = arith.subf %neg3A_1625, %min3A_1623 : vector<16xf32>
      %mul3A_1627 = arith.constant 1.44269502 : f32
      %mul3A_1628 = vector.broadcast %mul3A_1627 : f32 to vector<16xf32>
      %mul3A_1629 = arith.mulf %neg3A_1626, %mul3A_1628 : vector<16xf32>
      %add3A_1630 = arith.constant 0x4B400000 : f32
      %add3A_1631 = vector.broadcast %add3A_1630 : f32 to vector<16xf32>
      %add3A_1632 = arith.addf %mul3A_1629, %add3A_1631 : vector<16xf32>
      %sub3A_1633 = arith.constant 0x4B400000 : f32
      %sub3A_1634 = vector.broadcast %sub3A_1633 : f32 to vector<16xf32>
      %sub3A_1635 = arith.subf %add3A_1632, %sub3A_1634 : vector<16xf32>
      %neg3A_1636 = arith.constant 0.000000e+00 : f32
      %neg3A_1637 = vector.broadcast %neg3A_1636 : f32 to vector<16xf32>
      %neg3A_1638 = arith.subf %neg3A_1637, %min3A_1623 : vector<16xf32>
      %mul3A_1639 = arith.constant 0.693359375 : f32
      %mul3A_1640 = vector.broadcast %mul3A_1639 : f32 to vector<16xf32>
      %mul3A_1641 = arith.mulf %sub3A_1635, %mul3A_1640 : vector<16xf32>
      %sub3A_1642 = arith.subf %neg3A_1638, %mul3A_1641 : vector<16xf32>
      %mul3A_1643 = arith.constant -2.12194442E-4 : f32
      %mul3A_1644 = vector.broadcast %mul3A_1643 : f32 to vector<16xf32>
      %mul3A_1645 = arith.mulf %sub3A_1635, %mul3A_1644 : vector<16xf32>
      %sub3A_1646 = arith.subf %sub3A_1642, %mul3A_1645 : vector<16xf32>
      %mul3A_1647 = arith.constant 0.00138888892 : f32
      %mul3A_1648 = vector.broadcast %mul3A_1647 : f32 to vector<16xf32>
      %mul3A_1649 = arith.mulf %mul3A_1648, %sub3A_1646 : vector<16xf32>
      %add3A_1650 = arith.constant 0.00833333377 : f32
      %add3A_1651 = vector.broadcast %add3A_1650 : f32 to vector<16xf32>
      %add3A_1652 = arith.addf %mul3A_1649, %add3A_1651 : vector<16xf32>
      %mul3A_1653 = arith.mulf %add3A_1652, %sub3A_1646 : vector<16xf32>
      %add3A_1654 = arith.constant 0.0416666679 : f32
      %add3A_1655 = vector.broadcast %add3A_1654 : f32 to vector<16xf32>
      %add3A_1656 = arith.addf %mul3A_1653, %add3A_1655 : vector<16xf32>
      %mul3A_1657 = arith.mulf %add3A_1656, %sub3A_1646 : vector<16xf32>
      %add3A_1658 = arith.constant 0.166666672 : f32
      %add3A_1659 = vector.broadcast %add3A_1658 : f32 to vector<16xf32>
      %add3A_1660 = arith.addf %mul3A_1657, %add3A_1659 : vector<16xf32>
      %mul3A_1661 = arith.mulf %add3A_1660, %sub3A_1646 : vector<16xf32>
      %add3A_1662 = arith.constant 5.000000e-01 : f32
      %add3A_1663 = vector.broadcast %add3A_1662 : f32 to vector<16xf32>
      %add3A_1664 = arith.addf %mul3A_1661, %add3A_1663 : vector<16xf32>
      %mul3A_1665 = arith.mulf %add3A_1664, %sub3A_1646 : vector<16xf32>
      %add3A_1666 = arith.constant 1.000000e+00 : f32
      %add3A_1667 = vector.broadcast %add3A_1666 : f32 to vector<16xf32>
      %add3A_1668 = arith.addf %mul3A_1665, %add3A_1667 : vector<16xf32>
      %mul3A_1669 = arith.mulf %add3A_1668, %sub3A_1646 : vector<16xf32>
      %add3A_1670 = arith.constant 1.000000e+00 : f32
      %add3A_1671 = vector.broadcast %add3A_1670 : f32 to vector<16xf32>
      %add3A_1672 = arith.addf %mul3A_1669, %add3A_1671 : vector<16xf32>
      %convert_element_type3A_1673 = arith.fptosi %sub3A_1635 : vector<16xf32> to vector<16xi32>
      %add3A_1674 = arith.constant 127 : i32
      %add3A_1675 = vector.broadcast %add3A_1674 : i32 to vector<16xi32>
      %add3A_1676 = arith.addi %convert_element_type3A_1673, %add3A_1675 : vector<16xi32>
      %shift_left3A_1677 = arith.constant 23 : i32
      %shift_left3A_1678 = vector.broadcast %shift_left3A_1677 : i32 to vector<16xi32>
      %shift_left3A_1679 = arith.shli %add3A_1676, %shift_left3A_1678 : vector<16xi32>
      %bitcast_convert_type3A_1680 = tpu.bitcast %shift_left3A_1679 : vector<16xi32> -> vector<16xf32>
      %mul3A_1681 = arith.mulf %add3A_1672, %bitcast_convert_type3A_1680 : vector<16xf32>
      %add3A_1682 = arith.constant 1.000000e+00 : f32
      %add3A_1683 = vector.broadcast %add3A_1682 : f32 to vector<16xf32>
      %add3A_1684 = arith.addf %add3A_1683, %mul3A_1681 : vector<16xf32>
      %div3A_1685 = arith.constant 1.000000e+00 : f32
      %div3A_1686 = vector.broadcast %div3A_1685 : f32 to vector<16xf32>
      %div3A_1687 = arith.divf %div3A_1686, %add3A_1684 : vector<16xf32>
      %mul3A_1688 = arith.mulf %add3A_1684, %div3A_1687 : vector<16xf32>
      %sub3A_1689 = arith.constant 2.000000e+00 : f32
      %sub3A_1690 = vector.broadcast %sub3A_1689 : f32 to vector<16xf32>
      %sub3A_1691 = arith.subf %sub3A_1690, %mul3A_1688 : vector<16xf32>
      %mul3A_1692 = arith.mulf %div3A_1687, %sub3A_1691 : vector<16xf32>
      %mul3A_1693 = arith.mulf %mul3A_1692, %gather3A_1614 : vector<16xf32>
      tpu.vector_store_idx %arg10[%add3A_1613], %mul3A_1693 {add = true} : memref<80xf32, #tpu.memory_space<vmem>>[vector<16xi32>], vector<16xf32>,
      %get3A_1694 = arith.constant 0 : index
      %get3A_1695 = tpu.vector_load %arg10[%get3A_1694] {strides = array<i32>} : memref<80xf32, #tpu.memory_space<vmem>>, vector<16xf32>,
      %add3A_1696 = arith.addf %add3A_670, %get3A_1695 : vector<16xf32>
      %add3A_1697 = arith.constant 173 : i32
      %add3A_1698 = vector.broadcast %add3A_1697 : i32 to vector<16xi32>
      %add3A_1699 = arith.addi %mul3A_3, %add3A_1698 : vector<16xi32>
      %gather3A_1700 = tpu.vector_load_idx %arg5[%add3A_1699] : memref<10768xf32, #tpu.memory_space<vmem>>[vector<16xi32>], vector<16xf32>,
      %add3A_1701 = arith.addf %add3A_1696, %gather3A_1700 : vector<16xf32>
      %gt3A_1702 = arith.constant 0.000000e+00 : f32
      %gt3A_1703 = vector.broadcast %gt3A_1702 : f32 to vector<16xf32>
      %gt3A_1704 = arith.cmpf ogt, %add3A_1701, %gt3A_1703 : vector<16xf32>
      %mul3A_1705 = arith.constant 0.00999999977 : f32
      %mul3A_1706 = vector.broadcast %mul3A_1705 : f32 to vector<16xf32>
      %mul3A_1707 = arith.mulf %mul3A_1706, %add3A_1701 : vector<16xf32>
      %select_n3A_1708 = arith.select %gt3A_1704, %add3A_1701, %mul3A_1707 : vector<16xi1>, vector<16xf32>
      %get3A_1709 = arith.constant 16 : index
      %get3A_1710 = tpu.vector_load %arg10[%get3A_1709] {strides = array<i32>} : memref<80xf32, #tpu.memory_space<vmem>>, vector<16xf32>,
      %add3A_1711 = arith.addf %add3A_699, %get3A_1710 : vector<16xf32>
      %add3A_1712 = arith.constant 174 : i32
      %add3A_1713 = vector.broadcast %add3A_1712 : i32 to vector<16xi32>
      %add3A_1714 = arith.addi %mul3A_3, %add3A_1713 : vector<16xi32>
      %gather3A_1715 = tpu.vector_load_idx %arg5[%add3A_1714] : memref<10768xf32, #tpu.memory_space<vmem>>[vector<16xi32>], vector<16xf32>,
      %add3A_1716 = arith.addf %add3A_1711, %gather3A_1715 : vector<16xf32>
      %gt3A_1717 = arith.constant 0.000000e+00 : f32
      %gt3A_1718 = vector.broadcast %gt3A_1717 : f32 to vector<16xf32>
      %gt3A_1719 = arith.cmpf ogt, %add3A_1716, %gt3A_1718 : vector<16xf32>
      %mul3A_1720 = arith.constant 0.00999999977 : f32
      %mul3A_1721 = vector.broadcast %mul3A_1720 : f32 to vector<16xf32>
      %mul3A_1722 = arith.mulf %mul3A_1721, %add3A_1716 : vector<16xf32>
      %select_n3A_1723 = arith.select %gt3A_1719, %add3A_1716, %mul3A_1722 : vector<16xi1>, vector<16xf32>
      %get3A_1724 = arith.constant 32 : index
      %get3A_1725 = tpu.vector_load %arg10[%get3A_1724] {strides = array<i32>} : memref<80xf32, #tpu.memory_space<vmem>>, vector<16xf32>,
      %add3A_1726 = arith.addf %add3A_728, %get3A_1725 : vector<16xf32>
      %add3A_1727 = arith.constant 175 : i32
      %add3A_1728 = vector.broadcast %add3A_1727 : i32 to vector<16xi32>
      %add3A_1729 = arith.addi %mul3A_3, %add3A_1728 : vector<16xi32>
      %gather3A_1730 = tpu.vector_load_idx %arg5[%add3A_1729] : memref<10768xf32, #tpu.memory_space<vmem>>[vector<16xi32>], vector<16xf32>,
      %add3A_1731 = arith.addf %add3A_1726, %gather3A_1730 : vector<16xf32>
      %gt3A_1732 = arith.constant 0.000000e+00 : f32
      %gt3A_1733 = vector.broadcast %gt3A_1732 : f32 to vector<16xf32>
      %gt3A_1734 = arith.cmpf ogt, %add3A_1731, %gt3A_1733 : vector<16xf32>
      %mul3A_1735 = arith.constant 0.00999999977 : f32
      %mul3A_1736 = vector.broadcast %mul3A_1735 : f32 to vector<16xf32>
      %mul3A_1737 = arith.mulf %mul3A_1736, %add3A_1731 : vector<16xf32>
      %select_n3A_1738 = arith.select %gt3A_1734, %add3A_1731, %mul3A_1737 : vector<16xi1>, vector<16xf32>
      %get3A_1739 = arith.constant 48 : index
      %get3A_1740 = tpu.vector_load %arg10[%get3A_1739] {strides = array<i32>} : memref<80xf32, #tpu.memory_space<vmem>>, vector<16xf32>,
      %add3A_1741 = arith.addf %add3A_757, %get3A_1740 : vector<16xf32>
      %add3A_1742 = arith.constant 176 : i32
      %add3A_1743 = vector.broadcast %add3A_1742 : i32 to vector<16xi32>
      %add3A_1744 = arith.addi %mul3A_3, %add3A_1743 : vector<16xi32>
      %gather3A_1745 = tpu.vector_load_idx %arg5[%add3A_1744] : memref<10768xf32, #tpu.memory_space<vmem>>[vector<16xi32>], vector<16xf32>,
      %add3A_1746 = arith.addf %add3A_1741, %gather3A_1745 : vector<16xf32>
      %gt3A_1747 = arith.constant 0.000000e+00 : f32
      %gt3A_1748 = vector.broadcast %gt3A_1747 : f32 to vector<16xf32>
      %gt3A_1749 = arith.cmpf ogt, %add3A_1746, %gt3A_1748 : vector<16xf32>
      %mul3A_1750 = arith.constant 0.00999999977 : f32
      %mul3A_1751 = vector.broadcast %mul3A_1750 : f32 to vector<16xf32>
      %mul3A_1752 = arith.mulf %mul3A_1751, %add3A_1746 : vector<16xf32>
      %select_n3A_1753 = arith.select %gt3A_1749, %add3A_1746, %mul3A_1752 : vector<16xi1>, vector<16xf32>
      %get3A_1754 = arith.constant 64 : index
      %get3A_1755 = tpu.vector_load %arg10[%get3A_1754] {strides = array<i32>} : memref<80xf32, #tpu.memory_space<vmem>>, vector<16xf32>,
      %add3A_1756 = arith.addf %add3A_786, %get3A_1755 : vector<16xf32>
      %add3A_1757 = arith.constant 177 : i32
      %add3A_1758 = vector.broadcast %add3A_1757 : i32 to vector<16xi32>
      %add3A_1759 = arith.addi %mul3A_3, %add3A_1758 : vector<16xi32>
      %gather3A_1760 = tpu.vector_load_idx %arg5[%add3A_1759] : memref<10768xf32, #tpu.memory_space<vmem>>[vector<16xi32>], vector<16xf32>,
      %add3A_1761 = arith.addf %add3A_1756, %gather3A_1760 : vector<16xf32>
      %gt3A_1762 = arith.constant 0.000000e+00 : f32
      %gt3A_1763 = vector.broadcast %gt3A_1762 : f32 to vector<16xf32>
      %gt3A_1764 = arith.cmpf ogt, %add3A_1761, %gt3A_1763 : vector<16xf32>
      %mul3A_1765 = arith.constant 0.00999999977 : f32
      %mul3A_1766 = vector.broadcast %mul3A_1765 : f32 to vector<16xf32>
      %mul3A_1767 = arith.mulf %mul3A_1766, %add3A_1761 : vector<16xf32>
      %select_n3A_1768 = arith.select %gt3A_1764, %add3A_1761, %mul3A_1767 : vector<16xi1>, vector<16xf32>
      %add3A_1769 = arith.constant 178 : i32
      %add3A_1770 = vector.broadcast %add3A_1769 : i32 to vector<16xi32>
      %add3A_1771 = arith.addi %mul3A_3, %add3A_1770 : vector<16xi32>
      %gather3A_1772 = tpu.vector_load_idx %arg5[%add3A_1771] : memref<10768xf32, #tpu.memory_space<vmem>>[vector<16xi32>], vector<16xf32>,
      %mul3A_1773 = arith.mulf %select_n3A_1708, %gather3A_1772 : vector<16xf32>
      %add3A_1774 = arith.constant 183 : i32
      %add3A_1775 = vector.broadcast %add3A_1774 : i32 to vector<16xi32>
      %add3A_1776 = arith.addi %mul3A_3, %add3A_1775 : vector<16xi32>
      %gather3A_1777 = tpu.vector_load_idx %arg5[%add3A_1776] : memref<10768xf32, #tpu.memory_space<vmem>>[vector<16xi32>], vector<16xf32>,
      %mul3A_1778 = arith.mulf %select_n3A_1723, %gather3A_1777 : vector<16xf32>
      %add3A_1779 = arith.addf %mul3A_1773, %mul3A_1778 : vector<16xf32>
      %add3A_1780 = arith.constant 188 : i32
      %add3A_1781 = vector.broadcast %add3A_1780 : i32 to vector<16xi32>
      %add3A_1782 = arith.addi %mul3A_3, %add3A_1781 : vector<16xi32>
      %gather3A_1783 = tpu.vector_load_idx %arg5[%add3A_1782] : memref<10768xf32, #tpu.memory_space<vmem>>[vector<16xi32>], vector<16xf32>,
      %mul3A_1784 = arith.mulf %select_n3A_1738, %gather3A_1783 : vector<16xf32>
      %add3A_1785 = arith.addf %add3A_1779, %mul3A_1784 : vector<16xf32>
      %add3A_1786 = arith.constant 193 : i32
      %add3A_1787 = vector.broadcast %add3A_1786 : i32 to vector<16xi32>
      %add3A_1788 = arith.addi %mul3A_3, %add3A_1787 : vector<16xi32>
      %gather3A_1789 = tpu.vector_load_idx %arg5[%add3A_1788] : memref<10768xf32, #tpu.memory_space<vmem>>[vector<16xi32>], vector<16xf32>,
      %mul3A_1790 = arith.mulf %select_n3A_1753, %gather3A_1789 : vector<16xf32>
      %add3A_1791 = arith.addf %add3A_1785, %mul3A_1790 : vector<16xf32>
      %add3A_1792 = arith.constant 198 : i32
      %add3A_1793 = vector.broadcast %add3A_1792 : i32 to vector<16xi32>
      %add3A_1794 = arith.addi %mul3A_3, %add3A_1793 : vector<16xi32>
      %gather3A_1795 = tpu.vector_load_idx %arg5[%add3A_1794] : memref<10768xf32, #tpu.memory_space<vmem>>[vector<16xi32>], vector<16xf32>,
      %mul3A_1796 = arith.mulf %select_n3A_1768, %gather3A_1795 : vector<16xf32>
      %add3A_1797 = arith.addf %add3A_1791, %mul3A_1796 : vector<16xf32>
      %add3A_1798 = arith.constant 179 : i32
      %add3A_1799 = vector.broadcast %add3A_1798 : i32 to vector<16xi32>
      %add3A_1800 = arith.addi %mul3A_3, %add3A_1799 : vector<16xi32>
      %gather3A_1801 = tpu.vector_load_idx %arg5[%add3A_1800] : memref<10768xf32, #tpu.memory_space<vmem>>[vector<16xi32>], vector<16xf32>,
      %mul3A_1802 = arith.mulf %select_n3A_1708, %gather3A_1801 : vector<16xf32>
      %add3A_1803 = arith.constant 184 : i32
      %add3A_1804 = vector.broadcast %add3A_1803 : i32 to vector<16xi32>
      %add3A_1805 = arith.addi %mul3A_3, %add3A_1804 : vector<16xi32>
      %gather3A_1806 = tpu.vector_load_idx %arg5[%add3A_1805] : memref<10768xf32, #tpu.memory_space<vmem>>[vector<16xi32>], vector<16xf32>,
      %mul3A_1807 = arith.mulf %select_n3A_1723, %gather3A_1806 : vector<16xf32>
      %add3A_1808 = arith.addf %mul3A_1802, %mul3A_1807 : vector<16xf32>
      %add3A_1809 = arith.constant 189 : i32
      %add3A_1810 = vector.broadcast %add3A_1809 : i32 to vector<16xi32>
      %add3A_1811 = arith.addi %mul3A_3, %add3A_1810 : vector<16xi32>
      %gather3A_1812 = tpu.vector_load_idx %arg5[%add3A_1811] : memref<10768xf32, #tpu.memory_space<vmem>>[vector<16xi32>], vector<16xf32>,
      %mul3A_1813 = arith.mulf %select_n3A_1738, %gather3A_1812 : vector<16xf32>
      %add3A_1814 = arith.addf %add3A_1808, %mul3A_1813 : vector<16xf32>
      %add3A_1815 = arith.constant 194 : i32
      %add3A_1816 = vector.broadcast %add3A_1815 : i32 to vector<16xi32>
      %add3A_1817 = arith.addi %mul3A_3, %add3A_1816 : vector<16xi32>
      %gather3A_1818 = tpu.vector_load_idx %arg5[%add3A_1817] : memref<10768xf32, #tpu.memory_space<vmem>>[vector<16xi32>], vector<16xf32>,
      %mul3A_1819 = arith.mulf %select_n3A_1753, %gather3A_1818 : vector<16xf32>
      %add3A_1820 = arith.addf %add3A_1814, %mul3A_1819 : vector<16xf32>
      %add3A_1821 = arith.constant 199 : i32
      %add3A_1822 = vector.broadcast %add3A_1821 : i32 to vector<16xi32>
      %add3A_1823 = arith.addi %mul3A_3, %add3A_1822 : vector<16xi32>
      %gather3A_1824 = tpu.vector_load_idx %arg5[%add3A_1823] : memref<10768xf32, #tpu.memory_space<vmem>>[vector<16xi32>], vector<16xf32>,
      %mul3A_1825 = arith.mulf %select_n3A_1768, %gather3A_1824 : vector<16xf32>
      %add3A_1826 = arith.addf %add3A_1820, %mul3A_1825 : vector<16xf32>
      %add3A_1827 = arith.constant 180 : i32
      %add3A_1828 = vector.broadcast %add3A_1827 : i32 to vector<16xi32>
      %add3A_1829 = arith.addi %mul3A_3, %add3A_1828 : vector<16xi32>
      %gather3A_1830 = tpu.vector_load_idx %arg5[%add3A_1829] : memref<10768xf32, #tpu.memory_space<vmem>>[vector<16xi32>], vector<16xf32>,
      %mul3A_1831 = arith.mulf %select_n3A_1708, %gather3A_1830 : vector<16xf32>
      %add3A_1832 = arith.constant 185 : i32
      %add3A_1833 = vector.broadcast %add3A_1832 : i32 to vector<16xi32>
      %add3A_1834 = arith.addi %mul3A_3, %add3A_1833 : vector<16xi32>
      %gather3A_1835 = tpu.vector_load_idx %arg5[%add3A_1834] : memref<10768xf32, #tpu.memory_space<vmem>>[vector<16xi32>], vector<16xf32>,
      %mul3A_1836 = arith.mulf %select_n3A_1723, %gather3A_1835 : vector<16xf32>
      %add3A_1837 = arith.addf %mul3A_1831, %mul3A_1836 : vector<16xf32>
      %add3A_1838 = arith.constant 190 : i32
      %add3A_1839 = vector.broadcast %add3A_1838 : i32 to vector<16xi32>
      %add3A_1840 = arith.addi %mul3A_3, %add3A_1839 : vector<16xi32>
      %gather3A_1841 = tpu.vector_load_idx %arg5[%add3A_1840] : memref<10768xf32, #tpu.memory_space<vmem>>[vector<16xi32>], vector<16xf32>,
      %mul3A_1842 = arith.mulf %select_n3A_1738, %gather3A_1841 : vector<16xf32>
      %add3A_1843 = arith.addf %add3A_1837, %mul3A_1842 : vector<16xf32>
      %add3A_1844 = arith.constant 195 : i32
      %add3A_1845 = vector.broadcast %add3A_1844 : i32 to vector<16xi32>
      %add3A_1846 = arith.addi %mul3A_3, %add3A_1845 : vector<16xi32>
      %gather3A_1847 = tpu.vector_load_idx %arg5[%add3A_1846] : memref<10768xf32, #tpu.memory_space<vmem>>[vector<16xi32>], vector<16xf32>,
      %mul3A_1848 = arith.mulf %select_n3A_1753, %gather3A_1847 : vector<16xf32>
      %add3A_1849 = arith.addf %add3A_1843, %mul3A_1848 : vector<16xf32>
      %add3A_1850 = arith.constant 200 : i32
      %add3A_1851 = vector.broadcast %add3A_1850 : i32 to vector<16xi32>
      %add3A_1852 = arith.addi %mul3A_3, %add3A_1851 : vector<16xi32>
      %gather3A_1853 = tpu.vector_load_idx %arg5[%add3A_1852] : memref<10768xf32, #tpu.memory_space<vmem>>[vector<16xi32>], vector<16xf32>,
      %mul3A_1854 = arith.mulf %select_n3A_1768, %gather3A_1853 : vector<16xf32>
      %add3A_1855 = arith.addf %add3A_1849, %mul3A_1854 : vector<16xf32>
      %add3A_1856 = arith.constant 181 : i32
      %add3A_1857 = vector.broadcast %add3A_1856 : i32 to vector<16xi32>
      %add3A_1858 = arith.addi %mul3A_3, %add3A_1857 : vector<16xi32>
      %gather3A_1859 = tpu.vector_load_idx %arg5[%add3A_1858] : memref<10768xf32, #tpu.memory_space<vmem>>[vector<16xi32>], vector<16xf32>,
      %mul3A_1860 = arith.mulf %select_n3A_1708, %gather3A_1859 : vector<16xf32>
      %add3A_1861 = arith.constant 186 : i32
      %add3A_1862 = vector.broadcast %add3A_1861 : i32 to vector<16xi32>
      %add3A_1863 = arith.addi %mul3A_3, %add3A_1862 : vector<16xi32>
      %gather3A_1864 = tpu.vector_load_idx %arg5[%add3A_1863] : memref<10768xf32, #tpu.memory_space<vmem>>[vector<16xi32>], vector<16xf32>,
      %mul3A_1865 = arith.mulf %select_n3A_1723, %gather3A_1864 : vector<16xf32>
      %add3A_1866 = arith.addf %mul3A_1860, %mul3A_1865 : vector<16xf32>
      %add3A_1867 = arith.constant 191 : i32
      %add3A_1868 = vector.broadcast %add3A_1867 : i32 to vector<16xi32>
      %add3A_1869 = arith.addi %mul3A_3, %add3A_1868 : vector<16xi32>
      %gather3A_1870 = tpu.vector_load_idx %arg5[%add3A_1869] : memref<10768xf32, #tpu.memory_space<vmem>>[vector<16xi32>], vector<16xf32>,
      %mul3A_1871 = arith.mulf %select_n3A_1738, %gather3A_1870 : vector<16xf32>
      %add3A_1872 = arith.addf %add3A_1866, %mul3A_1871 : vector<16xf32>
      %add3A_1873 = arith.constant 196 : i32
      %add3A_1874 = vector.broadcast %add3A_1873 : i32 to vector<16xi32>
      %add3A_1875 = arith.addi %mul3A_3, %add3A_1874 : vector<16xi32>
      %gather3A_1876 = tpu.vector_load_idx %arg5[%add3A_1875] : memref<10768xf32, #tpu.memory_space<vmem>>[vector<16xi32>], vector<16xf32>,
      %mul3A_1877 = arith.mulf %select_n3A_1753, %gather3A_1876 : vector<16xf32>
      %add3A_1878 = arith.addf %add3A_1872, %mul3A_1877 : vector<16xf32>
      %add3A_1879 = arith.constant 201 : i32
      %add3A_1880 = vector.broadcast %add3A_1879 : i32 to vector<16xi32>
      %add3A_1881 = arith.addi %mul3A_3, %add3A_1880 : vector<16xi32>
      %gather3A_1882 = tpu.vector_load_idx %arg5[%add3A_1881] : memref<10768xf32, #tpu.memory_space<vmem>>[vector<16xi32>], vector<16xf32>,
      %mul3A_1883 = arith.mulf %select_n3A_1768, %gather3A_1882 : vector<16xf32>
      %add3A_1884 = arith.addf %add3A_1878, %mul3A_1883 : vector<16xf32>
      %add3A_1885 = arith.constant 182 : i32
      %add3A_1886 = vector.broadcast %add3A_1885 : i32 to vector<16xi32>
      %add3A_1887 = arith.addi %mul3A_3, %add3A_1886 : vector<16xi32>
      %gather3A_1888 = tpu.vector_load_idx %arg5[%add3A_1887] : memref<10768xf32, #tpu.memory_space<vmem>>[vector<16xi32>], vector<16xf32>,
      %mul3A_1889 = arith.mulf %select_n3A_1708, %gather3A_1888 : vector<16xf32>
      %add3A_1890 = arith.constant 187 : i32
      %add3A_1891 = vector.broadcast %add3A_1890 : i32 to vector<16xi32>
      %add3A_1892 = arith.addi %mul3A_3, %add3A_1891 : vector<16xi32>
      %gather3A_1893 = tpu.vector_load_idx %arg5[%add3A_1892] : memref<10768xf32, #tpu.memory_space<vmem>>[vector<16xi32>], vector<16xf32>,
      %mul3A_1894 = arith.mulf %select_n3A_1723, %gather3A_1893 : vector<16xf32>
      %add3A_1895 = arith.addf %mul3A_1889, %mul3A_1894 : vector<16xf32>
      %add3A_1896 = arith.constant 192 : i32
      %add3A_1897 = vector.broadcast %add3A_1896 : i32 to vector<16xi32>
      %add3A_1898 = arith.addi %mul3A_3, %add3A_1897 : vector<16xi32>
      %gather3A_1899 = tpu.vector_load_idx %arg5[%add3A_1898] : memref<10768xf32, #tpu.memory_space<vmem>>[vector<16xi32>], vector<16xf32>,
      %mul3A_1900 = arith.mulf %select_n3A_1738, %gather3A_1899 : vector<16xf32>
      %add3A_1901 = arith.addf %add3A_1895, %mul3A_1900 : vector<16xf32>
      %add3A_1902 = arith.constant 197 : i32
      %add3A_1903 = vector.broadcast %add3A_1902 : i32 to vector<16xi32>
      %add3A_1904 = arith.addi %mul3A_3, %add3A_1903 : vector<16xi32>
      %gather3A_1905 = tpu.vector_load_idx %arg5[%add3A_1904] : memref<10768xf32, #tpu.memory_space<vmem>>[vector<16xi32>], vector<16xf32>,
      %mul3A_1906 = arith.mulf %select_n3A_1753, %gather3A_1905 : vector<16xf32>
      %add3A_1907 = arith.addf %add3A_1901, %mul3A_1906 : vector<16xf32>
      %add3A_1908 = arith.constant 202 : i32
      %add3A_1909 = vector.broadcast %add3A_1908 : i32 to vector<16xi32>
      %add3A_1910 = arith.addi %mul3A_3, %add3A_1909 : vector<16xi32>
      %gather3A_1911 = tpu.vector_load_idx %arg5[%add3A_1910] : memref<10768xf32, #tpu.memory_space<vmem>>[vector<16xi32>], vector<16xf32>,
      %mul3A_1912 = arith.mulf %select_n3A_1768, %gather3A_1911 : vector<16xf32>
      %add3A_1913 = arith.addf %add3A_1907, %mul3A_1912 : vector<16xf32>
      %add3A_1914 = arith.constant 203 : i32
      %add3A_1915 = vector.broadcast %add3A_1914 : i32 to vector<16xi32>
      %add3A_1916 = arith.addi %mul3A_3, %add3A_1915 : vector<16xi32>
      %gather3A_1917 = tpu.vector_load_idx %arg5[%add3A_1916] : memref<10768xf32, #tpu.memory_space<vmem>>[vector<16xi32>], vector<16xf32>,
      %mul3A_1918 = arith.mulf %select_n3A_1708, %gather3A_1917 : vector<16xf32>
      %add3A_1919 = arith.constant 208 : i32
      %add3A_1920 = vector.broadcast %add3A_1919 : i32 to vector<16xi32>
      %add3A_1921 = arith.addi %mul3A_3, %add3A_1920 : vector<16xi32>
      %gather3A_1922 = tpu.vector_load_idx %arg5[%add3A_1921] : memref<10768xf32, #tpu.memory_space<vmem>>[vector<16xi32>], vector<16xf32>,
      %mul3A_1923 = arith.mulf %select_n3A_1723, %gather3A_1922 : vector<16xf32>
      %add3A_1924 = arith.addf %mul3A_1918, %mul3A_1923 : vector<16xf32>
      %add3A_1925 = arith.constant 213 : i32
      %add3A_1926 = vector.broadcast %add3A_1925 : i32 to vector<16xi32>
      %add3A_1927 = arith.addi %mul3A_3, %add3A_1926 : vector<16xi32>
      %gather3A_1928 = tpu.vector_load_idx %arg5[%add3A_1927] : memref<10768xf32, #tpu.memory_space<vmem>>[vector<16xi32>], vector<16xf32>,
      %mul3A_1929 = arith.mulf %select_n3A_1738, %gather3A_1928 : vector<16xf32>
      %add3A_1930 = arith.addf %add3A_1924, %mul3A_1929 : vector<16xf32>
      %add3A_1931 = arith.constant 218 : i32
      %add3A_1932 = vector.broadcast %add3A_1931 : i32 to vector<16xi32>
      %add3A_1933 = arith.addi %mul3A_3, %add3A_1932 : vector<16xi32>
      %gather3A_1934 = tpu.vector_load_idx %arg5[%add3A_1933] : memref<10768xf32, #tpu.memory_space<vmem>>[vector<16xi32>], vector<16xf32>,
      %mul3A_1935 = arith.mulf %select_n3A_1753, %gather3A_1934 : vector<16xf32>
      %add3A_1936 = arith.addf %add3A_1930, %mul3A_1935 : vector<16xf32>
      %add3A_1937 = arith.constant 223 : i32
      %add3A_1938 = vector.broadcast %add3A_1937 : i32 to vector<16xi32>
      %add3A_1939 = arith.addi %mul3A_3, %add3A_1938 : vector<16xi32>
      %gather3A_1940 = tpu.vector_load_idx %arg5[%add3A_1939] : memref<10768xf32, #tpu.memory_space<vmem>>[vector<16xi32>], vector<16xf32>,
      %mul3A_1941 = arith.mulf %select_n3A_1768, %gather3A_1940 : vector<16xf32>
      %add3A_1942 = arith.addf %add3A_1936, %mul3A_1941 : vector<16xf32>
      %add3A_1943 = arith.constant 204 : i32
      %add3A_1944 = vector.broadcast %add3A_1943 : i32 to vector<16xi32>
      %add3A_1945 = arith.addi %mul3A_3, %add3A_1944 : vector<16xi32>
      %gather3A_1946 = tpu.vector_load_idx %arg5[%add3A_1945] : memref<10768xf32, #tpu.memory_space<vmem>>[vector<16xi32>], vector<16xf32>,
      %mul3A_1947 = arith.mulf %select_n3A_1708, %gather3A_1946 : vector<16xf32>
      %add3A_1948 = arith.constant 209 : i32
      %add3A_1949 = vector.broadcast %add3A_1948 : i32 to vector<16xi32>
      %add3A_1950 = arith.addi %mul3A_3, %add3A_1949 : vector<16xi32>
      %gather3A_1951 = tpu.vector_load_idx %arg5[%add3A_1950] : memref<10768xf32, #tpu.memory_space<vmem>>[vector<16xi32>], vector<16xf32>,
      %mul3A_1952 = arith.mulf %select_n3A_1723, %gather3A_1951 : vector<16xf32>
      %add3A_1953 = arith.addf %mul3A_1947, %mul3A_1952 : vector<16xf32>
      %add3A_1954 = arith.constant 214 : i32
      %add3A_1955 = vector.broadcast %add3A_1954 : i32 to vector<16xi32>
      %add3A_1956 = arith.addi %mul3A_3, %add3A_1955 : vector<16xi32>
      %gather3A_1957 = tpu.vector_load_idx %arg5[%add3A_1956] : memref<10768xf32, #tpu.memory_space<vmem>>[vector<16xi32>], vector<16xf32>,
      %mul3A_1958 = arith.mulf %select_n3A_1738, %gather3A_1957 : vector<16xf32>
      %add3A_1959 = arith.addf %add3A_1953, %mul3A_1958 : vector<16xf32>
      %add3A_1960 = arith.constant 219 : i32
      %add3A_1961 = vector.broadcast %add3A_1960 : i32 to vector<16xi32>
      %add3A_1962 = arith.addi %mul3A_3, %add3A_1961 : vector<16xi32>
      %gather3A_1963 = tpu.vector_load_idx %arg5[%add3A_1962] : memref<10768xf32, #tpu.memory_space<vmem>>[vector<16xi32>], vector<16xf32>,
      %mul3A_1964 = arith.mulf %select_n3A_1753, %gather3A_1963 : vector<16xf32>
      %add3A_1965 = arith.addf %add3A_1959, %mul3A_1964 : vector<16xf32>
      %add3A_1966 = arith.constant 224 : i32
      %add3A_1967 = vector.broadcast %add3A_1966 : i32 to vector<16xi32>
      %add3A_1968 = arith.addi %mul3A_3, %add3A_1967 : vector<16xi32>
      %gather3A_1969 = tpu.vector_load_idx %arg5[%add3A_1968] : memref<10768xf32, #tpu.memory_space<vmem>>[vector<16xi32>], vector<16xf32>,
      %mul3A_1970 = arith.mulf %select_n3A_1768, %gather3A_1969 : vector<16xf32>
      %add3A_1971 = arith.addf %add3A_1965, %mul3A_1970 : vector<16xf32>
      %add3A_1972 = arith.constant 205 : i32
      %add3A_1973 = vector.broadcast %add3A_1972 : i32 to vector<16xi32>
      %add3A_1974 = arith.addi %mul3A_3, %add3A_1973 : vector<16xi32>
      %gather3A_1975 = tpu.vector_load_idx %arg5[%add3A_1974] : memref<10768xf32, #tpu.memory_space<vmem>>[vector<16xi32>], vector<16xf32>,
      %mul3A_1976 = arith.mulf %select_n3A_1708, %gather3A_1975 : vector<16xf32>
      %add3A_1977 = arith.constant 210 : i32
      %add3A_1978 = vector.broadcast %add3A_1977 : i32 to vector<16xi32>
      %add3A_1979 = arith.addi %mul3A_3, %add3A_1978 : vector<16xi32>
      %gather3A_1980 = tpu.vector_load_idx %arg5[%add3A_1979] : memref<10768xf32, #tpu.memory_space<vmem>>[vector<16xi32>], vector<16xf32>,
      %mul3A_1981 = arith.mulf %select_n3A_1723, %gather3A_1980 : vector<16xf32>
      %add3A_1982 = arith.addf %mul3A_1976, %mul3A_1981 : vector<16xf32>
      %add3A_1983 = arith.constant 215 : i32
      %add3A_1984 = vector.broadcast %add3A_1983 : i32 to vector<16xi32>
      %add3A_1985 = arith.addi %mul3A_3, %add3A_1984 : vector<16xi32>
      %gather3A_1986 = tpu.vector_load_idx %arg5[%add3A_1985] : memref<10768xf32, #tpu.memory_space<vmem>>[vector<16xi32>], vector<16xf32>,
      %mul3A_1987 = arith.mulf %select_n3A_1738, %gather3A_1986 : vector<16xf32>
      %add3A_1988 = arith.addf %add3A_1982, %mul3A_1987 : vector<16xf32>
      %add3A_1989 = arith.constant 220 : i32
      %add3A_1990 = vector.broadcast %add3A_1989 : i32 to vector<16xi32>
      %add3A_1991 = arith.addi %mul3A_3, %add3A_1990 : vector<16xi32>
      %gather3A_1992 = tpu.vector_load_idx %arg5[%add3A_1991] : memref<10768xf32, #tpu.memory_space<vmem>>[vector<16xi32>], vector<16xf32>,
      %mul3A_1993 = arith.mulf %select_n3A_1753, %gather3A_1992 : vector<16xf32>
      %add3A_1994 = arith.addf %add3A_1988, %mul3A_1993 : vector<16xf32>
      %add3A_1995 = arith.constant 225 : i32
      %add3A_1996 = vector.broadcast %add3A_1995 : i32 to vector<16xi32>
      %add3A_1997 = arith.addi %mul3A_3, %add3A_1996 : vector<16xi32>
      %gather3A_1998 = tpu.vector_load_idx %arg5[%add3A_1997] : memref<10768xf32, #tpu.memory_space<vmem>>[vector<16xi32>], vector<16xf32>,
      %mul3A_1999 = arith.mulf %select_n3A_1768, %gather3A_1998 : vector<16xf32>
      %add3A_2000 = arith.addf %add3A_1994, %mul3A_1999 : vector<16xf32>
      %add3A_2001 = arith.constant 206 : i32
      %add3A_2002 = vector.broadcast %add3A_2001 : i32 to vector<16xi32>
      %add3A_2003 = arith.addi %mul3A_3, %add3A_2002 : vector<16xi32>
      %gather3A_2004 = tpu.vector_load_idx %arg5[%add3A_2003] : memref<10768xf32, #tpu.memory_space<vmem>>[vector<16xi32>], vector<16xf32>,
      %mul3A_2005 = arith.mulf %select_n3A_1708, %gather3A_2004 : vector<16xf32>
      %add3A_2006 = arith.constant 211 : i32
      %add3A_2007 = vector.broadcast %add3A_2006 : i32 to vector<16xi32>
      %add3A_2008 = arith.addi %mul3A_3, %add3A_2007 : vector<16xi32>
      %gather3A_2009 = tpu.vector_load_idx %arg5[%add3A_2008] : memref<10768xf32, #tpu.memory_space<vmem>>[vector<16xi32>], vector<16xf32>,
      %mul3A_2010 = arith.mulf %select_n3A_1723, %gather3A_2009 : vector<16xf32>
      %add3A_2011 = arith.addf %mul3A_2005, %mul3A_2010 : vector<16xf32>
      %add3A_2012 = arith.constant 216 : i32
      %add3A_2013 = vector.broadcast %add3A_2012 : i32 to vector<16xi32>
      %add3A_2014 = arith.addi %mul3A_3, %add3A_2013 : vector<16xi32>
      %gather3A_2015 = tpu.vector_load_idx %arg5[%add3A_2014] : memref<10768xf32, #tpu.memory_space<vmem>>[vector<16xi32>], vector<16xf32>,
      %mul3A_2016 = arith.mulf %select_n3A_1738, %gather3A_2015 : vector<16xf32>
      %add3A_2017 = arith.addf %add3A_2011, %mul3A_2016 : vector<16xf32>
      %add3A_2018 = arith.constant 221 : i32
      %add3A_2019 = vector.broadcast %add3A_2018 : i32 to vector<16xi32>
      %add3A_2020 = arith.addi %mul3A_3, %add3A_2019 : vector<16xi32>
      %gather3A_2021 = tpu.vector_load_idx %arg5[%add3A_2020] : memref<10768xf32, #tpu.memory_space<vmem>>[vector<16xi32>], vector<16xf32>,
      %mul3A_2022 = arith.mulf %select_n3A_1753, %gather3A_2021 : vector<16xf32>
      %add3A_2023 = arith.addf %add3A_2017, %mul3A_2022 : vector<16xf32>
      %add3A_2024 = arith.constant 226 : i32
      %add3A_2025 = vector.broadcast %add3A_2024 : i32 to vector<16xi32>
      %add3A_2026 = arith.addi %mul3A_3, %add3A_2025 : vector<16xi32>
      %gather3A_2027 = tpu.vector_load_idx %arg5[%add3A_2026] : memref<10768xf32, #tpu.memory_space<vmem>>[vector<16xi32>], vector<16xf32>,
      %mul3A_2028 = arith.mulf %select_n3A_1768, %gather3A_2027 : vector<16xf32>
      %add3A_2029 = arith.addf %add3A_2023, %mul3A_2028 : vector<16xf32>
      %add3A_2030 = arith.constant 207 : i32
      %add3A_2031 = vector.broadcast %add3A_2030 : i32 to vector<16xi32>
      %add3A_2032 = arith.addi %mul3A_3, %add3A_2031 : vector<16xi32>
      %gather3A_2033 = tpu.vector_load_idx %arg5[%add3A_2032] : memref<10768xf32, #tpu.memory_space<vmem>>[vector<16xi32>], vector<16xf32>,
      %mul3A_2034 = arith.mulf %select_n3A_1708, %gather3A_2033 : vector<16xf32>
      %add3A_2035 = arith.constant 212 : i32
      %add3A_2036 = vector.broadcast %add3A_2035 : i32 to vector<16xi32>
      %add3A_2037 = arith.addi %mul3A_3, %add3A_2036 : vector<16xi32>
      %gather3A_2038 = tpu.vector_load_idx %arg5[%add3A_2037] : memref<10768xf32, #tpu.memory_space<vmem>>[vector<16xi32>], vector<16xf32>,
      %mul3A_2039 = arith.mulf %select_n3A_1723, %gather3A_2038 : vector<16xf32>
      %add3A_2040 = arith.addf %mul3A_2034, %mul3A_2039 : vector<16xf32>
      %add3A_2041 = arith.constant 217 : i32
      %add3A_2042 = vector.broadcast %add3A_2041 : i32 to vector<16xi32>
      %add3A_2043 = arith.addi %mul3A_3, %add3A_2042 : vector<16xi32>
      %gather3A_2044 = tpu.vector_load_idx %arg5[%add3A_2043] : memref<10768xf32, #tpu.memory_space<vmem>>[vector<16xi32>], vector<16xf32>,
      %mul3A_2045 = arith.mulf %select_n3A_1738, %gather3A_2044 : vector<16xf32>
      %add3A_2046 = arith.addf %add3A_2040, %mul3A_2045 : vector<16xf32>
      %add3A_2047 = arith.constant 222 : i32
      %add3A_2048 = vector.broadcast %add3A_2047 : i32 to vector<16xi32>
      %add3A_2049 = arith.addi %mul3A_3, %add3A_2048 : vector<16xi32>
      %gather3A_2050 = tpu.vector_load_idx %arg5[%add3A_2049] : memref<10768xf32, #tpu.memory_space<vmem>>[vector<16xi32>], vector<16xf32>,
      %mul3A_2051 = arith.mulf %select_n3A_1753, %gather3A_2050 : vector<16xf32>
      %add3A_2052 = arith.addf %add3A_2046, %mul3A_2051 : vector<16xf32>
      %add3A_2053 = arith.constant 227 : i32
      %add3A_2054 = vector.broadcast %add3A_2053 : i32 to vector<16xi32>
      %add3A_2055 = arith.addi %mul3A_3, %add3A_2054 : vector<16xi32>
      %gather3A_2056 = tpu.vector_load_idx %arg5[%add3A_2055] : memref<10768xf32, #tpu.memory_space<vmem>>[vector<16xi32>], vector<16xf32>,
      %mul3A_2057 = arith.mulf %select_n3A_1768, %gather3A_2056 : vector<16xf32>
      %add3A_2058 = arith.addf %add3A_2052, %mul3A_2057 : vector<16xf32>
      %add3A_2059 = arith.constant 228 : i32
      %add3A_2060 = vector.broadcast %add3A_2059 : i32 to vector<16xi32>
      %add3A_2061 = arith.addi %mul3A_3, %add3A_2060 : vector<16xi32>
      %gather3A_2062 = tpu.vector_load_idx %arg5[%add3A_2061] : memref<10768xf32, #tpu.memory_space<vmem>>[vector<16xi32>], vector<16xf32>,
      %mul3A_2063 = arith.mulf %select_n3A_1708, %gather3A_2062 : vector<16xf32>
      %add3A_2064 = arith.constant 233 : i32
      %add3A_2065 = vector.broadcast %add3A_2064 : i32 to vector<16xi32>
      %add3A_2066 = arith.addi %mul3A_3, %add3A_2065 : vector<16xi32>
      %gather3A_2067 = tpu.vector_load_idx %arg5[%add3A_2066] : memref<10768xf32, #tpu.memory_space<vmem>>[vector<16xi32>], vector<16xf32>,
      %mul3A_2068 = arith.mulf %select_n3A_1723, %gather3A_2067 : vector<16xf32>
      %add3A_2069 = arith.addf %mul3A_2063, %mul3A_2068 : vector<16xf32>
      %add3A_2070 = arith.constant 238 : i32
      %add3A_2071 = vector.broadcast %add3A_2070 : i32 to vector<16xi32>
      %add3A_2072 = arith.addi %mul3A_3, %add3A_2071 : vector<16xi32>
      %gather3A_2073 = tpu.vector_load_idx %arg5[%add3A_2072] : memref<10768xf32, #tpu.memory_space<vmem>>[vector<16xi32>], vector<16xf32>,
      %mul3A_2074 = arith.mulf %select_n3A_1738, %gather3A_2073 : vector<16xf32>
      %add3A_2075 = arith.addf %add3A_2069, %mul3A_2074 : vector<16xf32>
      %add3A_2076 = arith.constant 243 : i32
      %add3A_2077 = vector.broadcast %add3A_2076 : i32 to vector<16xi32>
      %add3A_2078 = arith.addi %mul3A_3, %add3A_2077 : vector<16xi32>
      %gather3A_2079 = tpu.vector_load_idx %arg5[%add3A_2078] : memref<10768xf32, #tpu.memory_space<vmem>>[vector<16xi32>], vector<16xf32>,
      %mul3A_2080 = arith.mulf %select_n3A_1753, %gather3A_2079 : vector<16xf32>
      %add3A_2081 = arith.addf %add3A_2075, %mul3A_2080 : vector<16xf32>
      %add3A_2082 = arith.constant 248 : i32
      %add3A_2083 = vector.broadcast %add3A_2082 : i32 to vector<16xi32>
      %add3A_2084 = arith.addi %mul3A_3, %add3A_2083 : vector<16xi32>
      %gather3A_2085 = tpu.vector_load_idx %arg5[%add3A_2084] : memref<10768xf32, #tpu.memory_space<vmem>>[vector<16xi32>], vector<16xf32>,
      %mul3A_2086 = arith.mulf %select_n3A_1768, %gather3A_2085 : vector<16xf32>
      %add3A_2087 = arith.addf %add3A_2081, %mul3A_2086 : vector<16xf32>
      %add3A_2088 = arith.constant 229 : i32
      %add3A_2089 = vector.broadcast %add3A_2088 : i32 to vector<16xi32>
      %add3A_2090 = arith.addi %mul3A_3, %add3A_2089 : vector<16xi32>
      %gather3A_2091 = tpu.vector_load_idx %arg5[%add3A_2090] : memref<10768xf32, #tpu.memory_space<vmem>>[vector<16xi32>], vector<16xf32>,
      %mul3A_2092 = arith.mulf %select_n3A_1708, %gather3A_2091 : vector<16xf32>
      %add3A_2093 = arith.constant 234 : i32
      %add3A_2094 = vector.broadcast %add3A_2093 : i32 to vector<16xi32>
      %add3A_2095 = arith.addi %mul3A_3, %add3A_2094 : vector<16xi32>
      %gather3A_2096 = tpu.vector_load_idx %arg5[%add3A_2095] : memref<10768xf32, #tpu.memory_space<vmem>>[vector<16xi32>], vector<16xf32>,
      %mul3A_2097 = arith.mulf %select_n3A_1723, %gather3A_2096 : vector<16xf32>
      %add3A_2098 = arith.addf %mul3A_2092, %mul3A_2097 : vector<16xf32>
      %add3A_2099 = arith.constant 239 : i32
      %add3A_2100 = vector.broadcast %add3A_2099 : i32 to vector<16xi32>
      %add3A_2101 = arith.addi %mul3A_3, %add3A_2100 : vector<16xi32>
      %gather3A_2102 = tpu.vector_load_idx %arg5[%add3A_2101] : memref<10768xf32, #tpu.memory_space<vmem>>[vector<16xi32>], vector<16xf32>,
      %mul3A_2103 = arith.mulf %select_n3A_1738, %gather3A_2102 : vector<16xf32>
      %add3A_2104 = arith.addf %add3A_2098, %mul3A_2103 : vector<16xf32>
      %add3A_2105 = arith.constant 244 : i32
      %add3A_2106 = vector.broadcast %add3A_2105 : i32 to vector<16xi32>
      %add3A_2107 = arith.addi %mul3A_3, %add3A_2106 : vector<16xi32>
      %gather3A_2108 = tpu.vector_load_idx %arg5[%add3A_2107] : memref<10768xf32, #tpu.memory_space<vmem>>[vector<16xi32>], vector<16xf32>,
      %mul3A_2109 = arith.mulf %select_n3A_1753, %gather3A_2108 : vector<16xf32>
      %add3A_2110 = arith.addf %add3A_2104, %mul3A_2109 : vector<16xf32>
      %add3A_2111 = arith.constant 249 : i32
      %add3A_2112 = vector.broadcast %add3A_2111 : i32 to vector<16xi32>
      %add3A_2113 = arith.addi %mul3A_3, %add3A_2112 : vector<16xi32>
      %gather3A_2114 = tpu.vector_load_idx %arg5[%add3A_2113] : memref<10768xf32, #tpu.memory_space<vmem>>[vector<16xi32>], vector<16xf32>,
      %mul3A_2115 = arith.mulf %select_n3A_1768, %gather3A_2114 : vector<16xf32>
      %add3A_2116 = arith.addf %add3A_2110, %mul3A_2115 : vector<16xf32>
      %add3A_2117 = arith.constant 230 : i32
      %add3A_2118 = vector.broadcast %add3A_2117 : i32 to vector<16xi32>
      %add3A_2119 = arith.addi %mul3A_3, %add3A_2118 : vector<16xi32>
      %gather3A_2120 = tpu.vector_load_idx %arg5[%add3A_2119] : memref<10768xf32, #tpu.memory_space<vmem>>[vector<16xi32>], vector<16xf32>,
      %mul3A_2121 = arith.mulf %select_n3A_1708, %gather3A_2120 : vector<16xf32>
      %add3A_2122 = arith.constant 235 : i32
      %add3A_2123 = vector.broadcast %add3A_2122 : i32 to vector<16xi32>
      %add3A_2124 = arith.addi %mul3A_3, %add3A_2123 : vector<16xi32>
      %gather3A_2125 = tpu.vector_load_idx %arg5[%add3A_2124] : memref<10768xf32, #tpu.memory_space<vmem>>[vector<16xi32>], vector<16xf32>,
      %mul3A_2126 = arith.mulf %select_n3A_1723, %gather3A_2125 : vector<16xf32>
      %add3A_2127 = arith.addf %mul3A_2121, %mul3A_2126 : vector<16xf32>
      %add3A_2128 = arith.constant 240 : i32
      %add3A_2129 = vector.broadcast %add3A_2128 : i32 to vector<16xi32>
      %add3A_2130 = arith.addi %mul3A_3, %add3A_2129 : vector<16xi32>
      %gather3A_2131 = tpu.vector_load_idx %arg5[%add3A_2130] : memref<10768xf32, #tpu.memory_space<vmem>>[vector<16xi32>], vector<16xf32>,
      %mul3A_2132 = arith.mulf %select_n3A_1738, %gather3A_2131 : vector<16xf32>
      %add3A_2133 = arith.addf %add3A_2127, %mul3A_2132 : vector<16xf32>
      %add3A_2134 = arith.constant 245 : i32
      %add3A_2135 = vector.broadcast %add3A_2134 : i32 to vector<16xi32>
      %add3A_2136 = arith.addi %mul3A_3, %add3A_2135 : vector<16xi32>
      %gather3A_2137 = tpu.vector_load_idx %arg5[%add3A_2136] : memref<10768xf32, #tpu.memory_space<vmem>>[vector<16xi32>], vector<16xf32>,
      %mul3A_2138 = arith.mulf %select_n3A_1753, %gather3A_2137 : vector<16xf32>
      %add3A_2139 = arith.addf %add3A_2133, %mul3A_2138 : vector<16xf32>
      %add3A_2140 = arith.constant 250 : i32
      %add3A_2141 = vector.broadcast %add3A_2140 : i32 to vector<16xi32>
      %add3A_2142 = arith.addi %mul3A_3, %add3A_2141 : vector<16xi32>
      %gather3A_2143 = tpu.vector_load_idx %arg5[%add3A_2142] : memref<10768xf32, #tpu.memory_space<vmem>>[vector<16xi32>], vector<16xf32>,
      %mul3A_2144 = arith.mulf %select_n3A_1768, %gather3A_2143 : vector<16xf32>
      %add3A_2145 = arith.addf %add3A_2139, %mul3A_2144 : vector<16xf32>
      %add3A_2146 = arith.constant 231 : i32
      %add3A_2147 = vector.broadcast %add3A_2146 : i32 to vector<16xi32>
      %add3A_2148 = arith.addi %mul3A_3, %add3A_2147 : vector<16xi32>
      %gather3A_2149 = tpu.vector_load_idx %arg5[%add3A_2148] : memref<10768xf32, #tpu.memory_space<vmem>>[vector<16xi32>], vector<16xf32>,
      %mul3A_2150 = arith.mulf %select_n3A_1708, %gather3A_2149 : vector<16xf32>
      %add3A_2151 = arith.constant 236 : i32
      %add3A_2152 = vector.broadcast %add3A_2151 : i32 to vector<16xi32>
      %add3A_2153 = arith.addi %mul3A_3, %add3A_2152 : vector<16xi32>
      %gather3A_2154 = tpu.vector_load_idx %arg5[%add3A_2153] : memref<10768xf32, #tpu.memory_space<vmem>>[vector<16xi32>], vector<16xf32>,
      %mul3A_2155 = arith.mulf %select_n3A_1723, %gather3A_2154 : vector<16xf32>
      %add3A_2156 = arith.addf %mul3A_2150, %mul3A_2155 : vector<16xf32>
      %add3A_2157 = arith.constant 241 : i32
      %add3A_2158 = vector.broadcast %add3A_2157 : i32 to vector<16xi32>
      %add3A_2159 = arith.addi %mul3A_3, %add3A_2158 : vector<16xi32>
      %gather3A_2160 = tpu.vector_load_idx %arg5[%add3A_2159] : memref<10768xf32, #tpu.memory_space<vmem>>[vector<16xi32>], vector<16xf32>,
      %mul3A_2161 = arith.mulf %select_n3A_1738, %gather3A_2160 : vector<16xf32>
      %add3A_2162 = arith.addf %add3A_2156, %mul3A_2161 : vector<16xf32>
      %add3A_2163 = arith.constant 246 : i32
      %add3A_2164 = vector.broadcast %add3A_2163 : i32 to vector<16xi32>
      %add3A_2165 = arith.addi %mul3A_3, %add3A_2164 : vector<16xi32>
      %gather3A_2166 = tpu.vector_load_idx %arg5[%add3A_2165] : memref<10768xf32, #tpu.memory_space<vmem>>[vector<16xi32>], vector<16xf32>,
      %mul3A_2167 = arith.mulf %select_n3A_1753, %gather3A_2166 : vector<16xf32>
      %add3A_2168 = arith.addf %add3A_2162, %mul3A_2167 : vector<16xf32>
      %add3A_2169 = arith.constant 251 : i32
      %add3A_2170 = vector.broadcast %add3A_2169 : i32 to vector<16xi32>
      %add3A_2171 = arith.addi %mul3A_3, %add3A_2170 : vector<16xi32>
      %gather3A_2172 = tpu.vector_load_idx %arg5[%add3A_2171] : memref<10768xf32, #tpu.memory_space<vmem>>[vector<16xi32>], vector<16xf32>,
      %mul3A_2173 = arith.mulf %select_n3A_1768, %gather3A_2172 : vector<16xf32>
      %add3A_2174 = arith.addf %add3A_2168, %mul3A_2173 : vector<16xf32>
      %add3A_2175 = arith.constant 232 : i32
      %add3A_2176 = vector.broadcast %add3A_2175 : i32 to vector<16xi32>
      %add3A_2177 = arith.addi %mul3A_3, %add3A_2176 : vector<16xi32>
      %gather3A_2178 = tpu.vector_load_idx %arg5[%add3A_2177] : memref<10768xf32, #tpu.memory_space<vmem>>[vector<16xi32>], vector<16xf32>,
      %mul3A_2179 = arith.mulf %select_n3A_1708, %gather3A_2178 : vector<16xf32>
      %add3A_2180 = arith.constant 237 : i32
      %add3A_2181 = vector.broadcast %add3A_2180 : i32 to vector<16xi32>
      %add3A_2182 = arith.addi %mul3A_3, %add3A_2181 : vector<16xi32>
      %gather3A_2183 = tpu.vector_load_idx %arg5[%add3A_2182] : memref<10768xf32, #tpu.memory_space<vmem>>[vector<16xi32>], vector<16xf32>,
      %mul3A_2184 = arith.mulf %select_n3A_1723, %gather3A_2183 : vector<16xf32>
      %add3A_2185 = arith.addf %mul3A_2179, %mul3A_2184 : vector<16xf32>
      %add3A_2186 = arith.constant 242 : i32
      %add3A_2187 = vector.broadcast %add3A_2186 : i32 to vector<16xi32>
      %add3A_2188 = arith.addi %mul3A_3, %add3A_2187 : vector<16xi32>
      %gather3A_2189 = tpu.vector_load_idx %arg5[%add3A_2188] : memref<10768xf32, #tpu.memory_space<vmem>>[vector<16xi32>], vector<16xf32>,
      %mul3A_2190 = arith.mulf %select_n3A_1738, %gather3A_2189 : vector<16xf32>
      %add3A_2191 = arith.addf %add3A_2185, %mul3A_2190 : vector<16xf32>
      %add3A_2192 = arith.constant 247 : i32
      %add3A_2193 = vector.broadcast %add3A_2192 : i32 to vector<16xi32>
      %add3A_2194 = arith.addi %mul3A_3, %add3A_2193 : vector<16xi32>
      %gather3A_2195 = tpu.vector_load_idx %arg5[%add3A_2194] : memref<10768xf32, #tpu.memory_space<vmem>>[vector<16xi32>], vector<16xf32>,
      %mul3A_2196 = arith.mulf %select_n3A_1753, %gather3A_2195 : vector<16xf32>
      %add3A_2197 = arith.addf %add3A_2191, %mul3A_2196 : vector<16xf32>
      %add3A_2198 = arith.constant 252 : i32
      %add3A_2199 = vector.broadcast %add3A_2198 : i32 to vector<16xi32>
      %add3A_2200 = arith.addi %mul3A_3, %add3A_2199 : vector<16xi32>
      %gather3A_2201 = tpu.vector_load_idx %arg5[%add3A_2200] : memref<10768xf32, #tpu.memory_space<vmem>>[vector<16xi32>], vector<16xf32>,
      %mul3A_2202 = arith.mulf %select_n3A_1768, %gather3A_2201 : vector<16xf32>
      %add3A_2203 = arith.addf %add3A_2197, %mul3A_2202 : vector<16xf32>
      %add3A_2204 = arith.constant 253 : i32
      %add3A_2205 = vector.broadcast %add3A_2204 : i32 to vector<16xi32>
      %add3A_2206 = arith.addi %mul3A_3, %add3A_2205 : vector<16xi32>
      %gather3A_2207 = tpu.vector_load_idx %arg5[%add3A_2206] : memref<10768xf32, #tpu.memory_space<vmem>>[vector<16xi32>], vector<16xf32>,
      %mul3A_2208 = arith.mulf %select_n3A_1708, %gather3A_2207 : vector<16xf32>
      %add3A_2209 = arith.constant 258 : i32
      %add3A_2210 = vector.broadcast %add3A_2209 : i32 to vector<16xi32>
      %add3A_2211 = arith.addi %mul3A_3, %add3A_2210 : vector<16xi32>
      %gather3A_2212 = tpu.vector_load_idx %arg5[%add3A_2211] : memref<10768xf32, #tpu.memory_space<vmem>>[vector<16xi32>], vector<16xf32>,
      %mul3A_2213 = arith.mulf %select_n3A_1723, %gather3A_2212 : vector<16xf32>
      %add3A_2214 = arith.addf %mul3A_2208, %mul3A_2213 : vector<16xf32>
      %add3A_2215 = arith.constant 263 : i32
      %add3A_2216 = vector.broadcast %add3A_2215 : i32 to vector<16xi32>
      %add3A_2217 = arith.addi %mul3A_3, %add3A_2216 : vector<16xi32>
      %gather3A_2218 = tpu.vector_load_idx %arg5[%add3A_2217] : memref<10768xf32, #tpu.memory_space<vmem>>[vector<16xi32>], vector<16xf32>,
      %mul3A_2219 = arith.mulf %select_n3A_1738, %gather3A_2218 : vector<16xf32>
      %add3A_2220 = arith.addf %add3A_2214, %mul3A_2219 : vector<16xf32>
      %add3A_2221 = arith.constant 268 : i32
      %add3A_2222 = vector.broadcast %add3A_2221 : i32 to vector<16xi32>
      %add3A_2223 = arith.addi %mul3A_3, %add3A_2222 : vector<16xi32>
      %gather3A_2224 = tpu.vector_load_idx %arg5[%add3A_2223] : memref<10768xf32, #tpu.memory_space<vmem>>[vector<16xi32>], vector<16xf32>,
      %mul3A_2225 = arith.mulf %select_n3A_1753, %gather3A_2224 : vector<16xf32>
      %add3A_2226 = arith.addf %add3A_2220, %mul3A_2225 : vector<16xf32>
      %add3A_2227 = arith.constant 273 : i32
      %add3A_2228 = vector.broadcast %add3A_2227 : i32 to vector<16xi32>
      %add3A_2229 = arith.addi %mul3A_3, %add3A_2228 : vector<16xi32>
      %gather3A_2230 = tpu.vector_load_idx %arg5[%add3A_2229] : memref<10768xf32, #tpu.memory_space<vmem>>[vector<16xi32>], vector<16xf32>,
      %mul3A_2231 = arith.mulf %select_n3A_1768, %gather3A_2230 : vector<16xf32>
      %add3A_2232 = arith.addf %add3A_2226, %mul3A_2231 : vector<16xf32>
      %add3A_2233 = arith.constant 254 : i32
      %add3A_2234 = vector.broadcast %add3A_2233 : i32 to vector<16xi32>
      %add3A_2235 = arith.addi %mul3A_3, %add3A_2234 : vector<16xi32>
      %gather3A_2236 = tpu.vector_load_idx %arg5[%add3A_2235] : memref<10768xf32, #tpu.memory_space<vmem>>[vector<16xi32>], vector<16xf32>,
      %mul3A_2237 = arith.mulf %select_n3A_1708, %gather3A_2236 : vector<16xf32>
      %add3A_2238 = arith.constant 259 : i32
      %add3A_2239 = vector.broadcast %add3A_2238 : i32 to vector<16xi32>
      %add3A_2240 = arith.addi %mul3A_3, %add3A_2239 : vector<16xi32>
      %gather3A_2241 = tpu.vector_load_idx %arg5[%add3A_2240] : memref<10768xf32, #tpu.memory_space<vmem>>[vector<16xi32>], vector<16xf32>,
      %mul3A_2242 = arith.mulf %select_n3A_1723, %gather3A_2241 : vector<16xf32>
      %add3A_2243 = arith.addf %mul3A_2237, %mul3A_2242 : vector<16xf32>
      %add3A_2244 = arith.constant 264 : i32
      %add3A_2245 = vector.broadcast %add3A_2244 : i32 to vector<16xi32>
      %add3A_2246 = arith.addi %mul3A_3, %add3A_2245 : vector<16xi32>
      %gather3A_2247 = tpu.vector_load_idx %arg5[%add3A_2246] : memref<10768xf32, #tpu.memory_space<vmem>>[vector<16xi32>], vector<16xf32>,
      %mul3A_2248 = arith.mulf %select_n3A_1738, %gather3A_2247 : vector<16xf32>
      %add3A_2249 = arith.addf %add3A_2243, %mul3A_2248 : vector<16xf32>
      %add3A_2250 = arith.constant 269 : i32
      %add3A_2251 = vector.broadcast %add3A_2250 : i32 to vector<16xi32>
      %add3A_2252 = arith.addi %mul3A_3, %add3A_2251 : vector<16xi32>
      %gather3A_2253 = tpu.vector_load_idx %arg5[%add3A_2252] : memref<10768xf32, #tpu.memory_space<vmem>>[vector<16xi32>], vector<16xf32>,
      %mul3A_2254 = arith.mulf %select_n3A_1753, %gather3A_2253 : vector<16xf32>
      %add3A_2255 = arith.addf %add3A_2249, %mul3A_2254 : vector<16xf32>
      %add3A_2256 = arith.constant 274 : i32
      %add3A_2257 = vector.broadcast %add3A_2256 : i32 to vector<16xi32>
      %add3A_2258 = arith.addi %mul3A_3, %add3A_2257 : vector<16xi32>
      %gather3A_2259 = tpu.vector_load_idx %arg5[%add3A_2258] : memref<10768xf32, #tpu.memory_space<vmem>>[vector<16xi32>], vector<16xf32>,
      %mul3A_2260 = arith.mulf %select_n3A_1768, %gather3A_2259 : vector<16xf32>
      %add3A_2261 = arith.addf %add3A_2255, %mul3A_2260 : vector<16xf32>
      %add3A_2262 = arith.constant 255 : i32
      %add3A_2263 = vector.broadcast %add3A_2262 : i32 to vector<16xi32>
      %add3A_2264 = arith.addi %mul3A_3, %add3A_2263 : vector<16xi32>
      %gather3A_2265 = tpu.vector_load_idx %arg5[%add3A_2264] : memref<10768xf32, #tpu.memory_space<vmem>>[vector<16xi32>], vector<16xf32>,
      %mul3A_2266 = arith.mulf %select_n3A_1708, %gather3A_2265 : vector<16xf32>
      %add3A_2267 = arith.constant 260 : i32
      %add3A_2268 = vector.broadcast %add3A_2267 : i32 to vector<16xi32>
      %add3A_2269 = arith.addi %mul3A_3, %add3A_2268 : vector<16xi32>
      %gather3A_2270 = tpu.vector_load_idx %arg5[%add3A_2269] : memref<10768xf32, #tpu.memory_space<vmem>>[vector<16xi32>], vector<16xf32>,
      %mul3A_2271 = arith.mulf %select_n3A_1723, %gather3A_2270 : vector<16xf32>
      %add3A_2272 = arith.addf %mul3A_2266, %mul3A_2271 : vector<16xf32>
      %add3A_2273 = arith.constant 265 : i32
      %add3A_2274 = vector.broadcast %add3A_2273 : i32 to vector<16xi32>
      %add3A_2275 = arith.addi %mul3A_3, %add3A_2274 : vector<16xi32>
      %gather3A_2276 = tpu.vector_load_idx %arg5[%add3A_2275] : memref<10768xf32, #tpu.memory_space<vmem>>[vector<16xi32>], vector<16xf32>,
      %mul3A_2277 = arith.mulf %select_n3A_1738, %gather3A_2276 : vector<16xf32>
      %add3A_2278 = arith.addf %add3A_2272, %mul3A_2277 : vector<16xf32>
      %add3A_2279 = arith.constant 270 : i32
      %add3A_2280 = vector.broadcast %add3A_2279 : i32 to vector<16xi32>
      %add3A_2281 = arith.addi %mul3A_3, %add3A_2280 : vector<16xi32>
      %gather3A_2282 = tpu.vector_load_idx %arg5[%add3A_2281] : memref<10768xf32, #tpu.memory_space<vmem>>[vector<16xi32>], vector<16xf32>,
      %mul3A_2283 = arith.mulf %select_n3A_1753, %gather3A_2282 : vector<16xf32>
      %add3A_2284 = arith.addf %add3A_2278, %mul3A_2283 : vector<16xf32>
      %add3A_2285 = arith.constant 275 : i32
      %add3A_2286 = vector.broadcast %add3A_2285 : i32 to vector<16xi32>
      %add3A_2287 = arith.addi %mul3A_3, %add3A_2286 : vector<16xi32>
      %gather3A_2288 = tpu.vector_load_idx %arg5[%add3A_2287] : memref<10768xf32, #tpu.memory_space<vmem>>[vector<16xi32>], vector<16xf32>,
      %mul3A_2289 = arith.mulf %select_n3A_1768, %gather3A_2288 : vector<16xf32>
      %add3A_2290 = arith.addf %add3A_2284, %mul3A_2289 : vector<16xf32>
      %add3A_2291 = arith.constant 256 : i32
      %add3A_2292 = vector.broadcast %add3A_2291 : i32 to vector<16xi32>
      %add3A_2293 = arith.addi %mul3A_3, %add3A_2292 : vector<16xi32>
      %gather3A_2294 = tpu.vector_load_idx %arg5[%add3A_2293] : memref<10768xf32, #tpu.memory_space<vmem>>[vector<16xi32>], vector<16xf32>,
      %mul3A_2295 = arith.mulf %select_n3A_1708, %gather3A_2294 : vector<16xf32>
      %add3A_2296 = arith.constant 261 : i32
      %add3A_2297 = vector.broadcast %add3A_2296 : i32 to vector<16xi32>
      %add3A_2298 = arith.addi %mul3A_3, %add3A_2297 : vector<16xi32>
      %gather3A_2299 = tpu.vector_load_idx %arg5[%add3A_2298] : memref<10768xf32, #tpu.memory_space<vmem>>[vector<16xi32>], vector<16xf32>,
      %mul3A_2300 = arith.mulf %select_n3A_1723, %gather3A_2299 : vector<16xf32>
      %add3A_2301 = arith.addf %mul3A_2295, %mul3A_2300 : vector<16xf32>
      %add3A_2302 = arith.constant 266 : i32
      %add3A_2303 = vector.broadcast %add3A_2302 : i32 to vector<16xi32>
      %add3A_2304 = arith.addi %mul3A_3, %add3A_2303 : vector<16xi32>
      %gather3A_2305 = tpu.vector_load_idx %arg5[%add3A_2304] : memref<10768xf32, #tpu.memory_space<vmem>>[vector<16xi32>], vector<16xf32>,
      %mul3A_2306 = arith.mulf %select_n3A_1738, %gather3A_2305 : vector<16xf32>
      %add3A_2307 = arith.addf %add3A_2301, %mul3A_2306 : vector<16xf32>
      %add3A_2308 = arith.constant 271 : i32
      %add3A_2309 = vector.broadcast %add3A_2308 : i32 to vector<16xi32>
      %add3A_2310 = arith.addi %mul3A_3, %add3A_2309 : vector<16xi32>
      %gather3A_2311 = tpu.vector_load_idx %arg5[%add3A_2310] : memref<10768xf32, #tpu.memory_space<vmem>>[vector<16xi32>], vector<16xf32>,
      %mul3A_2312 = arith.mulf %select_n3A_1753, %gather3A_2311 : vector<16xf32>
      %add3A_2313 = arith.addf %add3A_2307, %mul3A_2312 : vector<16xf32>
      %add3A_2314 = arith.constant 276 : i32
      %add3A_2315 = vector.broadcast %add3A_2314 : i32 to vector<16xi32>
      %add3A_2316 = arith.addi %mul3A_3, %add3A_2315 : vector<16xi32>
      %gather3A_2317 = tpu.vector_load_idx %arg5[%add3A_2316] : memref<10768xf32, #tpu.memory_space<vmem>>[vector<16xi32>], vector<16xf32>,
      %mul3A_2318 = arith.mulf %select_n3A_1768, %gather3A_2317 : vector<16xf32>
      %add3A_2319 = arith.addf %add3A_2313, %mul3A_2318 : vector<16xf32>
      %add3A_2320 = arith.constant 257 : i32
      %add3A_2321 = vector.broadcast %add3A_2320 : i32 to vector<16xi32>
      %add3A_2322 = arith.addi %mul3A_3, %add3A_2321 : vector<16xi32>
      %gather3A_2323 = tpu.vector_load_idx %arg5[%add3A_2322] : memref<10768xf32, #tpu.memory_space<vmem>>[vector<16xi32>], vector<16xf32>,
      %mul3A_2324 = arith.mulf %select_n3A_1708, %gather3A_2323 : vector<16xf32>
      %add3A_2325 = arith.constant 262 : i32
      %add3A_2326 = vector.broadcast %add3A_2325 : i32 to vector<16xi32>
      %add3A_2327 = arith.addi %mul3A_3, %add3A_2326 : vector<16xi32>
      %gather3A_2328 = tpu.vector_load_idx %arg5[%add3A_2327] : memref<10768xf32, #tpu.memory_space<vmem>>[vector<16xi32>], vector<16xf32>,
      %mul3A_2329 = arith.mulf %select_n3A_1723, %gather3A_2328 : vector<16xf32>
      %add3A_2330 = arith.addf %mul3A_2324, %mul3A_2329 : vector<16xf32>
      %add3A_2331 = arith.constant 267 : i32
      %add3A_2332 = vector.broadcast %add3A_2331 : i32 to vector<16xi32>
      %add3A_2333 = arith.addi %mul3A_3, %add3A_2332 : vector<16xi32>
      %gather3A_2334 = tpu.vector_load_idx %arg5[%add3A_2333] : memref<10768xf32, #tpu.memory_space<vmem>>[vector<16xi32>], vector<16xf32>,
      %mul3A_2335 = arith.mulf %select_n3A_1738, %gather3A_2334 : vector<16xf32>
      %add3A_2336 = arith.addf %add3A_2330, %mul3A_2335 : vector<16xf32>
      %add3A_2337 = arith.constant 272 : i32
      %add3A_2338 = vector.broadcast %add3A_2337 : i32 to vector<16xi32>
      %add3A_2339 = arith.addi %mul3A_3, %add3A_2338 : vector<16xi32>
      %gather3A_2340 = tpu.vector_load_idx %arg5[%add3A_2339] : memref<10768xf32, #tpu.memory_space<vmem>>[vector<16xi32>], vector<16xf32>,
      %mul3A_2341 = arith.mulf %select_n3A_1753, %gather3A_2340 : vector<16xf32>
      %add3A_2342 = arith.addf %add3A_2336, %mul3A_2341 : vector<16xf32>
      %add3A_2343 = arith.constant 277 : i32
      %add3A_2344 = vector.broadcast %add3A_2343 : i32 to vector<16xi32>
      %add3A_2345 = arith.addi %mul3A_3, %add3A_2344 : vector<16xi32>
      %gather3A_2346 = tpu.vector_load_idx %arg5[%add3A_2345] : memref<10768xf32, #tpu.memory_space<vmem>>[vector<16xi32>], vector<16xf32>,
      %mul3A_2347 = arith.mulf %select_n3A_1768, %gather3A_2346 : vector<16xf32>
      %add3A_2348 = arith.addf %add3A_2342, %mul3A_2347 : vector<16xf32>
      %broadcast_in_dim3A_2349 = arith.constant 0.000000e+00 : f32
      %broadcast_in_dim3A_2350 = vector.broadcast %broadcast_in_dim3A_2349 : f32 to vector<16xf32>
      %swap3A_2351 = arith.constant 0 : index
      %swap3A_2352 = tpu.vector_load %arg7[%swap3A_2351] {strides = array<i32>} : memref<80xf32, #tpu.memory_space<vmem>>, vector<16xf32>,
      tpu.vector_store %arg7[%swap3A_2351], %add3A_1942 {strides = array<i32>} : memref<80xf32, #tpu.memory_space<vmem>>, vector<16xf32>,
      %swap3A_2353 = arith.constant 0 : index
      %swap3A_2354 = tpu.vector_load %arg8[%swap3A_2353] {strides = array<i32>} : memref<80xf32, #tpu.memory_space<vmem>>, vector<16xf32>,
      tpu.vector_store %arg8[%swap3A_2353], %add3A_2087 {strides = array<i32>} : memref<80xf32, #tpu.memory_space<vmem>>, vector<16xf32>,
      %swap3A_2355 = arith.constant 0 : index
      %swap3A_2356 = tpu.vector_load %arg9[%swap3A_2355] {strides = array<i32>} : memref<80xf32, #tpu.memory_space<vmem>>, vector<16xf32>,
      tpu.vector_store %arg9[%swap3A_2355], %add3A_2232 {strides = array<i32>} : memref<80xf32, #tpu.memory_space<vmem>>, vector<16xf32>,
      %swap3A_2357 = arith.constant 0 : index
      %swap3A_2358 = tpu.vector_load %arg10[%swap3A_2357] {strides = array<i32>} : memref<80xf32, #tpu.memory_space<vmem>>, vector<16xf32>,
      tpu.vector_store %arg10[%swap3A_2357], %broadcast_in_dim3A_2350 {strides = array<i32>} : memref<80xf32, #tpu.memory_space<vmem>>, vector<16xf32>,
      %swap3A_2359 = arith.constant 16 : index
      %swap3A_2360 = tpu.vector_load %arg7[%swap3A_2359] {strides = array<i32>} : memref<80xf32, #tpu.memory_space<vmem>>, vector<16xf32>,
      tpu.vector_store %arg7[%swap3A_2359], %add3A_1971 {strides = array<i32>} : memref<80xf32, #tpu.memory_space<vmem>>, vector<16xf32>,
      %swap3A_2361 = arith.constant 16 : index
      %swap3A_2362 = tpu.vector_load %arg8[%swap3A_2361] {strides = array<i32>} : memref<80xf32, #tpu.memory_space<vmem>>, vector<16xf32>,
      tpu.vector_store %arg8[%swap3A_2361], %add3A_2116 {strides = array<i32>} : memref<80xf32, #tpu.memory_space<vmem>>, vector<16xf32>,
      %swap3A_2363 = arith.constant 16 : index
      %swap3A_2364 = tpu.vector_load %arg9[%swap3A_2363] {strides = array<i32>} : memref<80xf32, #tpu.memory_space<vmem>>, vector<16xf32>,
      tpu.vector_store %arg9[%swap3A_2363], %add3A_2261 {strides = array<i32>} : memref<80xf32, #tpu.memory_space<vmem>>, vector<16xf32>,
      %swap3A_2365 = arith.constant 16 : index
      %swap3A_2366 = tpu.vector_load %arg10[%swap3A_2365] {strides = array<i32>} : memref<80xf32, #tpu.memory_space<vmem>>, vector<16xf32>,
      tpu.vector_store %arg10[%swap3A_2365], %broadcast_in_dim3A_2350 {strides = array<i32>} : memref<80xf32, #tpu.memory_space<vmem>>, vector<16xf32>,
      %swap3A_2367 = arith.constant 32 : index
      %swap3A_2368 = tpu.vector_load %arg7[%swap3A_2367] {strides = array<i32>} : memref<80xf32, #tpu.memory_space<vmem>>, vector<16xf32>,
      tpu.vector_store %arg7[%swap3A_2367], %add3A_2000 {strides = array<i32>} : memref<80xf32, #tpu.memory_space<vmem>>, vector<16xf32>,
      %swap3A_2369 = arith.constant 32 : index
      %swap3A_2370 = tpu.vector_load %arg8[%swap3A_2369] {strides = array<i32>} : memref<80xf32, #tpu.memory_space<vmem>>, vector<16xf32>,
      tpu.vector_store %arg8[%swap3A_2369], %add3A_2145 {strides = array<i32>} : memref<80xf32, #tpu.memory_space<vmem>>, vector<16xf32>,
      %swap3A_2371 = arith.constant 32 : index
      %swap3A_2372 = tpu.vector_load %arg9[%swap3A_2371] {strides = array<i32>} : memref<80xf32, #tpu.memory_space<vmem>>, vector<16xf32>,
      tpu.vector_store %arg9[%swap3A_2371], %add3A_2290 {strides = array<i32>} : memref<80xf32, #tpu.memory_space<vmem>>, vector<16xf32>,
      %swap3A_2373 = arith.constant 32 : index
      %swap3A_2374 = tpu.vector_load %arg10[%swap3A_2373] {strides = array<i32>} : memref<80xf32, #tpu.memory_space<vmem>>, vector<16xf32>,
      tpu.vector_store %arg10[%swap3A_2373], %broadcast_in_dim3A_2350 {strides = array<i32>} : memref<80xf32, #tpu.memory_space<vmem>>, vector<16xf32>,
      %swap3A_2375 = arith.constant 48 : index
      %swap3A_2376 = tpu.vector_load %arg7[%swap3A_2375] {strides = array<i32>} : memref<80xf32, #tpu.memory_space<vmem>>, vector<16xf32>,
      tpu.vector_store %arg7[%swap3A_2375], %add3A_2029 {strides = array<i32>} : memref<80xf32, #tpu.memory_space<vmem>>, vector<16xf32>,
      %swap3A_2377 = arith.constant 48 : index
      %swap3A_2378 = tpu.vector_load %arg8[%swap3A_2377] {strides = array<i32>} : memref<80xf32, #tpu.memory_space<vmem>>, vector<16xf32>,
      tpu.vector_store %arg8[%swap3A_2377], %add3A_2174 {strides = array<i32>} : memref<80xf32, #tpu.memory_space<vmem>>, vector<16xf32>,
      %swap3A_2379 = arith.constant 48 : index
      %swap3A_2380 = tpu.vector_load %arg9[%swap3A_2379] {strides = array<i32>} : memref<80xf32, #tpu.memory_space<vmem>>, vector<16xf32>,
      tpu.vector_store %arg9[%swap3A_2379], %add3A_2319 {strides = array<i32>} : memref<80xf32, #tpu.memory_space<vmem>>, vector<16xf32>,
      %swap3A_2381 = arith.constant 48 : index
      %swap3A_2382 = tpu.vector_load %arg10[%swap3A_2381] {strides = array<i32>} : memref<80xf32, #tpu.memory_space<vmem>>, vector<16xf32>,
      tpu.vector_store %arg10[%swap3A_2381], %broadcast_in_dim3A_2350 {strides = array<i32>} : memref<80xf32, #tpu.memory_space<vmem>>, vector<16xf32>,
      %swap3A_2383 = arith.constant 64 : index
      %swap3A_2384 = tpu.vector_load %arg7[%swap3A_2383] {strides = array<i32>} : memref<80xf32, #tpu.memory_space<vmem>>, vector<16xf32>,
      tpu.vector_store %arg7[%swap3A_2383], %add3A_2058 {strides = array<i32>} : memref<80xf32, #tpu.memory_space<vmem>>, vector<16xf32>,
      %swap3A_2385 = arith.constant 64 : index
      %swap3A_2386 = tpu.vector_load %arg8[%swap3A_2385] {strides = array<i32>} : memref<80xf32, #tpu.memory_space<vmem>>, vector<16xf32>,
      tpu.vector_store %arg8[%swap3A_2385], %add3A_2203 {strides = array<i32>} : memref<80xf32, #tpu.memory_space<vmem>>, vector<16xf32>,
      %swap3A_2387 = arith.constant 64 : index
      %swap3A_2388 = tpu.vector_load %arg9[%swap3A_2387] {strides = array<i32>} : memref<80xf32, #tpu.memory_space<vmem>>, vector<16xf32>,
      tpu.vector_store %arg9[%swap3A_2387], %add3A_2348 {strides = array<i32>} : memref<80xf32, #tpu.memory_space<vmem>>, vector<16xf32>,
      %swap3A_2389 = arith.constant 64 : index
      %swap3A_2390 = tpu.vector_load %arg10[%swap3A_2389] {strides = array<i32>} : memref<80xf32, #tpu.memory_space<vmem>>, vector<16xf32>,
      tpu.vector_store %arg10[%swap3A_2389], %broadcast_in_dim3A_2350 {strides = array<i32>} : memref<80xf32, #tpu.memory_space<vmem>>, vector<16xf32>,
      %add3A_2391 = arith.constant 0 : i32
      %add3A_2392 = vector.broadcast %add3A_2391 : i32 to vector<16xi32>
      %add3A_2393 = arith.addi %get3A_4, %add3A_2392 : vector<16xi32>
      %add3A_2394 = arith.constant 0 : i32
      %add3A_2395 = vector.broadcast %add3A_2394 : i32 to vector<16xi32>
      %add3A_2396 = arith.addi %get3A_6, %add3A_2395 : vector<16xi32>
      %gather3A_2397 = tpu.vector_load_idx %arg7[%add3A_2393] : memref<80xf32, #tpu.memory_space<vmem>>[vector<16xi32>], vector<16xf32>,
      %gather3A_2398 = tpu.vector_load_idx %arg8[%add3A_2396] : memref<80xf32, #tpu.memory_space<vmem>>[vector<16xi32>], vector<16xf32>,
      %gather3A_2399 = tpu.vector_load_idx %arg9[%add3A_2393] : memref<80xf32, #tpu.memory_space<vmem>>[vector<16xi32>], vector<16xf32>,
      %add3A_2400 = arith.addf %gather3A_2398, %gather3A_2399 : vector<16xf32>
      %jit3A_2401 = arith.constant -3.000000e+01 : f32
      %jit3A_2402 = arith.constant 3.000000e+01 : f32
      %max3A_2403 = vector.broadcast %jit3A_2401 : f32 to vector<16xf32>
      %max3A_2404 = arith.maximumf %max3A_2403, %add3A_2400 : vector<16xf32>
      %min3A_2405 = vector.broadcast %jit3A_2402 : f32 to vector<16xf32>
      %min3A_2406 = arith.minimumf %min3A_2405, %max3A_2404 : vector<16xf32>
      %neg3A_2407 = arith.constant 0.000000e+00 : f32
      %neg3A_2408 = vector.broadcast %neg3A_2407 : f32 to vector<16xf32>
      %neg3A_2409 = arith.subf %neg3A_2408, %min3A_2406 : vector<16xf32>
      %mul3A_2410 = arith.constant 1.44269502 : f32
      %mul3A_2411 = vector.broadcast %mul3A_2410 : f32 to vector<16xf32>
      %mul3A_2412 = arith.mulf %neg3A_2409, %mul3A_2411 : vector<16xf32>
      %add3A_2413 = arith.constant 0x4B400000 : f32
      %add3A_2414 = vector.broadcast %add3A_2413 : f32 to vector<16xf32>
      %add3A_2415 = arith.addf %mul3A_2412, %add3A_2414 : vector<16xf32>
      %sub3A_2416 = arith.constant 0x4B400000 : f32
      %sub3A_2417 = vector.broadcast %sub3A_2416 : f32 to vector<16xf32>
      %sub3A_2418 = arith.subf %add3A_2415, %sub3A_2417 : vector<16xf32>
      %neg3A_2419 = arith.constant 0.000000e+00 : f32
      %neg3A_2420 = vector.broadcast %neg3A_2419 : f32 to vector<16xf32>
      %neg3A_2421 = arith.subf %neg3A_2420, %min3A_2406 : vector<16xf32>
      %mul3A_2422 = arith.constant 0.693359375 : f32
      %mul3A_2423 = vector.broadcast %mul3A_2422 : f32 to vector<16xf32>
      %mul3A_2424 = arith.mulf %sub3A_2418, %mul3A_2423 : vector<16xf32>
      %sub3A_2425 = arith.subf %neg3A_2421, %mul3A_2424 : vector<16xf32>
      %mul3A_2426 = arith.constant -2.12194442E-4 : f32
      %mul3A_2427 = vector.broadcast %mul3A_2426 : f32 to vector<16xf32>
      %mul3A_2428 = arith.mulf %sub3A_2418, %mul3A_2427 : vector<16xf32>
      %sub3A_2429 = arith.subf %sub3A_2425, %mul3A_2428 : vector<16xf32>
      %mul3A_2430 = arith.constant 0.00138888892 : f32
      %mul3A_2431 = vector.broadcast %mul3A_2430 : f32 to vector<16xf32>
      %mul3A_2432 = arith.mulf %mul3A_2431, %sub3A_2429 : vector<16xf32>
      %add3A_2433 = arith.constant 0.00833333377 : f32
      %add3A_2434 = vector.broadcast %add3A_2433 : f32 to vector<16xf32>
      %add3A_2435 = arith.addf %mul3A_2432, %add3A_2434 : vector<16xf32>
      %mul3A_2436 = arith.mulf %add3A_2435, %sub3A_2429 : vector<16xf32>
      %add3A_2437 = arith.constant 0.0416666679 : f32
      %add3A_2438 = vector.broadcast %add3A_2437 : f32 to vector<16xf32>
      %add3A_2439 = arith.addf %mul3A_2436, %add3A_2438 : vector<16xf32>
      %mul3A_2440 = arith.mulf %add3A_2439, %sub3A_2429 : vector<16xf32>
      %add3A_2441 = arith.constant 0.166666672 : f32
      %add3A_2442 = vector.broadcast %add3A_2441 : f32 to vector<16xf32>
      %add3A_2443 = arith.addf %mul3A_2440, %add3A_2442 : vector<16xf32>
      %mul3A_2444 = arith.mulf %add3A_2443, %sub3A_2429 : vector<16xf32>
      %add3A_2445 = arith.constant 5.000000e-01 : f32
      %add3A_2446 = vector.broadcast %add3A_2445 : f32 to vector<16xf32>
      %add3A_2447 = arith.addf %mul3A_2444, %add3A_2446 : vector<16xf32>
      %mul3A_2448 = arith.mulf %add3A_2447, %sub3A_2429 : vector<16xf32>
      %add3A_2449 = arith.constant 1.000000e+00 : f32
      %add3A_2450 = vector.broadcast %add3A_2449 : f32 to vector<16xf32>
      %add3A_2451 = arith.addf %mul3A_2448, %add3A_2450 : vector<16xf32>
      %mul3A_2452 = arith.mulf %add3A_2451, %sub3A_2429 : vector<16xf32>
      %add3A_2453 = arith.constant 1.000000e+00 : f32
      %add3A_2454 = vector.broadcast %add3A_2453 : f32 to vector<16xf32>
      %add3A_2455 = arith.addf %mul3A_2452, %add3A_2454 : vector<16xf32>
      %convert_element_type3A_2456 = arith.fptosi %sub3A_2418 : vector<16xf32> to vector<16xi32>
      %add3A_2457 = arith.constant 127 : i32
      %add3A_2458 = vector.broadcast %add3A_2457 : i32 to vector<16xi32>
      %add3A_2459 = arith.addi %convert_element_type3A_2456, %add3A_2458 : vector<16xi32>
      %shift_left3A_2460 = arith.constant 23 : i32
      %shift_left3A_2461 = vector.broadcast %shift_left3A_2460 : i32 to vector<16xi32>
      %shift_left3A_2462 = arith.shli %add3A_2459, %shift_left3A_2461 : vector<16xi32>
      %bitcast_convert_type3A_2463 = tpu.bitcast %shift_left3A_2462 : vector<16xi32> -> vector<16xf32>
      %mul3A_2464 = arith.mulf %add3A_2455, %bitcast_convert_type3A_2463 : vector<16xf32>
      %add3A_2465 = arith.constant 1.000000e+00 : f32
      %add3A_2466 = vector.broadcast %add3A_2465 : f32 to vector<16xf32>
      %add3A_2467 = arith.addf %add3A_2466, %mul3A_2464 : vector<16xf32>
      %div3A_2468 = arith.constant 1.000000e+00 : f32
      %div3A_2469 = vector.broadcast %div3A_2468 : f32 to vector<16xf32>
      %div3A_2470 = arith.divf %div3A_2469, %add3A_2467 : vector<16xf32>
      %mul3A_2471 = arith.mulf %add3A_2467, %div3A_2470 : vector<16xf32>
      %sub3A_2472 = arith.constant 2.000000e+00 : f32
      %sub3A_2473 = vector.broadcast %sub3A_2472 : f32 to vector<16xf32>
      %sub3A_2474 = arith.subf %sub3A_2473, %mul3A_2471 : vector<16xf32>
      %mul3A_2475 = arith.mulf %div3A_2470, %sub3A_2474 : vector<16xf32>
      %mul3A_2476 = arith.mulf %mul3A_2475, %gather3A_2397 : vector<16xf32>
      tpu.vector_store_idx %arg10[%add3A_2396], %mul3A_2476 {add = true} : memref<80xf32, #tpu.memory_space<vmem>>[vector<16xi32>], vector<16xf32>,
      %add3A_2477 = arith.constant 16 : i32
      %add3A_2478 = vector.broadcast %add3A_2477 : i32 to vector<16xi32>
      %add3A_2479 = arith.addi %get3A_4, %add3A_2478 : vector<16xi32>
      %add3A_2480 = arith.constant 16 : i32
      %add3A_2481 = vector.broadcast %add3A_2480 : i32 to vector<16xi32>
      %add3A_2482 = arith.addi %get3A_6, %add3A_2481 : vector<16xi32>
      %gather3A_2483 = tpu.vector_load_idx %arg7[%add3A_2479] : memref<80xf32, #tpu.memory_space<vmem>>[vector<16xi32>], vector<16xf32>,
      %gather3A_2484 = tpu.vector_load_idx %arg8[%add3A_2482] : memref<80xf32, #tpu.memory_space<vmem>>[vector<16xi32>], vector<16xf32>,
      %gather3A_2485 = tpu.vector_load_idx %arg9[%add3A_2479] : memref<80xf32, #tpu.memory_space<vmem>>[vector<16xi32>], vector<16xf32>,
      %add3A_2486 = arith.addf %gather3A_2484, %gather3A_2485 : vector<16xf32>
      %jit3A_2487 = arith.constant -3.000000e+01 : f32
      %jit3A_2488 = arith.constant 3.000000e+01 : f32
      %max3A_2489 = vector.broadcast %jit3A_2487 : f32 to vector<16xf32>
      %max3A_2490 = arith.maximumf %max3A_2489, %add3A_2486 : vector<16xf32>
      %min3A_2491 = vector.broadcast %jit3A_2488 : f32 to vector<16xf32>
      %min3A_2492 = arith.minimumf %min3A_2491, %max3A_2490 : vector<16xf32>
      %neg3A_2493 = arith.constant 0.000000e+00 : f32
      %neg3A_2494 = vector.broadcast %neg3A_2493 : f32 to vector<16xf32>
      %neg3A_2495 = arith.subf %neg3A_2494, %min3A_2492 : vector<16xf32>
      %mul3A_2496 = arith.constant 1.44269502 : f32
      %mul3A_2497 = vector.broadcast %mul3A_2496 : f32 to vector<16xf32>
      %mul3A_2498 = arith.mulf %neg3A_2495, %mul3A_2497 : vector<16xf32>
      %add3A_2499 = arith.constant 0x4B400000 : f32
      %add3A_2500 = vector.broadcast %add3A_2499 : f32 to vector<16xf32>
      %add3A_2501 = arith.addf %mul3A_2498, %add3A_2500 : vector<16xf32>
      %sub3A_2502 = arith.constant 0x4B400000 : f32
      %sub3A_2503 = vector.broadcast %sub3A_2502 : f32 to vector<16xf32>
      %sub3A_2504 = arith.subf %add3A_2501, %sub3A_2503 : vector<16xf32>
      %neg3A_2505 = arith.constant 0.000000e+00 : f32
      %neg3A_2506 = vector.broadcast %neg3A_2505 : f32 to vector<16xf32>
      %neg3A_2507 = arith.subf %neg3A_2506, %min3A_2492 : vector<16xf32>
      %mul3A_2508 = arith.constant 0.693359375 : f32
      %mul3A_2509 = vector.broadcast %mul3A_2508 : f32 to vector<16xf32>
      %mul3A_2510 = arith.mulf %sub3A_2504, %mul3A_2509 : vector<16xf32>
      %sub3A_2511 = arith.subf %neg3A_2507, %mul3A_2510 : vector<16xf32>
      %mul3A_2512 = arith.constant -2.12194442E-4 : f32
      %mul3A_2513 = vector.broadcast %mul3A_2512 : f32 to vector<16xf32>
      %mul3A_2514 = arith.mulf %sub3A_2504, %mul3A_2513 : vector<16xf32>
      %sub3A_2515 = arith.subf %sub3A_2511, %mul3A_2514 : vector<16xf32>
      %mul3A_2516 = arith.constant 0.00138888892 : f32
      %mul3A_2517 = vector.broadcast %mul3A_2516 : f32 to vector<16xf32>
      %mul3A_2518 = arith.mulf %mul3A_2517, %sub3A_2515 : vector<16xf32>
      %add3A_2519 = arith.constant 0.00833333377 : f32
      %add3A_2520 = vector.broadcast %add3A_2519 : f32 to vector<16xf32>
      %add3A_2521 = arith.addf %mul3A_2518, %add3A_2520 : vector<16xf32>
      %mul3A_2522 = arith.mulf %add3A_2521, %sub3A_2515 : vector<16xf32>
      %add3A_2523 = arith.constant 0.0416666679 : f32
      %add3A_2524 = vector.broadcast %add3A_2523 : f32 to vector<16xf32>
      %add3A_2525 = arith.addf %mul3A_2522, %add3A_2524 : vector<16xf32>
      %mul3A_2526 = arith.mulf %add3A_2525, %sub3A_2515 : vector<16xf32>
      %add3A_2527 = arith.constant 0.166666672 : f32
      %add3A_2528 = vector.broadcast %add3A_2527 : f32 to vector<16xf32>
      %add3A_2529 = arith.addf %mul3A_2526, %add3A_2528 : vector<16xf32>
      %mul3A_2530 = arith.mulf %add3A_2529, %sub3A_2515 : vector<16xf32>
      %add3A_2531 = arith.constant 5.000000e-01 : f32
      %add3A_2532 = vector.broadcast %add3A_2531 : f32 to vector<16xf32>
      %add3A_2533 = arith.addf %mul3A_2530, %add3A_2532 : vector<16xf32>
      %mul3A_2534 = arith.mulf %add3A_2533, %sub3A_2515 : vector<16xf32>
      %add3A_2535 = arith.constant 1.000000e+00 : f32
      %add3A_2536 = vector.broadcast %add3A_2535 : f32 to vector<16xf32>
      %add3A_2537 = arith.addf %mul3A_2534, %add3A_2536 : vector<16xf32>
      %mul3A_2538 = arith.mulf %add3A_2537, %sub3A_2515 : vector<16xf32>
      %add3A_2539 = arith.constant 1.000000e+00 : f32
      %add3A_2540 = vector.broadcast %add3A_2539 : f32 to vector<16xf32>
      %add3A_2541 = arith.addf %mul3A_2538, %add3A_2540 : vector<16xf32>
      %convert_element_type3A_2542 = arith.fptosi %sub3A_2504 : vector<16xf32> to vector<16xi32>
      %add3A_2543 = arith.constant 127 : i32
      %add3A_2544 = vector.broadcast %add3A_2543 : i32 to vector<16xi32>
      %add3A_2545 = arith.addi %convert_element_type3A_2542, %add3A_2544 : vector<16xi32>
      %shift_left3A_2546 = arith.constant 23 : i32
      %shift_left3A_2547 = vector.broadcast %shift_left3A_2546 : i32 to vector<16xi32>
      %shift_left3A_2548 = arith.shli %add3A_2545, %shift_left3A_2547 : vector<16xi32>
      %bitcast_convert_type3A_2549 = tpu.bitcast %shift_left3A_2548 : vector<16xi32> -> vector<16xf32>
      %mul3A_2550 = arith.mulf %add3A_2541, %bitcast_convert_type3A_2549 : vector<16xf32>
      %add3A_2551 = arith.constant 1.000000e+00 : f32
      %add3A_2552 = vector.broadcast %add3A_2551 : f32 to vector<16xf32>
      %add3A_2553 = arith.addf %add3A_2552, %mul3A_2550 : vector<16xf32>
      %div3A_2554 = arith.constant 1.000000e+00 : f32
      %div3A_2555 = vector.broadcast %div3A_2554 : f32 to vector<16xf32>
      %div3A_2556 = arith.divf %div3A_2555, %add3A_2553 : vector<16xf32>
      %mul3A_2557 = arith.mulf %add3A_2553, %div3A_2556 : vector<16xf32>
      %sub3A_2558 = arith.constant 2.000000e+00 : f32
      %sub3A_2559 = vector.broadcast %sub3A_2558 : f32 to vector<16xf32>
      %sub3A_2560 = arith.subf %sub3A_2559, %mul3A_2557 : vector<16xf32>
      %mul3A_2561 = arith.mulf %div3A_2556, %sub3A_2560 : vector<16xf32>
      %mul3A_2562 = arith.mulf %mul3A_2561, %gather3A_2483 : vector<16xf32>
      tpu.vector_store_idx %arg10[%add3A_2482], %mul3A_2562 {add = true} : memref<80xf32, #tpu.memory_space<vmem>>[vector<16xi32>], vector<16xf32>,
      %add3A_2563 = arith.constant 32 : i32
      %add3A_2564 = vector.broadcast %add3A_2563 : i32 to vector<16xi32>
      %add3A_2565 = arith.addi %get3A_4, %add3A_2564 : vector<16xi32>
      %add3A_2566 = arith.constant 32 : i32
      %add3A_2567 = vector.broadcast %add3A_2566 : i32 to vector<16xi32>
      %add3A_2568 = arith.addi %get3A_6, %add3A_2567 : vector<16xi32>
      %gather3A_2569 = tpu.vector_load_idx %arg7[%add3A_2565] : memref<80xf32, #tpu.memory_space<vmem>>[vector<16xi32>], vector<16xf32>,
      %gather3A_2570 = tpu.vector_load_idx %arg8[%add3A_2568] : memref<80xf32, #tpu.memory_space<vmem>>[vector<16xi32>], vector<16xf32>,
      %gather3A_2571 = tpu.vector_load_idx %arg9[%add3A_2565] : memref<80xf32, #tpu.memory_space<vmem>>[vector<16xi32>], vector<16xf32>,
      %add3A_2572 = arith.addf %gather3A_2570, %gather3A_2571 : vector<16xf32>
      %jit3A_2573 = arith.constant -3.000000e+01 : f32
      %jit3A_2574 = arith.constant 3.000000e+01 : f32
      %max3A_2575 = vector.broadcast %jit3A_2573 : f32 to vector<16xf32>
      %max3A_2576 = arith.maximumf %max3A_2575, %add3A_2572 : vector<16xf32>
      %min3A_2577 = vector.broadcast %jit3A_2574 : f32 to vector<16xf32>
      %min3A_2578 = arith.minimumf %min3A_2577, %max3A_2576 : vector<16xf32>
      %neg3A_2579 = arith.constant 0.000000e+00 : f32
      %neg3A_2580 = vector.broadcast %neg3A_2579 : f32 to vector<16xf32>
      %neg3A_2581 = arith.subf %neg3A_2580, %min3A_2578 : vector<16xf32>
      %mul3A_2582 = arith.constant 1.44269502 : f32
      %mul3A_2583 = vector.broadcast %mul3A_2582 : f32 to vector<16xf32>
      %mul3A_2584 = arith.mulf %neg3A_2581, %mul3A_2583 : vector<16xf32>
      %add3A_2585 = arith.constant 0x4B400000 : f32
      %add3A_2586 = vector.broadcast %add3A_2585 : f32 to vector<16xf32>
      %add3A_2587 = arith.addf %mul3A_2584, %add3A_2586 : vector<16xf32>
      %sub3A_2588 = arith.constant 0x4B400000 : f32
      %sub3A_2589 = vector.broadcast %sub3A_2588 : f32 to vector<16xf32>
      %sub3A_2590 = arith.subf %add3A_2587, %sub3A_2589 : vector<16xf32>
      %neg3A_2591 = arith.constant 0.000000e+00 : f32
      %neg3A_2592 = vector.broadcast %neg3A_2591 : f32 to vector<16xf32>
      %neg3A_2593 = arith.subf %neg3A_2592, %min3A_2578 : vector<16xf32>
      %mul3A_2594 = arith.constant 0.693359375 : f32
      %mul3A_2595 = vector.broadcast %mul3A_2594 : f32 to vector<16xf32>
      %mul3A_2596 = arith.mulf %sub3A_2590, %mul3A_2595 : vector<16xf32>
      %sub3A_2597 = arith.subf %neg3A_2593, %mul3A_2596 : vector<16xf32>
      %mul3A_2598 = arith.constant -2.12194442E-4 : f32
      %mul3A_2599 = vector.broadcast %mul3A_2598 : f32 to vector<16xf32>
      %mul3A_2600 = arith.mulf %sub3A_2590, %mul3A_2599 : vector<16xf32>
      %sub3A_2601 = arith.subf %sub3A_2597, %mul3A_2600 : vector<16xf32>
      %mul3A_2602 = arith.constant 0.00138888892 : f32
      %mul3A_2603 = vector.broadcast %mul3A_2602 : f32 to vector<16xf32>
      %mul3A_2604 = arith.mulf %mul3A_2603, %sub3A_2601 : vector<16xf32>
      %add3A_2605 = arith.constant 0.00833333377 : f32
      %add3A_2606 = vector.broadcast %add3A_2605 : f32 to vector<16xf32>
      %add3A_2607 = arith.addf %mul3A_2604, %add3A_2606 : vector<16xf32>
      %mul3A_2608 = arith.mulf %add3A_2607, %sub3A_2601 : vector<16xf32>
      %add3A_2609 = arith.constant 0.0416666679 : f32
      %add3A_2610 = vector.broadcast %add3A_2609 : f32 to vector<16xf32>
      %add3A_2611 = arith.addf %mul3A_2608, %add3A_2610 : vector<16xf32>
      %mul3A_2612 = arith.mulf %add3A_2611, %sub3A_2601 : vector<16xf32>
      %add3A_2613 = arith.constant 0.166666672 : f32
      %add3A_2614 = vector.broadcast %add3A_2613 : f32 to vector<16xf32>
      %add3A_2615 = arith.addf %mul3A_2612, %add3A_2614 : vector<16xf32>
      %mul3A_2616 = arith.mulf %add3A_2615, %sub3A_2601 : vector<16xf32>
      %add3A_2617 = arith.constant 5.000000e-01 : f32
      %add3A_2618 = vector.broadcast %add3A_2617 : f32 to vector<16xf32>
      %add3A_2619 = arith.addf %mul3A_2616, %add3A_2618 : vector<16xf32>
      %mul3A_2620 = arith.mulf %add3A_2619, %sub3A_2601 : vector<16xf32>
      %add3A_2621 = arith.constant 1.000000e+00 : f32
      %add3A_2622 = vector.broadcast %add3A_2621 : f32 to vector<16xf32>
      %add3A_2623 = arith.addf %mul3A_2620, %add3A_2622 : vector<16xf32>
      %mul3A_2624 = arith.mulf %add3A_2623, %sub3A_2601 : vector<16xf32>
      %add3A_2625 = arith.constant 1.000000e+00 : f32
      %add3A_2626 = vector.broadcast %add3A_2625 : f32 to vector<16xf32>
      %add3A_2627 = arith.addf %mul3A_2624, %add3A_2626 : vector<16xf32>
      %convert_element_type3A_2628 = arith.fptosi %sub3A_2590 : vector<16xf32> to vector<16xi32>
      %add3A_2629 = arith.constant 127 : i32
      %add3A_2630 = vector.broadcast %add3A_2629 : i32 to vector<16xi32>
      %add3A_2631 = arith.addi %convert_element_type3A_2628, %add3A_2630 : vector<16xi32>
      %shift_left3A_2632 = arith.constant 23 : i32
      %shift_left3A_2633 = vector.broadcast %shift_left3A_2632 : i32 to vector<16xi32>
      %shift_left3A_2634 = arith.shli %add3A_2631, %shift_left3A_2633 : vector<16xi32>
      %bitcast_convert_type3A_2635 = tpu.bitcast %shift_left3A_2634 : vector<16xi32> -> vector<16xf32>
      %mul3A_2636 = arith.mulf %add3A_2627, %bitcast_convert_type3A_2635 : vector<16xf32>
      %add3A_2637 = arith.constant 1.000000e+00 : f32
      %add3A_2638 = vector.broadcast %add3A_2637 : f32 to vector<16xf32>
      %add3A_2639 = arith.addf %add3A_2638, %mul3A_2636 : vector<16xf32>
      %div3A_2640 = arith.constant 1.000000e+00 : f32
      %div3A_2641 = vector.broadcast %div3A_2640 : f32 to vector<16xf32>
      %div3A_2642 = arith.divf %div3A_2641, %add3A_2639 : vector<16xf32>
      %mul3A_2643 = arith.mulf %add3A_2639, %div3A_2642 : vector<16xf32>
      %sub3A_2644 = arith.constant 2.000000e+00 : f32
      %sub3A_2645 = vector.broadcast %sub3A_2644 : f32 to vector<16xf32>
      %sub3A_2646 = arith.subf %sub3A_2645, %mul3A_2643 : vector<16xf32>
      %mul3A_2647 = arith.mulf %div3A_2642, %sub3A_2646 : vector<16xf32>
      %mul3A_2648 = arith.mulf %mul3A_2647, %gather3A_2569 : vector<16xf32>
      tpu.vector_store_idx %arg10[%add3A_2568], %mul3A_2648 {add = true} : memref<80xf32, #tpu.memory_space<vmem>>[vector<16xi32>], vector<16xf32>,
      %add3A_2649 = arith.constant 48 : i32
      %add3A_2650 = vector.broadcast %add3A_2649 : i32 to vector<16xi32>
      %add3A_2651 = arith.addi %get3A_4, %add3A_2650 : vector<16xi32>
      %add3A_2652 = arith.constant 48 : i32
      %add3A_2653 = vector.broadcast %add3A_2652 : i32 to vector<16xi32>
      %add3A_2654 = arith.addi %get3A_6, %add3A_2653 : vector<16xi32>
      %gather3A_2655 = tpu.vector_load_idx %arg7[%add3A_2651] : memref<80xf32, #tpu.memory_space<vmem>>[vector<16xi32>], vector<16xf32>,
      %gather3A_2656 = tpu.vector_load_idx %arg8[%add3A_2654] : memref<80xf32, #tpu.memory_space<vmem>>[vector<16xi32>], vector<16xf32>,
      %gather3A_2657 = tpu.vector_load_idx %arg9[%add3A_2651] : memref<80xf32, #tpu.memory_space<vmem>>[vector<16xi32>], vector<16xf32>,
      %add3A_2658 = arith.addf %gather3A_2656, %gather3A_2657 : vector<16xf32>
      %jit3A_2659 = arith.constant -3.000000e+01 : f32
      %jit3A_2660 = arith.constant 3.000000e+01 : f32
      %max3A_2661 = vector.broadcast %jit3A_2659 : f32 to vector<16xf32>
      %max3A_2662 = arith.maximumf %max3A_2661, %add3A_2658 : vector<16xf32>
      %min3A_2663 = vector.broadcast %jit3A_2660 : f32 to vector<16xf32>
      %min3A_2664 = arith.minimumf %min3A_2663, %max3A_2662 : vector<16xf32>
      %neg3A_2665 = arith.constant 0.000000e+00 : f32
      %neg3A_2666 = vector.broadcast %neg3A_2665 : f32 to vector<16xf32>
      %neg3A_2667 = arith.subf %neg3A_2666, %min3A_2664 : vector<16xf32>
      %mul3A_2668 = arith.constant 1.44269502 : f32
      %mul3A_2669 = vector.broadcast %mul3A_2668 : f32 to vector<16xf32>
      %mul3A_2670 = arith.mulf %neg3A_2667, %mul3A_2669 : vector<16xf32>
      %add3A_2671 = arith.constant 0x4B400000 : f32
      %add3A_2672 = vector.broadcast %add3A_2671 : f32 to vector<16xf32>
      %add3A_2673 = arith.addf %mul3A_2670, %add3A_2672 : vector<16xf32>
      %sub3A_2674 = arith.constant 0x4B400000 : f32
      %sub3A_2675 = vector.broadcast %sub3A_2674 : f32 to vector<16xf32>
      %sub3A_2676 = arith.subf %add3A_2673, %sub3A_2675 : vector<16xf32>
      %neg3A_2677 = arith.constant 0.000000e+00 : f32
      %neg3A_2678 = vector.broadcast %neg3A_2677 : f32 to vector<16xf32>
      %neg3A_2679 = arith.subf %neg3A_2678, %min3A_2664 : vector<16xf32>
      %mul3A_2680 = arith.constant 0.693359375 : f32
      %mul3A_2681 = vector.broadcast %mul3A_2680 : f32 to vector<16xf32>
      %mul3A_2682 = arith.mulf %sub3A_2676, %mul3A_2681 : vector<16xf32>
      %sub3A_2683 = arith.subf %neg3A_2679, %mul3A_2682 : vector<16xf32>
      %mul3A_2684 = arith.constant -2.12194442E-4 : f32
      %mul3A_2685 = vector.broadcast %mul3A_2684 : f32 to vector<16xf32>
      %mul3A_2686 = arith.mulf %sub3A_2676, %mul3A_2685 : vector<16xf32>
      %sub3A_2687 = arith.subf %sub3A_2683, %mul3A_2686 : vector<16xf32>
      %mul3A_2688 = arith.constant 0.00138888892 : f32
      %mul3A_2689 = vector.broadcast %mul3A_2688 : f32 to vector<16xf32>
      %mul3A_2690 = arith.mulf %mul3A_2689, %sub3A_2687 : vector<16xf32>
      %add3A_2691 = arith.constant 0.00833333377 : f32
      %add3A_2692 = vector.broadcast %add3A_2691 : f32 to vector<16xf32>
      %add3A_2693 = arith.addf %mul3A_2690, %add3A_2692 : vector<16xf32>
      %mul3A_2694 = arith.mulf %add3A_2693, %sub3A_2687 : vector<16xf32>
      %add3A_2695 = arith.constant 0.0416666679 : f32
      %add3A_2696 = vector.broadcast %add3A_2695 : f32 to vector<16xf32>
      %add3A_2697 = arith.addf %mul3A_2694, %add3A_2696 : vector<16xf32>
      %mul3A_2698 = arith.mulf %add3A_2697, %sub3A_2687 : vector<16xf32>
      %add3A_2699 = arith.constant 0.166666672 : f32
      %add3A_2700 = vector.broadcast %add3A_2699 : f32 to vector<16xf32>
      %add3A_2701 = arith.addf %mul3A_2698, %add3A_2700 : vector<16xf32>
      %mul3A_2702 = arith.mulf %add3A_2701, %sub3A_2687 : vector<16xf32>
      %add3A_2703 = arith.constant 5.000000e-01 : f32
      %add3A_2704 = vector.broadcast %add3A_2703 : f32 to vector<16xf32>
      %add3A_2705 = arith.addf %mul3A_2702, %add3A_2704 : vector<16xf32>
      %mul3A_2706 = arith.mulf %add3A_2705, %sub3A_2687 : vector<16xf32>
      %add3A_2707 = arith.constant 1.000000e+00 : f32
      %add3A_2708 = vector.broadcast %add3A_2707 : f32 to vector<16xf32>
      %add3A_2709 = arith.addf %mul3A_2706, %add3A_2708 : vector<16xf32>
      %mul3A_2710 = arith.mulf %add3A_2709, %sub3A_2687 : vector<16xf32>
      %add3A_2711 = arith.constant 1.000000e+00 : f32
      %add3A_2712 = vector.broadcast %add3A_2711 : f32 to vector<16xf32>
      %add3A_2713 = arith.addf %mul3A_2710, %add3A_2712 : vector<16xf32>
      %convert_element_type3A_2714 = arith.fptosi %sub3A_2676 : vector<16xf32> to vector<16xi32>
      %add3A_2715 = arith.constant 127 : i32
      %add3A_2716 = vector.broadcast %add3A_2715 : i32 to vector<16xi32>
      %add3A_2717 = arith.addi %convert_element_type3A_2714, %add3A_2716 : vector<16xi32>
      %shift_left3A_2718 = arith.constant 23 : i32
      %shift_left3A_2719 = vector.broadcast %shift_left3A_2718 : i32 to vector<16xi32>
      %shift_left3A_2720 = arith.shli %add3A_2717, %shift_left3A_2719 : vector<16xi32>
      %bitcast_convert_type3A_2721 = tpu.bitcast %shift_left3A_2720 : vector<16xi32> -> vector<16xf32>
      %mul3A_2722 = arith.mulf %add3A_2713, %bitcast_convert_type3A_2721 : vector<16xf32>
      %add3A_2723 = arith.constant 1.000000e+00 : f32
      %add3A_2724 = vector.broadcast %add3A_2723 : f32 to vector<16xf32>
      %add3A_2725 = arith.addf %add3A_2724, %mul3A_2722 : vector<16xf32>
      %div3A_2726 = arith.constant 1.000000e+00 : f32
      %div3A_2727 = vector.broadcast %div3A_2726 : f32 to vector<16xf32>
      %div3A_2728 = arith.divf %div3A_2727, %add3A_2725 : vector<16xf32>
      %mul3A_2729 = arith.mulf %add3A_2725, %div3A_2728 : vector<16xf32>
      %sub3A_2730 = arith.constant 2.000000e+00 : f32
      %sub3A_2731 = vector.broadcast %sub3A_2730 : f32 to vector<16xf32>
      %sub3A_2732 = arith.subf %sub3A_2731, %mul3A_2729 : vector<16xf32>
      %mul3A_2733 = arith.mulf %div3A_2728, %sub3A_2732 : vector<16xf32>
      %mul3A_2734 = arith.mulf %mul3A_2733, %gather3A_2655 : vector<16xf32>
      tpu.vector_store_idx %arg10[%add3A_2654], %mul3A_2734 {add = true} : memref<80xf32, #tpu.memory_space<vmem>>[vector<16xi32>], vector<16xf32>,
      %add3A_2735 = arith.constant 64 : i32
      %add3A_2736 = vector.broadcast %add3A_2735 : i32 to vector<16xi32>
      %add3A_2737 = arith.addi %get3A_4, %add3A_2736 : vector<16xi32>
      %add3A_2738 = arith.constant 64 : i32
      %add3A_2739 = vector.broadcast %add3A_2738 : i32 to vector<16xi32>
      %add3A_2740 = arith.addi %get3A_6, %add3A_2739 : vector<16xi32>
      %gather3A_2741 = tpu.vector_load_idx %arg7[%add3A_2737] : memref<80xf32, #tpu.memory_space<vmem>>[vector<16xi32>], vector<16xf32>,
      %gather3A_2742 = tpu.vector_load_idx %arg8[%add3A_2740] : memref<80xf32, #tpu.memory_space<vmem>>[vector<16xi32>], vector<16xf32>,
      %gather3A_2743 = tpu.vector_load_idx %arg9[%add3A_2737] : memref<80xf32, #tpu.memory_space<vmem>>[vector<16xi32>], vector<16xf32>,
      %add3A_2744 = arith.addf %gather3A_2742, %gather3A_2743 : vector<16xf32>
      %jit3A_2745 = arith.constant -3.000000e+01 : f32
      %jit3A_2746 = arith.constant 3.000000e+01 : f32
      %max3A_2747 = vector.broadcast %jit3A_2745 : f32 to vector<16xf32>
      %max3A_2748 = arith.maximumf %max3A_2747, %add3A_2744 : vector<16xf32>
      %min3A_2749 = vector.broadcast %jit3A_2746 : f32 to vector<16xf32>
      %min3A_2750 = arith.minimumf %min3A_2749, %max3A_2748 : vector<16xf32>
      %neg3A_2751 = arith.constant 0.000000e+00 : f32
      %neg3A_2752 = vector.broadcast %neg3A_2751 : f32 to vector<16xf32>
      %neg3A_2753 = arith.subf %neg3A_2752, %min3A_2750 : vector<16xf32>
      %mul3A_2754 = arith.constant 1.44269502 : f32
      %mul3A_2755 = vector.broadcast %mul3A_2754 : f32 to vector<16xf32>
      %mul3A_2756 = arith.mulf %neg3A_2753, %mul3A_2755 : vector<16xf32>
      %add3A_2757 = arith.constant 0x4B400000 : f32
      %add3A_2758 = vector.broadcast %add3A_2757 : f32 to vector<16xf32>
      %add3A_2759 = arith.addf %mul3A_2756, %add3A_2758 : vector<16xf32>
      %sub3A_2760 = arith.constant 0x4B400000 : f32
      %sub3A_2761 = vector.broadcast %sub3A_2760 : f32 to vector<16xf32>
      %sub3A_2762 = arith.subf %add3A_2759, %sub3A_2761 : vector<16xf32>
      %neg3A_2763 = arith.constant 0.000000e+00 : f32
      %neg3A_2764 = vector.broadcast %neg3A_2763 : f32 to vector<16xf32>
      %neg3A_2765 = arith.subf %neg3A_2764, %min3A_2750 : vector<16xf32>
      %mul3A_2766 = arith.constant 0.693359375 : f32
      %mul3A_2767 = vector.broadcast %mul3A_2766 : f32 to vector<16xf32>
      %mul3A_2768 = arith.mulf %sub3A_2762, %mul3A_2767 : vector<16xf32>
      %sub3A_2769 = arith.subf %neg3A_2765, %mul3A_2768 : vector<16xf32>
      %mul3A_2770 = arith.constant -2.12194442E-4 : f32
      %mul3A_2771 = vector.broadcast %mul3A_2770 : f32 to vector<16xf32>
      %mul3A_2772 = arith.mulf %sub3A_2762, %mul3A_2771 : vector<16xf32>
      %sub3A_2773 = arith.subf %sub3A_2769, %mul3A_2772 : vector<16xf32>
      %mul3A_2774 = arith.constant 0.00138888892 : f32
      %mul3A_2775 = vector.broadcast %mul3A_2774 : f32 to vector<16xf32>
      %mul3A_2776 = arith.mulf %mul3A_2775, %sub3A_2773 : vector<16xf32>
      %add3A_2777 = arith.constant 0.00833333377 : f32
      %add3A_2778 = vector.broadcast %add3A_2777 : f32 to vector<16xf32>
      %add3A_2779 = arith.addf %mul3A_2776, %add3A_2778 : vector<16xf32>
      %mul3A_2780 = arith.mulf %add3A_2779, %sub3A_2773 : vector<16xf32>
      %add3A_2781 = arith.constant 0.0416666679 : f32
      %add3A_2782 = vector.broadcast %add3A_2781 : f32 to vector<16xf32>
      %add3A_2783 = arith.addf %mul3A_2780, %add3A_2782 : vector<16xf32>
      %mul3A_2784 = arith.mulf %add3A_2783, %sub3A_2773 : vector<16xf32>
      %add3A_2785 = arith.constant 0.166666672 : f32
      %add3A_2786 = vector.broadcast %add3A_2785 : f32 to vector<16xf32>
      %add3A_2787 = arith.addf %mul3A_2784, %add3A_2786 : vector<16xf32>
      %mul3A_2788 = arith.mulf %add3A_2787, %sub3A_2773 : vector<16xf32>
      %add3A_2789 = arith.constant 5.000000e-01 : f32
      %add3A_2790 = vector.broadcast %add3A_2789 : f32 to vector<16xf32>
      %add3A_2791 = arith.addf %mul3A_2788, %add3A_2790 : vector<16xf32>
      %mul3A_2792 = arith.mulf %add3A_2791, %sub3A_2773 : vector<16xf32>
      %add3A_2793 = arith.constant 1.000000e+00 : f32
      %add3A_2794 = vector.broadcast %add3A_2793 : f32 to vector<16xf32>
      %add3A_2795 = arith.addf %mul3A_2792, %add3A_2794 : vector<16xf32>
      %mul3A_2796 = arith.mulf %add3A_2795, %sub3A_2773 : vector<16xf32>
      %add3A_2797 = arith.constant 1.000000e+00 : f32
      %add3A_2798 = vector.broadcast %add3A_2797 : f32 to vector<16xf32>
      %add3A_2799 = arith.addf %mul3A_2796, %add3A_2798 : vector<16xf32>
      %convert_element_type3A_2800 = arith.fptosi %sub3A_2762 : vector<16xf32> to vector<16xi32>
      %add3A_2801 = arith.constant 127 : i32
      %add3A_2802 = vector.broadcast %add3A_2801 : i32 to vector<16xi32>
      %add3A_2803 = arith.addi %convert_element_type3A_2800, %add3A_2802 : vector<16xi32>
      %shift_left3A_2804 = arith.constant 23 : i32
      %shift_left3A_2805 = vector.broadcast %shift_left3A_2804 : i32 to vector<16xi32>
      %shift_left3A_2806 = arith.shli %add3A_2803, %shift_left3A_2805 : vector<16xi32>
      %bitcast_convert_type3A_2807 = tpu.bitcast %shift_left3A_2806 : vector<16xi32> -> vector<16xf32>
      %mul3A_2808 = arith.mulf %add3A_2799, %bitcast_convert_type3A_2807 : vector<16xf32>
      %add3A_2809 = arith.constant 1.000000e+00 : f32
      %add3A_2810 = vector.broadcast %add3A_2809 : f32 to vector<16xf32>
      %add3A_2811 = arith.addf %add3A_2810, %mul3A_2808 : vector<16xf32>
      %div3A_2812 = arith.constant 1.000000e+00 : f32
      %div3A_2813 = vector.broadcast %div3A_2812 : f32 to vector<16xf32>
      %div3A_2814 = arith.divf %div3A_2813, %add3A_2811 : vector<16xf32>
      %mul3A_2815 = arith.mulf %add3A_2811, %div3A_2814 : vector<16xf32>
      %sub3A_2816 = arith.constant 2.000000e+00 : f32
      %sub3A_2817 = vector.broadcast %sub3A_2816 : f32 to vector<16xf32>
      %sub3A_2818 = arith.subf %sub3A_2817, %mul3A_2815 : vector<16xf32>
      %mul3A_2819 = arith.mulf %div3A_2814, %sub3A_2818 : vector<16xf32>
      %mul3A_2820 = arith.mulf %mul3A_2819, %gather3A_2741 : vector<16xf32>
      tpu.vector_store_idx %arg10[%add3A_2740], %mul3A_2820 {add = true} : memref<80xf32, #tpu.memory_space<vmem>>[vector<16xi32>], vector<16xf32>,
      %get3A_2821 = arith.constant 0 : index
      %get3A_2822 = tpu.vector_load %arg10[%get3A_2821] {strides = array<i32>} : memref<80xf32, #tpu.memory_space<vmem>>, vector<16xf32>,
      %add3A_2823 = arith.addf %add3A_1797, %get3A_2822 : vector<16xf32>
      %add3A_2824 = arith.constant 278 : i32
      %add3A_2825 = vector.broadcast %add3A_2824 : i32 to vector<16xi32>
      %add3A_2826 = arith.addi %mul3A_3, %add3A_2825 : vector<16xi32>
      %gather3A_2827 = tpu.vector_load_idx %arg5[%add3A_2826] : memref<10768xf32, #tpu.memory_space<vmem>>[vector<16xi32>], vector<16xf32>,
      %add3A_2828 = arith.addf %add3A_2823, %gather3A_2827 : vector<16xf32>
      %gt3A_2829 = arith.constant 0.000000e+00 : f32
      %gt3A_2830 = vector.broadcast %gt3A_2829 : f32 to vector<16xf32>
      %gt3A_2831 = arith.cmpf ogt, %add3A_2828, %gt3A_2830 : vector<16xf32>
      %mul3A_2832 = arith.constant 0.00999999977 : f32
      %mul3A_2833 = vector.broadcast %mul3A_2832 : f32 to vector<16xf32>
      %mul3A_2834 = arith.mulf %mul3A_2833, %add3A_2828 : vector<16xf32>
      %select_n3A_2835 = arith.select %gt3A_2831, %add3A_2828, %mul3A_2834 : vector<16xi1>, vector<16xf32>
      %get3A_2836 = arith.constant 16 : index
      %get3A_2837 = tpu.vector_load %arg10[%get3A_2836] {strides = array<i32>} : memref<80xf32, #tpu.memory_space<vmem>>, vector<16xf32>,
      %add3A_2838 = arith.addf %add3A_1826, %get3A_2837 : vector<16xf32>
      %add3A_2839 = arith.constant 279 : i32
      %add3A_2840 = vector.broadcast %add3A_2839 : i32 to vector<16xi32>
      %add3A_2841 = arith.addi %mul3A_3, %add3A_2840 : vector<16xi32>
      %gather3A_2842 = tpu.vector_load_idx %arg5[%add3A_2841] : memref<10768xf32, #tpu.memory_space<vmem>>[vector<16xi32>], vector<16xf32>,
      %add3A_2843 = arith.addf %add3A_2838, %gather3A_2842 : vector<16xf32>
      %gt3A_2844 = arith.constant 0.000000e+00 : f32
      %gt3A_2845 = vector.broadcast %gt3A_2844 : f32 to vector<16xf32>
      %gt3A_2846 = arith.cmpf ogt, %add3A_2843, %gt3A_2845 : vector<16xf32>
      %mul3A_2847 = arith.constant 0.00999999977 : f32
      %mul3A_2848 = vector.broadcast %mul3A_2847 : f32 to vector<16xf32>
      %mul3A_2849 = arith.mulf %mul3A_2848, %add3A_2843 : vector<16xf32>
      %select_n3A_2850 = arith.select %gt3A_2846, %add3A_2843, %mul3A_2849 : vector<16xi1>, vector<16xf32>
      %get3A_2851 = arith.constant 32 : index
      %get3A_2852 = tpu.vector_load %arg10[%get3A_2851] {strides = array<i32>} : memref<80xf32, #tpu.memory_space<vmem>>, vector<16xf32>,
      %add3A_2853 = arith.addf %add3A_1855, %get3A_2852 : vector<16xf32>
      %add3A_2854 = arith.constant 280 : i32
      %add3A_2855 = vector.broadcast %add3A_2854 : i32 to vector<16xi32>
      %add3A_2856 = arith.addi %mul3A_3, %add3A_2855 : vector<16xi32>
      %gather3A_2857 = tpu.vector_load_idx %arg5[%add3A_2856] : memref<10768xf32, #tpu.memory_space<vmem>>[vector<16xi32>], vector<16xf32>,
      %add3A_2858 = arith.addf %add3A_2853, %gather3A_2857 : vector<16xf32>
      %gt3A_2859 = arith.constant 0.000000e+00 : f32
      %gt3A_2860 = vector.broadcast %gt3A_2859 : f32 to vector<16xf32>
      %gt3A_2861 = arith.cmpf ogt, %add3A_2858, %gt3A_2860 : vector<16xf32>
      %mul3A_2862 = arith.constant 0.00999999977 : f32
      %mul3A_2863 = vector.broadcast %mul3A_2862 : f32 to vector<16xf32>
      %mul3A_2864 = arith.mulf %mul3A_2863, %add3A_2858 : vector<16xf32>
      %select_n3A_2865 = arith.select %gt3A_2861, %add3A_2858, %mul3A_2864 : vector<16xi1>, vector<16xf32>
      %get3A_2866 = arith.constant 48 : index
      %get3A_2867 = tpu.vector_load %arg10[%get3A_2866] {strides = array<i32>} : memref<80xf32, #tpu.memory_space<vmem>>, vector<16xf32>,
      %add3A_2868 = arith.addf %add3A_1884, %get3A_2867 : vector<16xf32>
      %add3A_2869 = arith.constant 281 : i32
      %add3A_2870 = vector.broadcast %add3A_2869 : i32 to vector<16xi32>
      %add3A_2871 = arith.addi %mul3A_3, %add3A_2870 : vector<16xi32>
      %gather3A_2872 = tpu.vector_load_idx %arg5[%add3A_2871] : memref<10768xf32, #tpu.memory_space<vmem>>[vector<16xi32>], vector<16xf32>,
      %add3A_2873 = arith.addf %add3A_2868, %gather3A_2872 : vector<16xf32>
      %gt3A_2874 = arith.constant 0.000000e+00 : f32
      %gt3A_2875 = vector.broadcast %gt3A_2874 : f32 to vector<16xf32>
      %gt3A_2876 = arith.cmpf ogt, %add3A_2873, %gt3A_2875 : vector<16xf32>
      %mul3A_2877 = arith.constant 0.00999999977 : f32
      %mul3A_2878 = vector.broadcast %mul3A_2877 : f32 to vector<16xf32>
      %mul3A_2879 = arith.mulf %mul3A_2878, %add3A_2873 : vector<16xf32>
      %select_n3A_2880 = arith.select %gt3A_2876, %add3A_2873, %mul3A_2879 : vector<16xi1>, vector<16xf32>
      %get3A_2881 = arith.constant 64 : index
      %get3A_2882 = tpu.vector_load %arg10[%get3A_2881] {strides = array<i32>} : memref<80xf32, #tpu.memory_space<vmem>>, vector<16xf32>,
      %add3A_2883 = arith.addf %add3A_1913, %get3A_2882 : vector<16xf32>
      %add3A_2884 = arith.constant 282 : i32
      %add3A_2885 = vector.broadcast %add3A_2884 : i32 to vector<16xi32>
      %add3A_2886 = arith.addi %mul3A_3, %add3A_2885 : vector<16xi32>
      %gather3A_2887 = tpu.vector_load_idx %arg5[%add3A_2886] : memref<10768xf32, #tpu.memory_space<vmem>>[vector<16xi32>], vector<16xf32>,
      %add3A_2888 = arith.addf %add3A_2883, %gather3A_2887 : vector<16xf32>
      %gt3A_2889 = arith.constant 0.000000e+00 : f32
      %gt3A_2890 = vector.broadcast %gt3A_2889 : f32 to vector<16xf32>
      %gt3A_2891 = arith.cmpf ogt, %add3A_2888, %gt3A_2890 : vector<16xf32>
      %mul3A_2892 = arith.constant 0.00999999977 : f32
      %mul3A_2893 = vector.broadcast %mul3A_2892 : f32 to vector<16xf32>
      %mul3A_2894 = arith.mulf %mul3A_2893, %add3A_2888 : vector<16xf32>
      %select_n3A_2895 = arith.select %gt3A_2891, %add3A_2888, %mul3A_2894 : vector<16xi1>, vector<16xf32>
      %lt3A = arith.constant 8 : i32
      %lt3A_2896 = vector.broadcast %lt3A : i32 to vector<16xi32>
      %lt3A_2897 = arith.cmpi slt, %iota3A, %lt3A_2896 : vector<16xi32>
      %mul3A_2898 = arith.constant 5 : i32
      %mul3A_2899 = vector.broadcast %mul3A_2898 : i32 to vector<16xi32>
      %mul3A_2900 = arith.muli %iota3A, %mul3A_2899 : vector<16xi32>
      %add3A_2901 = arith.constant 0 : i32
      %add3A_2902 = vector.broadcast %add3A_2901 : i32 to vector<16xi32>
      %add3A_2903 = arith.addi %mul3A_2900, %add3A_2902 : vector<16xi32>
      tpu.vector_store_idx %arg11[%add3A_2903], %select_n3A_2835 masked %lt3A_2897 : memref<64xf32, #tpu.memory_space<vmem>>[vector<16xi32>], vector<16xf32>, vector<16xi1>
      %mul3A_2904 = arith.constant 5 : i32
      %mul3A_2905 = vector.broadcast %mul3A_2904 : i32 to vector<16xi32>
      %mul3A_2906 = arith.muli %iota3A, %mul3A_2905 : vector<16xi32>
      %add3A_2907 = arith.constant 1 : i32
      %add3A_2908 = vector.broadcast %add3A_2907 : i32 to vector<16xi32>
      %add3A_2909 = arith.addi %mul3A_2906, %add3A_2908 : vector<16xi32>
      tpu.vector_store_idx %arg11[%add3A_2909], %select_n3A_2850 masked %lt3A_2897 : memref<64xf32, #tpu.memory_space<vmem>>[vector<16xi32>], vector<16xf32>, vector<16xi1>
      %mul3A_2910 = arith.constant 5 : i32
      %mul3A_2911 = vector.broadcast %mul3A_2910 : i32 to vector<16xi32>
      %mul3A_2912 = arith.muli %iota3A, %mul3A_2911 : vector<16xi32>
      %add3A_2913 = arith.constant 2 : i32
      %add3A_2914 = vector.broadcast %add3A_2913 : i32 to vector<16xi32>
      %add3A_2915 = arith.addi %mul3A_2912, %add3A_2914 : vector<16xi32>
      tpu.vector_store_idx %arg11[%add3A_2915], %select_n3A_2865 masked %lt3A_2897 : memref<64xf32, #tpu.memory_space<vmem>>[vector<16xi32>], vector<16xf32>, vector<16xi1>
      %mul3A_2916 = arith.constant 5 : i32
      %mul3A_2917 = vector.broadcast %mul3A_2916 : i32 to vector<16xi32>
      %mul3A_2918 = arith.muli %iota3A, %mul3A_2917 : vector<16xi32>
      %add3A_2919 = arith.constant 3 : i32
      %add3A_2920 = vector.broadcast %add3A_2919 : i32 to vector<16xi32>
      %add3A_2921 = arith.addi %mul3A_2918, %add3A_2920 : vector<16xi32>
      tpu.vector_store_idx %arg11[%add3A_2921], %select_n3A_2880 masked %lt3A_2897 : memref<64xf32, #tpu.memory_space<vmem>>[vector<16xi32>], vector<16xf32>, vector<16xi1>
      %mul3A_2922 = arith.constant 5 : i32
      %mul3A_2923 = vector.broadcast %mul3A_2922 : i32 to vector<16xi32>
      %mul3A_2924 = arith.muli %iota3A, %mul3A_2923 : vector<16xi32>
      %add3A_2925 = arith.constant 4 : i32
      %add3A_2926 = vector.broadcast %add3A_2925 : i32 to vector<16xi32>
      %add3A_2927 = arith.addi %mul3A_2924, %add3A_2926 : vector<16xi32>
      tpu.vector_store_idx %arg11[%add3A_2927], %select_n3A_2895 masked %lt3A_2897 : memref<64xf32, #tpu.memory_space<vmem>>[vector<16xi32>], vector<16xf32>, vector<16xi1>
      %add3A_2928 = arith.constant 40 : i32
      %add3A_2929 = vector.broadcast %add3A_2928 : i32 to vector<16xi32>
      %add3A_2930 = arith.addi %iota3A, %add3A_2929 : vector<16xi32>
      %get3A_2931 = arith.constant 16 : index
      %get3A_2932 = tpu.vector_load %arg5[%get3A_2931] {strides = array<i32>} : memref<10768xf32, #tpu.memory_space<vmem>>, vector<16xf32>,
      tpu.vector_store_idx %arg11[%add3A_2930], %get3A_2932 : memref<64xf32, #tpu.memory_space<vmem>>[vector<16xi32>], vector<16xf32>,
      %add3A_2933 = arith.constant 56 : i32
      %add3A_2934 = vector.broadcast %add3A_2933 : i32 to vector<16xi32>
      %add3A_2935 = arith.addi %iota3A, %add3A_2934 : vector<16xi32>
      %get3A_2936 = arith.constant 32 : index
      %get3A_2937 = tpu.vector_load %arg5[%get3A_2936] {strides = array<i32>} : memref<10768xf32, #tpu.memory_space<vmem>>, vector<16xf32>,
      tpu.vector_store_idx %arg11[%add3A_2935], %get3A_2937 masked %lt3A_2897 : memref<64xf32, #tpu.memory_space<vmem>>[vector<16xi32>], vector<16xf32>, vector<16xi1>
      %broadcast_in_dim3A_2938 = arith.constant 0.000000e+00 : f32
      %broadcast_in_dim3A_2939 = vector.broadcast %broadcast_in_dim3A_2938 : f32 to vector<16xf32>
      %get3A_2940 = arith.constant 4384 : index
      %get3A_2941 = tpu.vector_load %arg5[%get3A_2940] {strides = array<i32>} : memref<10768xf32, #tpu.memory_space<vmem>>, vector<16xf32>,
      %get3A_2942 = arith.constant 4400 : index
      %get3A_2943 = tpu.vector_load %arg5[%get3A_2942] {strides = array<i32>} : memref<10768xf32, #tpu.memory_space<vmem>>, vector<16xf32>,
      %get3A_2944 = arith.constant 4416 : index
      %get3A_2945 = tpu.vector_load %arg5[%get3A_2944] {strides = array<i32>} : memref<10768xf32, #tpu.memory_space<vmem>>, vector<16xf32>,
      %get3A_2946 = arith.constant 4432 : index
      %get3A_2947 = tpu.vector_load %arg5[%get3A_2946] {strides = array<i32>} : memref<10768xf32, #tpu.memory_space<vmem>>, vector<16xf32>,
      %scan3A = arith.constant 0 : i32
      %scan3A_2948 = arith.constant 16 : i32
      %scan3A_2949 = arith.addi %scan3A, %scan3A_2948 : i32
      %scan3A_2950 = arith.constant 1 : i32
      %scan3A_2951:16 = scf.for %scan3A_3275 = %scan3A to %scan3A_2949 step %scan3A_2950 iter_args(%scan3A_3276 = %get3A_2941, %scan3A_3277 = %get3A_2943, %scan3A_3278 = %get3A_2945, %scan3A_3279 = %get3A_2947, %scan3A_3280 = %broadcast_in_dim3A_2939, %scan3A_3281 = %broadcast_in_dim3A_2939, %scan3A_3282 = %broadcast_in_dim3A_2939, %scan3A_3283 = %broadcast_in_dim3A_2939, %scan3A_3284 = %broadcast_in_dim3A_2939, %scan3A_3285 = %broadcast_in_dim3A_2939, %scan3A_3286 = %broadcast_in_dim3A_2939, %scan3A_3287 = %broadcast_in_dim3A_2939, %scan3A_3288 = %broadcast_in_dim3A_2939, %scan3A_3289 = %broadcast_in_dim3A_2939, %scan3A_3290 = %broadcast_in_dim3A_2939, %scan3A_3291 = %broadcast_in_dim3A_2939) -> (vector<16xf32>, vector<16xf32>, vector<16xf32>, vector<16xf32>, vector<16xf32>, vector<16xf32>, vector<16xf32>, vector<16xf32>, vector<16xf32>, vector<16xf32>, vector<16xf32>, vector<16xf32>, vector<16xf32>, vector<16xf32>, vector<16xf32>, vector<16xf32>)  : i32 {
        %mul3A_3292 = arith.constant 4 : i32
        %mul3A_3293 = arith.muli %scan3A_3275, %mul3A_3292 : i32
        %add3A_3294 = arith.constant 0 : i32
        %add3A_3295 = arith.addi %mul3A_3293, %add3A_3294 : i32
        %add3A_3296 = vector.broadcast %add3A_3295 : i32 to vector<16xi32>
        %add3A_3297 = arith.addi %mul3A_3, %add3A_3296 : vector<16xi32>
        %gather3A_3298 = tpu.vector_load_idx %arg11[%add3A_3297] : memref<64xf32, #tpu.memory_space<vmem>>[vector<16xi32>], vector<16xf32>,
        %mul3A_3299 = arith.constant 64 : i32
        %mul3A_3300 = arith.muli %add3A_3295, %mul3A_3299 : i32
        %add3A_3301 = arith.constant 288 : i32
        %add3A_3302 = arith.addi %add3A_3301, %mul3A_3300 : i32
        %add3A_3303 = arith.constant 0 : i32
        %add3A_3304 = arith.addi %add3A_3302, %add3A_3303 : i32
        %add3A_3305 = vector.broadcast %add3A_3304 : i32 to vector<16xi32>
        %add3A_3306 = arith.addi %add3A_3305, %iota3A : vector<16xi32>
        %gather3A_3307 = tpu.vector_load_idx %arg5[%add3A_3306] : memref<10768xf32, #tpu.memory_space<vmem>>[vector<16xi32>], vector<16xf32>,
        %mul3A_3308 = arith.mulf %gather3A_3298, %gather3A_3307 : vector<16xf32>
        %add3A_3309 = arith.addf %scan3A_3276, %mul3A_3308 : vector<16xf32>
        %add3A_3310 = arith.constant 16 : i32
        %add3A_3311 = arith.addi %add3A_3302, %add3A_3310 : i32
        %add3A_3312 = vector.broadcast %add3A_3311 : i32 to vector<16xi32>
        %add3A_3313 = arith.addi %add3A_3312, %iota3A : vector<16xi32>
        %gather3A_3314 = tpu.vector_load_idx %arg5[%add3A_3313] : memref<10768xf32, #tpu.memory_space<vmem>>[vector<16xi32>], vector<16xf32>,
        %mul3A_3315 = arith.mulf %gather3A_3298, %gather3A_3314 : vector<16xf32>
        %add3A_3316 = arith.addf %scan3A_3277, %mul3A_3315 : vector<16xf32>
        %add3A_3317 = arith.constant 32 : i32
        %add3A_3318 = arith.addi %add3A_3302, %add3A_3317 : i32
        %add3A_3319 = vector.broadcast %add3A_3318 : i32 to vector<16xi32>
        %add3A_3320 = arith.addi %add3A_3319, %iota3A : vector<16xi32>
        %gather3A_3321 = tpu.vector_load_idx %arg5[%add3A_3320] : memref<10768xf32, #tpu.memory_space<vmem>>[vector<16xi32>], vector<16xf32>,
        %mul3A_3322 = arith.mulf %gather3A_3298, %gather3A_3321 : vector<16xf32>
        %add3A_3323 = arith.addf %scan3A_3278, %mul3A_3322 : vector<16xf32>
        %add3A_3324 = arith.constant 48 : i32
        %add3A_3325 = arith.addi %add3A_3302, %add3A_3324 : i32
        %add3A_3326 = vector.broadcast %add3A_3325 : i32 to vector<16xi32>
        %add3A_3327 = arith.addi %add3A_3326, %iota3A : vector<16xi32>
        %gather3A_3328 = tpu.vector_load_idx %arg5[%add3A_3327] : memref<10768xf32, #tpu.memory_space<vmem>>[vector<16xi32>], vector<16xf32>,
        %mul3A_3329 = arith.mulf %gather3A_3298, %gather3A_3328 : vector<16xf32>
        %add3A_3330 = arith.addf %scan3A_3279, %mul3A_3329 : vector<16xf32>
        %mul3A_3331 = arith.constant 4 : i32
        %mul3A_3332 = arith.muli %scan3A_3275, %mul3A_3331 : i32
        %add3A_3333 = arith.constant 1 : i32
        %add3A_3334 = arith.addi %mul3A_3332, %add3A_3333 : i32
        %add3A_3335 = vector.broadcast %add3A_3334 : i32 to vector<16xi32>
        %add3A_3336 = arith.addi %mul3A_3, %add3A_3335 : vector<16xi32>
        %gather3A_3337 = tpu.vector_load_idx %arg11[%add3A_3336] : memref<64xf32, #tpu.memory_space<vmem>>[vector<16xi32>], vector<16xf32>,
        %mul3A_3338 = arith.constant 64 : i32
        %mul3A_3339 = arith.muli %add3A_3334, %mul3A_3338 : i32
        %add3A_3340 = arith.constant 288 : i32
        %add3A_3341 = arith.addi %add3A_3340, %mul3A_3339 : i32
        %add3A_3342 = arith.constant 0 : i32
        %add3A_3343 = arith.addi %add3A_3341, %add3A_3342 : i32
        %add3A_3344 = vector.broadcast %add3A_3343 : i32 to vector<16xi32>
        %add3A_3345 = arith.addi %add3A_3344, %iota3A : vector<16xi32>
        %gather3A_3346 = tpu.vector_load_idx %arg5[%add3A_3345] : memref<10768xf32, #tpu.memory_space<vmem>>[vector<16xi32>], vector<16xf32>,
        %mul3A_3347 = arith.mulf %gather3A_3337, %gather3A_3346 : vector<16xf32>
        %add3A_3348 = arith.addf %scan3A_3280, %mul3A_3347 : vector<16xf32>
        %add3A_3349 = arith.constant 16 : i32
        %add3A_3350 = arith.addi %add3A_3341, %add3A_3349 : i32
        %add3A_3351 = vector.broadcast %add3A_3350 : i32 to vector<16xi32>
        %add3A_3352 = arith.addi %add3A_3351, %iota3A : vector<16xi32>
        %gather3A_3353 = tpu.vector_load_idx %arg5[%add3A_3352] : memref<10768xf32, #tpu.memory_space<vmem>>[vector<16xi32>], vector<16xf32>,
        %mul3A_3354 = arith.mulf %gather3A_3337, %gather3A_3353 : vector<16xf32>
        %add3A_3355 = arith.addf %scan3A_3281, %mul3A_3354 : vector<16xf32>
        %add3A_3356 = arith.constant 32 : i32
        %add3A_3357 = arith.addi %add3A_3341, %add3A_3356 : i32
        %add3A_3358 = vector.broadcast %add3A_3357 : i32 to vector<16xi32>
        %add3A_3359 = arith.addi %add3A_3358, %iota3A : vector<16xi32>
        %gather3A_3360 = tpu.vector_load_idx %arg5[%add3A_3359] : memref<10768xf32, #tpu.memory_space<vmem>>[vector<16xi32>], vector<16xf32>,
        %mul3A_3361 = arith.mulf %gather3A_3337, %gather3A_3360 : vector<16xf32>
        %add3A_3362 = arith.addf %scan3A_3282, %mul3A_3361 : vector<16xf32>
        %add3A_3363 = arith.constant 48 : i32
        %add3A_3364 = arith.addi %add3A_3341, %add3A_3363 : i32
        %add3A_3365 = vector.broadcast %add3A_3364 : i32 to vector<16xi32>
        %add3A_3366 = arith.addi %add3A_3365, %iota3A : vector<16xi32>
        %gather3A_3367 = tpu.vector_load_idx %arg5[%add3A_3366] : memref<10768xf32, #tpu.memory_space<vmem>>[vector<16xi32>], vector<16xf32>,
        %mul3A_3368 = arith.mulf %gather3A_3337, %gather3A_3367 : vector<16xf32>
        %add3A_3369 = arith.addf %scan3A_3283, %mul3A_3368 : vector<16xf32>
        %mul3A_3370 = arith.constant 4 : i32
        %mul3A_3371 = arith.muli %scan3A_3275, %mul3A_3370 : i32
        %add3A_3372 = arith.constant 2 : i32
        %add3A_3373 = arith.addi %mul3A_3371, %add3A_3372 : i32
        %add3A_3374 = vector.broadcast %add3A_3373 : i32 to vector<16xi32>
        %add3A_3375 = arith.addi %mul3A_3, %add3A_3374 : vector<16xi32>
        %gather3A_3376 = tpu.vector_load_idx %arg11[%add3A_3375] : memref<64xf32, #tpu.memory_space<vmem>>[vector<16xi32>], vector<16xf32>,
        %mul3A_3377 = arith.constant 64 : i32
        %mul3A_3378 = arith.muli %add3A_3373, %mul3A_3377 : i32
        %add3A_3379 = arith.constant 288 : i32
        %add3A_3380 = arith.addi %add3A_3379, %mul3A_3378 : i32
        %add3A_3381 = arith.constant 0 : i32
        %add3A_3382 = arith.addi %add3A_3380, %add3A_3381 : i32
        %add3A_3383 = vector.broadcast %add3A_3382 : i32 to vector<16xi32>
        %add3A_3384 = arith.addi %add3A_3383, %iota3A : vector<16xi32>
        %gather3A_3385 = tpu.vector_load_idx %arg5[%add3A_3384] : memref<10768xf32, #tpu.memory_space<vmem>>[vector<16xi32>], vector<16xf32>,
        %mul3A_3386 = arith.mulf %gather3A_3376, %gather3A_3385 : vector<16xf32>
        %add3A_3387 = arith.addf %scan3A_3284, %mul3A_3386 : vector<16xf32>
        %add3A_3388 = arith.constant 16 : i32
        %add3A_3389 = arith.addi %add3A_3380, %add3A_3388 : i32
        %add3A_3390 = vector.broadcast %add3A_3389 : i32 to vector<16xi32>
        %add3A_3391 = arith.addi %add3A_3390, %iota3A : vector<16xi32>
        %gather3A_3392 = tpu.vector_load_idx %arg5[%add3A_3391] : memref<10768xf32, #tpu.memory_space<vmem>>[vector<16xi32>], vector<16xf32>,
        %mul3A_3393 = arith.mulf %gather3A_3376, %gather3A_3392 : vector<16xf32>
        %add3A_3394 = arith.addf %scan3A_3285, %mul3A_3393 : vector<16xf32>
        %add3A_3395 = arith.constant 32 : i32
        %add3A_3396 = arith.addi %add3A_3380, %add3A_3395 : i32
        %add3A_3397 = vector.broadcast %add3A_3396 : i32 to vector<16xi32>
        %add3A_3398 = arith.addi %add3A_3397, %iota3A : vector<16xi32>
        %gather3A_3399 = tpu.vector_load_idx %arg5[%add3A_3398] : memref<10768xf32, #tpu.memory_space<vmem>>[vector<16xi32>], vector<16xf32>,
        %mul3A_3400 = arith.mulf %gather3A_3376, %gather3A_3399 : vector<16xf32>
        %add3A_3401 = arith.addf %scan3A_3286, %mul3A_3400 : vector<16xf32>
        %add3A_3402 = arith.constant 48 : i32
        %add3A_3403 = arith.addi %add3A_3380, %add3A_3402 : i32
        %add3A_3404 = vector.broadcast %add3A_3403 : i32 to vector<16xi32>
        %add3A_3405 = arith.addi %add3A_3404, %iota3A : vector<16xi32>
        %gather3A_3406 = tpu.vector_load_idx %arg5[%add3A_3405] : memref<10768xf32, #tpu.memory_space<vmem>>[vector<16xi32>], vector<16xf32>,
        %mul3A_3407 = arith.mulf %gather3A_3376, %gather3A_3406 : vector<16xf32>
        %add3A_3408 = arith.addf %scan3A_3287, %mul3A_3407 : vector<16xf32>
        %mul3A_3409 = arith.constant 4 : i32
        %mul3A_3410 = arith.muli %scan3A_3275, %mul3A_3409 : i32
        %add3A_3411 = arith.constant 3 : i32
        %add3A_3412 = arith.addi %mul3A_3410, %add3A_3411 : i32
        %add3A_3413 = vector.broadcast %add3A_3412 : i32 to vector<16xi32>
        %add3A_3414 = arith.addi %mul3A_3, %add3A_3413 : vector<16xi32>
        %gather3A_3415 = tpu.vector_load_idx %arg11[%add3A_3414] : memref<64xf32, #tpu.memory_space<vmem>>[vector<16xi32>], vector<16xf32>,
        %mul3A_3416 = arith.constant 64 : i32
        %mul3A_3417 = arith.muli %add3A_3412, %mul3A_3416 : i32
        %add3A_3418 = arith.constant 288 : i32
        %add3A_3419 = arith.addi %add3A_3418, %mul3A_3417 : i32
        %add3A_3420 = arith.constant 0 : i32
        %add3A_3421 = arith.addi %add3A_3419, %add3A_3420 : i32
        %add3A_3422 = vector.broadcast %add3A_3421 : i32 to vector<16xi32>
        %add3A_3423 = arith.addi %add3A_3422, %iota3A : vector<16xi32>
        %gather3A_3424 = tpu.vector_load_idx %arg5[%add3A_3423] : memref<10768xf32, #tpu.memory_space<vmem>>[vector<16xi32>], vector<16xf32>,
        %mul3A_3425 = arith.mulf %gather3A_3415, %gather3A_3424 : vector<16xf32>
        %add3A_3426 = arith.addf %scan3A_3288, %mul3A_3425 : vector<16xf32>
        %add3A_3427 = arith.constant 16 : i32
        %add3A_3428 = arith.addi %add3A_3419, %add3A_3427 : i32
        %add3A_3429 = vector.broadcast %add3A_3428 : i32 to vector<16xi32>
        %add3A_3430 = arith.addi %add3A_3429, %iota3A : vector<16xi32>
        %gather3A_3431 = tpu.vector_load_idx %arg5[%add3A_3430] : memref<10768xf32, #tpu.memory_space<vmem>>[vector<16xi32>], vector<16xf32>,
        %mul3A_3432 = arith.mulf %gather3A_3415, %gather3A_3431 : vector<16xf32>
        %add3A_3433 = arith.addf %scan3A_3289, %mul3A_3432 : vector<16xf32>
        %add3A_3434 = arith.constant 32 : i32
        %add3A_3435 = arith.addi %add3A_3419, %add3A_3434 : i32
        %add3A_3436 = vector.broadcast %add3A_3435 : i32 to vector<16xi32>
        %add3A_3437 = arith.addi %add3A_3436, %iota3A : vector<16xi32>
        %gather3A_3438 = tpu.vector_load_idx %arg5[%add3A_3437] : memref<10768xf32, #tpu.memory_space<vmem>>[vector<16xi32>], vector<16xf32>,
        %mul3A_3439 = arith.mulf %gather3A_3415, %gather3A_3438 : vector<16xf32>
        %add3A_3440 = arith.addf %scan3A_3290, %mul3A_3439 : vector<16xf32>
        %add3A_3441 = arith.constant 48 : i32
        %add3A_3442 = arith.addi %add3A_3419, %add3A_3441 : i32
        %add3A_3443 = vector.broadcast %add3A_3442 : i32 to vector<16xi32>
        %add3A_3444 = arith.addi %add3A_3443, %iota3A : vector<16xi32>
        %gather3A_3445 = tpu.vector_load_idx %arg5[%add3A_3444] : memref<10768xf32, #tpu.memory_space<vmem>>[vector<16xi32>], vector<16xf32>,
        %mul3A_3446 = arith.mulf %gather3A_3415, %gather3A_3445 : vector<16xf32>
        %add3A_3447 = arith.addf %scan3A_3291, %mul3A_3446 : vector<16xf32>
        scf.yield %add3A_3309, %add3A_3316, %add3A_3323, %add3A_3330, %add3A_3348, %add3A_3355, %add3A_3362, %add3A_3369, %add3A_3387, %add3A_3394, %add3A_3401, %add3A_3408, %add3A_3426, %add3A_3433, %add3A_3440, %add3A_3447 : vector<16xf32>, vector<16xf32>, vector<16xf32>, vector<16xf32>, vector<16xf32>, vector<16xf32>, vector<16xf32>, vector<16xf32>, vector<16xf32>, vector<16xf32>, vector<16xf32>, vector<16xf32>, vector<16xf32>, vector<16xf32>, vector<16xf32>, vector<16xf32>
      }
      %scan3A_2952 = arith.constant 16 : i32
      %add3A_2953 = arith.addf %scan3A_2951#0, %scan3A_2951#4 : vector<16xf32>
      %add3A_2954 = arith.addf %add3A_2953, %scan3A_2951#8 : vector<16xf32>
      %add3A_2955 = arith.addf %add3A_2954, %scan3A_2951#12 : vector<16xf32>
      %gt3A_2956 = arith.constant 0.000000e+00 : f32
      %gt3A_2957 = vector.broadcast %gt3A_2956 : f32 to vector<16xf32>
      %gt3A_2958 = arith.cmpf ogt, %add3A_2955, %gt3A_2957 : vector<16xf32>
      %mul3A_2959 = arith.constant 0.00999999977 : f32
      %mul3A_2960 = vector.broadcast %mul3A_2959 : f32 to vector<16xf32>
      %mul3A_2961 = arith.mulf %mul3A_2960, %add3A_2955 : vector<16xf32>
      %select_n3A_2962 = arith.select %gt3A_2958, %add3A_2955, %mul3A_2961 : vector<16xi1>, vector<16xf32>
      %add3A_2963 = arith.addf %scan3A_2951#1, %scan3A_2951#5 : vector<16xf32>
      %add3A_2964 = arith.addf %add3A_2963, %scan3A_2951#9 : vector<16xf32>
      %add3A_2965 = arith.addf %add3A_2964, %scan3A_2951#13 : vector<16xf32>
      %gt3A_2966 = arith.constant 0.000000e+00 : f32
      %gt3A_2967 = vector.broadcast %gt3A_2966 : f32 to vector<16xf32>
      %gt3A_2968 = arith.cmpf ogt, %add3A_2965, %gt3A_2967 : vector<16xf32>
      %mul3A_2969 = arith.constant 0.00999999977 : f32
      %mul3A_2970 = vector.broadcast %mul3A_2969 : f32 to vector<16xf32>
      %mul3A_2971 = arith.mulf %mul3A_2970, %add3A_2965 : vector<16xf32>
      %select_n3A_2972 = arith.select %gt3A_2968, %add3A_2965, %mul3A_2971 : vector<16xi1>, vector<16xf32>
      %add3A_2973 = arith.addf %scan3A_2951#2, %scan3A_2951#6 : vector<16xf32>
      %add3A_2974 = arith.addf %add3A_2973, %scan3A_2951#10 : vector<16xf32>
      %add3A_2975 = arith.addf %add3A_2974, %scan3A_2951#14 : vector<16xf32>
      %gt3A_2976 = arith.constant 0.000000e+00 : f32
      %gt3A_2977 = vector.broadcast %gt3A_2976 : f32 to vector<16xf32>
      %gt3A_2978 = arith.cmpf ogt, %add3A_2975, %gt3A_2977 : vector<16xf32>
      %mul3A_2979 = arith.constant 0.00999999977 : f32
      %mul3A_2980 = vector.broadcast %mul3A_2979 : f32 to vector<16xf32>
      %mul3A_2981 = arith.mulf %mul3A_2980, %add3A_2975 : vector<16xf32>
      %select_n3A_2982 = arith.select %gt3A_2978, %add3A_2975, %mul3A_2981 : vector<16xi1>, vector<16xf32>
      %add3A_2983 = arith.addf %scan3A_2951#3, %scan3A_2951#7 : vector<16xf32>
      %add3A_2984 = arith.addf %add3A_2983, %scan3A_2951#11 : vector<16xf32>
      %add3A_2985 = arith.addf %add3A_2984, %scan3A_2951#15 : vector<16xf32>
      %gt3A_2986 = arith.constant 0.000000e+00 : f32
      %gt3A_2987 = vector.broadcast %gt3A_2986 : f32 to vector<16xf32>
      %gt3A_2988 = arith.cmpf ogt, %add3A_2985, %gt3A_2987 : vector<16xf32>
      %mul3A_2989 = arith.constant 0.00999999977 : f32
      %mul3A_2990 = vector.broadcast %mul3A_2989 : f32 to vector<16xf32>
      %mul3A_2991 = arith.mulf %mul3A_2990, %add3A_2985 : vector<16xf32>
      %select_n3A_2992 = arith.select %gt3A_2988, %add3A_2985, %mul3A_2991 : vector<16xi1>, vector<16xf32>
      %swap3A_2993 = arith.constant 0 : index
      %swap3A_2994 = tpu.vector_load %arg12[%swap3A_2993] {strides = array<i32>} : memref<64xf32, #tpu.memory_space<vmem>>, vector<16xf32>,
      tpu.vector_store %arg12[%swap3A_2993], %select_n3A_2962 {strides = array<i32>} : memref<64xf32, #tpu.memory_space<vmem>>, vector<16xf32>,
      %swap3A_2995 = arith.constant 16 : index
      %swap3A_2996 = tpu.vector_load %arg12[%swap3A_2995] {strides = array<i32>} : memref<64xf32, #tpu.memory_space<vmem>>, vector<16xf32>,
      tpu.vector_store %arg12[%swap3A_2995], %select_n3A_2972 {strides = array<i32>} : memref<64xf32, #tpu.memory_space<vmem>>, vector<16xf32>,
      %swap3A_2997 = arith.constant 32 : index
      %swap3A_2998 = tpu.vector_load %arg12[%swap3A_2997] {strides = array<i32>} : memref<64xf32, #tpu.memory_space<vmem>>, vector<16xf32>,
      tpu.vector_store %arg12[%swap3A_2997], %select_n3A_2982 {strides = array<i32>} : memref<64xf32, #tpu.memory_space<vmem>>, vector<16xf32>,
      %swap3A_2999 = arith.constant 48 : index
      %swap3A_3000 = tpu.vector_load %arg12[%swap3A_2999] {strides = array<i32>} : memref<64xf32, #tpu.memory_space<vmem>>, vector<16xf32>,
      tpu.vector_store %arg12[%swap3A_2999], %select_n3A_2992 {strides = array<i32>} : memref<64xf32, #tpu.memory_space<vmem>>, vector<16xf32>,
      %broadcast_in_dim3A_3001 = arith.constant 0.000000e+00 : f32
      %broadcast_in_dim3A_3002 = vector.broadcast %broadcast_in_dim3A_3001 : f32 to vector<16xf32>
      %get3A_3003 = arith.constant 8544 : index
      %get3A_3004 = tpu.vector_load %arg5[%get3A_3003] {strides = array<i32>} : memref<10768xf32, #tpu.memory_space<vmem>>, vector<16xf32>,
      %get3A_3005 = arith.constant 8560 : index
      %get3A_3006 = tpu.vector_load %arg5[%get3A_3005] {strides = array<i32>} : memref<10768xf32, #tpu.memory_space<vmem>>, vector<16xf32>,
      %get3A_3007 = arith.constant 8576 : index
      %get3A_3008 = tpu.vector_load %arg5[%get3A_3007] {strides = array<i32>} : memref<10768xf32, #tpu.memory_space<vmem>>, vector<16xf32>,
      %get3A_3009 = arith.constant 8592 : index
      %get3A_3010 = tpu.vector_load %arg5[%get3A_3009] {strides = array<i32>} : memref<10768xf32, #tpu.memory_space<vmem>>, vector<16xf32>,
      %scan3A_3011 = arith.constant 0 : i32
      %scan3A_3012 = arith.constant 16 : i32
      %scan3A_3013 = arith.addi %scan3A_3011, %scan3A_3012 : i32
      %scan3A_3014 = arith.constant 1 : i32
      %scan3A_3015:16 = scf.for %scan3A_3275 = %scan3A_3011 to %scan3A_3013 step %scan3A_3014 iter_args(%scan3A_3276 = %get3A_3004, %scan3A_3277 = %get3A_3006, %scan3A_3278 = %get3A_3008, %scan3A_3279 = %get3A_3010, %scan3A_3280 = %broadcast_in_dim3A_3002, %scan3A_3281 = %broadcast_in_dim3A_3002, %scan3A_3282 = %broadcast_in_dim3A_3002, %scan3A_3283 = %broadcast_in_dim3A_3002, %scan3A_3284 = %broadcast_in_dim3A_3002, %scan3A_3285 = %broadcast_in_dim3A_3002, %scan3A_3286 = %broadcast_in_dim3A_3002, %scan3A_3287 = %broadcast_in_dim3A_3002, %scan3A_3288 = %broadcast_in_dim3A_3002, %scan3A_3289 = %broadcast_in_dim3A_3002, %scan3A_3290 = %broadcast_in_dim3A_3002, %scan3A_3291 = %broadcast_in_dim3A_3002) -> (vector<16xf32>, vector<16xf32>, vector<16xf32>, vector<16xf32>, vector<16xf32>, vector<16xf32>, vector<16xf32>, vector<16xf32>, vector<16xf32>, vector<16xf32>, vector<16xf32>, vector<16xf32>, vector<16xf32>, vector<16xf32>, vector<16xf32>, vector<16xf32>)  : i32 {
        %mul3A_3292 = arith.constant 4 : i32
        %mul3A_3293 = arith.muli %scan3A_3275, %mul3A_3292 : i32
        %add3A_3294 = arith.constant 0 : i32
        %add3A_3295 = arith.addi %mul3A_3293, %add3A_3294 : i32
        %add3A_3296 = vector.broadcast %add3A_3295 : i32 to vector<16xi32>
        %add3A_3297 = arith.addi %mul3A_3, %add3A_3296 : vector<16xi32>
        %gather3A_3298 = tpu.vector_load_idx %arg12[%add3A_3297] : memref<64xf32, #tpu.memory_space<vmem>>[vector<16xi32>], vector<16xf32>,
        %mul3A_3299 = arith.constant 64 : i32
        %mul3A_3300 = arith.muli %add3A_3295, %mul3A_3299 : i32
        %add3A_3301 = arith.constant 4448 : i32
        %add3A_3302 = arith.addi %add3A_3301, %mul3A_3300 : i32
        %add3A_3303 = arith.constant 0 : i32
        %add3A_3304 = arith.addi %add3A_3302, %add3A_3303 : i32
        %add3A_3305 = vector.broadcast %add3A_3304 : i32 to vector<16xi32>
        %add3A_3306 = arith.addi %add3A_3305, %iota3A : vector<16xi32>
        %gather3A_3307 = tpu.vector_load_idx %arg5[%add3A_3306] : memref<10768xf32, #tpu.memory_space<vmem>>[vector<16xi32>], vector<16xf32>,
        %mul3A_3308 = arith.mulf %gather3A_3298, %gather3A_3307 : vector<16xf32>
        %add3A_3309 = arith.addf %scan3A_3276, %mul3A_3308 : vector<16xf32>
        %add3A_3310 = arith.constant 16 : i32
        %add3A_3311 = arith.addi %add3A_3302, %add3A_3310 : i32
        %add3A_3312 = vector.broadcast %add3A_3311 : i32 to vector<16xi32>
        %add3A_3313 = arith.addi %add3A_3312, %iota3A : vector<16xi32>
        %gather3A_3314 = tpu.vector_load_idx %arg5[%add3A_3313] : memref<10768xf32, #tpu.memory_space<vmem>>[vector<16xi32>], vector<16xf32>,
        %mul3A_3315 = arith.mulf %gather3A_3298, %gather3A_3314 : vector<16xf32>
        %add3A_3316 = arith.addf %scan3A_3277, %mul3A_3315 : vector<16xf32>
        %add3A_3317 = arith.constant 32 : i32
        %add3A_3318 = arith.addi %add3A_3302, %add3A_3317 : i32
        %add3A_3319 = vector.broadcast %add3A_3318 : i32 to vector<16xi32>
        %add3A_3320 = arith.addi %add3A_3319, %iota3A : vector<16xi32>
        %gather3A_3321 = tpu.vector_load_idx %arg5[%add3A_3320] : memref<10768xf32, #tpu.memory_space<vmem>>[vector<16xi32>], vector<16xf32>,
        %mul3A_3322 = arith.mulf %gather3A_3298, %gather3A_3321 : vector<16xf32>
        %add3A_3323 = arith.addf %scan3A_3278, %mul3A_3322 : vector<16xf32>
        %add3A_3324 = arith.constant 48 : i32
        %add3A_3325 = arith.addi %add3A_3302, %add3A_3324 : i32
        %add3A_3326 = vector.broadcast %add3A_3325 : i32 to vector<16xi32>
        %add3A_3327 = arith.addi %add3A_3326, %iota3A : vector<16xi32>
        %gather3A_3328 = tpu.vector_load_idx %arg5[%add3A_3327] : memref<10768xf32, #tpu.memory_space<vmem>>[vector<16xi32>], vector<16xf32>,
        %mul3A_3329 = arith.mulf %gather3A_3298, %gather3A_3328 : vector<16xf32>
        %add3A_3330 = arith.addf %scan3A_3279, %mul3A_3329 : vector<16xf32>
        %mul3A_3331 = arith.constant 4 : i32
        %mul3A_3332 = arith.muli %scan3A_3275, %mul3A_3331 : i32
        %add3A_3333 = arith.constant 1 : i32
        %add3A_3334 = arith.addi %mul3A_3332, %add3A_3333 : i32
        %add3A_3335 = vector.broadcast %add3A_3334 : i32 to vector<16xi32>
        %add3A_3336 = arith.addi %mul3A_3, %add3A_3335 : vector<16xi32>
        %gather3A_3337 = tpu.vector_load_idx %arg12[%add3A_3336] : memref<64xf32, #tpu.memory_space<vmem>>[vector<16xi32>], vector<16xf32>,
        %mul3A_3338 = arith.constant 64 : i32
        %mul3A_3339 = arith.muli %add3A_3334, %mul3A_3338 : i32
        %add3A_3340 = arith.constant 4448 : i32
        %add3A_3341 = arith.addi %add3A_3340, %mul3A_3339 : i32
        %add3A_3342 = arith.constant 0 : i32
        %add3A_3343 = arith.addi %add3A_3341, %add3A_3342 : i32
        %add3A_3344 = vector.broadcast %add3A_3343 : i32 to vector<16xi32>
        %add3A_3345 = arith.addi %add3A_3344, %iota3A : vector<16xi32>
        %gather3A_3346 = tpu.vector_load_idx %arg5[%add3A_3345] : memref<10768xf32, #tpu.memory_space<vmem>>[vector<16xi32>], vector<16xf32>,
        %mul3A_3347 = arith.mulf %gather3A_3337, %gather3A_3346 : vector<16xf32>
        %add3A_3348 = arith.addf %scan3A_3280, %mul3A_3347 : vector<16xf32>
        %add3A_3349 = arith.constant 16 : i32
        %add3A_3350 = arith.addi %add3A_3341, %add3A_3349 : i32
        %add3A_3351 = vector.broadcast %add3A_3350 : i32 to vector<16xi32>
        %add3A_3352 = arith.addi %add3A_3351, %iota3A : vector<16xi32>
        %gather3A_3353 = tpu.vector_load_idx %arg5[%add3A_3352] : memref<10768xf32, #tpu.memory_space<vmem>>[vector<16xi32>], vector<16xf32>,
        %mul3A_3354 = arith.mulf %gather3A_3337, %gather3A_3353 : vector<16xf32>
        %add3A_3355 = arith.addf %scan3A_3281, %mul3A_3354 : vector<16xf32>
        %add3A_3356 = arith.constant 32 : i32
        %add3A_3357 = arith.addi %add3A_3341, %add3A_3356 : i32
        %add3A_3358 = vector.broadcast %add3A_3357 : i32 to vector<16xi32>
        %add3A_3359 = arith.addi %add3A_3358, %iota3A : vector<16xi32>
        %gather3A_3360 = tpu.vector_load_idx %arg5[%add3A_3359] : memref<10768xf32, #tpu.memory_space<vmem>>[vector<16xi32>], vector<16xf32>,
        %mul3A_3361 = arith.mulf %gather3A_3337, %gather3A_3360 : vector<16xf32>
        %add3A_3362 = arith.addf %scan3A_3282, %mul3A_3361 : vector<16xf32>
        %add3A_3363 = arith.constant 48 : i32
        %add3A_3364 = arith.addi %add3A_3341, %add3A_3363 : i32
        %add3A_3365 = vector.broadcast %add3A_3364 : i32 to vector<16xi32>
        %add3A_3366 = arith.addi %add3A_3365, %iota3A : vector<16xi32>
        %gather3A_3367 = tpu.vector_load_idx %arg5[%add3A_3366] : memref<10768xf32, #tpu.memory_space<vmem>>[vector<16xi32>], vector<16xf32>,
        %mul3A_3368 = arith.mulf %gather3A_3337, %gather3A_3367 : vector<16xf32>
        %add3A_3369 = arith.addf %scan3A_3283, %mul3A_3368 : vector<16xf32>
        %mul3A_3370 = arith.constant 4 : i32
        %mul3A_3371 = arith.muli %scan3A_3275, %mul3A_3370 : i32
        %add3A_3372 = arith.constant 2 : i32
        %add3A_3373 = arith.addi %mul3A_3371, %add3A_3372 : i32
        %add3A_3374 = vector.broadcast %add3A_3373 : i32 to vector<16xi32>
        %add3A_3375 = arith.addi %mul3A_3, %add3A_3374 : vector<16xi32>
        %gather3A_3376 = tpu.vector_load_idx %arg12[%add3A_3375] : memref<64xf32, #tpu.memory_space<vmem>>[vector<16xi32>], vector<16xf32>,
        %mul3A_3377 = arith.constant 64 : i32
        %mul3A_3378 = arith.muli %add3A_3373, %mul3A_3377 : i32
        %add3A_3379 = arith.constant 4448 : i32
        %add3A_3380 = arith.addi %add3A_3379, %mul3A_3378 : i32
        %add3A_3381 = arith.constant 0 : i32
        %add3A_3382 = arith.addi %add3A_3380, %add3A_3381 : i32
        %add3A_3383 = vector.broadcast %add3A_3382 : i32 to vector<16xi32>
        %add3A_3384 = arith.addi %add3A_3383, %iota3A : vector<16xi32>
        %gather3A_3385 = tpu.vector_load_idx %arg5[%add3A_3384] : memref<10768xf32, #tpu.memory_space<vmem>>[vector<16xi32>], vector<16xf32>,
        %mul3A_3386 = arith.mulf %gather3A_3376, %gather3A_3385 : vector<16xf32>
        %add3A_3387 = arith.addf %scan3A_3284, %mul3A_3386 : vector<16xf32>
        %add3A_3388 = arith.constant 16 : i32
        %add3A_3389 = arith.addi %add3A_3380, %add3A_3388 : i32
        %add3A_3390 = vector.broadcast %add3A_3389 : i32 to vector<16xi32>
        %add3A_3391 = arith.addi %add3A_3390, %iota3A : vector<16xi32>
        %gather3A_3392 = tpu.vector_load_idx %arg5[%add3A_3391] : memref<10768xf32, #tpu.memory_space<vmem>>[vector<16xi32>], vector<16xf32>,
        %mul3A_3393 = arith.mulf %gather3A_3376, %gather3A_3392 : vector<16xf32>
        %add3A_3394 = arith.addf %scan3A_3285, %mul3A_3393 : vector<16xf32>
        %add3A_3395 = arith.constant 32 : i32
        %add3A_3396 = arith.addi %add3A_3380, %add3A_3395 : i32
        %add3A_3397 = vector.broadcast %add3A_3396 : i32 to vector<16xi32>
        %add3A_3398 = arith.addi %add3A_3397, %iota3A : vector<16xi32>
        %gather3A_3399 = tpu.vector_load_idx %arg5[%add3A_3398] : memref<10768xf32, #tpu.memory_space<vmem>>[vector<16xi32>], vector<16xf32>,
        %mul3A_3400 = arith.mulf %gather3A_3376, %gather3A_3399 : vector<16xf32>
        %add3A_3401 = arith.addf %scan3A_3286, %mul3A_3400 : vector<16xf32>
        %add3A_3402 = arith.constant 48 : i32
        %add3A_3403 = arith.addi %add3A_3380, %add3A_3402 : i32
        %add3A_3404 = vector.broadcast %add3A_3403 : i32 to vector<16xi32>
        %add3A_3405 = arith.addi %add3A_3404, %iota3A : vector<16xi32>
        %gather3A_3406 = tpu.vector_load_idx %arg5[%add3A_3405] : memref<10768xf32, #tpu.memory_space<vmem>>[vector<16xi32>], vector<16xf32>,
        %mul3A_3407 = arith.mulf %gather3A_3376, %gather3A_3406 : vector<16xf32>
        %add3A_3408 = arith.addf %scan3A_3287, %mul3A_3407 : vector<16xf32>
        %mul3A_3409 = arith.constant 4 : i32
        %mul3A_3410 = arith.muli %scan3A_3275, %mul3A_3409 : i32
        %add3A_3411 = arith.constant 3 : i32
        %add3A_3412 = arith.addi %mul3A_3410, %add3A_3411 : i32
        %add3A_3413 = vector.broadcast %add3A_3412 : i32 to vector<16xi32>
        %add3A_3414 = arith.addi %mul3A_3, %add3A_3413 : vector<16xi32>
        %gather3A_3415 = tpu.vector_load_idx %arg12[%add3A_3414] : memref<64xf32, #tpu.memory_space<vmem>>[vector<16xi32>], vector<16xf32>,
        %mul3A_3416 = arith.constant 64 : i32
        %mul3A_3417 = arith.muli %add3A_3412, %mul3A_3416 : i32
        %add3A_3418 = arith.constant 4448 : i32
        %add3A_3419 = arith.addi %add3A_3418, %mul3A_3417 : i32
        %add3A_3420 = arith.constant 0 : i32
        %add3A_3421 = arith.addi %add3A_3419, %add3A_3420 : i32
        %add3A_3422 = vector.broadcast %add3A_3421 : i32 to vector<16xi32>
        %add3A_3423 = arith.addi %add3A_3422, %iota3A : vector<16xi32>
        %gather3A_3424 = tpu.vector_load_idx %arg5[%add3A_3423] : memref<10768xf32, #tpu.memory_space<vmem>>[vector<16xi32>], vector<16xf32>,
        %mul3A_3425 = arith.mulf %gather3A_3415, %gather3A_3424 : vector<16xf32>
        %add3A_3426 = arith.addf %scan3A_3288, %mul3A_3425 : vector<16xf32>
        %add3A_3427 = arith.constant 16 : i32
        %add3A_3428 = arith.addi %add3A_3419, %add3A_3427 : i32
        %add3A_3429 = vector.broadcast %add3A_3428 : i32 to vector<16xi32>
        %add3A_3430 = arith.addi %add3A_3429, %iota3A : vector<16xi32>
        %gather3A_3431 = tpu.vector_load_idx %arg5[%add3A_3430] : memref<10768xf32, #tpu.memory_space<vmem>>[vector<16xi32>], vector<16xf32>,
        %mul3A_3432 = arith.mulf %gather3A_3415, %gather3A_3431 : vector<16xf32>
        %add3A_3433 = arith.addf %scan3A_3289, %mul3A_3432 : vector<16xf32>
        %add3A_3434 = arith.constant 32 : i32
        %add3A_3435 = arith.addi %add3A_3419, %add3A_3434 : i32
        %add3A_3436 = vector.broadcast %add3A_3435 : i32 to vector<16xi32>
        %add3A_3437 = arith.addi %add3A_3436, %iota3A : vector<16xi32>
        %gather3A_3438 = tpu.vector_load_idx %arg5[%add3A_3437] : memref<10768xf32, #tpu.memory_space<vmem>>[vector<16xi32>], vector<16xf32>,
        %mul3A_3439 = arith.mulf %gather3A_3415, %gather3A_3438 : vector<16xf32>
        %add3A_3440 = arith.addf %scan3A_3290, %mul3A_3439 : vector<16xf32>
        %add3A_3441 = arith.constant 48 : i32
        %add3A_3442 = arith.addi %add3A_3419, %add3A_3441 : i32
        %add3A_3443 = vector.broadcast %add3A_3442 : i32 to vector<16xi32>
        %add3A_3444 = arith.addi %add3A_3443, %iota3A : vector<16xi32>
        %gather3A_3445 = tpu.vector_load_idx %arg5[%add3A_3444] : memref<10768xf32, #tpu.memory_space<vmem>>[vector<16xi32>], vector<16xf32>,
        %mul3A_3446 = arith.mulf %gather3A_3415, %gather3A_3445 : vector<16xf32>
        %add3A_3447 = arith.addf %scan3A_3291, %mul3A_3446 : vector<16xf32>
        scf.yield %add3A_3309, %add3A_3316, %add3A_3323, %add3A_3330, %add3A_3348, %add3A_3355, %add3A_3362, %add3A_3369, %add3A_3387, %add3A_3394, %add3A_3401, %add3A_3408, %add3A_3426, %add3A_3433, %add3A_3440, %add3A_3447 : vector<16xf32>, vector<16xf32>, vector<16xf32>, vector<16xf32>, vector<16xf32>, vector<16xf32>, vector<16xf32>, vector<16xf32>, vector<16xf32>, vector<16xf32>, vector<16xf32>, vector<16xf32>, vector<16xf32>, vector<16xf32>, vector<16xf32>, vector<16xf32>
      }
      %scan3A_3016 = arith.constant 16 : i32
      %add3A_3017 = arith.addf %scan3A_3015#0, %scan3A_3015#4 : vector<16xf32>
      %add3A_3018 = arith.addf %add3A_3017, %scan3A_3015#8 : vector<16xf32>
      %add3A_3019 = arith.addf %add3A_3018, %scan3A_3015#12 : vector<16xf32>
      %gt3A_3020 = arith.constant 0.000000e+00 : f32
      %gt3A_3021 = vector.broadcast %gt3A_3020 : f32 to vector<16xf32>
      %gt3A_3022 = arith.cmpf ogt, %add3A_3019, %gt3A_3021 : vector<16xf32>
      %mul3A_3023 = arith.constant 0.00999999977 : f32
      %mul3A_3024 = vector.broadcast %mul3A_3023 : f32 to vector<16xf32>
      %mul3A_3025 = arith.mulf %mul3A_3024, %add3A_3019 : vector<16xf32>
      %select_n3A_3026 = arith.select %gt3A_3022, %add3A_3019, %mul3A_3025 : vector<16xi1>, vector<16xf32>
      %add3A_3027 = arith.addf %scan3A_3015#1, %scan3A_3015#5 : vector<16xf32>
      %add3A_3028 = arith.addf %add3A_3027, %scan3A_3015#9 : vector<16xf32>
      %add3A_3029 = arith.addf %add3A_3028, %scan3A_3015#13 : vector<16xf32>
      %gt3A_3030 = arith.constant 0.000000e+00 : f32
      %gt3A_3031 = vector.broadcast %gt3A_3030 : f32 to vector<16xf32>
      %gt3A_3032 = arith.cmpf ogt, %add3A_3029, %gt3A_3031 : vector<16xf32>
      %mul3A_3033 = arith.constant 0.00999999977 : f32
      %mul3A_3034 = vector.broadcast %mul3A_3033 : f32 to vector<16xf32>
      %mul3A_3035 = arith.mulf %mul3A_3034, %add3A_3029 : vector<16xf32>
      %select_n3A_3036 = arith.select %gt3A_3032, %add3A_3029, %mul3A_3035 : vector<16xi1>, vector<16xf32>
      %add3A_3037 = arith.addf %scan3A_3015#2, %scan3A_3015#6 : vector<16xf32>
      %add3A_3038 = arith.addf %add3A_3037, %scan3A_3015#10 : vector<16xf32>
      %add3A_3039 = arith.addf %add3A_3038, %scan3A_3015#14 : vector<16xf32>
      %gt3A_3040 = arith.constant 0.000000e+00 : f32
      %gt3A_3041 = vector.broadcast %gt3A_3040 : f32 to vector<16xf32>
      %gt3A_3042 = arith.cmpf ogt, %add3A_3039, %gt3A_3041 : vector<16xf32>
      %mul3A_3043 = arith.constant 0.00999999977 : f32
      %mul3A_3044 = vector.broadcast %mul3A_3043 : f32 to vector<16xf32>
      %mul3A_3045 = arith.mulf %mul3A_3044, %add3A_3039 : vector<16xf32>
      %select_n3A_3046 = arith.select %gt3A_3042, %add3A_3039, %mul3A_3045 : vector<16xi1>, vector<16xf32>
      %add3A_3047 = arith.addf %scan3A_3015#3, %scan3A_3015#7 : vector<16xf32>
      %add3A_3048 = arith.addf %add3A_3047, %scan3A_3015#11 : vector<16xf32>
      %add3A_3049 = arith.addf %add3A_3048, %scan3A_3015#15 : vector<16xf32>
      %gt3A_3050 = arith.constant 0.000000e+00 : f32
      %gt3A_3051 = vector.broadcast %gt3A_3050 : f32 to vector<16xf32>
      %gt3A_3052 = arith.cmpf ogt, %add3A_3049, %gt3A_3051 : vector<16xf32>
      %mul3A_3053 = arith.constant 0.00999999977 : f32
      %mul3A_3054 = vector.broadcast %mul3A_3053 : f32 to vector<16xf32>
      %mul3A_3055 = arith.mulf %mul3A_3054, %add3A_3049 : vector<16xf32>
      %select_n3A_3056 = arith.select %gt3A_3052, %add3A_3049, %mul3A_3055 : vector<16xi1>, vector<16xf32>
      %swap3A_3057 = arith.constant 0 : index
      %swap3A_3058 = tpu.vector_load %arg11[%swap3A_3057] {strides = array<i32>} : memref<64xf32, #tpu.memory_space<vmem>>, vector<16xf32>,
      tpu.vector_store %arg11[%swap3A_3057], %select_n3A_3026 {strides = array<i32>} : memref<64xf32, #tpu.memory_space<vmem>>, vector<16xf32>,
      %swap3A_3059 = arith.constant 16 : index
      %swap3A_3060 = tpu.vector_load %arg11[%swap3A_3059] {strides = array<i32>} : memref<64xf32, #tpu.memory_space<vmem>>, vector<16xf32>,
      tpu.vector_store %arg11[%swap3A_3059], %select_n3A_3036 {strides = array<i32>} : memref<64xf32, #tpu.memory_space<vmem>>, vector<16xf32>,
      %swap3A_3061 = arith.constant 32 : index
      %swap3A_3062 = tpu.vector_load %arg11[%swap3A_3061] {strides = array<i32>} : memref<64xf32, #tpu.memory_space<vmem>>, vector<16xf32>,
      tpu.vector_store %arg11[%swap3A_3061], %select_n3A_3046 {strides = array<i32>} : memref<64xf32, #tpu.memory_space<vmem>>, vector<16xf32>,
      %swap3A_3063 = arith.constant 48 : index
      %swap3A_3064 = tpu.vector_load %arg11[%swap3A_3063] {strides = array<i32>} : memref<64xf32, #tpu.memory_space<vmem>>, vector<16xf32>,
      tpu.vector_store %arg11[%swap3A_3063], %select_n3A_3056 {strides = array<i32>} : memref<64xf32, #tpu.memory_space<vmem>>, vector<16xf32>,
      %broadcast_in_dim3A_3065 = arith.constant 0.000000e+00 : f32
      %broadcast_in_dim3A_3066 = vector.broadcast %broadcast_in_dim3A_3065 : f32 to vector<16xf32>
      %get3A_3067 = arith.constant 10656 : index
      %get3A_3068 = tpu.vector_load %arg5[%get3A_3067] {strides = array<i32>} : memref<10768xf32, #tpu.memory_space<vmem>>, vector<16xf32>,
      %get3A_3069 = arith.constant 10672 : index
      %get3A_3070 = tpu.vector_load %arg5[%get3A_3069] {strides = array<i32>} : memref<10768xf32, #tpu.memory_space<vmem>>, vector<16xf32>,
      %scan3A_3071 = arith.constant 0 : i32
      %scan3A_3072 = arith.constant 16 : i32
      %scan3A_3073 = arith.addi %scan3A_3071, %scan3A_3072 : i32
      %scan3A_3074 = arith.constant 1 : i32
      %scan3A_3075:8 = scf.for %scan3A_3275 = %scan3A_3071 to %scan3A_3073 step %scan3A_3074 iter_args(%scan3A_3276 = %get3A_3068, %scan3A_3277 = %get3A_3070, %scan3A_3278 = %broadcast_in_dim3A_3066, %scan3A_3279 = %broadcast_in_dim3A_3066, %scan3A_3280 = %broadcast_in_dim3A_3066, %scan3A_3281 = %broadcast_in_dim3A_3066, %scan3A_3282 = %broadcast_in_dim3A_3066, %scan3A_3283 = %broadcast_in_dim3A_3066) -> (vector<16xf32>, vector<16xf32>, vector<16xf32>, vector<16xf32>, vector<16xf32>, vector<16xf32>, vector<16xf32>, vector<16xf32>)  : i32 {
        %mul3A_3284 = arith.constant 4 : i32
        %mul3A_3285 = arith.muli %scan3A_3275, %mul3A_3284 : i32
        %add3A_3286 = arith.constant 0 : i32
        %add3A_3287 = arith.addi %mul3A_3285, %add3A_3286 : i32
        %add3A_3288 = vector.broadcast %add3A_3287 : i32 to vector<16xi32>
        %add3A_3289 = arith.addi %mul3A_3, %add3A_3288 : vector<16xi32>
        %gather3A_3290 = tpu.vector_load_idx %arg11[%add3A_3289] : memref<64xf32, #tpu.memory_space<vmem>>[vector<16xi32>], vector<16xf32>,
        %mul3A_3291 = arith.constant 32 : i32
        %mul3A_3292 = arith.muli %add3A_3287, %mul3A_3291 : i32
        %add3A_3293 = arith.constant 8608 : i32
        %add3A_3294 = arith.addi %add3A_3293, %mul3A_3292 : i32
        %add3A_3295 = arith.constant 0 : i32
        %add3A_3296 = arith.addi %add3A_3294, %add3A_3295 : i32
        %add3A_3297 = vector.broadcast %add3A_3296 : i32 to vector<16xi32>
        %add3A_3298 = arith.addi %add3A_3297, %iota3A : vector<16xi32>
        %gather3A_3299 = tpu.vector_load_idx %arg5[%add3A_3298] : memref<10768xf32, #tpu.memory_space<vmem>>[vector<16xi32>], vector<16xf32>,
        %mul3A_3300 = arith.mulf %gather3A_3290, %gather3A_3299 : vector<16xf32>
        %add3A_3301 = arith.addf %scan3A_3276, %mul3A_3300 : vector<16xf32>
        %add3A_3302 = arith.constant 16 : i32
        %add3A_3303 = arith.addi %add3A_3294, %add3A_3302 : i32
        %add3A_3304 = vector.broadcast %add3A_3303 : i32 to vector<16xi32>
        %add3A_3305 = arith.addi %add3A_3304, %iota3A : vector<16xi32>
        %gather3A_3306 = tpu.vector_load_idx %arg5[%add3A_3305] : memref<10768xf32, #tpu.memory_space<vmem>>[vector<16xi32>], vector<16xf32>,
        %mul3A_3307 = arith.mulf %gather3A_3290, %gather3A_3306 : vector<16xf32>
        %add3A_3308 = arith.addf %scan3A_3277, %mul3A_3307 : vector<16xf32>
        %mul3A_3309 = arith.constant 4 : i32
        %mul3A_3310 = arith.muli %scan3A_3275, %mul3A_3309 : i32
        %add3A_3311 = arith.constant 1 : i32
        %add3A_3312 = arith.addi %mul3A_3310, %add3A_3311 : i32
        %add3A_3313 = vector.broadcast %add3A_3312 : i32 to vector<16xi32>
        %add3A_3314 = arith.addi %mul3A_3, %add3A_3313 : vector<16xi32>
        %gather3A_3315 = tpu.vector_load_idx %arg11[%add3A_3314] : memref<64xf32, #tpu.memory_space<vmem>>[vector<16xi32>], vector<16xf32>,
        %mul3A_3316 = arith.constant 32 : i32
        %mul3A_3317 = arith.muli %add3A_3312, %mul3A_3316 : i32
        %add3A_3318 = arith.constant 8608 : i32
        %add3A_3319 = arith.addi %add3A_3318, %mul3A_3317 : i32
        %add3A_3320 = arith.constant 0 : i32
        %add3A_3321 = arith.addi %add3A_3319, %add3A_3320 : i32
        %add3A_3322 = vector.broadcast %add3A_3321 : i32 to vector<16xi32>
        %add3A_3323 = arith.addi %add3A_3322, %iota3A : vector<16xi32>
        %gather3A_3324 = tpu.vector_load_idx %arg5[%add3A_3323] : memref<10768xf32, #tpu.memory_space<vmem>>[vector<16xi32>], vector<16xf32>,
        %mul3A_3325 = arith.mulf %gather3A_3315, %gather3A_3324 : vector<16xf32>
        %add3A_3326 = arith.addf %scan3A_3278, %mul3A_3325 : vector<16xf32>
        %add3A_3327 = arith.constant 16 : i32
        %add3A_3328 = arith.addi %add3A_3319, %add3A_3327 : i32
        %add3A_3329 = vector.broadcast %add3A_3328 : i32 to vector<16xi32>
        %add3A_3330 = arith.addi %add3A_3329, %iota3A : vector<16xi32>
        %gather3A_3331 = tpu.vector_load_idx %arg5[%add3A_3330] : memref<10768xf32, #tpu.memory_space<vmem>>[vector<16xi32>], vector<16xf32>,
        %mul3A_3332 = arith.mulf %gather3A_3315, %gather3A_3331 : vector<16xf32>
        %add3A_3333 = arith.addf %scan3A_3279, %mul3A_3332 : vector<16xf32>
        %mul3A_3334 = arith.constant 4 : i32
        %mul3A_3335 = arith.muli %scan3A_3275, %mul3A_3334 : i32
        %add3A_3336 = arith.constant 2 : i32
        %add3A_3337 = arith.addi %mul3A_3335, %add3A_3336 : i32
        %add3A_3338 = vector.broadcast %add3A_3337 : i32 to vector<16xi32>
        %add3A_3339 = arith.addi %mul3A_3, %add3A_3338 : vector<16xi32>
        %gather3A_3340 = tpu.vector_load_idx %arg11[%add3A_3339] : memref<64xf32, #tpu.memory_space<vmem>>[vector<16xi32>], vector<16xf32>,
        %mul3A_3341 = arith.constant 32 : i32
        %mul3A_3342 = arith.muli %add3A_3337, %mul3A_3341 : i32
        %add3A_3343 = arith.constant 8608 : i32
        %add3A_3344 = arith.addi %add3A_3343, %mul3A_3342 : i32
        %add3A_3345 = arith.constant 0 : i32
        %add3A_3346 = arith.addi %add3A_3344, %add3A_3345 : i32
        %add3A_3347 = vector.broadcast %add3A_3346 : i32 to vector<16xi32>
        %add3A_3348 = arith.addi %add3A_3347, %iota3A : vector<16xi32>
        %gather3A_3349 = tpu.vector_load_idx %arg5[%add3A_3348] : memref<10768xf32, #tpu.memory_space<vmem>>[vector<16xi32>], vector<16xf32>,
        %mul3A_3350 = arith.mulf %gather3A_3340, %gather3A_3349 : vector<16xf32>
        %add3A_3351 = arith.addf %scan3A_3280, %mul3A_3350 : vector<16xf32>
        %add3A_3352 = arith.constant 16 : i32
        %add3A_3353 = arith.addi %add3A_3344, %add3A_3352 : i32
        %add3A_3354 = vector.broadcast %add3A_3353 : i32 to vector<16xi32>
        %add3A_3355 = arith.addi %add3A_3354, %iota3A : vector<16xi32>
        %gather3A_3356 = tpu.vector_load_idx %arg5[%add3A_3355] : memref<10768xf32, #tpu.memory_space<vmem>>[vector<16xi32>], vector<16xf32>,
        %mul3A_3357 = arith.mulf %gather3A_3340, %gather3A_3356 : vector<16xf32>
        %add3A_3358 = arith.addf %scan3A_3281, %mul3A_3357 : vector<16xf32>
        %mul3A_3359 = arith.constant 4 : i32
        %mul3A_3360 = arith.muli %scan3A_3275, %mul3A_3359 : i32
        %add3A_3361 = arith.constant 3 : i32
        %add3A_3362 = arith.addi %mul3A_3360, %add3A_3361 : i32
        %add3A_3363 = vector.broadcast %add3A_3362 : i32 to vector<16xi32>
        %add3A_3364 = arith.addi %mul3A_3, %add3A_3363 : vector<16xi32>
        %gather3A_3365 = tpu.vector_load_idx %arg11[%add3A_3364] : memref<64xf32, #tpu.memory_space<vmem>>[vector<16xi32>], vector<16xf32>,
        %mul3A_3366 = arith.constant 32 : i32
        %mul3A_3367 = arith.muli %add3A_3362, %mul3A_3366 : i32
        %add3A_3368 = arith.constant 8608 : i32
        %add3A_3369 = arith.addi %add3A_3368, %mul3A_3367 : i32
        %add3A_3370 = arith.constant 0 : i32
        %add3A_3371 = arith.addi %add3A_3369, %add3A_3370 : i32
        %add3A_3372 = vector.broadcast %add3A_3371 : i32 to vector<16xi32>
        %add3A_3373 = arith.addi %add3A_3372, %iota3A : vector<16xi32>
        %gather3A_3374 = tpu.vector_load_idx %arg5[%add3A_3373] : memref<10768xf32, #tpu.memory_space<vmem>>[vector<16xi32>], vector<16xf32>,
        %mul3A_3375 = arith.mulf %gather3A_3365, %gather3A_3374 : vector<16xf32>
        %add3A_3376 = arith.addf %scan3A_3282, %mul3A_3375 : vector<16xf32>
        %add3A_3377 = arith.constant 16 : i32
        %add3A_3378 = arith.addi %add3A_3369, %add3A_3377 : i32
        %add3A_3379 = vector.broadcast %add3A_3378 : i32 to vector<16xi32>
        %add3A_3380 = arith.addi %add3A_3379, %iota3A : vector<16xi32>
        %gather3A_3381 = tpu.vector_load_idx %arg5[%add3A_3380] : memref<10768xf32, #tpu.memory_space<vmem>>[vector<16xi32>], vector<16xf32>,
        %mul3A_3382 = arith.mulf %gather3A_3365, %gather3A_3381 : vector<16xf32>
        %add3A_3383 = arith.addf %scan3A_3283, %mul3A_3382 : vector<16xf32>
        scf.yield %add3A_3301, %add3A_3308, %add3A_3326, %add3A_3333, %add3A_3351, %add3A_3358, %add3A_3376, %add3A_3383 : vector<16xf32>, vector<16xf32>, vector<16xf32>, vector<16xf32>, vector<16xf32>, vector<16xf32>, vector<16xf32>, vector<16xf32>
      }
      %scan3A_3076 = arith.constant 16 : i32
      %add3A_3077 = arith.addf %scan3A_3075#0, %scan3A_3075#2 : vector<16xf32>
      %add3A_3078 = arith.addf %add3A_3077, %scan3A_3075#4 : vector<16xf32>
      %add3A_3079 = arith.addf %add3A_3078, %scan3A_3075#6 : vector<16xf32>
      %gt3A_3080 = arith.constant 0.000000e+00 : f32
      %gt3A_3081 = vector.broadcast %gt3A_3080 : f32 to vector<16xf32>
      %gt3A_3082 = arith.cmpf ogt, %add3A_3079, %gt3A_3081 : vector<16xf32>
      %mul3A_3083 = arith.constant 0.00999999977 : f32
      %mul3A_3084 = vector.broadcast %mul3A_3083 : f32 to vector<16xf32>
      %mul3A_3085 = arith.mulf %mul3A_3084, %add3A_3079 : vector<16xf32>
      %select_n3A_3086 = arith.select %gt3A_3082, %add3A_3079, %mul3A_3085 : vector<16xi1>, vector<16xf32>
      %add3A_3087 = arith.addf %scan3A_3075#1, %scan3A_3075#3 : vector<16xf32>
      %add3A_3088 = arith.addf %add3A_3087, %scan3A_3075#5 : vector<16xf32>
      %add3A_3089 = arith.addf %add3A_3088, %scan3A_3075#7 : vector<16xf32>
      %gt3A_3090 = arith.constant 0.000000e+00 : f32
      %gt3A_3091 = vector.broadcast %gt3A_3090 : f32 to vector<16xf32>
      %gt3A_3092 = arith.cmpf ogt, %add3A_3089, %gt3A_3091 : vector<16xf32>
      %mul3A_3093 = arith.constant 0.00999999977 : f32
      %mul3A_3094 = vector.broadcast %mul3A_3093 : f32 to vector<16xf32>
      %mul3A_3095 = arith.mulf %mul3A_3094, %add3A_3089 : vector<16xf32>
      %select_n3A_3096 = arith.select %gt3A_3092, %add3A_3089, %mul3A_3095 : vector<16xi1>, vector<16xf32>
      %broadcast_in_dim3A_3097 = arith.constant 0.000000e+00 : f32
      %broadcast_in_dim3A_3098 = vector.broadcast %broadcast_in_dim3A_3097 : f32 to vector<16xf32>
      %add3A_3099 = arith.constant 0 : i32
      %add3A_3100 = vector.broadcast %add3A_3099 : i32 to vector<16xi32>
      %add3A_3101 = arith.addi %iota3A, %add3A_3100 : vector<16xi32>
      %mul3A_3102 = arith.constant 2 : i32
      %mul3A_3103 = vector.broadcast %mul3A_3102 : i32 to vector<16xi32>
      %mul3A_3104 = arith.muli %add3A_3101, %mul3A_3103 : vector<16xi32>
      %add3A_3105 = arith.constant 10688 : i32
      %add3A_3106 = vector.broadcast %add3A_3105 : i32 to vector<16xi32>
      %add3A_3107 = arith.addi %add3A_3106, %mul3A_3104 : vector<16xi32>
      %add3A_3108 = arith.constant 0 : i32
      %add3A_3109 = vector.broadcast %add3A_3108 : i32 to vector<16xi32>
      %add3A_3110 = arith.addi %add3A_3107, %add3A_3109 : vector<16xi32>
      %gather3A_3111 = tpu.vector_load_idx %arg5[%add3A_3110] : memref<10768xf32, #tpu.memory_space<vmem>>[vector<16xi32>], vector<16xf32>,
      %mul3A_3112 = arith.mulf %select_n3A_3086, %gather3A_3111 : vector<16xf32>
      %add3A_3113 = arith.addf %broadcast_in_dim3A_3098, %mul3A_3112 : vector<16xf32>
      %add3A_3114 = arith.constant 16 : i32
      %add3A_3115 = vector.broadcast %add3A_3114 : i32 to vector<16xi32>
      %add3A_3116 = arith.addi %iota3A, %add3A_3115 : vector<16xi32>
      %mul3A_3117 = arith.constant 2 : i32
      %mul3A_3118 = vector.broadcast %mul3A_3117 : i32 to vector<16xi32>
      %mul3A_3119 = arith.muli %add3A_3116, %mul3A_3118 : vector<16xi32>
      %add3A_3120 = arith.constant 10688 : i32
      %add3A_3121 = vector.broadcast %add3A_3120 : i32 to vector<16xi32>
      %add3A_3122 = arith.addi %add3A_3121, %mul3A_3119 : vector<16xi32>
      %add3A_3123 = arith.constant 0 : i32
      %add3A_3124 = vector.broadcast %add3A_3123 : i32 to vector<16xi32>
      %add3A_3125 = arith.addi %add3A_3122, %add3A_3124 : vector<16xi32>
      %gather3A_3126 = tpu.vector_load_idx %arg5[%add3A_3125] : memref<10768xf32, #tpu.memory_space<vmem>>[vector<16xi32>], vector<16xf32>,
      %mul3A_3127 = arith.mulf %select_n3A_3096, %gather3A_3126 : vector<16xf32>
      %add3A_3128 = arith.addf %add3A_3113, %mul3A_3127 : vector<16xf32>
      %reduce_sum3A = arith.constant true
      %reduce_sum3A_3129 = vector.broadcast %reduce_sum3A : i1 to vector<16xi1>
      %reduce_sum3A_3130 = tpu.scan <sum>, %add3A_3128 masked %reduce_sum3A_3129 : vector<16xf32>, vector<16xi1> -> vector<16xf32>
      %reduce_sum3A_3131 = vector.extract %reduce_sum3A_3130[15] : f32 from vector<16xf32>
      %broadcast_in_dim3A_3132 = arith.constant 0.000000e+00 : f32
      %broadcast_in_dim3A_3133 = vector.broadcast %broadcast_in_dim3A_3132 : f32 to vector<16xf32>
      %add3A_3134 = arith.constant 0 : i32
      %add3A_3135 = vector.broadcast %add3A_3134 : i32 to vector<16xi32>
      %add3A_3136 = arith.addi %iota3A, %add3A_3135 : vector<16xi32>
      %mul3A_3137 = arith.constant 2 : i32
      %mul3A_3138 = vector.broadcast %mul3A_3137 : i32 to vector<16xi32>
      %mul3A_3139 = arith.muli %add3A_3136, %mul3A_3138 : vector<16xi32>
      %add3A_3140 = arith.constant 10688 : i32
      %add3A_3141 = vector.broadcast %add3A_3140 : i32 to vector<16xi32>
      %add3A_3142 = arith.addi %add3A_3141, %mul3A_3139 : vector<16xi32>
      %add3A_3143 = arith.constant 1 : i32
      %add3A_3144 = vector.broadcast %add3A_3143 : i32 to vector<16xi32>
      %add3A_3145 = arith.addi %add3A_3142, %add3A_3144 : vector<16xi32>
      %gather3A_3146 = tpu.vector_load_idx %arg5[%add3A_3145] : memref<10768xf32, #tpu.memory_space<vmem>>[vector<16xi32>], vector<16xf32>,
      %mul3A_3147 = arith.mulf %select_n3A_3086, %gather3A_3146 : vector<16xf32>
      %add3A_3148 = arith.addf %broadcast_in_dim3A_3133, %mul3A_3147 : vector<16xf32>
      %add3A_3149 = arith.constant 16 : i32
      %add3A_3150 = vector.broadcast %add3A_3149 : i32 to vector<16xi32>
      %add3A_3151 = arith.addi %iota3A, %add3A_3150 : vector<16xi32>
      %mul3A_3152 = arith.constant 2 : i32
      %mul3A_3153 = vector.broadcast %mul3A_3152 : i32 to vector<16xi32>
      %mul3A_3154 = arith.muli %add3A_3151, %mul3A_3153 : vector<16xi32>
      %add3A_3155 = arith.constant 10688 : i32
      %add3A_3156 = vector.broadcast %add3A_3155 : i32 to vector<16xi32>
      %add3A_3157 = arith.addi %add3A_3156, %mul3A_3154 : vector<16xi32>
      %add3A_3158 = arith.constant 1 : i32
      %add3A_3159 = vector.broadcast %add3A_3158 : i32 to vector<16xi32>
      %add3A_3160 = arith.addi %add3A_3157, %add3A_3159 : vector<16xi32>
      %gather3A_3161 = tpu.vector_load_idx %arg5[%add3A_3160] : memref<10768xf32, #tpu.memory_space<vmem>>[vector<16xi32>], vector<16xf32>,
      %mul3A_3162 = arith.mulf %select_n3A_3096, %gather3A_3161 : vector<16xf32>
      %add3A_3163 = arith.addf %add3A_3148, %mul3A_3162 : vector<16xf32>
      %reduce_sum3A_3164 = arith.constant true
      %reduce_sum3A_3165 = vector.broadcast %reduce_sum3A_3164 : i1 to vector<16xi1>
      %reduce_sum3A_3166 = tpu.scan <sum>, %add3A_3163 masked %reduce_sum3A_3165 : vector<16xf32>, vector<16xi1> -> vector<16xf32>
      %reduce_sum3A_3167 = vector.extract %reduce_sum3A_3166[15] : f32 from vector<16xf32>
      %jit3A_3168 = arith.constant 2 : i32
      %eq3A_3169 = arith.constant 0 : i32
      %eq3A_3170 = arith.cmpi eq, %jit3A_3168, %eq3A_3169 : i32
      %jit3A_3171 = arith.constant 1 : i32
      %select_n3A_3172 = arith.select %eq3A_3170, %jit3A_3171, %jit3A_3168 : i32
      %rem3A = vector.broadcast %select_n3A_3172 : i32 to vector<16xi32>
      %rem3A_3173 = arith.remsi %iota3A, %rem3A : vector<16xi32>
      %ne3A = arith.constant 0 : i32
      %ne3A_3174 = vector.broadcast %ne3A : i32 to vector<16xi32>
      %ne3A_3175 = arith.cmpi ne, %rem3A_3173, %ne3A_3174 : vector<16xi32>
      %lt3A_3176 = arith.constant 0 : i32
      %lt3A_3177 = vector.broadcast %lt3A_3176 : i32 to vector<16xi32>
      %lt3A_3178 = arith.cmpi slt, %rem3A_3173, %lt3A_3177 : vector<16xi32>
      %lt3A_3179 = arith.constant 0 : i32
      %lt3A_3180 = arith.cmpi slt, %select_n3A_3172, %lt3A_3179 : i32
      %ne3A_3181 = vector.broadcast %lt3A_3180 : i1 to vector<16xi1>
      %ne3A_3182 = vector.broadcast %ne3A_3181 : vector<16xi1> to vector<16xi1>
      %ne3A_3183 = arith.xori %lt3A_3178, %ne3A_3182 : vector<16xi1>
      %and3A = arith.andi %ne3A_3183, %ne3A_3175 : vector<16xi1>
      %add3A_3184 = vector.broadcast %select_n3A_3172 : i32 to vector<16xi32>
      %add3A_3185 = arith.addi %rem3A_3173, %add3A_3184 : vector<16xi32>
      %select_n3A_3186 = arith.select %and3A, %add3A_3185, %rem3A_3173 : vector<16xi1>, vector<16xi32>
      %add3A_3187 = arith.constant 10752 : i32
      %add3A_3188 = vector.broadcast %add3A_3187 : i32 to vector<16xi32>
      %add3A_3189 = arith.addi %add3A_3188, %select_n3A_3186 : vector<16xi32>
      %gather3A_3190 = tpu.vector_load_idx %arg5[%add3A_3189] : memref<10768xf32, #tpu.memory_space<vmem>>[vector<16xi32>], vector<16xf32>,
      %eq3A_3191 = arith.constant 0 : i32
      %eq3A_3192 = vector.broadcast %eq3A_3191 : i32 to vector<16xi32>
      %eq3A_3193 = arith.cmpi eq, %iota3A, %eq3A_3192 : vector<16xi32>
      %broadcast_in_dim3A_3194 = vector.broadcast %reduce_sum3A_3131 : f32 to vector<16xf32>
      %broadcast_in_dim3A_3195 = vector.broadcast %reduce_sum3A_3167 : f32 to vector<16xf32>
      %select_n3A_3196 = arith.select %eq3A_3193, %broadcast_in_dim3A_3194, %broadcast_in_dim3A_3195 : vector<16xi1>, vector<16xf32>
      %add3A_3197 = arith.addf %select_n3A_3196, %gather3A_3190 : vector<16xf32>
      %jit3A_3198 = arith.constant -3.000000e+01 : f32
      %jit3A_3199 = arith.constant 3.000000e+01 : f32
      %max3A_3200 = vector.broadcast %jit3A_3198 : f32 to vector<16xf32>
      %max3A_3201 = arith.maximumf %max3A_3200, %add3A_3197 : vector<16xf32>
      %min3A_3202 = vector.broadcast %jit3A_3199 : f32 to vector<16xf32>
      %min3A_3203 = arith.minimumf %min3A_3202, %max3A_3201 : vector<16xf32>
      %neg3A_3204 = arith.constant 0.000000e+00 : f32
      %neg3A_3205 = vector.broadcast %neg3A_3204 : f32 to vector<16xf32>
      %neg3A_3206 = arith.subf %neg3A_3205, %min3A_3203 : vector<16xf32>
      %mul3A_3207 = arith.constant 1.44269502 : f32
      %mul3A_3208 = vector.broadcast %mul3A_3207 : f32 to vector<16xf32>
      %mul3A_3209 = arith.mulf %neg3A_3206, %mul3A_3208 : vector<16xf32>
      %add3A_3210 = arith.constant 0x4B400000 : f32
      %add3A_3211 = vector.broadcast %add3A_3210 : f32 to vector<16xf32>
      %add3A_3212 = arith.addf %mul3A_3209, %add3A_3211 : vector<16xf32>
      %sub3A_3213 = arith.constant 0x4B400000 : f32
      %sub3A_3214 = vector.broadcast %sub3A_3213 : f32 to vector<16xf32>
      %sub3A_3215 = arith.subf %add3A_3212, %sub3A_3214 : vector<16xf32>
      %neg3A_3216 = arith.constant 0.000000e+00 : f32
      %neg3A_3217 = vector.broadcast %neg3A_3216 : f32 to vector<16xf32>
      %neg3A_3218 = arith.subf %neg3A_3217, %min3A_3203 : vector<16xf32>
      %mul3A_3219 = arith.constant 0.693359375 : f32
      %mul3A_3220 = vector.broadcast %mul3A_3219 : f32 to vector<16xf32>
      %mul3A_3221 = arith.mulf %sub3A_3215, %mul3A_3220 : vector<16xf32>
      %sub3A_3222 = arith.subf %neg3A_3218, %mul3A_3221 : vector<16xf32>
      %mul3A_3223 = arith.constant -2.12194442E-4 : f32
      %mul3A_3224 = vector.broadcast %mul3A_3223 : f32 to vector<16xf32>
      %mul3A_3225 = arith.mulf %sub3A_3215, %mul3A_3224 : vector<16xf32>
      %sub3A_3226 = arith.subf %sub3A_3222, %mul3A_3225 : vector<16xf32>
      %mul3A_3227 = arith.constant 0.00138888892 : f32
      %mul3A_3228 = vector.broadcast %mul3A_3227 : f32 to vector<16xf32>
      %mul3A_3229 = arith.mulf %mul3A_3228, %sub3A_3226 : vector<16xf32>
      %add3A_3230 = arith.constant 0.00833333377 : f32
      %add3A_3231 = vector.broadcast %add3A_3230 : f32 to vector<16xf32>
      %add3A_3232 = arith.addf %mul3A_3229, %add3A_3231 : vector<16xf32>
      %mul3A_3233 = arith.mulf %add3A_3232, %sub3A_3226 : vector<16xf32>
      %add3A_3234 = arith.constant 0.0416666679 : f32
      %add3A_3235 = vector.broadcast %add3A_3234 : f32 to vector<16xf32>
      %add3A_3236 = arith.addf %mul3A_3233, %add3A_3235 : vector<16xf32>
      %mul3A_3237 = arith.mulf %add3A_3236, %sub3A_3226 : vector<16xf32>
      %add3A_3238 = arith.constant 0.166666672 : f32
      %add3A_3239 = vector.broadcast %add3A_3238 : f32 to vector<16xf32>
      %add3A_3240 = arith.addf %mul3A_3237, %add3A_3239 : vector<16xf32>
      %mul3A_3241 = arith.mulf %add3A_3240, %sub3A_3226 : vector<16xf32>
      %add3A_3242 = arith.constant 5.000000e-01 : f32
      %add3A_3243 = vector.broadcast %add3A_3242 : f32 to vector<16xf32>
      %add3A_3244 = arith.addf %mul3A_3241, %add3A_3243 : vector<16xf32>
      %mul3A_3245 = arith.mulf %add3A_3244, %sub3A_3226 : vector<16xf32>
      %add3A_3246 = arith.constant 1.000000e+00 : f32
      %add3A_3247 = vector.broadcast %add3A_3246 : f32 to vector<16xf32>
      %add3A_3248 = arith.addf %mul3A_3245, %add3A_3247 : vector<16xf32>
      %mul3A_3249 = arith.mulf %add3A_3248, %sub3A_3226 : vector<16xf32>
      %add3A_3250 = arith.constant 1.000000e+00 : f32
      %add3A_3251 = vector.broadcast %add3A_3250 : f32 to vector<16xf32>
      %add3A_3252 = arith.addf %mul3A_3249, %add3A_3251 : vector<16xf32>
      %convert_element_type3A_3253 = arith.fptosi %sub3A_3215 : vector<16xf32> to vector<16xi32>
      %add3A_3254 = arith.constant 127 : i32
      %add3A_3255 = vector.broadcast %add3A_3254 : i32 to vector<16xi32>
      %add3A_3256 = arith.addi %convert_element_type3A_3253, %add3A_3255 : vector<16xi32>
      %shift_left3A_3257 = arith.constant 23 : i32
      %shift_left3A_3258 = vector.broadcast %shift_left3A_3257 : i32 to vector<16xi32>
      %shift_left3A_3259 = arith.shli %add3A_3256, %shift_left3A_3258 : vector<16xi32>
      %bitcast_convert_type3A_3260 = tpu.bitcast %shift_left3A_3259 : vector<16xi32> -> vector<16xf32>
      %mul3A_3261 = arith.mulf %add3A_3252, %bitcast_convert_type3A_3260 : vector<16xf32>
      %add3A_3262 = arith.constant 1.000000e+00 : f32
      %add3A_3263 = vector.broadcast %add3A_3262 : f32 to vector<16xf32>
      %add3A_3264 = arith.addf %add3A_3263, %mul3A_3261 : vector<16xf32>
      %div3A_3265 = arith.constant 1.000000e+00 : f32
      %div3A_3266 = vector.broadcast %div3A_3265 : f32 to vector<16xf32>
      %div3A_3267 = arith.divf %div3A_3266, %add3A_3264 : vector<16xf32>
      %mul3A_3268 = arith.mulf %add3A_3264, %div3A_3267 : vector<16xf32>
      %sub3A_3269 = arith.constant 2.000000e+00 : f32
      %sub3A_3270 = vector.broadcast %sub3A_3269 : f32 to vector<16xf32>
      %sub3A_3271 = arith.subf %sub3A_3270, %mul3A_3268 : vector<16xf32>
      %mul3A_3272 = arith.mulf %div3A_3267, %sub3A_3271 : vector<16xf32>
      %swap3A_3273 = arith.constant 0 : index
      %swap3A_3274 = tpu.vector_load %arg13[%swap3A_3273] {strides = array<i32>} : memref<16xf32, #tpu.memory_space<vmem>>, vector<16xf32>,
      tpu.vector_store %arg13[%swap3A_3273], %mul3A_3272 {strides = array<i32>} : memref<16xf32, #tpu.memory_space<vmem>>, vector<16xf32>,
      "tpu.region"() ({
        %run_scoped3A = tpu.sem_alloc : memref<!tpu.dma_semaphore, #tpu.memory_space<semaphore_mem>>
        %dma_start3A = arith.constant 0 : i32
        %dma_start3A_3275 = tpu.memref_slice %arg13[%dma_start3A] : memref<16xf32, #tpu.memory_space<vmem>> -> memref<2xf32, #tpu.memory_space<vmem>>
        %dma_start3A_3276 = arith.constant 0 : i32
        %dma_start3A_3277 = tpu.memref_slice %arg13[%dma_start3A_3276] : memref<16xf32, #tpu.memory_space<vmem>> -> memref<2xf32, #tpu.memory_space<vmem>>
        tpu.enqueue_dma source(%dma_start3A_3277 : memref<2xf32, #tpu.memory_space<vmem>>) target(%arg4 : memref<2xf32, #tpu.memory_space<hbm>>) target_semaphore(%run_scoped3A : memref<!tpu.dma_semaphore, #tpu.memory_space<semaphore_mem>>)
        %dma_wait3A = arith.constant 0 : i32
        %dma_wait3A_3278 = tpu.memref_slice %arg13[%dma_wait3A] : memref<16xf32, #tpu.memory_space<vmem>> -> memref<2xf32, #tpu.memory_space<vmem>>
        %dma_wait3A_3279 = arith.constant 0 : i32
        %dma_wait3A_3280 = tpu.memref_slice %arg13[%dma_wait3A_3279] : memref<16xf32, #tpu.memory_space<vmem>> -> memref<2xf32, #tpu.memory_space<vmem>>
        tpu.wait_dma2 semaphore(%run_scoped3A : memref<!tpu.dma_semaphore, #tpu.memory_space<semaphore_mem>>) src(%dma_wait3A_3280 : memref<2xf32, #tpu.memory_space<vmem>>) dst(%arg4 : memref<2xf32, #tpu.memory_space<hbm>>)
        tpu.yield
      }) : () -> ()
    } else {
    }
    return
  }
}

</mosaic_0001>

<sc_bundles>
// kernel: kernel.3.cloned.1.call-start
scs
__scs_entry_jumppad:
0x0: {  	(pc) =	sbr.rel $0x88, $3  }
0x1: {  	(tag) =	ssettag $0x0;
	lr =	simm.s32 $0x1  }
0x2: {  	[smem:$0x3F87] =	sst lr;
	_ =	strace $0xD0000000  }
0x3: {  	_ = 	snop  }
0x4: {  	_ = 	snop  }
0x5: {  	_ = 	snop  }
0x6: {  	_ = 	snop  }
0x7: {  	_ = 	snop  }
__scs_overlays_trampoline_lowered:
0x8: {  	[smem:$0x3F96] =	sst s0  }
0x9: {  	[smem:$0x3F97] =	sst s1  }
0xa: {  	[smem:$0x3F98] =	sst s2  }
0xb: {  	[smem:$0x3F99] =	sst s3  }
0xc: {  	[smem:$0x3F9A] =	sst s4  }
0xd: {  	[smem:$0x3F9B] =	sst s5  }
0xe: {  	[smem:$0x3F9C] =	sst s6  }
0xf: {  	[smem:$0x3F9D] =	sst s7  }
0x10: {  	[smem:$0x3F9E] =	sst s8  }
0x11: {  	[smem:$0x3F9F] =	sst s9;
	s0 =	simm.s32 @!p0 $0x0  }
0x12: {  	s1 =	sld [smem:$0x3F85];
	s0 =	simm.s32 @p0 $0x1  }
0x13: {  	[smem:$0x3FA0] =	sst s0;
	s0 =	simm.s32 @!p1 $0x0  }
0x14: {  	s2 =	sld [smem:$0x3F84];
	s0 =	simm.s32 @p1 $0x1  }
0x15: {  	[smem:$0x3FA1] =	sst s0;
	s0 =	simm.s32 @!p2 $0x0  }
0x16: {  	s3 =	sld [smem:$0x3FDB];
	s0 =	simm.s32 @p2 $0x1  }
0x17: {  	s4 =	simm.s32 $0x1BF5;
	[smem:$0x3FA3] =	sst s0  }
0x18: {  	s0 =	sld [smem:$0x3F86];
	_ =	swait.ge [sflag:s4], $0x0  }
0x19: {  	s7 =	sld [smem:$0x3F87]  }
0x1a: {  	s8 =	sadd.s32 $0xFFFFE003, lr  }
0x1b: {  	s9 =	sadd.s32 $0xFFFFFEF7, lr;
	s5 =	simm.s32 $0xFFFFFFFF;
	p2 =	slt.u32 s8, $0xFFFFF086  }
0x1c: {  	p1 =	slt.u32 s9, $0xF7A;
	s5 =	simm.s32 @!p2 $0x0  }
0x1d: {  	s5 =	simm.s32 @p1 $0x1;
	p0 =	seq.s32 s7, s2  }
0x1e: {  	s7 =	smul.u32 @!p0 $0xF7A, s2;
	p2 =	seq.s32 @!p0 s5, $0x0  }
0x1f: {  	s9 =	smul.u32 $0xF7A, s1;
	s8 =	simm.s32 @!p0 $0x1BF5;
	p2 =	por !p2, p0  }
0x20: {  	[sflag:s8] =	ssyncset.s32 @!p0 $0xFFFFF086;
	s6 =	sadd.s32 @!p0 s3, s7;
	s7 =	simm.s32 @!p0 $0x108  }
0x21: {  	s3 =	sadd.s32 s3, s9;
	s6 =	sadd.s32 @!p0 $0x88, s6;
	s7 =	simm.s32 @p2 $0x1082  }
0x22: {  	[simem:s7], [sflag:s8] =	dma.local @!p0 [hbm:s6], $0xF7A  }
0x23: {  	s9 =	sor.u32 $0xD0000000, s2;
	s6 =	simm.s32 $0x108;
	_ =	swait.ge @!p0 [sflag:s8], $0x0  }
0x24: {  	s3 =	sadd.s32 $0x88, s3;
	s6 =	simm.s32 @!p1 $0x1082;
	[sflag:s4] =	ssyncset.s32 $0xFFFFF086  }
0x25: {  	[simem:s6], [sflag:s4] =	dma.local [hbm:s3], $0xF7A  }
0x26: {  	[smem:$0x3F87] =	sst s1;
	(tag) =	ssettag s2;
	_ =	strace s9  }
0x27: {  	s1 =	sld [smem:$0x3F97]  }
0x28: {  	s2 =	sld [smem:$0x3F98]  }
0x29: {  	s4 =	sld [smem:$0x3F9A]  }
0x2a: {  	p0 =	seq.s32 s5, $0x0;
	s5 =	sld [smem:$0x3F9B]  }
0x2b: {  	s6 =	sld [smem:$0x3F9C]  }
0x2c: {  	s7 =	sld [smem:$0x3F9D]  }
0x2d: {  	s3 =	simm.s32 $0x108;
	s8 =	sld [smem:$0x3F9E]  }
0x2e: {  	s3 =	simm.s32 @!p0 $0x1082;
	s9 =	sld [smem:$0x3F9F]  }
0x2f: {  	lr =	sadd.s32 s0, s3;
	s0 =	sld [smem:$0x3F96]  }
0x30: {  	s3 =	sld [smem:$0x3F99]  }
0x31: {  	[smem:$0x3FA2] =	sst s10  }
0x32: {  	s10 =	sld [smem:$0x3FA0];
	_ =	sdelay $0x3  }
0x33: {  	p0 =	seq.s32 s10, $0x1;
	s10 =	sld [smem:$0x3FA2];
	_ =	sdelay $0x3  }
0x34: {  	[smem:$0x3FA2] =	sst s10  }
0x35: {  	s10 =	sld [smem:$0x3FA1];
	_ =	sdelay $0x3  }
0x36: {  	p1 =	seq.s32 s10, $0x1;
	s10 =	sld [smem:$0x3FA2];
	_ =	sdelay $0x3  }
0x37: {  	[smem:$0x3FA2] =	sst s10  }
0x38: {  	s10 =	sld [smem:$0x3FA3]  }
0x39: {  	_ = 	snop;
	(pc) =	sbr.ind lr, $3  }
0x3a: {  	_ = 	snop  }
0x3b: {  	_ = 	snop  }
0x3c: {  	p2 =	seq.s32 s10, $0x1;
	s10 =	sld [smem:$0x3FA2]  }
0x3d: {  	_ =	shalt  }
0x3e: {  	_ =	shalt  }
0x3f: {  	_ =	shalt  }
0x40: {  	_ =	shalt  }
0x41: {  	_ =	shalt  }
0x42: {  	_ =	shalt  }
0x43: {  	_ =	shalt  }
0x44: {  	_ =	shalt  }
0x45: {  	_ =	shalt  }
0x46: {  	_ =	shalt  }
0x47: {  	_ =	shalt  }
0x48: {  	_ =	shalt  }
0x49: {  	_ =	shalt  }
0x4a: {  	_ =	shalt  }
0x4b: {  	_ =	shalt  }
0x4c: {  	_ =	shalt  }
0x4d: {  	_ =	shalt  }
0x4e: {  	_ =	shalt  }
0x4f: {  	_ =	shalt  }
0x50: {  	_ =	shalt  }
0x51: {  	_ =	shalt  }
0x52: {  	_ =	shalt  }
0x53: {  	_ =	shalt  }
0x54: {  	_ =	shalt  }
0x55: {  	_ =	shalt  }
0x56: {  	_ =	shalt  }
0x57: {  	_ =	shalt  }
0x58: {  	_ =	shalt  }
0x59: {  	_ =	shalt  }
0x5a: {  	_ =	shalt  }
0x5b: {  	_ =	shalt  }
0x5c: {  	_ =	shalt  }
0x5d: {  	_ =	shalt  }
0x5e: {  	_ =	shalt  }
0x5f: {  	_ =	shalt  }
0x60: {  	_ =	shalt  }
0x61: {  	_ =	shalt  }
0x62: {  	_ =	shalt  }
0x63: {  	_ =	shalt  }
0x64: {  	_ =	shalt  }
0x65: {  	_ =	shalt  }
0x66: {  	_ =	shalt  }
0x67: {  	_ =	shalt  }
0x68: {  	_ =	shalt  }
0x69: {  	_ =	shalt  }
0x6a: {  	_ =	shalt  }
0x6b: {  	_ =	shalt  }
0x6c: {  	_ =	shalt  }
0x6d: {  	_ =	shalt  }
0x6e: {  	_ =	shalt  }
0x6f: {  	_ =	shalt  }
0x70: {  	_ =	shalt  }
0x71: {  	_ =	shalt  }
0x72: {  	_ =	shalt  }
0x73: {  	_ =	shalt  }
0x74: {  	_ =	shalt  }
0x75: {  	_ =	shalt  }
0x76: {  	_ =	shalt  }
0x77: {  	_ =	shalt  }
0x78: {  	_ =	shalt  }
0x79: {  	_ =	shalt  }
0x7a: {  	_ =	shalt  }
0x7b: {  	_ =	shalt  }
0x7c: {  	_ =	shalt  }
0x7d: {  	_ =	shalt  }
0x7e: {  	_ =	shalt  }
0x7f: {  	_ =	shalt  }
0x80: {  	_ =	shalt  }
0x81: {  	_ =	shalt  }
0x82: {  	_ =	shalt  }
0x83: {  	_ =	shalt  }
0x84: {  	_ =	shalt  }
0x85: {  	_ =	shalt  }
0x86: {  	_ =	shalt  }
0x87: {  	_ =	shalt  }
.Lfunc_end0:
.L_simem_size_0:
called_computation_lowered:
.L_overlay_start_0:
0x88: {  	s0 =	sld [smem:$0x3FD9]  }
0x89: {  	s1 =	sld [smem:$0x3FFE];
	_ =	sdelay $0x3  }
0x8a: {  	s0 =	sadd.s32 s1, s0  }
0x8b: {  	[smem:$0x3FAE] =	sst s0  }
0x8c: {  	_ = 	snop  }
0x8d: {  	s0 =	sld [smem:$0x3FD0];
	(tm) =	ssettm $0x1  }
0x8e: {  	s16 =	sld [smem:$0x3FFB];
	_ =	sdelay $0x3  }
0x8f: {  	_ =	strace s16  }
0x90: {  	s1 =	sld [smem:$0x3FFC];
	_ =	sdelay $0x3  }
0x91: {  	_ =	strace s1  }
0x92: {  	s1 =	sld [smem:$0x3FFD];
	_ =	sdelay $0x3  }
0x93: {  	_ =	strace s1  }
0x94: {  	_ =	strace $0x8FFFFFFF  }
0x95: {  	s17 =	sld [smem:$0x3FDB];
	_ =	sdelay $0x1  }
0x96: {  	s2 =	simm.s32 $_scs_section_size  }
0x97: {  	s3 =	simm.s32 $_size__tile_overlayer_lowered;
	s4 =	simm.s32 $_tile_overlayer_lowered  }
0x98: {  	s20 =	simm.s32 $0x1BFF;
	s19 =	sshll.u32 s4, $0x1;
	s1 =	sadd.s32 s2, s17  }
0x99: {  	s5 =	simm.s32 $0x0;
	s18 =	sshll.u32 s3, $0x1;
	s3 =	sadd.s32 s19, s1  }
0x9a: {  	[timem:s5], [sflag:s20] =	dma.local [hbm:s3], s18  }
0x9b: {  	_ =	swait.ge [sflag:s20], s18  }
0x9c: {  	s2 =	ssub.s32 $0x0, s18;
	[sflag:s20] =	ssyncset.done $0x0  }
0x9d: {  	[sflag:s20] =	ssyncadd.s32 s2;
	_ =	sdelay $0x1  }
0x9e: {  	s21 =	simm.s32 $0x1B8B  }
0x9f: {  	_ =	swait.ge [sflag:s21], $0x1  }
0xa0: {  	[sflag:s21] =	ssyncset.done $0x0  }
0xa1: {  	s23 =	simm.s32 $0x1B8E;
	s22 =	sld [smem:$0x3FFE];
	[sflag:s21] =	ssyncadd.s32 $0xFFFFFFFF  }
0xa2: {  	s24 =	simm.s32 $execute0_lowered;
	[smem:$0x3FD2] =	sst s23  }
0xa3: {  	s3 =	sshll.u32 s24, $0x1;
	_ =	strace $0x80000046;
	[dreg:$0x1] =	wrdreg $0xFFFFFFFF  }
0xa4: {  	s25 =	simm.s32 $_size_execute0_lowered;
	s1 =	sadd.s32 s1, s3;
	[dreg:$0x0] =	wrdreg $0x0  }
0xa5: {  	s3 =	sshll.u32 s25, $0x1;
	[dreg:$0x2] =	wrdreg s1  }
0xa6: {  	[dreg:$0x3] =	wrdreg s3  }
0xa7: {  	[dreg:$0x4] =	wrdreg $0xC0  }
0xa8: {  	_ =	task [dreg:s5], $0x5FFFF  }
0xa9: {  	[dreg:$0x1] =	wrdreg $0xFFFFFFFF  }
0xaa: {  	[dreg:$0x0] =	wrdreg $0x60  }
0xab: {  	[dreg:$0x2] =	wrdreg s22  }
0xac: {  	[dreg:$0x3] =	wrdreg s0  }
0xad: {  	[dreg:$0x4] =	wrdreg $0x9  }
0xae: {  	_ =	task.clear_ibuf [dreg:s5], $0x5FFFF;
	_ =	strace $0x90000046  }
0xaf: {  	s26 =	simm.s32 $0x9;
	_ =	strace $0x80000048  }
0xb0: {  	_ =	swait.ge [sflag:s26], $0x1  }
0xb1: {  	[sflag:s26] =	ssyncadd.s32 $0xFFFFFFFF  }
0xb2: {  	_ =	strace $0x90000048  }
0xb3: {  	_ =	sfence  }
0xb4: {  	s28 =	sld [smem:$0x0];
	_ =	sdelay $0x1  }
0xb5: {  	s29 =	srdreg.scid  }
0xb6: {  	s30 =	sshll.u32 s29, $0xD;
	s31 =	sshrl.u32 s29, $0x2  }
0xb7: {  	s2 =	sand.u32 $0x4000, s30;
	s1 =	sand.u32 $0x1, s29;
	s0 =	sadd.s32 s31, s28  }
0xb8: {  	s1 =	sor.u32 s2, s1;
	s0 =	sshll.u32 s0, $0x11  }
0xb9: {  	s0 =	sor.u32 s0, s1  }
0xba: {  	s0 =	sadd.s32 $0x8F2B, s0  }
0xbb: {  	[sflag:s0] =	ssyncadd.remote.s32 $0x1  }
0xbc: {  	_ =	sfence.sel $0xFFFF  }
0xbd: {  	[dreg:$0x0] =	wrdreg $0xFFFFFFFF;
	(pc) =	sbr.abs _section_cstart, $3  }
0xbe: {  	[dreg:$0x1] =	wrdreg $0xFFFFFFFF  }
0xbf: {  	_ =	task.clear_ibuf [dreg:s5], $0x2FFFF;
	_ =	strace $0x9FFFFFFF  }
0xc0: {  	(tm) =	ssettm $0x7FFFFFFF  }
0xc1: {  	_ =	shalt  }
tec
execute0_lowered:
.L_overlay_start_1:
0x0: {  	(tag) =	ssettag $0x1  }
0x1: {  	s3 =	rddreg [dreg:$0x0]  }
0x2: {  	s1 =	rddreg [dreg:$0x1];
	s2 =	stileid.u32  }
0x3: {  	s0 =	rddreg [dreg:$0x2];
	_ =	strace $0x80000047;
	p0 =	sne.s32 s2, $0x0  }
0x4: {  	_ =	sfence.sel @p0 $0x180000  }
0x5: {  	[bflag:$0x0] =	sbarrier.arrive @p0 $0xFFFF  }
0x6: {  	_ =	strace @p0 $0x90000047  }
0x7: {  	[bflag:$0x2] =	sbarrier.arrive @p0 $0xFFFF  }
0x8: {  	_ =	shalt @p0  }
.LBB2_1:
0x9: {  	s4 =	sadd.s32 $0x3800, s3;
	s2 =	simm.s32 $0x0  }
0xa: {  	[tilespmem:s2], [sflag:$0x1] =	stream.linear.gather [hbm4b:s4+s2], $0x2A80, $0x38;
	[tilespmem:$0x2E80] =	vst v63  }
0xb: {  	s22 =	sadd.s32 $0x3600, s3;
	s23 =	simm.s32 $0x2A80;
	s24 =	simm.s32 $0x1  }
0xc: {  	[tilespmem:s23], [sflag:$0x2] =	stream.linear.gather [hbm4b:s22+s2], $0x80, $0x38;
	[tilespmem:$0x2E80] =	vst v63  }
0xd: {  	_ =	swait.ge [sflag:s24], $0x2A80  }
0xe: {  	[sflag:s24] =	ssyncset.done $0x0  }
0xf: {  	s25 =	simm.s32 $0x2;
	v1 =	vimm.s32 $0x30;
	[sflag:s24] =	ssyncadd.s32 $0xFFFFD580  }
0x10: {  	v2 =	vimm.s32 $0x31;
	_ =	swait.ge [sflag:s25], $0x80  }
0x11: {  	v3 =	vimm.s32 $0x32;
	[sflag:s25] =	ssyncset.done $0x0  }
0x12: {  	v4 =	vimm.s32 $0x33;
	[sflag:s25] =	ssyncadd.s32 $0xFFFFFF80  }
0x13: {  	v5 =	vimm.s32 $0x34;
	v0 =	vld [tilespmem:$0x0]  }
0x14: {  	v6 =	vimm.s32 $0x35;
	v39 =	vld.idx.msk [tilespmem:v1+s2+$0x0], $0xffff  }
0x15: {  	v7 =	vimm.s32 $0x3A;
	v38 =	vld.idx.msk [tilespmem:v2+s2+$0x0], $0xffff  }
0x16: {  	v8 =	vimm.s32 $0x3B;
	v37 =	vld.idx.msk [tilespmem:v3+s2+$0x0], $0xffff  }
0x17: {  	v9 =	vimm.s32 $0x3C;
	v36 =	vld.idx.msk [tilespmem:v4+s2+$0x0], $0xffff  }
0x18: {  	v10 =	vimm.s32 $0x3D;
	v18 =	vld.idx.msk [tilespmem:v5+s2+$0x0], $0xffff  }
0x19: {  	v11 =	vimm.s32 $0x3E;
	v6 =	vld.idx.msk [tilespmem:v6+s2+$0x0], $0xffff  }
0x1a: {  	v12 =	vimm.s32 $0x3F;
	v7 =	vld.idx.msk [tilespmem:v7+s2+$0x0], $0xffff  }
0x1b: {  	v13 =	vimm.s32 $0x40;
	v8 =	vld.idx.msk [tilespmem:v8+s2+$0x0], $0xffff  }
0x1c: {  	v14 =	vimm.s32 $0x41;
	v9 =	vld.idx.msk [tilespmem:v9+s2+$0x0], $0xffff  }
0x1d: {  	v15 =	vimm.s32 $0x42;
	v10 =	vld.idx.msk [tilespmem:v10+s2+$0x0], $0xffff  }
0x1e: {  	v16 =	vimm.s32 $0x43;
	v11 =	vld.idx.msk [tilespmem:v11+s2+$0x0], $0xffff  }
0x1f: {  	v2 =	vimm.s32 $0x36;
	v12 =	vld.idx.msk [tilespmem:v12+s2+$0x0], $0xffff  }
0x20: {  	v3 =	vimm.s32 $0x37;
	v13 =	vld.idx.msk [tilespmem:v13+s2+$0x0], $0xffff  }
0x21: {  	v4 =	vimm.s32 $0x38;
	v14 =	vld.idx.msk [tilespmem:v14+s2+$0x0], $0xffff  }
0x22: {  	v5 =	vimm.s32 $0x39;
	v15 =	vld.idx.msk [tilespmem:v15+s2+$0x0], $0xffff  }
0x23: {  	v16 =	vld.idx.msk [tilespmem:v16+s2+$0x0], $0xffff  }
0x24: {  	v2 =	vld.idx.msk [tilespmem:v2+s2+$0x0], $0xffff  }
0x25: {  	v3 =	vld.idx.msk [tilespmem:v3+s2+$0x0], $0xffff;
	v6 =	vmul.f32 v6, v0  }
0x26: {  	v4 =	vld.idx.msk [tilespmem:v4+s2+$0x0], $0xffff;
	v7 =	vmul.f32 v7, v0  }
0x27: {  	v5 =	vld.idx.msk [tilespmem:v5+s2+$0x0], $0xffff;
	v12 =	vmul.f32 v12, v0;
	[tilespmem:$0x2B00] =	vst v6  }
0x28: {  	[tilespmem:$0x2B80] =	vst v7  }
0x29: {  	v35 =	vimm.f32 $0.0e+00;
	[tilespmem:$0x2C00] =	vst v12  }
0x2a: {  	[tilespmem:$0x2C80] =	vst v35  }
0x2b: {  	[tilespmem:$0x2C90] =	vst v35  }
0x2c: {  	[tilespmem:$0x2CA0] =	vst v35  }
0x2d: {  	v6 =	vmul.f32 v8, v0;
	[tilespmem:$0x2CB0] =	vst v35  }
0x2e: {  	v7 =	vmul.f32 v13, v0;
	[tilespmem:$0x2CC0] =	vst v35  }
0x2f: {  	[tilespmem:$0x2B90] =	vst v6;
	v2 =	vmul.f32 v2, v0  }
0x30: {  	[tilespmem:$0x2C10] =	vst v7;
	v6 =	vmul.f32 v14, v0  }
0x31: {  	[tilespmem:$0x2B10] =	vst v2;
	v2 =	vmul.f32 v3, v0  }
0x32: {  	[tilespmem:$0x2C20] =	vst v6;
	v3 =	vmul.f32 v9, v0  }
0x33: {  	v22 =	vld [tilespmem:$0x2A90];
	[tilespmem:$0x2B20] =	vst v2;
	v2 =	vmul.f32 v4, v0  }
0x34: {  	v27 =	vld [tilespmem:$0x2A80];
	[tilespmem:$0x2BA0] =	vst v3;
	v3 =	vmul.f32 v10, v0  }
0x35: {  	v4 =	vmul.f32 v15, v0;
	[tilespmem:$0x2B30] =	vst v2  }
0x36: {  	[tilespmem:$0x2BB0] =	vst v3;
	v2 =	vmul.f32 v5, v0  }
0x37: {  	[tilespmem:$0x2C30] =	vst v4;
	v3 =	vmul.f32 v11, v0  }
0x38: {  	v4 =	vmul.f32 v16, v0;
	[tilespmem:$0x2B40] =	vst v2  }
0x39: {  	[tilespmem:$0x2BC0] =	vst v3  }
0x3a: {  	s5 =	simm.s32 $0x2B80;
	[tilespmem:$0x2C40] =	vst v4  }
0x3b: {  	s6 =	simm.s32 $0x2C00;
	v2 =	vld.idx.msk [tilespmem:v22+s5+$0x0], $0xffff  }
0x3c: {  	v3 =	vld.idx.msk [tilespmem:v27+s6+$0x0], $0xffff;
	_ =	sdelay $0x4  }
0x3d: {  	v2 =	vadd.f32 v3, v2;
	_ =	sdelay $0x1  }
0x3e: {  	v2 =	vmax.f32 v2, $-3.000000000e+01  }
0x3f: {  	v2 =	vmin.f32 v2, $3.000000000e+01  }
0x40: {  	v2 =	vsub.f32 $0.0e+00, v2;
	_ =	sdelay $0x1  }
0x41: {  	v3 =	vmul.f32 $1.442695020e+00, v2;
	_ =	sdelay $0x1  }
0x42: {  	v3 =	vadd.f32 $1.258291200e+07, v3;
	_ =	sdelay $0x1  }
0x43: {  	v3 =	vadd.f32 $-1.258291200e+07, v3;
	_ =	sdelay $0x1  }
0x44: {  	v4 =	vmul.f32 $6.933593750e-01, v3;
	_ =	sdelay $0x1  }
0x45: {  	v2 =	vsub.f32 v2, v4;
	v4 =	vmul.f32 $2.121944420e-04, v3;
	_ =	sdelay $0x1  }
0x46: {  	v2 =	vadd.f32 v4, v2;
	_ =	sdelay $0x1  }
0x47: {  	v4 =	vmul.f32 $1.388888920e-03, v2;
	_ =	sdelay $0x1  }
0x48: {  	v4 =	vadd.f32 $8.333333770e-03, v4;
	_ =	sdelay $0x1  }
0x49: {  	v4 =	vmul.f32 v4, v2;
	_ =	sdelay $0x1  }
0x4a: {  	v4 =	vadd.f32 $4.166666790e-02, v4;
	_ =	sdelay $0x1  }
0x4b: {  	v4 =	vmul.f32 v4, v2;
	_ =	sdelay $0x1  }
0x4c: {  	v4 =	vadd.f32 $1.666666720e-01, v4;
	_ =	sdelay $0x1  }
0x4d: {  	v4 =	vmul.f32 v4, v2;
	_ =	sdelay $0x1  }
0x4e: {  	v4 =	vadd.f32 $5.000000000e-01, v4;
	_ =	sdelay $0x1  }
0x4f: {  	v4 =	vmul.f32 v4, v2;
	_ =	sdelay $0x1  }
0x50: {  	v4 =	vadd.f32 $1.000000000e+00, v4  }
0x51: {  	v3 =	vtrunc.f32 v3  }
0x52: {  	v3 =	vcvt.f32.s32 v3;
	v2 =	vmul.f32 v4, v2;
	_ =	sdelay $0x1  }
0x53: {  	v3 =	vshll.u32 v3, $0x17;
	v2 =	vadd.f32 $1.000000000e+00, v2  }
0x54: {  	v3 =	vadd.s32 $0x3F800000, v3  }
0x55: {  	v2 =	vmul.f32 v3, v2;
	_ =	sdelay $0x1  }
0x56: {  	v2 =	vadd.f32 $1.000000000e+00, v2;
	_ =	sdelay $0x1  }
0x57: {  	(erf) = vrcp.f32 v2;
	_ =	sdelay $0x8  }
0x58: {  	v3 =	vpop (erf)  }
0x59: {  	s26 =	simm.s32 $0x2B00;
	v2 =	vmul.f32 v3, v2  }
0x5a: {  	v4 =	vld.idx.msk [tilespmem:v27+s26+$0x0], $0xffff  }
0x5b: {  	v2 =	vsub.f32 $2.000000000e+00, v2;
	_ =	sdelay $0x1  }
0x5c: {  	v26 =	vadd.s32 $0x10, v22;
	v2 =	vmul.f32 v2, v3  }
0x5d: {  	v29 =	vadd.s32 $0x10, v27  }
0x5e: {  	v2 =	vmul.f32 v2, v4  }
0x5f: {  	s28 =	simm.s32 $0x2C80  }
0x60: {  	[tilespmem:v22+s28+$0x0] =	vst.idx.add.f32.msk $0xffff, v2  }
0x61: {  	v2 =	vld.idx.msk [tilespmem:v26+s5+$0x0], $0xffff  }
0x62: {  	v3 =	vld.idx.msk [tilespmem:v29+s6+$0x0], $0xffff;
	_ =	sdelay $0x4  }
0x63: {  	v2 =	vadd.f32 v3, v2;
	_ =	sdelay $0x1  }
0x64: {  	v2 =	vmax.f32 v2, $-3.000000000e+01  }
0x65: {  	v2 =	vmin.f32 v2, $3.000000000e+01  }
0x66: {  	v2 =	vsub.f32 $0.0e+00, v2;
	_ =	sdelay $0x1  }
0x67: {  	v3 =	vmul.f32 $1.442695020e+00, v2;
	_ =	sdelay $0x1  }
0x68: {  	v3 =	vadd.f32 $1.258291200e+07, v3;
	_ =	sdelay $0x1  }
0x69: {  	v3 =	vadd.f32 $-1.258291200e+07, v3;
	_ =	sdelay $0x1  }
0x6a: {  	v4 =	vmul.f32 $6.933593750e-01, v3;
	_ =	sdelay $0x1  }
0x6b: {  	v2 =	vsub.f32 v2, v4;
	v4 =	vmul.f32 $2.121944420e-04, v3;
	_ =	sdelay $0x1  }
0x6c: {  	v2 =	vadd.f32 v4, v2;
	_ =	sdelay $0x1  }
0x6d: {  	v4 =	vmul.f32 $1.388888920e-03, v2;
	_ =	sdelay $0x1  }
0x6e: {  	v4 =	vadd.f32 $8.333333770e-03, v4;
	_ =	sdelay $0x1  }
0x6f: {  	v4 =	vmul.f32 v4, v2;
	_ =	sdelay $0x1  }
0x70: {  	v4 =	vadd.f32 $4.166666790e-02, v4;
	_ =	sdelay $0x1  }
0x71: {  	v4 =	vmul.f32 v4, v2;
	_ =	sdelay $0x1  }
0x72: {  	v4 =	vadd.f32 $1.666666720e-01, v4;
	_ =	sdelay $0x1  }
0x73: {  	v4 =	vmul.f32 v4, v2;
	_ =	sdelay $0x1  }
0x74: {  	v4 =	vadd.f32 $5.000000000e-01, v4;
	_ =	sdelay $0x1  }
0x75: {  	v4 =	vmul.f32 v4, v2;
	_ =	sdelay $0x1  }
0x76: {  	v4 =	vadd.f32 $1.000000000e+00, v4  }
0x77: {  	v3 =	vtrunc.f32 v3  }
0x78: {  	v3 =	vcvt.f32.s32 v3;
	v2 =	vmul.f32 v4, v2;
	_ =	sdelay $0x1  }
0x79: {  	v3 =	vshll.u32 v3, $0x17;
	v2 =	vadd.f32 $1.000000000e+00, v2  }
0x7a: {  	v3 =	vadd.s32 $0x3F800000, v3  }
0x7b: {  	v2 =	vmul.f32 v3, v2;
	_ =	sdelay $0x1  }
0x7c: {  	v2 =	vadd.f32 $1.000000000e+00, v2;
	_ =	sdelay $0x1  }
0x7d: {  	(erf) = vrcp.f32 v2;
	_ =	sdelay $0x8  }
0x7e: {  	v3 =	vpop (erf)  }
0x7f: {  	v2 =	vmul.f32 v3, v2  }
0x80: {  	v4 =	vld.idx.msk [tilespmem:v29+s26+$0x0], $0xffff  }
0x81: {  	v2 =	vsub.f32 $2.000000000e+00, v2;
	_ =	sdelay $0x1  }
0x82: {  	v42 =	vadd.s32 $0x20, v22;
	v2 =	vmul.f32 v2, v3  }
0x83: {  	v30 =	vadd.s32 $0x20, v27  }
0x84: {  	v2 =	vmul.f32 v2, v4;
	_ =	sdelay $0x1  }
0x85: {  	[tilespmem:v26+s28+$0x0] =	vst.idx.add.f32.msk $0xffff, v2  }
0x86: {  	v2 =	vld.idx.msk [tilespmem:v42+s5+$0x0], $0xffff  }
0x87: {  	v3 =	vld.idx.msk [tilespmem:v30+s6+$0x0], $0xffff;
	_ =	sdelay $0x4  }
0x88: {  	v2 =	vadd.f32 v3, v2;
	_ =	sdelay $0x1  }
0x89: {  	v2 =	vmax.f32 v2, $-3.000000000e+01  }
0x8a: {  	v2 =	vmin.f32 v2, $3.000000000e+01  }
0x8b: {  	v2 =	vsub.f32 $0.0e+00, v2;
	_ =	sdelay $0x1  }
0x8c: {  	v3 =	vmul.f32 $1.442695020e+00, v2;
	_ =	sdelay $0x1  }
0x8d: {  	v3 =	vadd.f32 $1.258291200e+07, v3;
	_ =	sdelay $0x1  }
0x8e: {  	v3 =	vadd.f32 $-1.258291200e+07, v3;
	_ =	sdelay $0x1  }
0x8f: {  	v4 =	vmul.f32 $6.933593750e-01, v3;
	_ =	sdelay $0x1  }
0x90: {  	v2 =	vsub.f32 v2, v4;
	v4 =	vmul.f32 $2.121944420e-04, v3;
	_ =	sdelay $0x1  }
0x91: {  	v2 =	vadd.f32 v4, v2;
	_ =	sdelay $0x1  }
0x92: {  	v4 =	vmul.f32 $1.388888920e-03, v2;
	_ =	sdelay $0x1  }
0x93: {  	v4 =	vadd.f32 $8.333333770e-03, v4;
	_ =	sdelay $0x1  }
0x94: {  	v4 =	vmul.f32 v4, v2;
	_ =	sdelay $0x1  }
0x95: {  	v4 =	vadd.f32 $4.166666790e-02, v4;
	_ =	sdelay $0x1  }
0x96: {  	v4 =	vmul.f32 v4, v2;
	_ =	sdelay $0x1  }
0x97: {  	v4 =	vadd.f32 $1.666666720e-01, v4;
	_ =	sdelay $0x1  }
0x98: {  	v4 =	vmul.f32 v4, v2;
	_ =	sdelay $0x1  }
0x99: {  	v4 =	vadd.f32 $5.000000000e-01, v4;
	_ =	sdelay $0x1  }
0x9a: {  	v4 =	vmul.f32 v4, v2;
	_ =	sdelay $0x1  }
0x9b: {  	v4 =	vadd.f32 $1.000000000e+00, v4  }
0x9c: {  	v3 =	vtrunc.f32 v3  }
0x9d: {  	v3 =	vcvt.f32.s32 v3;
	v2 =	vmul.f32 v4, v2;
	_ =	sdelay $0x1  }
0x9e: {  	v3 =	vshll.u32 v3, $0x17;
	v2 =	vadd.f32 $1.000000000e+00, v2  }
0x9f: {  	v3 =	vadd.s32 $0x3F800000, v3  }
0xa0: {  	v2 =	vmul.f32 v3, v2;
	_ =	sdelay $0x1  }
0xa1: {  	v2 =	vadd.f32 $1.000000000e+00, v2;
	_ =	sdelay $0x1  }
0xa2: {  	(erf) = vrcp.f32 v2;
	_ =	sdelay $0x8  }
0xa3: {  	v3 =	vpop (erf)  }
0xa4: {  	v2 =	vmul.f32 v3, v2  }
0xa5: {  	v4 =	vld.idx.msk [tilespmem:v30+s26+$0x0], $0xffff  }
0xa6: {  	v2 =	vsub.f32 $2.000000000e+00, v2;
	_ =	sdelay $0x1  }
0xa7: {  	v28 =	vadd.s32 $0x30, v22;
	v2 =	vmul.f32 v2, v3  }
0xa8: {  	v31 =	vadd.s32 $0x30, v27  }
0xa9: {  	v2 =	vmul.f32 v2, v4;
	_ =	sdelay $0x1  }
0xaa: {  	[tilespmem:v42+s28+$0x0] =	vst.idx.add.f32.msk $0xffff, v2  }
0xab: {  	v2 =	vld.idx.msk [tilespmem:v28+s5+$0x0], $0xffff  }
0xac: {  	v3 =	vld.idx.msk [tilespmem:v31+s6+$0x0], $0xffff;
	_ =	sdelay $0x4  }
0xad: {  	v2 =	vadd.f32 v3, v2;
	_ =	sdelay $0x1  }
0xae: {  	v2 =	vmax.f32 v2, $-3.000000000e+01  }
0xaf: {  	v2 =	vmin.f32 v2, $3.000000000e+01  }
0xb0: {  	v2 =	vsub.f32 $0.0e+00, v2;
	_ =	sdelay $0x1  }
0xb1: {  	v3 =	vmul.f32 $1.442695020e+00, v2;
	_ =	sdelay $0x1  }
0xb2: {  	v3 =	vadd.f32 $1.258291200e+07, v3;
	_ =	sdelay $0x1  }
0xb3: {  	v3 =	vadd.f32 $-1.258291200e+07, v3;
	_ =	sdelay $0x1  }
0xb4: {  	v4 =	vmul.f32 $6.933593750e-01, v3;
	_ =	sdelay $0x1  }
0xb5: {  	v2 =	vsub.f32 v2, v4;
	v4 =	vmul.f32 $2.121944420e-04, v3;
	_ =	sdelay $0x1  }
0xb6: {  	v2 =	vadd.f32 v4, v2;
	_ =	sdelay $0x1  }
0xb7: {  	v4 =	vmul.f32 $1.388888920e-03, v2;
	_ =	sdelay $0x1  }
0xb8: {  	v4 =	vadd.f32 $8.333333770e-03, v4;
	_ =	sdelay $0x1  }
0xb9: {  	v4 =	vmul.f32 v4, v2;
	_ =	sdelay $0x1  }
0xba: {  	v4 =	vadd.f32 $4.166666790e-02, v4;
	_ =	sdelay $0x1  }
0xbb: {  	v4 =	vmul.f32 v4, v2;
	_ =	sdelay $0x1  }
0xbc: {  	v4 =	vadd.f32 $1.666666720e-01, v4;
	_ =	sdelay $0x1  }
0xbd: {  	v4 =	vmul.f32 v4, v2;
	_ =	sdelay $0x1  }
0xbe: {  	v4 =	vadd.f32 $5.000000000e-01, v4;
	_ =	sdelay $0x1  }
0xbf: {  	v4 =	vmul.f32 v4, v2;
	_ =	sdelay $0x1  }
0xc0: {  	v4 =	vadd.f32 $1.000000000e+00, v4  }
0xc1: {  	v3 =	vtrunc.f32 v3  }
0xc2: {  	v3 =	vcvt.f32.s32 v3;
	v2 =	vmul.f32 v4, v2;
	_ =	sdelay $0x1  }
0xc3: {  	v3 =	vshll.u32 v3, $0x17;
	v2 =	vadd.f32 $1.000000000e+00, v2  }
0xc4: {  	v3 =	vadd.s32 $0x3F800000, v3  }
0xc5: {  	v2 =	vmul.f32 v3, v2;
	_ =	sdelay $0x1  }
0xc6: {  	v2 =	vadd.f32 $1.000000000e+00, v2;
	_ =	sdelay $0x1  }
0xc7: {  	(erf) = vrcp.f32 v2;
	_ =	sdelay $0x8  }
0xc8: {  	v3 =	vpop (erf)  }
0xc9: {  	v2 =	vmul.f32 v3, v2  }
0xca: {  	v4 =	vld.idx.msk [tilespmem:v31+s26+$0x0], $0xffff  }
0xcb: {  	v2 =	vsub.f32 $2.000000000e+00, v2;
	_ =	sdelay $0x1  }
0xcc: {  	v32 =	vadd.s32 $0x40, v22;
	v2 =	vmul.f32 v2, v3  }
0xcd: {  	v25 =	vadd.s32 $0x40, v27  }
0xce: {  	v2 =	vmul.f32 v2, v4;
	_ =	sdelay $0x1  }
0xcf: {  	[tilespmem:v28+s28+$0x0] =	vst.idx.add.f32.msk $0xffff, v2  }
0xd0: {  	v2 =	vld.idx.msk [tilespmem:v32+s5+$0x0], $0xffff  }
0xd1: {  	v3 =	vld.idx.msk [tilespmem:v25+s6+$0x0], $0xffff;
	_ =	sdelay $0x4  }
0xd2: {  	v2 =	vadd.f32 v3, v2;
	_ =	sdelay $0x1  }
0xd3: {  	v2 =	vmax.f32 v2, $-3.000000000e+01  }
0xd4: {  	v2 =	vmin.f32 v2, $3.000000000e+01  }
0xd5: {  	v2 =	vsub.f32 $0.0e+00, v2;
	_ =	sdelay $0x1  }
0xd6: {  	v3 =	vmul.f32 $1.442695020e+00, v2;
	_ =	sdelay $0x1  }
0xd7: {  	v3 =	vadd.f32 $1.258291200e+07, v3;
	_ =	sdelay $0x1  }
0xd8: {  	v3 =	vadd.f32 $-1.258291200e+07, v3;
	_ =	sdelay $0x1  }
0xd9: {  	v4 =	vmul.f32 $6.933593750e-01, v3;
	_ =	sdelay $0x1  }
0xda: {  	v2 =	vsub.f32 v2, v4;
	v4 =	vmul.f32 $2.121944420e-04, v3;
	_ =	sdelay $0x1  }
0xdb: {  	v2 =	vadd.f32 v4, v2;
	_ =	sdelay $0x1  }
0xdc: {  	v4 =	vmul.f32 $1.388888920e-03, v2;
	_ =	sdelay $0x1  }
0xdd: {  	v4 =	vadd.f32 $8.333333770e-03, v4;
	_ =	sdelay $0x1  }
0xde: {  	v4 =	vmul.f32 v4, v2;
	_ =	sdelay $0x1  }
0xdf: {  	v4 =	vadd.f32 $4.166666790e-02, v4;
	_ =	sdelay $0x1  }
0xe0: {  	v4 =	vmul.f32 v4, v2;
	_ =	sdelay $0x1  }
0xe1: {  	v4 =	vadd.f32 $1.666666720e-01, v4;
	_ =	sdelay $0x1  }
0xe2: {  	v4 =	vmul.f32 v4, v2;
	_ =	sdelay $0x1  }
0xe3: {  	v4 =	vadd.f32 $5.000000000e-01, v4;
	_ =	sdelay $0x1  }
0xe4: {  	v4 =	vmul.f32 v4, v2;
	_ =	sdelay $0x1  }
0xe5: {  	v4 =	vadd.f32 $1.000000000e+00, v4  }
0xe6: {  	v3 =	vtrunc.f32 v3  }
0xe7: {  	v3 =	vcvt.f32.s32 v3;
	v2 =	vmul.f32 v4, v2;
	_ =	sdelay $0x1  }
0xe8: {  	v3 =	vshll.u32 v3, $0x17;
	v2 =	vadd.f32 $1.000000000e+00, v2  }
0xe9: {  	v3 =	vadd.s32 $0x3F800000, v3  }
0xea: {  	v2 =	vmul.f32 v3, v2;
	_ =	sdelay $0x1  }
0xeb: {  	v2 =	vadd.f32 $1.000000000e+00, v2;
	_ =	sdelay $0x1  }
0xec: {  	(erf) = vrcp.f32 v2;
	_ =	sdelay $0x8  }
0xed: {  	v3 =	vpop (erf)  }
0xee: {  	v2 =	vmul.f32 v3, v2  }
0xef: {  	v4 =	vld.idx.msk [tilespmem:v25+s26+$0x0], $0xffff  }
0xf0: {  	v2 =	vsub.f32 $2.000000000e+00, v2;
	_ =	sdelay $0x1  }
0xf1: {  	v2 =	vmul.f32 v2, v3  }
0xf2: {  	v8 =	vimm.s32 $0x49  }
0xf3: {  	v2 =	vmul.f32 v2, v4;
	v4 =	vimm.s32 $0x46;
	_ =	sdelay $0x2  }
0xf4: {  	[tilespmem:v32+s28+$0x0] =	vst.idx.add.f32.msk $0xffff, v2  }
0xf5: {  	v6 =	vimm.s32 $0x47;
	v1 =	vld.idx.msk [tilespmem:v8+s2+$0x0], $0xffff  }
0xf6: {  	v45 =	vld.idx.msk [tilespmem:v4+s2+$0x0], $0xffff;
	v4 =	vimm.s32 $0x53;
	_ =	sdelay $0x3  }
0xf7: {  	v7 =	vimm.s32 $0x48;
	v14 =	vld.idx.msk [tilespmem:v6+s2+$0x0], $0xffff  }
0xf8: {  	v6 =	vimm.s32 $0x58;
	[tilespmem:$0x1FD50] =	vst v1;
	v1 =	vld.idx.msk [tilespmem:v4+s2+$0x0], $0xffff;
	_ =	sdelay $0x3  }
0xf9: {  	v13 =	vld.idx.msk [tilespmem:v7+s2+$0x0], $0xffff  }
0xfa: {  	v7 =	vimm.s32 $0x5D;
	[tilespmem:$0x1FD60] =	vst v1;
	v1 =	vld.idx.msk [tilespmem:v6+s2+$0x0], $0xffff;
	_ =	sdelay $0x4  }
0xfb: {  	v8 =	vimm.s32 $0x4A;
	[tilespmem:$0x1FDA0] =	vst v1;
	v1 =	vld.idx.msk [tilespmem:v7+s2+$0x0], $0xffff;
	_ =	sdelay $0x4  }
0xfc: {  	v4 =	vimm.s32 $0x54;
	[tilespmem:$0x1FDD0] =	vst v1;
	v1 =	vld.idx.msk [tilespmem:v8+s2+$0x0], $0xffff;
	_ =	sdelay $0x3  }
0xfd: {  	v5 =	vimm.s32 $0x45  }
0xfe: {  	v6 =	vimm.s32 $0x59;
	[tilespmem:$0x1FD70] =	vst v1;
	v1 =	vld.idx.msk [tilespmem:v4+s2+$0x0], $0xffff;
	_ =	sdelay $0x3  }
0xff: {  	v41 =	vld.idx.msk [tilespmem:v5+s2+$0x0], $0xffff;
	v5 =	vimm.s32 $0x4E  }
0x100: {  	v7 =	vimm.s32 $0x5E;
	[tilespmem:$0x1FDB0] =	vst v1;
	v1 =	vld.idx.msk [tilespmem:v6+s2+$0x0], $0xffff;
	_ =	sdelay $0x3  }
0x101: {  	v33 =	vld.idx.msk [tilespmem:v5+s2+$0x0], $0xffff;
	v5 =	vimm.s32 $0x4F  }
0x102: {  	v8 =	vimm.s32 $0x4B;
	[tilespmem:$0x1FDE0] =	vst v1;
	v1 =	vld.idx.msk [tilespmem:v7+s2+$0x0], $0xffff;
	_ =	sdelay $0x3  }
0x103: {  	v34 =	vld.idx.msk [tilespmem:v5+s2+$0x0], $0xffff  }
0x104: {  	v5 =	vimm.s32 $0x50;
	[tilespmem:$0x1FE20] =	vst v1;
	v1 =	vld.idx.msk [tilespmem:v8+s2+$0x0], $0xffff;
	_ =	sdelay $0x4  }
0x105: {  	v4 =	vimm.s32 $0x55;
	[tilespmem:$0x1FD80] =	vst v1;
	v1 =	vld.idx.msk [tilespmem:v5+s2+$0x0], $0xffff;
	_ =	sdelay $0x4  }
0x106: {  	v6 =	vimm.s32 $0x5A;
	[tilespmem:$0x1FD90] =	vst v1;
	v1 =	vld.idx.msk [tilespmem:v4+s2+$0x0], $0xffff;
	_ =	sdelay $0x4  }
0x107: {  	v7 =	vimm.s32 $0x5F;
	[tilespmem:$0x1FDC0] =	vst v1;
	v1 =	vld.idx.msk [tilespmem:v6+s2+$0x0], $0xffff;
	_ =	sdelay $0x4  }
0x108: {  	v8 =	vimm.s32 $0x4C;
	[tilespmem:$0x1FDF0] =	vst v1;
	v1 =	vld.idx.msk [tilespmem:v7+s2+$0x0], $0xffff;
	_ =	sdelay $0x4  }
0x109: {  	v5 =	vimm.s32 $0x51;
	[tilespmem:$0x1FE30] =	vst v1;
	v1 =	vld.idx.msk [tilespmem:v8+s2+$0x0], $0xffff;
	_ =	sdelay $0x4  }
0x10a: {  	v4 =	vimm.s32 $0x56;
	[tilespmem:$0x1FE00] =	vst v1;
	v1 =	vld.idx.msk [tilespmem:v5+s2+$0x0], $0xffff;
	_ =	sdelay $0x4  }
0x10b: {  	v6 =	vimm.s32 $0x5B;
	[tilespmem:$0x1FE10] =	vst v1;
	v1 =	vld.idx.msk [tilespmem:v4+s2+$0x0], $0xffff;
	_ =	sdelay $0x4  }
0x10c: {  	v7 =	vimm.s32 $0x60;
	[tilespmem:$0x1FE40] =	vst v1;
	v1 =	vld.idx.msk [tilespmem:v6+s2+$0x0], $0xffff;
	_ =	sdelay $0x4  }
0x10d: {  	v8 =	vimm.s32 $0x4D;
	[tilespmem:$0x1FE70] =	vst v1;
	v1 =	vld.idx.msk [tilespmem:v7+s2+$0x0], $0xffff;
	_ =	sdelay $0x4  }
0x10e: {  	v5 =	vimm.s32 $0x52;
	[tilespmem:$0x1FE90] =	vst v1;
	v1 =	vld.idx.msk [tilespmem:v8+s2+$0x0], $0xffff;
	_ =	sdelay $0x1  }
0x10f: {  	v3 =	vimm.s32 $0x44  }
0x110: {  	v43 =	vimm.s32 $0x68  }
0x111: {  	v60 =	vimm.s32 $0x69  }
0x112: {  	v4 =	vimm.s32 $0x57;
	[tilespmem:$0x1FE50] =	vst v1;
	v1 =	vld.idx.msk [tilespmem:v5+s2+$0x0], $0xffff  }
0x113: {  	v44 =	vimm.s32 $0x78  }
0x114: {  	v55 =	vimm.s32 $0x65;
	v40 =	vld.idx.msk [tilespmem:v3+s2+$0x0], $0xffff  }
0x115: {  	v61 =	vimm.s32 $0x6A;
	v51 =	vld.idx.msk [tilespmem:v43+s2+$0x0], $0xffff  }
0x116: {  	v56 =	vld.idx.msk [tilespmem:v60+s2+$0x0], $0xffff  }
0x117: {  	[tilespmem:$0x1FE60] =	vst v1;
	v1 =	vld.idx.msk [tilespmem:v4+s2+$0x0], $0xffff;
	v4 =	vimm.s32 $0x6C  }
0x118: {  	v17 =	vld.idx.msk [tilespmem:v44+s2+$0x0], $0xffff  }
0x119: {  	v55 =	vld.idx.msk [tilespmem:v55+s2+$0x0], $0xffff  }
0x11a: {  	v2 =	vimm.s32 $0x75;
	v58 =	vld.idx.msk [tilespmem:v61+s2+$0x0], $0xffff  }
0x11b: {  	v44 =	vld [tilespmem:$0x2C80];
	v6 =	vimm.s32 $0x5C  }
0x11c: {  	v48 =	vld.idx.msk [tilespmem:v4+s2+$0x0], $0xffff;
	v4 =	vimm.s32 $0x6D  }
0x11d: {  	v61 =	vld [tilespmem:$0x2C90]  }
0x11e: {  	v43 =	vimm.s32 $0x74;
	v63 =	vld [tilespmem:$0x2CA0]  }
0x11f: {  	v19 =	vld.idx.msk [tilespmem:v2+s2+$0x0], $0xffff;
	v8 =	vimm.s32 $0x62  }
0x120: {  	[tilespmem:$0x1FE80] =	vst v1;
	v1 =	vld.idx.msk [tilespmem:v6+s2+$0x0], $0xffff;
	v6 =	vimm.s32 $0x71  }
0x121: {  	v52 =	vld.idx.msk [tilespmem:v4+s2+$0x0], $0xffff;
	v4 =	vimm.s32 $0x6E  }
0x122: {  	v60 =	vimm.s32 $0x66;
	v2 =	vld [tilespmem:$0x2CC0]  }
0x123: {  	v10 =	vld.idx.msk [tilespmem:v43+s2+$0x0], $0xffff;
	v7 =	vimm.s32 $0x61  }
0x124: {  	v46 =	vld.idx.msk [tilespmem:v8+s2+$0x0], $0xffff;
	v8 =	vimm.s32 $0x63  }
0x125: {  	v49 =	vld.idx.msk [tilespmem:v6+s2+$0x0], $0xffff;
	v6 =	vimm.s32 $0x72  }
0x126: {  	v57 =	vld.idx.msk [tilespmem:v4+s2+$0x0], $0xffff;
	v4 =	vimm.s32 $0x6F  }
0x127: {  	v60 =	vld.idx.msk [tilespmem:v60+s2+$0x0], $0xffff  }
0x128: {  	v37 =	vmul.f32 v37, v0;
	v5 =	vimm.s32 $0x67;
	[tilespmem:$0x1FEA0] =	vst v1;
	v1 =	vld.idx.msk [tilespmem:v7+s2+$0x0], $0xffff  }
0x129: {  	v50 =	vld.idx.msk [tilespmem:v8+s2+$0x0], $0xffff;
	v8 =	vimm.s32 $0x64  }
0x12a: {  	v37 =	vadd.f32 v63, v37;
	v53 =	vld.idx.msk [tilespmem:v6+s2+$0x0], $0xffff;
	v6 =	vimm.s32 $0x73  }
0x12b: {  	v59 =	vld.idx.msk [tilespmem:v4+s2+$0x0], $0xffff;
	v4 =	vimm.s32 $0x79  }
0x12c: {  	v3 =	vimm.s32 $0x85;
	v37 =	vadd.f32 v45, v37;
	v45 =	vld [tilespmem:$0x2CB0]  }
0x12d: {  	v38 =	vmul.f32 v38, v0;
	v47 =	vld.idx.msk [tilespmem:v5+s2+$0x0], $0xffff;
	[tilespmem:$0x1FEB0] =	vst v1;
	v1 =	vimm.s32 $0x70  }
0x12e: {  	v62 =	vimm.s32 $0x6B;
	v39 =	vmul.f32 v39, v0;
	v54 =	vld.idx.msk [tilespmem:v8+s2+$0x0], $0xffff;
	v7 =	vimm.s32 $0x76  }
0x12f: {  	v36 =	vmul.f32 v36, v0;
	v0 =	vmul.f32 v18, v0;
	v38 =	vadd.f32 v61, v38;
	v15 =	vld.idx.msk [tilespmem:v6+s2+$0x0], $0xffff  }
0x130: {  	v63 =	vimm.s32 $0x80;
	v6 =	vimm.s32 $0x81;
	v43 =	vld.idx.msk [tilespmem:v4+s2+$0x0], $0xffff;
	v4 =	vadd.f32 v44, v39  }
0x131: {  	v38 =	vadd.f32 v41, v38;
	v36 =	vadd.f32 v45, v36;
	v8 =	vld.idx.msk [tilespmem:v3+s2+$0x0], $0xffff;
	v39 =	vimm.s32 $0x7A  }
0x132: {  	v0 =	vadd.f32 v2, v0;
	v61 =	vadd.f32 v40, v4;
	v40 =	vld.idx.msk [tilespmem:v1+s2+$0x0], $0xffff;
	v1 =	vimm.s32 $0x7B  }
0x133: {  	vm1 =	vgt.f32 v37, $0.0e+00;
	v14 =	vadd.f32 v14, v36;
	v12 =	vld.idx.msk [tilespmem:v7+s2+$0x0], $0xffff;
	v4 =	vimm.s32 $0x8A  }
0x134: {  	v2 =	vimm.s32 $0x8B;
	v13 =	vadd.f32 v13, v0;
	v7 =	vimm.s32 $0x77;
	v44 =	vld.idx.msk [tilespmem:v62+s2+$0x0], $0xffff  }
0x135: {  	v0 =	vmul.f32 $9.999999770e-03, v14;
	v5 =	vimm.s32 $0x7C;
	v36 =	vld.idx.msk [tilespmem:v6+s2+$0x0], $0xffff;
	v62 =	vmul.f32 $9.999999770e-03, v61  }
0x136: {  	v3 =	vimm.s32 $0x91;
	vm0 =	vgt.f32 v61, $0.0e+00;
	v24 =	vld.idx.msk [tilespmem:v39+s2+$0x0], $0xffff;
	v39 =	vimm.s32 $0x8F  }
0x137: {  	v6 =	vimm.s32 $0x82;
	v61 =	vsel vm0, v61, v62;
	v62 =	vmul.f32 $9.999999770e-03, v37;
	v41 =	vld.idx.msk [tilespmem:v1+s2+$0x0], $0xffff  }
0x138: {  	vm0 =	vgt.f32 v38, $0.0e+00;
	v1 =	vmul.f32 $9.999999770e-03, v38;
	v45 =	vld.idx.msk [tilespmem:v4+s2+$0x0], $0xffff;
	v4 =	vmul.f32 v46, v61  }
0x139: {  	v11 =	vld.idx.msk [tilespmem:v7+s2+$0x0], $0xffff;
	v54 =	vmul.f32 v54, v61;
	v55 =	vmul.f32 v55, v61;
	v62 =	vsel vm1, v37, v62  }
0x13a: {  	v7 =	vld.idx.msk [tilespmem:v63+s2+$0x0], $0xffff;
	vm1 =	vgt.f32 v13, $0.0e+00;
	v63 =	vsel vm0, v38, v1;
	v1 =	vimm.s32 $0x86  }
0x13b: {  	v38 =	vimm.s32 $0x90;
	vm0 =	vgt.f32 v14, $0.0e+00;
	v48 =	vmul.f32 v48, v62;
	v46 =	vld.idx.msk [tilespmem:v39+s2+$0x0], $0xffff  }
0x13c: {  	v37 =	vmul.f32 v47, v63;
	v39 =	vmul.f32 v50, v61;
	v50 =	vld.idx.msk [tilespmem:v5+s2+$0x0], $0xffff;
	v5 =	vimm.s32 $0x7D  }
0x13d: {  	v52 =	vmul.f32 v52, v62;
	v47 =	vmul.f32 v51, v63;
	v51 =	vld.idx.msk [tilespmem:v2+s2+$0x0], $0xffff;
	v2 =	vimm.s32 $0x8C  }
0x13e: {  	v18 =	vld.idx.msk [tilespmem:v3+s2+$0x0], $0xffff;
	v59 =	vmul.f32 v59, v62;
	v23 =	vsel vm0, v14, v0;
	v4 =	vadd.f32 v37, v4  }
0x13f: {  	v56 =	vmul.f32 v56, v63;
	v37 =	vadd.f32 v47, v39;
	v39 =	vimm.s32 $0x87;
	v47 =	vld.idx.msk [tilespmem:v1+s2+$0x0], $0xffff  }
0x140: {  	v38 =	vld.idx.msk [tilespmem:v38+s2+$0x0], $0xffff;
	v1 =	vmul.f32 $9.999999770e-03, v13;
	v14 =	vadd.f32 v48, v4;
	v4 =	vimm.s32 $0x7F  }
0x141: {  	v49 =	vmul.f32 v49, v23;
	v37 =	vadd.f32 v52, v37;
	v9 =	vld.idx.msk [tilespmem:v5+s2+$0x0], $0xffff;
	v5 =	vimm.s32 $0x7E  }
0x142: {  	v52 =	vmul.f32 v53, v23;
	v53 =	vld.idx.msk [tilespmem:v2+s2+$0x0], $0xffff;
	v2 =	vimm.s32 $0x8D;
	v1 =	vsel vm1, v13, v1  }
0x143: {  	v13 =	vld.idx.msk [tilespmem:v6+s2+$0x0], $0xffff;
	v6 =	vimm.s32 $0x83;
	v14 =	vadd.f32 v49, v14;
	v12 =	vmul.f32 v12, v1  }
0x144: {  	v58 =	vmul.f32 v58, v63;
	v49 =	vadd.f32 v52, v37;
	v37 =	vimm.s32 $0x8E;
	v48 =	vld.idx.msk [tilespmem:v39+s2+$0x0], $0xffff  }
0x145: {  	v36 =	vmul.f32 v36, v63;
	v39 =	vimm.s32 $0x88;
	v14 =	vadd.f32 v12, v14;
	v12 =	vld.idx.msk [tilespmem:v4+s2+$0x0], $0xffff  }
0x146: {  	v3 =	vimm.s32 $0x92;
	v50 =	vmul.f32 v50, v61;
	v11 =	vmul.f32 v11, v1;
	v5 =	vld.idx.msk [tilespmem:v5+s2+$0x0], $0xffff  }
0x147: {  	v54 =	vadd.f32 v56, v54;
	v55 =	vadd.f32 v58, v55;
	v58 =	vimm.s32 $0x89;
	v16 =	vld.idx.msk [tilespmem:v2+s2+$0x0], $0xffff  }
0x148: {  	v36 =	vadd.f32 v36, v50;
	v11 =	vadd.f32 v11, v49;
	v49 =	vimm.s32 $0x94;
	v52 =	vld.idx.msk [tilespmem:v6+s2+$0x0], $0xffff  }
0x149: {  	v47 =	vmul.f32 v47, v62;
	v38 =	vmul.f32 v38, v1;
	v2 =	vimm.s32 $0x9F;
	v20 =	vld.idx.msk [tilespmem:v37+s2+$0x0], $0xffff  }
0x14a: {  	v6 =	vimm.s32 $0x84;
	v37 =	vimm.s32 $0xA3;
	v56 =	vld.idx.msk [tilespmem:v39+s2+$0x0], $0xffff;
	v39 =	vmul.f32 v57, v62  }
0x14b: {  	v36 =	vadd.f32 v47, v36;
	v47 =	vmul.f32 v51, v23;
	v57 =	vld.idx.msk [tilespmem:v3+s2+$0x0], $0xffff;
	v3 =	vimm.s32 $0x93  }
0x14c: {  	v4 =	vadd.f32 v39, v54;
	v54 =	vadd.f32 v59, v55;
	v55 =	vmul.f32 v10, v23;
	v10 =	vld.idx.msk [tilespmem:v58+s2+$0x0], $0xffff  }
0x14d: {  	v36 =	vadd.f32 v47, v36;
	v47 =	vmul.f32 v48, v62;
	v48 =	vimm.s32 $0xAB;
	v49 =	vld.idx.msk [tilespmem:v49+s2+$0x0], $0xffff  }
0x14e: {  	v8 =	vmul.f32 v8, v62;
	v44 =	vmul.f32 v44, v63;
	v58 =	vimm.s32 $0x9E;
	v2 =	vld.idx.msk [tilespmem:v2+s2+$0x0], $0xffff  }
0x14f: {  	v15 =	vmul.f32 v15, v23;
	v36 =	vadd.f32 v38, v36;
	v38 =	vimm.s32 $0x9D;
	v39 =	vld.idx.msk [tilespmem:v6+s2+$0x0], $0xffff  }
0x150: {  	v41 =	vmul.f32 v41, v61;
	v17 =	vmul.f32 v17, v1;
	v6 =	vimm.s32 $0x99;
	v37 =	vld.idx.msk [tilespmem:v37+s2+$0x0], $0xffff  }
0x151: {  	v59 =	vmul.f32 v7, v63;
	v54 =	vadd.f32 v55, v54;
	v55 =	vimm.s32 $0x95;
	v21 =	vld.idx.msk [tilespmem:v3+s2+$0x0], $0xffff  }
0x152: {  	v43 =	vmul.f32 v43, v1;
	v15 =	vadd.f32 v15, v4;
	v4 =	vimm.s32 $0xAC;
	v48 =	vld.idx.msk [tilespmem:v48+s2+$0x0], $0xffff  }
0x153: {  	v41 =	vadd.f32 v59, v41;
	v59 =	vmul.f32 v60, v61;
	v3 =	vimm.s32 $0xA8;
	v58 =	vld.idx.msk [tilespmem:v58+s2+$0x0], $0xffff  }
0x154: {  	v40 =	vmul.f32 v40, v62;
	v50 =	vimm.s32 $0xA0;
	v17 =	vadd.f32 v17, v15;
	v38 =	vld.idx.msk [tilespmem:v38+s2+$0x0], $0xffff  }
0x155: {  	v15 =	vadd.f32 v43, v54;
	v43 =	vimm.s32 $0xA4;
	v44 =	vadd.f32 v44, v59;
	v60 =	vld.idx.msk [tilespmem:v6+s2+$0x0], $0xffff  }
0x156: {  	v8 =	vadd.f32 v8, v41;
	v41 =	vimm.s32 $0xA9;
	v54 =	vld.idx.msk [tilespmem:v55+s2+$0x0], $0xffff  }
0x157: {  	v19 =	vmul.f32 v19, v23;
	v59 =	vimm.s32 $0x9B;
	v40 =	vadd.f32 v40, v44;
	v4 =	vld.idx.msk [tilespmem:v4+s2+$0x0], $0xffff  }
0x158: {  	v44 =	vimm.s32 $0xA5;
	v7 =	vld.idx.msk [tilespmem:v3+s2+$0x0], $0xffff  }
0x159: {  	v45 =	vmul.f32 v45, v23;
	v6 =	vimm.s32 $0x9A;
	v19 =	vadd.f32 v19, v40;
	v40 =	vld.idx.msk [tilespmem:v50+s2+$0x0], $0xffff  }
0x15a: {  	v46 =	vmul.f32 v46, v1;
	v9 =	vmul.f32 v9, v61;
	v55 =	vimm.s32 $0x96;
	v43 =	vld.idx.msk [tilespmem:v43+s2+$0x0], $0xffff  }
0x15b: {  	v13 =	vmul.f32 v13, v63;
	v8 =	vadd.f32 v45, v8;
	v45 =	vimm.s32 $0xAA;
	v41 =	vld.idx.msk [tilespmem:v41+s2+$0x0], $0xffff  }
0x15c: {  	v3 =	vimm.s32 $0x9C;
	v59 =	vld.idx.msk [tilespmem:v59+s2+$0x0], $0xffff  }
0x15d: {  	v9 =	vadd.f32 v13, v9;
	v8 =	vadd.f32 v46, v8;
	v46 =	vimm.s32 $0xA1;
	v13 =	vld.idx.msk [tilespmem:v44+s2+$0x0], $0xffff  }
0x15e: {  	v44 =	vimm.s32 $0xA6;
	v6 =	vld.idx.msk [tilespmem:v6+s2+$0x0], $0xffff  }
0x15f: {  	v49 =	vmul.f32 v49, v61;
	v51 =	vld.idx.msk [tilespmem:v55+s2+$0x0], $0xffff;
	v55 =	vimm.s32 $0x97;
	v50 =	vmul.f32 v60, v63  }
0x160: {  	v9 =	vadd.f32 v47, v9;
	v45 =	vld.idx.msk [tilespmem:v45+s2+$0x0], $0xffff;
	v60 =	vimm.s32 $0x98  }
0x161: {  	v5 =	vmul.f32 v5, v61;
	v3 =	vld.idx.msk [tilespmem:v3+s2+$0x0], $0xffff;
	v47 =	vadd.f32 v50, v49;
	v50 =	vimm.s32 $0xA2  }
0x162: {  	v52 =	vmul.f32 v52, v63;
	v46 =	vld.idx.msk [tilespmem:v46+s2+$0x0], $0xffff;
	v49 =	vmul.f32 v53, v23;
	v53 =	vimm.s32 $0xA7  }
0x163: {  	v56 =	vmul.f32 v56, v62;
	v58 =	vmul.f32 v58, v62;
	v44 =	vld.idx.msk [tilespmem:v44+s2+$0x0], $0xffff  }
0x164: {  	v5 =	vadd.f32 v52, v5;
	v52 =	vmul.f32 v54, v61;
	v55 =	vld.idx.msk [tilespmem:v55+s2+$0x0], $0xffff;
	v6 =	vmul.f32 v6, v63  }
0x165: {  	v18 =	vmul.f32 v18, v1;
	v37 =	vmul.f32 v37, v23;
	v47 =	vadd.f32 v58, v47;
	v54 =	vld.idx.msk [tilespmem:v60+s2+$0x0], $0xffff  }
0x166: {  	v5 =	vadd.f32 v56, v5;
	v2 =	vmul.f32 v2, v62;
	v6 =	vadd.f32 v6, v52;
	v56 =	vld.idx.msk [tilespmem:v50+s2+$0x0], $0xffff  }
0x167: {  	v10 =	vmul.f32 v10, v62;
	v7 =	vmul.f32 v7, v1;
	v37 =	vadd.f32 v37, v47;
	v58 =	vld.idx.msk [tilespmem:v53+s2+$0x0], $0xffff  }
0x168: {  	[tilespmem:$0x2B00] =	vst v14;
	v2 =	vadd.f32 v2, v6;
	v6 =	vmul.f32 v16, v23;
	v16 =	vmul.f32 v43, v23  }
0x169: {  	v60 =	vmul.f32 v59, v63;
	v14 =	vmul.f32 v51, v61;
	[tilespmem:$0x2B80] =	vst v8;
	v7 =	vadd.f32 v7, v37  }
0x16a: {  	v9 =	vadd.f32 v49, v9;
	v8 =	vmul.f32 v41, v1;
	[tilespmem:$0x2B10] =	vst v11;
	v2 =	vadd.f32 v16, v2  }
0x16b: {  	[tilespmem:$0x2C00] =	vst v7;
	v7 =	vmul.f32 v40, v62;
	v5 =	vadd.f32 v6, v5;
	v6 =	vadd.f32 v60, v14  }
0x16c: {  	v3 =	vmul.f32 v3, v63;
	[tilespmem:$0x2B90] =	vst v36;
	v2 =	vadd.f32 v8, v2;
	v8 =	vmul.f32 v55, v61  }
0x16d: {  	v9 =	vadd.f32 v18, v9;
	v11 =	vmul.f32 v13, v23;
	[tilespmem:$0x2C80] =	vst v35;
	v6 =	vadd.f32 v7, v6  }
0x16e: {  	v13 =	vmul.f32 v39, v63;
	[tilespmem:$0x2C90] =	vst v35;
	v3 =	vadd.f32 v3, v8;
	v8 =	vmul.f32 v46, v62  }
0x16f: {  	[tilespmem:$0x2B20] =	vst v17;
	v6 =	vadd.f32 v11, v6;
	v11 =	vmul.f32 v12, v61;
	v12 =	vmul.f32 v45, v1  }
0x170: {  	[tilespmem:$0x2CA0] =	vst v35;
	v14 =	vmul.f32 v38, v63;
	v3 =	vadd.f32 v8, v3;
	v8 =	vmul.f32 v44, v23  }
0x171: {  	[tilespmem:$0x2B30] =	vst v15;
	v7 =	vmul.f32 v24, v1;
	v6 =	vadd.f32 v12, v6;
	v12 =	vmul.f32 v54, v61  }
0x172: {  	[tilespmem:$0x2C10] =	vst v2;
	v2 =	vmul.f32 v57, v1;
	v11 =	vadd.f32 v13, v11;
	v3 =	vadd.f32 v8, v3  }
0x173: {  	[tilespmem:$0x2BA0] =	vst v9;
	v8 =	vmul.f32 v48, v1;
	v9 =	vadd.f32 v14, v12;
	v12 =	vmul.f32 v56, v62  }
0x174: {  	v2 =	vadd.f32 v2, v5;
	[tilespmem:$0x2C20] =	vst v6;
	v5 =	vadd.f32 v10, v11;
	v6 =	vmul.f32 v20, v23  }
0x175: {  	[tilespmem:$0x2CB0] =	vst v35;
	v3 =	vadd.f32 v8, v3;
	v8 =	vadd.f32 v12, v9;
	v9 =	vmul.f32 v58, v23  }
0x176: {  	[tilespmem:$0x2CC0] =	vst v35;
	v5 =	vadd.f32 v6, v5;
	v6 =	vmul.f32 v21, v1  }
0x177: {  	v4 =	vmul.f32 v4, v1;
	[tilespmem:$0x2BB0] =	vst v2;
	v2 =	vadd.f32 v7, v19;
	v7 =	vadd.f32 v9, v8  }
0x178: {  	[tilespmem:$0x2C30] =	vst v3;
	v3 =	vadd.f32 v6, v5  }
0x179: {  	[tilespmem:$0x2B40] =	vst v2;
	v4 =	vadd.f32 v4, v7  }
0x17a: {  	[tilespmem:$0x2BC0] =	vst v3  }
0x17b: {  	[tilespmem:$0x2C40] =	vst v4  }
0x17c: {  	v2 =	vld.idx.msk [tilespmem:v22+s5+$0x0], $0xffff  }
0x17d: {  	v3 =	vld.idx.msk [tilespmem:v27+s6+$0x0], $0xffff;
	_ =	sdelay $0x4  }
0x17e: {  	v2 =	vadd.f32 v3, v2;
	_ =	sdelay $0x1  }
0x17f: {  	v2 =	vmax.f32 v2, $-3.000000000e+01  }
0x180: {  	v2 =	vmin.f32 v2, $3.000000000e+01  }
0x181: {  	v2 =	vsub.f32 $0.0e+00, v2;
	_ =	sdelay $0x1  }
0x182: {  	v3 =	vmul.f32 $1.442695020e+00, v2;
	_ =	sdelay $0x1  }
0x183: {  	v3 =	vadd.f32 $1.258291200e+07, v3;
	_ =	sdelay $0x1  }
0x184: {  	v3 =	vadd.f32 $-1.258291200e+07, v3;
	_ =	sdelay $0x1  }
0x185: {  	v4 =	vmul.f32 $6.933593750e-01, v3;
	_ =	sdelay $0x1  }
0x186: {  	v2 =	vsub.f32 v2, v4;
	v4 =	vmul.f32 $2.121944420e-04, v3;
	_ =	sdelay $0x1  }
0x187: {  	v2 =	vadd.f32 v4, v2;
	_ =	sdelay $0x1  }
0x188: {  	v4 =	vmul.f32 $1.388888920e-03, v2;
	_ =	sdelay $0x1  }
0x189: {  	v4 =	vadd.f32 $8.333333770e-03, v4;
	_ =	sdelay $0x1  }
0x18a: {  	v4 =	vmul.f32 v4, v2;
	_ =	sdelay $0x1  }
0x18b: {  	v4 =	vadd.f32 $4.166666790e-02, v4;
	_ =	sdelay $0x1  }
0x18c: {  	v4 =	vmul.f32 v4, v2;
	_ =	sdelay $0x1  }
0x18d: {  	v4 =	vadd.f32 $1.666666720e-01, v4;
	_ =	sdelay $0x1  }
0x18e: {  	v4 =	vmul.f32 v4, v2;
	_ =	sdelay $0x1  }
0x18f: {  	v4 =	vadd.f32 $5.000000000e-01, v4;
	_ =	sdelay $0x1  }
0x190: {  	v4 =	vmul.f32 v4, v2;
	_ =	sdelay $0x1  }
0x191: {  	v4 =	vadd.f32 $1.000000000e+00, v4  }
0x192: {  	v3 =	vtrunc.f32 v3  }
0x193: {  	v3 =	vcvt.f32.s32 v3;
	v2 =	vmul.f32 v4, v2;
	_ =	sdelay $0x1  }
0x194: {  	v3 =	vshll.u32 v3, $0x17;
	v2 =	vadd.f32 $1.000000000e+00, v2  }
0x195: {  	v3 =	vadd.s32 $0x3F800000, v3  }
0x196: {  	v2 =	vmul.f32 v3, v2;
	_ =	sdelay $0x1  }
0x197: {  	v2 =	vadd.f32 $1.000000000e+00, v2;
	_ =	sdelay $0x1  }
0x198: {  	(erf) = vrcp.f32 v2;
	_ =	sdelay $0x8  }
0x199: {  	v3 =	vpop (erf)  }
0x19a: {  	v2 =	vmul.f32 v3, v2  }
0x19b: {  	v4 =	vld.idx.msk [tilespmem:v27+s26+$0x0], $0xffff  }
0x19c: {  	v2 =	vsub.f32 $2.000000000e+00, v2;
	_ =	sdelay $0x1  }
0x19d: {  	v2 =	vmul.f32 v2, v3;
	_ =	sdelay $0x1  }
0x19e: {  	v2 =	vmul.f32 v2, v4;
	_ =	sdelay $0x1  }
0x19f: {  	[tilespmem:v22+s28+$0x0] =	vst.idx.add.f32.msk $0xffff, v2  }
0x1a0: {  	v2 =	vld.idx.msk [tilespmem:v26+s5+$0x0], $0xffff  }
0x1a1: {  	v3 =	vld.idx.msk [tilespmem:v29+s6+$0x0], $0xffff;
	_ =	sdelay $0x4  }
0x1a2: {  	v2 =	vadd.f32 v3, v2;
	_ =	sdelay $0x1  }
0x1a3: {  	v2 =	vmax.f32 v2, $-3.000000000e+01  }
0x1a4: {  	v2 =	vmin.f32 v2, $3.000000000e+01  }
0x1a5: {  	v2 =	vsub.f32 $0.0e+00, v2;
	_ =	sdelay $0x1  }
0x1a6: {  	v3 =	vmul.f32 $1.442695020e+00, v2;
	_ =	sdelay $0x1  }
0x1a7: {  	v3 =	vadd.f32 $1.258291200e+07, v3;
	_ =	sdelay $0x1  }
0x1a8: {  	v3 =	vadd.f32 $-1.258291200e+07, v3;
	_ =	sdelay $0x1  }
0x1a9: {  	v4 =	vmul.f32 $6.933593750e-01, v3;
	_ =	sdelay $0x1  }
0x1aa: {  	v2 =	vsub.f32 v2, v4;
	v4 =	vmul.f32 $2.121944420e-04, v3;
	_ =	sdelay $0x1  }
0x1ab: {  	v2 =	vadd.f32 v4, v2;
	_ =	sdelay $0x1  }
0x1ac: {  	v4 =	vmul.f32 $1.388888920e-03, v2;
	_ =	sdelay $0x1  }
0x1ad: {  	v4 =	vadd.f32 $8.333333770e-03, v4;
	_ =	sdelay $0x1  }
0x1ae: {  	v4 =	vmul.f32 v4, v2;
	_ =	sdelay $0x1  }
0x1af: {  	v4 =	vadd.f32 $4.166666790e-02, v4;
	_ =	sdelay $0x1  }
0x1b0: {  	v4 =	vmul.f32 v4, v2;
	_ =	sdelay $0x1  }
0x1b1: {  	v4 =	vadd.f32 $1.666666720e-01, v4;
	_ =	sdelay $0x1  }
0x1b2: {  	v4 =	vmul.f32 v4, v2;
	_ =	sdelay $0x1  }
0x1b3: {  	v4 =	vadd.f32 $5.000000000e-01, v4;
	_ =	sdelay $0x1  }
0x1b4: {  	v4 =	vmul.f32 v4, v2;
	_ =	sdelay $0x1  }
0x1b5: {  	v4 =	vadd.f32 $1.000000000e+00, v4  }
0x1b6: {  	v3 =	vtrunc.f32 v3  }
0x1b7: {  	v3 =	vcvt.f32.s32 v3;
	v2 =	vmul.f32 v4, v2;
	_ =	sdelay $0x1  }
0x1b8: {  	v3 =	vshll.u32 v3, $0x17;
	v2 =	vadd.f32 $1.000000000e+00, v2  }
0x1b9: {  	v3 =	vadd.s32 $0x3F800000, v3  }
0x1ba: {  	v2 =	vmul.f32 v3, v2;
	_ =	sdelay $0x1  }
0x1bb: {  	v2 =	vadd.f32 $1.000000000e+00, v2;
	_ =	sdelay $0x1  }
0x1bc: {  	(erf) = vrcp.f32 v2;
	_ =	sdelay $0x8  }
0x1bd: {  	v3 =	vpop (erf)  }
0x1be: {  	v2 =	vmul.f32 v3, v2  }
0x1bf: {  	v4 =	vld.idx.msk [tilespmem:v29+s26+$0x0], $0xffff  }
0x1c0: {  	v2 =	vsub.f32 $2.000000000e+00, v2;
	_ =	sdelay $0x1  }
0x1c1: {  	v2 =	vmul.f32 v2, v3;
	_ =	sdelay $0x1  }
0x1c2: {  	v2 =	vmul.f32 v2, v4;
	_ =	sdelay $0x1  }
0x1c3: {  	[tilespmem:v26+s28+$0x0] =	vst.idx.add.f32.msk $0xffff, v2  }
0x1c4: {  	v2 =	vld.idx.msk [tilespmem:v42+s5+$0x0], $0xffff  }
0x1c5: {  	v3 =	vld.idx.msk [tilespmem:v30+s6+$0x0], $0xffff;
	_ =	sdelay $0x4  }
0x1c6: {  	v2 =	vadd.f32 v3, v2;
	_ =	sdelay $0x1  }
0x1c7: {  	v2 =	vmax.f32 v2, $-3.000000000e+01  }
0x1c8: {  	v2 =	vmin.f32 v2, $3.000000000e+01  }
0x1c9: {  	v2 =	vsub.f32 $0.0e+00, v2;
	_ =	sdelay $0x1  }
0x1ca: {  	v3 =	vmul.f32 $1.442695020e+00, v2;
	_ =	sdelay $0x1  }
0x1cb: {  	v3 =	vadd.f32 $1.258291200e+07, v3;
	_ =	sdelay $0x1  }
0x1cc: {  	v3 =	vadd.f32 $-1.258291200e+07, v3;
	_ =	sdelay $0x1  }
0x1cd: {  	v4 =	vmul.f32 $6.933593750e-01, v3;
	_ =	sdelay $0x1  }
0x1ce: {  	v2 =	vsub.f32 v2, v4;
	v4 =	vmul.f32 $2.121944420e-04, v3;
	_ =	sdelay $0x1  }
0x1cf: {  	v2 =	vadd.f32 v4, v2;
	_ =	sdelay $0x1  }
0x1d0: {  	v4 =	vmul.f32 $1.388888920e-03, v2;
	_ =	sdelay $0x1  }
0x1d1: {  	v4 =	vadd.f32 $8.333333770e-03, v4;
	_ =	sdelay $0x1  }
0x1d2: {  	v4 =	vmul.f32 v4, v2;
	_ =	sdelay $0x1  }
0x1d3: {  	v4 =	vadd.f32 $4.166666790e-02, v4;
	_ =	sdelay $0x1  }
0x1d4: {  	v4 =	vmul.f32 v4, v2;
	_ =	sdelay $0x1  }
0x1d5: {  	v4 =	vadd.f32 $1.666666720e-01, v4;
	_ =	sdelay $0x1  }
0x1d6: {  	v4 =	vmul.f32 v4, v2;
	_ =	sdelay $0x1  }
0x1d7: {  	v4 =	vadd.f32 $5.000000000e-01, v4;
	_ =	sdelay $0x1  }
0x1d8: {  	v4 =	vmul.f32 v4, v2;
	_ =	sdelay $0x1  }
0x1d9: {  	v4 =	vadd.f32 $1.000000000e+00, v4  }
0x1da: {  	v3 =	vtrunc.f32 v3  }
0x1db: {  	v3 =	vcvt.f32.s32 v3;
	v2 =	vmul.f32 v4, v2;
	_ =	sdelay $0x1  }
0x1dc: {  	v3 =	vshll.u32 v3, $0x17;
	v2 =	vadd.f32 $1.000000000e+00, v2  }
0x1dd: {  	v3 =	vadd.s32 $0x3F800000, v3  }
0x1de: {  	v2 =	vmul.f32 v3, v2;
	_ =	sdelay $0x1  }
0x1df: {  	v2 =	vadd.f32 $1.000000000e+00, v2;
	_ =	sdelay $0x1  }
0x1e0: {  	(erf) = vrcp.f32 v2;
	_ =	sdelay $0x8  }
0x1e1: {  	v3 =	vpop (erf)  }
0x1e2: {  	v2 =	vmul.f32 v3, v2  }
0x1e3: {  	v4 =	vld.idx.msk [tilespmem:v30+s26+$0x0], $0xffff  }
0x1e4: {  	v2 =	vsub.f32 $2.000000000e+00, v2;
	_ =	sdelay $0x1  }
0x1e5: {  	v2 =	vmul.f32 v2, v3;
	_ =	sdelay $0x1  }
0x1e6: {  	v2 =	vmul.f32 v2, v4;
	_ =	sdelay $0x1  }
0x1e7: {  	[tilespmem:v42+s28+$0x0] =	vst.idx.add.f32.msk $0xffff, v2  }
0x1e8: {  	v2 =	vld.idx.msk [tilespmem:v28+s5+$0x0], $0xffff  }
0x1e9: {  	v3 =	vld.idx.msk [tilespmem:v31+s6+$0x0], $0xffff;
	_ =	sdelay $0x4  }
0x1ea: {  	v2 =	vadd.f32 v3, v2;
	_ =	sdelay $0x1  }
0x1eb: {  	v2 =	vmax.f32 v2, $-3.000000000e+01  }
0x1ec: {  	v2 =	vmin.f32 v2, $3.000000000e+01  }
0x1ed: {  	v2 =	vsub.f32 $0.0e+00, v2;
	_ =	sdelay $0x1  }
0x1ee: {  	v3 =	vmul.f32 $1.442695020e+00, v2;
	_ =	sdelay $0x1  }
0x1ef: {  	v3 =	vadd.f32 $1.258291200e+07, v3;
	_ =	sdelay $0x1  }
0x1f0: {  	v3 =	vadd.f32 $-1.258291200e+07, v3;
	_ =	sdelay $0x1  }
0x1f1: {  	v4 =	vmul.f32 $6.933593750e-01, v3;
	_ =	sdelay $0x1  }
0x1f2: {  	v2 =	vsub.f32 v2, v4;
	v4 =	vmul.f32 $2.121944420e-04, v3;
	_ =	sdelay $0x1  }
0x1f3: {  	v2 =	vadd.f32 v4, v2;
	_ =	sdelay $0x1  }
0x1f4: {  	v4 =	vmul.f32 $1.388888920e-03, v2;
	_ =	sdelay $0x1  }
0x1f5: {  	v4 =	vadd.f32 $8.333333770e-03, v4;
	_ =	sdelay $0x1  }
0x1f6: {  	v4 =	vmul.f32 v4, v2;
	_ =	sdelay $0x1  }
0x1f7: {  	v4 =	vadd.f32 $4.166666790e-02, v4;
	_ =	sdelay $0x1  }
0x1f8: {  	v4 =	vmul.f32 v4, v2;
	_ =	sdelay $0x1  }
0x1f9: {  	v4 =	vadd.f32 $1.666666720e-01, v4;
	_ =	sdelay $0x1  }
0x1fa: {  	v4 =	vmul.f32 v4, v2;
	_ =	sdelay $0x1  }
0x1fb: {  	v4 =	vadd.f32 $5.000000000e-01, v4;
	_ =	sdelay $0x1  }
0x1fc: {  	v4 =	vmul.f32 v4, v2;
	_ =	sdelay $0x1  }
0x1fd: {  	v4 =	vadd.f32 $1.000000000e+00, v4  }
0x1fe: {  	v3 =	vtrunc.f32 v3  }
0x1ff: {  	v3 =	vcvt.f32.s32 v3;
	v2 =	vmul.f32 v4, v2;
	_ =	sdelay $0x1  }
0x200: {  	v3 =	vshll.u32 v3, $0x17;
	v2 =	vadd.f32 $1.000000000e+00, v2  }
0x201: {  	v3 =	vadd.s32 $0x3F800000, v3  }
0x202: {  	v2 =	vmul.f32 v3, v2;
	_ =	sdelay $0x1  }
0x203: {  	v2 =	vadd.f32 $1.000000000e+00, v2;
	_ =	sdelay $0x1  }
0x204: {  	(erf) = vrcp.f32 v2;
	_ =	sdelay $0x8  }
0x205: {  	v3 =	vpop (erf)  }
0x206: {  	v2 =	vmul.f32 v3, v2  }
0x207: {  	v4 =	vld.idx.msk [tilespmem:v31+s26+$0x0], $0xffff  }
0x208: {  	v2 =	vsub.f32 $2.000000000e+00, v2;
	_ =	sdelay $0x1  }
0x209: {  	v2 =	vmul.f32 v2, v3;
	_ =	sdelay $0x1  }
0x20a: {  	v2 =	vmul.f32 v2, v4;
	_ =	sdelay $0x1  }
0x20b: {  	[tilespmem:v28+s28+$0x0] =	vst.idx.add.f32.msk $0xffff, v2  }
0x20c: {  	v2 =	vld.idx.msk [tilespmem:v32+s5+$0x0], $0xffff  }
0x20d: {  	v3 =	vld.idx.msk [tilespmem:v25+s6+$0x0], $0xffff;
	_ =	sdelay $0x4  }
0x20e: {  	v2 =	vadd.f32 v3, v2;
	_ =	sdelay $0x1  }
0x20f: {  	v2 =	vmax.f32 v2, $-3.000000000e+01  }
0x210: {  	v2 =	vmin.f32 v2, $3.000000000e+01  }
0x211: {  	v2 =	vsub.f32 $0.0e+00, v2;
	_ =	sdelay $0x1  }
0x212: {  	v3 =	vmul.f32 $1.442695020e+00, v2;
	_ =	sdelay $0x1  }
0x213: {  	v3 =	vadd.f32 $1.258291200e+07, v3;
	_ =	sdelay $0x1  }
0x214: {  	v3 =	vadd.f32 $-1.258291200e+07, v3;
	_ =	sdelay $0x1  }
0x215: {  	v4 =	vmul.f32 $6.933593750e-01, v3;
	_ =	sdelay $0x1  }
0x216: {  	v2 =	vsub.f32 v2, v4;
	v4 =	vmul.f32 $2.121944420e-04, v3;
	_ =	sdelay $0x1  }
0x217: {  	v2 =	vadd.f32 v4, v2;
	_ =	sdelay $0x1  }
0x218: {  	v4 =	vmul.f32 $1.388888920e-03, v2;
	_ =	sdelay $0x1  }
0x219: {  	v4 =	vadd.f32 $8.333333770e-03, v4;
	_ =	sdelay $0x1  }
0x21a: {  	v4 =	vmul.f32 v4, v2;
	_ =	sdelay $0x1  }
0x21b: {  	v4 =	vadd.f32 $4.166666790e-02, v4;
	_ =	sdelay $0x1  }
0x21c: {  	v4 =	vmul.f32 v4, v2;
	_ =	sdelay $0x1  }
0x21d: {  	v4 =	vadd.f32 $1.666666720e-01, v4;
	_ =	sdelay $0x1  }
0x21e: {  	v4 =	vmul.f32 v4, v2;
	_ =	sdelay $0x1  }
0x21f: {  	v4 =	vadd.f32 $5.000000000e-01, v4;
	_ =	sdelay $0x1  }
0x220: {  	v4 =	vmul.f32 v4, v2;
	_ =	sdelay $0x1  }
0x221: {  	v4 =	vadd.f32 $1.000000000e+00, v4  }
0x222: {  	v3 =	vtrunc.f32 v3  }
0x223: {  	v3 =	vcvt.f32.s32 v3;
	v2 =	vmul.f32 v4, v2;
	_ =	sdelay $0x1  }
0x224: {  	v3 =	vshll.u32 v3, $0x17;
	v2 =	vadd.f32 $1.000000000e+00, v2  }
0x225: {  	v3 =	vadd.s32 $0x3F800000, v3  }
0x226: {  	v2 =	vmul.f32 v3, v2;
	_ =	sdelay $0x1  }
0x227: {  	v2 =	vadd.f32 $1.000000000e+00, v2;
	_ =	sdelay $0x1  }
0x228: {  	(erf) = vrcp.f32 v2;
	_ =	sdelay $0x8  }
0x229: {  	v3 =	vpop (erf)  }
0x22a: {  	v2 =	vmul.f32 v3, v2  }
0x22b: {  	v4 =	vld.idx.msk [tilespmem:v25+s26+$0x0], $0xffff  }
0x22c: {  	v2 =	vsub.f32 $2.000000000e+00, v2;
	_ =	sdelay $0x1  }
0x22d: {  	v2 =	vmul.f32 v2, v3;
	v3 =	vimm.s32 $0xAD;
	_ =	sdelay $0x1  }
0x22e: {  	v2 =	vmul.f32 v2, v4;
	_ =	sdelay $0x1  }
0x22f: {  	[tilespmem:v32+s28+$0x0] =	vst.idx.add.f32.msk $0xffff, v2  }
0x230: {  	v8 =	vld.idx.msk [tilespmem:v3+s2+$0x0], $0xffff;
	v3 =	vimm.s32 $0xB2;
	_ =	sdelay $0x4  }
0x231: {  	v9 =	vimm.s32 $0xB7;
	v0 =	vld.idx.msk [tilespmem:v3+s2+$0x0], $0xffff;
	_ =	sdelay $0x4  }
0x232: {  	v10 =	vimm.s32 $0xBC;
	[tilespmem:$0x1FEC0] =	vst v0;
	v0 =	vld.idx.msk [tilespmem:v9+s2+$0x0], $0xffff;
	_ =	sdelay $0x3  }
0x233: {  	v2 =	vimm.s32 $0xB1  }
0x234: {  	v11 =	vimm.s32 $0xC1;
	[tilespmem:$0x1FED0] =	vst v0;
	v0 =	vld.idx.msk [tilespmem:v10+s2+$0x0], $0xffff;
	_ =	sdelay $0x3  }
0x235: {  	v39 =	vld.idx.msk [tilespmem:v2+s2+$0x0], $0xffff  }
0x236: {  	v2 =	vimm.s32 $0xC6;
	[tilespmem:$0x1FEE0] =	vst v0;
	v0 =	vld.idx.msk [tilespmem:v11+s2+$0x0], $0xffff;
	_ =	sdelay $0x4  }
0x237: {  	v3 =	vimm.s32 $0xB3;
	[tilespmem:$0x1FEF0] =	vst v0;
	v0 =	vld.idx.msk [tilespmem:v2+s2+$0x0], $0xffff;
	_ =	sdelay $0x4  }
0x238: {  	v10 =	vimm.s32 $0xBD;
	[tilespmem:$0x1FF10] =	vst v0;
	v0 =	vld.idx.msk [tilespmem:v3+s2+$0x0], $0xffff;
	_ =	sdelay $0x4  }
0x239: {  	v11 =	vimm.s32 $0xC2;
	[tilespmem:$0x1FF00] =	vst v0;
	v0 =	vld.idx.msk [tilespmem:v10+s2+$0x0], $0xffff;
	_ =	sdelay $0x3  }
0x23a: {  	v9 =	vimm.s32 $0xB8  }
0x23b: {  	v2 =	vimm.s32 $0xC7;
	[tilespmem:$0x1FF20] =	vst v0;
	v0 =	vld.idx.msk [tilespmem:v11+s2+$0x0], $0xffff;
	_ =	sdelay $0x3  }
0x23c: {  	v57 =	vld.idx.msk [tilespmem:v9+s2+$0x0], $0xffff  }
0x23d: {  	v9 =	vimm.s32 $0xB9;
	[tilespmem:$0x1FF30] =	vst v0;
	v0 =	vld.idx.msk [tilespmem:v2+s2+$0x0], $0xffff;
	_ =	sdelay $0x4  }
0x23e: {  	v10 =	vimm.s32 $0xBE;
	[tilespmem:$0x1FF60] =	vst v0;
	v0 =	vld.idx.msk [tilespmem:v9+s2+$0x0], $0xffff;
	_ =	sdelay $0x4  }
0x23f: {  	v11 =	vimm.s32 $0xC3;
	[tilespmem:$0x1FF40] =	vst v0;
	v0 =	vld.idx.msk [tilespmem:v10+s2+$0x0], $0xffff;
	_ =	sdelay $0x4  }
0x240: {  	v2 =	vimm.s32 $0xC8;
	[tilespmem:$0x1FF50] =	vst v0;
	v0 =	vld.idx.msk [tilespmem:v11+s2+$0x0], $0xffff;
	_ =	sdelay $0x3  }
0x241: {  	v3 =	vimm.s32 $0xB4  }
0x242: {  	v11 =	vimm.s32 $0xC4;
	[tilespmem:$0x1FF70] =	vst v0;
	v0 =	vld.idx.msk [tilespmem:v2+s2+$0x0], $0xffff;
	_ =	sdelay $0x3  }
0x243: {  	v56 =	vld.idx.msk [tilespmem:v3+s2+$0x0], $0xffff;
	v3 =	vimm.s32 $0xB5  }
0x244: {  	v2 =	vimm.s32 $0xC9;
	[tilespmem:$0x1FFB0] =	vst v0;
	v0 =	vld.idx.msk [tilespmem:v11+s2+$0x0], $0xffff;
	_ =	sdelay $0x3  }
0x245: {  	v59 =	vld.idx.msk [tilespmem:v3+s2+$0x0], $0xffff;
	v9 =	vimm.s32 $0xBA  }
0x246: {  	v3 =	vimm.s32 $0xB6;
	[tilespmem:$0x1FF80] =	vst v0;
	v0 =	vld.idx.msk [tilespmem:v2+s2+$0x0], $0xffff;
	_ =	sdelay $0x3  }
0x247: {  	v10 =	vimm.s32 $0xBF;
	v60 =	vld.idx.msk [tilespmem:v9+s2+$0x0], $0xffff  }
0x248: {  	v9 =	vimm.s32 $0xBB;
	[tilespmem:$0x1FFD0] =	vst v0;
	v0 =	vld.idx.msk [tilespmem:v3+s2+$0x0], $0xffff;
	_ =	sdelay $0x3  }
0x249: {  	v58 =	vld.idx.msk [tilespmem:v10+s2+$0x0], $0xffff  }
0x24a: {  	v10 =	vimm.s32 $0xC0;
	[tilespmem:$0x1FF90] =	vst v0;
	v0 =	vld.idx.msk [tilespmem:v9+s2+$0x0], $0xffff;
	_ =	sdelay $0x4  }
0x24b: {  	v11 =	vimm.s32 $0xC5;
	[tilespmem:$0x1FFA0] =	vst v0;
	v0 =	vld.idx.msk [tilespmem:v10+s2+$0x0], $0xffff;
	_ =	sdelay $0x4  }
0x24c: {  	v2 =	vimm.s32 $0xCA;
	[tilespmem:$0x1FFC0] =	vst v0;
	v0 =	vld.idx.msk [tilespmem:v11+s2+$0x0], $0xffff;
	_ =	sdelay $0x4  }
0x24d: {  	[tilespmem:$0x1FFE0] =	vst v0;
	v0 =	vld.idx.msk [tilespmem:v2+s2+$0x0], $0xffff;
	_ =	sdelay $0x4  }
0x24e: {  	[tilespmem:$0x1FFF0] =	vst v0;
	v0 =	vld [tilespmem:$0x1FD50];
	_ =	sdelay $0x4  }
0x24f: {  	v15 =	vmul.f32 v0, v61;
	v0 =	vld [tilespmem:$0x1FD60];
	_ =	sdelay $0x2  }
0x250: {  	v16 =	vmul.f32 v33, v63;
	_ =	sdelay $0x1  }
0x251: {  	v15 =	vadd.f32 v16, v15;
	v16 =	vmul.f32 v0, v62;
	v0 =	vld [tilespmem:$0x1FD70];
	_ =	sdelay $0x4  }
0x252: {  	v17 =	vmul.f32 v0, v61;
	v0 =	vld [tilespmem:$0x1FD80];
	_ =	sdelay $0x2  }
0x253: {  	v18 =	vmul.f32 v34, v63;
	_ =	sdelay $0x1  }
0x254: {  	v15 =	vadd.f32 v16, v15;
	v16 =	vadd.f32 v18, v17;
	v17 =	vmul.f32 v0, v61;
	v0 =	vld [tilespmem:$0x1FD90];
	_ =	sdelay $0x4  }
0x255: {  	v18 =	vmul.f32 v0, v63;
	v0 =	vld [tilespmem:$0x1FDA0];
	_ =	sdelay $0x3  }
0x256: {  	v9 =	vimm.s32 $0xD0  }
0x257: {  	v20 =	vmul.f32 v0, v23;
	v0 =	vld [tilespmem:$0x1FDB0];
	_ =	sdelay $0x3  }
0x258: {  	v14 =	vld.idx.msk [tilespmem:v9+s2+$0x0], $0xffff;
	v9 =	vimm.s32 $0xD1  }
0x259: {  	v21 =	vmul.f32 v0, v62;
	v0 =	vld [tilespmem:$0x1FDC0];
	_ =	sdelay $0x3  }
0x25a: {  	v49 =	vmov v29;
	v29 =	vld.idx.msk [tilespmem:v9+s2+$0x0], $0xffff;
	v9 =	vimm.s32 $0xD2  }
0x25b: {  	v17 =	vadd.f32 v18, v17;
	v18 =	vmul.f32 v0, v62;
	v0 =	vld [tilespmem:$0x1FDD0];
	_ =	sdelay $0x3  }
0x25c: {  	v15 =	vadd.f32 v20, v15;
	v20 =	vld.idx.msk [tilespmem:v9+s2+$0x0], $0xffff  }
0x25d: {  	v9 =	vadd.f32 v18, v17;
	v17 =	vmul.f32 v0, v1;
	v0 =	vld [tilespmem:$0x1FDE0];
	_ =	sdelay $0x4  }
0x25e: {  	v16 =	vadd.f32 v21, v16;
	v21 =	vmul.f32 v0, v23;
	v0 =	vld [tilespmem:$0x1FDF0];
	_ =	sdelay $0x2  }
0x25f: {  	v12 =	vimm.s32 $0xDF;
	_ =	sdelay $0x1  }
0x260: {  	v52 =	vmov v28;
	v28 =	vmul.f32 v0, v23;
	v0 =	vld [tilespmem:$0x1FE00]  }
0x261: {  	v3 =	vimm.s32 $0xCB;
	_ =	sdelay $0x1  }
0x262: {  	v37 =	vld.idx.msk [tilespmem:v12+s2+$0x0], $0xffff;
	v12 =	vimm.s32 $0xE0;
	_ =	sdelay $0x1  }
0x263: {  	v15 =	vadd.f32 v17, v15;
	v17 =	vmul.f32 v0, v61;
	v0 =	vld [tilespmem:$0x1FE10]  }
0x264: {  	v13 =	vld.idx.msk [tilespmem:v3+s2+$0x0], $0xffff;
	v3 =	vimm.s32 $0xCC;
	_ =	sdelay $0x1  }
0x265: {  	v41 =	vld.idx.msk [tilespmem:v12+s2+$0x0], $0xffff;
	v12 =	vimm.s32 $0xE1  }
0x266: {  	v53 =	vmov v22;
	v22 =	vimm.s32 $0xCE  }
0x267: {  	v54 =	vmov v25;
	v25 =	vmul.f32 v0, v63;
	v0 =	vld [tilespmem:$0x1FE20]  }
0x268: {  	v34 =	vld.idx.msk [tilespmem:v3+s2+$0x0], $0xffff  }
0x269: {  	v3 =	vld [tilespmem:$0x1FE50]  }
0x26a: {  	v40 =	vld.idx.msk [tilespmem:v12+s2+$0x0], $0xffff  }
0x26b: {  	v10 =	vimm.s32 $0xD5;
	v12 =	vadd.f32 v21, v16;
	v21 =	vld.idx.msk [tilespmem:v22+s2+$0x0], $0xffff  }
0x26c: {  	v22 =	vmul.f32 v0, v1;
	v0 =	vld [tilespmem:$0x1FE30]  }
0x26d: {  	v5 =	vimm.s32 $0xAE  }
0x26e: {  	v12 =	vadd.f32 v22, v12;
	v22 =	vmul.f32 v3, v61;
	v3 =	vld [tilespmem:$0x1FE60]  }
0x26f: {  	v6 =	vimm.s32 $0xAF  }
0x270: {  	v47 =	vmov v27;
	v11 =	vimm.s32 $0xDA;
	v27 =	vld.idx.msk [tilespmem:v10+s2+$0x0], $0xffff  }
0x271: {  	v48 =	vmov v42;
	v10 =	vimm.s32 $0xD6;
	v42 =	vmul.f32 v0, v1;
	v0 =	vld [tilespmem:$0x1FE40]  }
0x272: {  	v7 =	vimm.s32 $0xB0;
	v5 =	vld.idx.msk [tilespmem:v5+s2+$0x0], $0xffff  }
0x273: {  	v43 =	vmul.f32 v3, v63;
	v3 =	vld [tilespmem:$0x1FE70]  }
0x274: {  	v46 =	vmov v26;
	v26 =	vld.idx.msk [tilespmem:v6+s2+$0x0], $0xffff  }
0x275: {  	v33 =	vld.idx.msk [tilespmem:v11+s2+$0x0], $0xffff;
	v11 =	vimm.s32 $0xDB  }
0x276: {  	v51 =	vmovc v31;
	v31 =	vld.idx.msk [tilespmem:v10+s2+$0x0], $0xffff;
	v10 =	vimm.s32 $0xD7;
	v17 =	vadd.f32 v25, v17;
	v0 =	vmul.f32 v0, v62  }
0x277: {  	v35 =	vld.idx.msk [tilespmem:v7+s2+$0x0], $0xffff;
	v2 =	vimm.s32 $0xCF  }
0x278: {  	v0 =	vadd.f32 v0, v17;
	v17 =	vmul.f32 v3, v23;
	v3 =	vld [tilespmem:$0x1FE80]  }
0x279: {  	v44 =	vld [tilespmem:$0x2C90]  }
0x27a: {  	v38 =	vld.idx.msk [tilespmem:v11+s2+$0x0], $0xffff  }
0x27b: {  	v24 =	vld.idx.msk [tilespmem:v10+s2+$0x0], $0xffff;
	v9 =	vadd.f32 v28, v9;
	v28 =	vimm.s32 $0xE2  }
0x27c: {  	v10 =	vld.idx.msk [tilespmem:v2+s2+$0x0], $0xffff;
	v16 =	vimm.s32 $0xDD  }
0x27d: {  	v45 =	vmul.f32 v3, v62;
	v3 =	vld [tilespmem:$0x1FE90]  }
0x27e: {  	v11 =	vimm.s32 $0xDC;
	v25 =	vld [tilespmem:$0x2C80]  }
0x27f: {  	v19 =	vimm.s32 $0xCD;
	v2 =	vld [tilespmem:$0x1FEB0]  }
0x280: {  	v36 =	vimm.s32 $0xE4;
	v55 =	vmov v32;
	v4 =	vimm.s32 $0xF4;
	v32 =	vld.idx.msk [tilespmem:v28+s2+$0x0], $0xffff  }
0x281: {  	v6 =	vimm.s32 $0xEB;
	v28 =	vimm.s32 $0xE3;
	v12 =	vadd.f32 v44, v12;
	v62 =	vld.idx.msk [tilespmem:v16+s2+$0x0], $0xffff  }
0x282: {  	v0 =	vadd.f32 v17, v0;
	v16 =	vimm.s32 $0xD4;
	v17 =	vmul.f32 v3, v1;
	v3 =	vld [tilespmem:$0x1FEA0]  }
0x283: {  	v50 =	vmovc v30;
	v7 =	vimm.s32 $0xF0;
	v30 =	vld.idx.msk [tilespmem:v11+s2+$0x0], $0xffff;
	v11 =	vimm.s32 $0xD8;
	v15 =	vadd.f32 v25, v15  }
0x284: {  	v19 =	vld.idx.msk [tilespmem:v19+s2+$0x0], $0xffff;
	v25 =	vimm.s32 $0xD9;
	v5 =	vadd.f32 v5, v12;
	v22 =	vadd.f32 v43, v22  }
0x285: {  	v18 =	vimm.s32 $0xD3;
	v17 =	vadd.f32 v17, v0;
	v0 =	vadd.f32 v8, v15;
	v8 =	vld [tilespmem:$0x2CA0]  }
0x286: {  	v9 =	vadd.f32 v42, v9;
	v22 =	vadd.f32 v45, v22;
	v45 =	vld.idx.msk [tilespmem:v28+s2+$0x0], $0xffff;
	v28 =	vimm.s32 $0xF8  }
0x287: {  	v61 =	vld.idx.msk [tilespmem:v16+s2+$0x0], $0xffff;
	v15 =	vimm.s32 $0xDE;
	v16 =	vmul.f32 $9.999999770e-03, v0;
	v23 =	vmul.f32 v3, v23  }
0x288: {  	v12 =	vld [tilespmem:$0x2CC0];
	v1 =	vmul.f32 v2, v1;
	vm0 =	vgt.f32 v0, $0.0e+00;
	v3 =	vimm.s32 $0xE9  }
0x289: {  	v2 =	vsel vm0, v0, v16;
	v16 =	vld.idx.msk [tilespmem:v25+s2+$0x0], $0xffff;
	v25 =	vimm.s32 $0xEE;
	v22 =	vadd.f32 v23, v22  }
0x28a: {  	vm0 =	vgt.f32 v5, $0.0e+00;
	v23 =	vld [tilespmem:$0x2CB0];
	v8 =	vadd.f32 v8, v9;
	v0 =	vmul.f32 v13, v2  }
0x28b: {  	v11 =	vld.idx.msk [tilespmem:v11+s2+$0x0], $0xffff;
	v19 =	vmul.f32 v19, v2;
	v22 =	vadd.f32 v1, v22;
	v1 =	vmul.f32 $9.999999770e-03, v5  }
0x28c: {  	v44 =	vld.idx.msk [tilespmem:v15+s2+$0x0], $0xffff;
	v15 =	vimm.s32 $0xF3;
	v21 =	vmul.f32 v21, v2;
	v10 =	vmul.f32 v10, v2  }
0x28d: {  	v18 =	vld.idx.msk [tilespmem:v18+s2+$0x0], $0xffff;
	v1 =	vsel vm0, v5, v1;
	v5 =	vadd.f32 v26, v8;
	v26 =	vimm.s32 $0xE5  }
0x28e: {  	v12 =	vadd.f32 v12, v22;
	v63 =	vld.idx.msk [tilespmem:v25+s2+$0x0], $0xffff;
	v25 =	vimm.s32 $0xEF;
	v14 =	vmul.f32 v14, v1  }
0x28f: {  	v28 =	vld.idx.msk [tilespmem:v28+s2+$0x0], $0xffff;
	v23 =	vadd.f32 v23, v17;
	v29 =	vmul.f32 v29, v1;
	v20 =	vmul.f32 v20, v1  }
0x290: {  	v8 =	vld.idx.msk [tilespmem:v36+s2+$0x0], $0xffff;
	v61 =	vmul.f32 v61, v1;
	vm0 =	vgt.f32 v5, $0.0e+00;
	v22 =	vmul.f32 $9.999999770e-03, v5  }
0x291: {  	v23 =	vadd.f32 v35, v23;
	v35 =	vld.idx.msk [tilespmem:v3+s2+$0x0], $0xffff;
	v3 =	vimm.s32 $0xEA;
	v0 =	vadd.f32 v14, v0  }
0x292: {  	v17 =	vld.idx.msk [tilespmem:v15+s2+$0x0], $0xffff;
	v10 =	vadd.f32 v61, v10;
	v61 =	vimm.s32 $0x108;
	v13 =	vsel vm0, v5, v22  }
0x293: {  	v5 =	vadd.f32 v39, v12;
	v12 =	vimm.s32 $0xF9;
	v26 =	vld.idx.msk [tilespmem:v26+s2+$0x0], $0xffff;
	v27 =	vmul.f32 v27, v13  }
0x294: {  	v20 =	vadd.f32 v20, v19;
	v22 =	vimm.s32 $0xE6;
	vm0 =	vgt.f32 v23, $0.0e+00;
	v25 =	vld.idx.msk [tilespmem:v25+s2+$0x0], $0xffff  }
0x295: {  	v16 =	vmul.f32 v16, v13;
	v0 =	vadd.f32 v27, v0;
	v27 =	vmul.f32 v34, v2;
	v34 =	vld.idx.msk [tilespmem:v6+s2+$0x0], $0xffff  }
0x296: {  	v14 =	vmul.f32 $9.999999770e-03, v5;
	vm1 =	vgt.f32 v5, $0.0e+00;
	v6 =	vimm.s32 $0xEC;
	v39 =	vld.idx.msk [tilespmem:v3+s2+$0x0], $0xffff  }
0x297: {  	v10 =	vadd.f32 v16, v10;
	v16 =	vimm.s32 $0x112;
	v3 =	vmul.f32 $9.999999770e-03, v23;
	v61 =	vld.idx.msk [tilespmem:v61+s2+$0x0], $0xffff  }
0x298: {  	v24 =	vmul.f32 v24, v13;
	v8 =	vmul.f32 v8, v2;
	v14 =	vsel vm1, v5, v14;
	v12 =	vld.idx.msk [tilespmem:v12+s2+$0x0], $0xffff  }
0x299: {  	v5 =	vimm.s32 $0xFA;
	v35 =	vmul.f32 v35, v1;
	v15 =	vsel vm0, v23, v3;
	v23 =	vld.idx.msk [tilespmem:v4+s2+$0x0], $0xffff  }
0x29a: {  	v18 =	vmul.f32 v18, v1;
	v3 =	vimm.s32 $0xF5;
	v4 =	vmul.f32 v33, v15;
	v33 =	vld.idx.msk [tilespmem:v22+s2+$0x0], $0xffff  }
0x29b: {  	v20 =	vadd.f32 v24, v20;
	v8 =	vadd.f32 v35, v8;
	v35 =	vimm.s32 $0xFF;
	v24 =	vld.idx.msk [tilespmem:v6+s2+$0x0], $0xffff  }
0x29c: {  	v18 =	vadd.f32 v18, v21;
	v22 =	vimm.s32 $0xE7;
	v16 =	vld.idx.msk [tilespmem:v16+s2+$0x0], $0xffff  }
0x29d: {  	v0 =	vadd.f32 v4, v0;
	v4 =	vadd.f32 v29, v27;
	v29 =	vld.idx.msk [tilespmem:v7+s2+$0x0], $0xffff;
	v7 =	vimm.s32 $0xF1  }
0x29e: {  	v21 =	vmul.f32 v11, v13;
	v27 =	vmul.f32 v31, v13;
	v31 =	vld.idx.msk [tilespmem:v5+s2+$0x0], $0xffff;
	v5 =	vimm.s32 $0xFB  }
0x29f: {  	v19 =	vmul.f32 v37, v14;
	v26 =	vmul.f32 v26, v2;
	v37 =	vld.idx.msk [tilespmem:v3+s2+$0x0], $0xffff;
	v3 =	vimm.s32 $0xF6  }
0x2a0: {  	v39 =	vmul.f32 v39, v1;
	v4 =	vadd.f32 v27, v4;
	v27 =	vimm.s32 $0xF2;
	v35 =	vld.idx.msk [tilespmem:v35+s2+$0x0], $0xffff  }
0x2a1: {  	v19 =	vadd.f32 v19, v0;
	v0 =	vmul.f32 v30, v15;
	v9 =	vld.idx.msk [tilespmem:v22+s2+$0x0], $0xffff;
	v22 =	vimm.s32 $0xE8  }
0x2a2: {  	v25 =	vmul.f32 v25, v13;
	v6 =	vimm.s32 $0xED;
	v26 =	vadd.f32 v39, v26;
	v7 =	vld.idx.msk [tilespmem:v7+s2+$0x0], $0xffff  }
0x2a3: {  	v0 =	vadd.f32 v0, v20;
	v20 =	vimm.s32 $0xFD;
	v36 =	vld.idx.msk [tilespmem:v5+s2+$0x0], $0xffff  }
0x2a4: {  	v18 =	vadd.f32 v21, v18;
	v25 =	vadd.f32 v25, v26;
	v26 =	vimm.s32 $0x10E;
	v30 =	vld.idx.msk [tilespmem:v3+s2+$0x0], $0xffff  }
0x2a5: {  	v34 =	vmul.f32 v34, v1;
	v33 =	vmul.f32 v33, v2;
	v5 =	vimm.s32 $0xFC;
	v42 =	vld.idx.msk [tilespmem:v27+s2+$0x0], $0xffff  }
0x2a6: {  	v21 =	vmul.f32 v41, v14;
	v41 =	vimm.s32 $0x102;
	v38 =	vmul.f32 v38, v15;
	v11 =	vld.idx.msk [tilespmem:v22+s2+$0x0], $0xffff  }
0x2a7: {  	v33 =	vadd.f32 v34, v33;
	v34 =	vimm.s32 $0x113;
	v22 =	vld.idx.msk [tilespmem:v6+s2+$0x0], $0xffff  }
0x2a8: {  	v38 =	vadd.f32 v38, v4;
	v3 =	vimm.s32 $0xF7;
	v6 =	vmul.f32 v40, v14;
	v20 =	vld.idx.msk [tilespmem:v20+s2+$0x0], $0xffff  }
0x2a9: {  	v27 =	vimm.s32 $0x107;
	v40 =	vmul.f32 v62, v15;
	v26 =	vld.idx.msk [tilespmem:v26+s2+$0x0], $0xffff  }
0x2aa: {  	v21 =	vadd.f32 v21, v38;
	v38 =	vimm.s32 $0xFE;
	v4 =	vadd.f32 v6, v0;
	v6 =	vld.idx.msk [tilespmem:v5+s2+$0x0], $0xffff  }
0x2ab: {  	v62 =	vimm.s32 $0x10C;
	v18 =	vadd.f32 v40, v18;
	v40 =	vld.idx.msk [tilespmem:v41+s2+$0x0], $0xffff  }
0x2ac: {  	v32 =	vmul.f32 v32, v14;
	v5 =	vimm.s32 $0x111;
	v34 =	vld.idx.msk [tilespmem:v34+s2+$0x0], $0xffff  }
0x2ad: {  	v28 =	vmul.f32 v28, v14;
	v17 =	vmul.f32 v17, v15;
	v41 =	vimm.s32 $0x103;
	v43 =	vld.idx.msk [tilespmem:v3+s2+$0x0], $0xffff  }
0x2ae: {  	v12 =	vmul.f32 v12, v14;
	v29 =	vmul.f32 v29, v13;
	v0 =	vimm.s32 $0x10D;
	v27 =	vld.idx.msk [tilespmem:v27+s2+$0x0], $0xffff  }
0x2af: {  	v18 =	vadd.f32 v32, v18;
	v32 =	vld.idx.msk [tilespmem:v38+s2+$0x0], $0xffff;
	v38 =	vmul.f32 v63, v13;
	v63 =	vimm.s32 $0x109  }
0x2b0: {  	v23 =	vmul.f32 v23, v15;
	v29 =	vadd.f32 v29, v33;
	v33 =	vimm.s32 $0x10F;
	v62 =	vld.idx.msk [tilespmem:v62+s2+$0x0], $0xffff  }
0x2b1: {  	v37 =	vmul.f32 v37, v15;
	v8 =	vadd.f32 v38, v8;
	v38 =	vimm.s32 $0x100;
	v5 =	vld.idx.msk [tilespmem:v5+s2+$0x0], $0xffff  }
0x2b2: {  	v20 =	vmul.f32 v20, v2;
	v39 =	vld.idx.msk [tilespmem:v41+s2+$0x0], $0xffff;
	v41 =	vimm.s32 $0x104;
	v40 =	vmul.f32 v40, v1  }
0x2b3: {  	v3 =	vld.idx.msk [tilespmem:v0+s2+$0x0], $0xffff;
	v0 =	vimm.s32 $0x105;
	v8 =	vadd.f32 v17, v8;
	v17 =	vadd.f32 v23, v25  }
0x2b4: {  	v25 =	vimm.s32 $0x10A;
	v23 =	vld.idx.msk [tilespmem:v63+s2+$0x0], $0xffff;
	v20 =	vadd.f32 v40, v20;
	v40 =	vimm.s32 $0x114  }
0x2b5: {  	v8 =	vadd.f32 v28, v8;
	v28 =	vadd.f32 v37, v29;
	v29 =	vmul.f32 v31, v14;
	v31 =	vld.idx.msk [tilespmem:v33+s2+$0x0], $0xffff  }
0x2b6: {  	v24 =	vmul.f32 v24, v1;
	v9 =	vmul.f32 v9, v2;
	v63 =	vimm.s32 $0x101;
	v38 =	vld.idx.msk [tilespmem:v38+s2+$0x0], $0xffff  }
0x2b7: {  	v27 =	vmul.f32 v27, v13;
	v12 =	vadd.f32 v12, v17;
	v17 =	vimm.s32 $0x106;
	v41 =	vld.idx.msk [tilespmem:v41+s2+$0x0], $0xffff  }
0x2b8: {  	v33 =	vimm.s32 $0x110;
	v0 =	vld.idx.msk [tilespmem:v0+s2+$0x0], $0xffff  }
0x2b9: {  	v9 =	vadd.f32 v24, v9;
	v20 =	vadd.f32 v27, v20;
	v27 =	vimm.s32 $0x10B;
	v25 =	vld.idx.msk [tilespmem:v25+s2+$0x0], $0xffff  }
0x2ba: {  	v7 =	vmul.f32 v7, v13;
	v37 =	vmul.f32 v62, v15;
	v62 =	vimm.s32 $0x115;
	v40 =	vld.idx.msk [tilespmem:v40+s2+$0x0], $0xffff  }
0x2bb: {  	v28 =	vadd.f32 v29, v28;
	v29 =	vmul.f32 v32, v2;
	v32 =	vmul.f32 v39, v1;
	v63 =	vld.idx.msk [tilespmem:v63+s2+$0x0], $0xffff  }
0x2bc: {  	v16 =	vmul.f32 v16, v14;
	v5 =	vmul.f32 v5, v14;
	v20 =	vadd.f32 v37, v20;
	v17 =	vld.idx.msk [tilespmem:v17+s2+$0x0], $0xffff  }
0x2bd: {  	v7 =	vadd.f32 v7, v9;
	v24 =	vadd.f32 v32, v29;
	v29 =	vmul.f32 v61, v13;
	v33 =	vld.idx.msk [tilespmem:v33+s2+$0x0], $0xffff  }
0x2be: {  	v9 =	vmul.f32 v35, v2;
	v3 =	vmul.f32 v3, v15;
	v5 =	vadd.f32 v5, v20;
	v27 =	vld.idx.msk [tilespmem:v27+s2+$0x0], $0xffff  }
0x2bf: {  	v20 =	vadd.f32 v29, v24;
	v24 =	vld.idx.msk [tilespmem:v62+s2+$0x0], $0xffff;
	[tilespmem:$0x2B00] =	vst v19;
	v41 =	vmul.f32 v41, v1  }
0x2c0: {  	[tilespmem:$0x2B80] =	vst v8;
	v8 =	vmul.f32 v38, v2;
	v0 =	vmul.f32 v0, v1  }
0x2c1: {  	v19 =	vmul.f32 v23, v13;
	[tilespmem:$0x2C00] =	vst v5;
	v5 =	vmul.f32 v30, v15;
	v9 =	vadd.f32 v41, v9  }
0x2c2: {  	v3 =	vadd.f32 v3, v20;
	v0 =	vadd.f32 v0, v8;
	v8 =	vmul.f32 v25, v13  }
0x2c3: {  	v5 =	vadd.f32 v5, v7;
	v9 =	vadd.f32 v19, v9;
	v19 =	vmul.f32 v26, v15  }
0x2c4: {  	[tilespmem:$0x2B10] =	vst v21;
	v3 =	vadd.f32 v16, v3;
	v0 =	vadd.f32 v8, v0  }
0x2c5: {  	[tilespmem:$0x2B90] =	vst v12;
	v8 =	vmul.f32 v31, v15;
	v7 =	vadd.f32 v19, v9;
	v9 =	vmul.f32 v34, v14  }
0x2c6: {  	[tilespmem:$0x2C10] =	vst v3;
	v3 =	vmul.f32 v36, v14  }
0x2c7: {  	[tilespmem:$0x2B20] =	vst v4;
	v4 =	vmul.f32 v11, v2;
	v0 =	vadd.f32 v8, v0;
	v7 =	vadd.f32 v9, v7  }
0x2c8: {  	[tilespmem:$0x2BA0] =	vst v28;
	v3 =	vadd.f32 v3, v5;
	v5 =	vmul.f32 v40, v14;
	v9 =	vmul.f32 v22, v1  }
0x2c9: {  	v8 =	vmul.f32 v17, v1;
	[tilespmem:$0x2C20] =	vst v7;
	v7 =	vmul.f32 v63, v2  }
0x2ca: {  	[tilespmem:$0x2B30] =	vst v18;
	v0 =	vadd.f32 v5, v0;
	v4 =	vadd.f32 v9, v4;
	v9 =	vmul.f32 v42, v13  }
0x2cb: {  	v5 =	vmul.f32 v44, v15;
	[tilespmem:$0x2BB0] =	vst v3;
	v3 =	vmul.f32 v27, v13;
	v7 =	vadd.f32 v8, v7  }
0x2cc: {  	[tilespmem:$0x2C30] =	vst v0;
	v0 =	vmul.f32 v43, v15;
	v4 =	vadd.f32 v9, v4;
	v9 =	vimm.f32 $0.0e+00  }
0x2cd: {  	v5 =	vadd.f32 v5, v10;
	[tilespmem:$0x2C80] =	vst v9;
	v3 =	vadd.f32 v3, v7;
	v7 =	vmul.f32 v45, v14  }
0x2ce: {  	v8 =	vmul.f32 v33, v15;
	[tilespmem:$0x2C90] =	vst v9;
	v0 =	vadd.f32 v0, v4;
	v4 =	vmul.f32 v6, v14  }
0x2cf: {  	[tilespmem:$0x2CA0] =	vst v9;
	v6 =	vmul.f32 v24, v14;
	v5 =	vadd.f32 v7, v5  }
0x2d0: {  	[tilespmem:$0x2CB0] =	vst v9;
	v3 =	vadd.f32 v8, v3;
	v0 =	vadd.f32 v4, v0;
	v4 =	vimm.f32 $0.0e+00  }
0x2d1: {  	[tilespmem:$0x2CC0] =	vst v4  }
0x2d2: {  	v3 =	vadd.f32 v6, v3;
	[tilespmem:$0x2B40] =	vst v5  }
0x2d3: {  	[tilespmem:$0x2BC0] =	vst v0  }
0x2d4: {  	[tilespmem:$0x2C40] =	vst v3  }
0x2d5: {  	v0 =	vld.idx.msk [tilespmem:v53+s5+$0x0], $0xffff  }
0x2d6: {  	v3 =	vld.idx.msk [tilespmem:v47+s6+$0x0], $0xffff;
	_ =	sdelay $0x4  }
0x2d7: {  	v0 =	vadd.f32 v3, v0;
	_ =	sdelay $0x1  }
0x2d8: {  	v0 =	vmax.f32 v0, $-3.000000000e+01  }
0x2d9: {  	v0 =	vmin.f32 v0, $3.000000000e+01  }
0x2da: {  	v0 =	vsub.f32 $0.0e+00, v0;
	_ =	sdelay $0x1  }
0x2db: {  	v3 =	vmul.f32 $1.442695020e+00, v0;
	_ =	sdelay $0x1  }
0x2dc: {  	v3 =	vadd.f32 $1.258291200e+07, v3;
	_ =	sdelay $0x1  }
0x2dd: {  	v3 =	vadd.f32 $-1.258291200e+07, v3;
	_ =	sdelay $0x1  }
0x2de: {  	v4 =	vmul.f32 $6.933593750e-01, v3;
	_ =	sdelay $0x1  }
0x2df: {  	v0 =	vsub.f32 v0, v4;
	v4 =	vmul.f32 $2.121944420e-04, v3;
	_ =	sdelay $0x1  }
0x2e0: {  	v0 =	vadd.f32 v4, v0;
	_ =	sdelay $0x1  }
0x2e1: {  	v4 =	vmul.f32 $1.388888920e-03, v0;
	_ =	sdelay $0x1  }
0x2e2: {  	v4 =	vadd.f32 $8.333333770e-03, v4;
	_ =	sdelay $0x1  }
0x2e3: {  	v4 =	vmul.f32 v4, v0;
	_ =	sdelay $0x1  }
0x2e4: {  	v4 =	vadd.f32 $4.166666790e-02, v4;
	_ =	sdelay $0x1  }
0x2e5: {  	v4 =	vmul.f32 v4, v0;
	_ =	sdelay $0x1  }
0x2e6: {  	v4 =	vadd.f32 $1.666666720e-01, v4;
	_ =	sdelay $0x1  }
0x2e7: {  	v4 =	vmul.f32 v4, v0;
	_ =	sdelay $0x1  }
0x2e8: {  	v4 =	vadd.f32 $5.000000000e-01, v4;
	_ =	sdelay $0x1  }
0x2e9: {  	v4 =	vmul.f32 v4, v0;
	_ =	sdelay $0x1  }
0x2ea: {  	v4 =	vadd.f32 $1.000000000e+00, v4  }
0x2eb: {  	v3 =	vtrunc.f32 v3  }
0x2ec: {  	v3 =	vcvt.f32.s32 v3;
	v0 =	vmul.f32 v4, v0;
	_ =	sdelay $0x1  }
0x2ed: {  	v3 =	vshll.u32 v3, $0x17;
	v0 =	vadd.f32 $1.000000000e+00, v0  }
0x2ee: {  	v3 =	vadd.s32 $0x3F800000, v3  }
0x2ef: {  	v0 =	vmul.f32 v3, v0;
	_ =	sdelay $0x1  }
0x2f0: {  	v0 =	vadd.f32 $1.000000000e+00, v0;
	_ =	sdelay $0x1  }
0x2f1: {  	(erf) = vrcp.f32 v0;
	_ =	sdelay $0x8  }
0x2f2: {  	v3 =	vpop (erf)  }
0x2f3: {  	v0 =	vmul.f32 v3, v0  }
0x2f4: {  	v4 =	vld.idx.msk [tilespmem:v47+s26+$0x0], $0xffff  }
0x2f5: {  	v0 =	vsub.f32 $2.000000000e+00, v0;
	_ =	sdelay $0x1  }
0x2f6: {  	v0 =	vmul.f32 v0, v3;
	_ =	sdelay $0x1  }
0x2f7: {  	v0 =	vmul.f32 v0, v4;
	_ =	sdelay $0x1  }
0x2f8: {  	[tilespmem:v53+s28+$0x0] =	vst.idx.add.f32.msk $0xffff, v0  }
0x2f9: {  	v0 =	vld.idx.msk [tilespmem:v46+s5+$0x0], $0xffff  }
0x2fa: {  	v3 =	vld.idx.msk [tilespmem:v49+s6+$0x0], $0xffff;
	_ =	sdelay $0x4  }
0x2fb: {  	v0 =	vadd.f32 v3, v0;
	_ =	sdelay $0x1  }
0x2fc: {  	v0 =	vmax.f32 v0, $-3.000000000e+01  }
0x2fd: {  	v0 =	vmin.f32 v0, $3.000000000e+01  }
0x2fe: {  	v0 =	vsub.f32 $0.0e+00, v0;
	_ =	sdelay $0x1  }
0x2ff: {  	v3 =	vmul.f32 $1.442695020e+00, v0;
	_ =	sdelay $0x1  }
0x300: {  	v3 =	vadd.f32 $1.258291200e+07, v3;
	_ =	sdelay $0x1  }
0x301: {  	v3 =	vadd.f32 $-1.258291200e+07, v3;
	_ =	sdelay $0x1  }
0x302: {  	v4 =	vmul.f32 $6.933593750e-01, v3;
	_ =	sdelay $0x1  }
0x303: {  	v0 =	vsub.f32 v0, v4;
	v4 =	vmul.f32 $2.121944420e-04, v3;
	_ =	sdelay $0x1  }
0x304: {  	v0 =	vadd.f32 v4, v0;
	_ =	sdelay $0x1  }
0x305: {  	v4 =	vmul.f32 $1.388888920e-03, v0;
	_ =	sdelay $0x1  }
0x306: {  	v4 =	vadd.f32 $8.333333770e-03, v4;
	_ =	sdelay $0x1  }
0x307: {  	v4 =	vmul.f32 v4, v0;
	_ =	sdelay $0x1  }
0x308: {  	v4 =	vadd.f32 $4.166666790e-02, v4;
	_ =	sdelay $0x1  }
0x309: {  	v4 =	vmul.f32 v4, v0;
	_ =	sdelay $0x1  }
0x30a: {  	v4 =	vadd.f32 $1.666666720e-01, v4;
	_ =	sdelay $0x1  }
0x30b: {  	v4 =	vmul.f32 v4, v0;
	_ =	sdelay $0x1  }
0x30c: {  	v4 =	vadd.f32 $5.000000000e-01, v4;
	_ =	sdelay $0x1  }
0x30d: {  	v4 =	vmul.f32 v4, v0;
	_ =	sdelay $0x1  }
0x30e: {  	v4 =	vadd.f32 $1.000000000e+00, v4  }
0x30f: {  	v3 =	vtrunc.f32 v3  }
0x310: {  	v3 =	vcvt.f32.s32 v3;
	v0 =	vmul.f32 v4, v0;
	_ =	sdelay $0x1  }
0x311: {  	v3 =	vshll.u32 v3, $0x17;
	v0 =	vadd.f32 $1.000000000e+00, v0  }
0x312: {  	v3 =	vadd.s32 $0x3F800000, v3  }
0x313: {  	v0 =	vmul.f32 v3, v0;
	_ =	sdelay $0x1  }
0x314: {  	v0 =	vadd.f32 $1.000000000e+00, v0;
	_ =	sdelay $0x1  }
0x315: {  	(erf) = vrcp.f32 v0;
	_ =	sdelay $0x8  }
0x316: {  	v3 =	vpop (erf)  }
0x317: {  	v0 =	vmul.f32 v3, v0  }
0x318: {  	v4 =	vld.idx.msk [tilespmem:v49+s26+$0x0], $0xffff  }
0x319: {  	v0 =	vsub.f32 $2.000000000e+00, v0;
	_ =	sdelay $0x1  }
0x31a: {  	v0 =	vmul.f32 v0, v3;
	_ =	sdelay $0x1  }
0x31b: {  	v0 =	vmul.f32 v0, v4;
	_ =	sdelay $0x1  }
0x31c: {  	[tilespmem:v46+s28+$0x0] =	vst.idx.add.f32.msk $0xffff, v0  }
0x31d: {  	v0 =	vld.idx.msk [tilespmem:v48+s5+$0x0], $0xffff  }
0x31e: {  	v3 =	vld.idx.msk [tilespmem:v50+s6+$0x0], $0xffff;
	_ =	sdelay $0x4  }
0x31f: {  	v0 =	vadd.f32 v3, v0;
	_ =	sdelay $0x1  }
0x320: {  	v0 =	vmax.f32 v0, $-3.000000000e+01  }
0x321: {  	v0 =	vmin.f32 v0, $3.000000000e+01  }
0x322: {  	v0 =	vsub.f32 $0.0e+00, v0;
	_ =	sdelay $0x1  }
0x323: {  	v3 =	vmul.f32 $1.442695020e+00, v0;
	_ =	sdelay $0x1  }
0x324: {  	v3 =	vadd.f32 $1.258291200e+07, v3;
	_ =	sdelay $0x1  }
0x325: {  	v3 =	vadd.f32 $-1.258291200e+07, v3;
	_ =	sdelay $0x1  }
0x326: {  	v4 =	vmul.f32 $6.933593750e-01, v3;
	_ =	sdelay $0x1  }
0x327: {  	v0 =	vsub.f32 v0, v4;
	v4 =	vmul.f32 $2.121944420e-04, v3;
	_ =	sdelay $0x1  }
0x328: {  	v0 =	vadd.f32 v4, v0;
	_ =	sdelay $0x1  }
0x329: {  	v4 =	vmul.f32 $1.388888920e-03, v0;
	_ =	sdelay $0x1  }
0x32a: {  	v4 =	vadd.f32 $8.333333770e-03, v4;
	_ =	sdelay $0x1  }
0x32b: {  	v4 =	vmul.f32 v4, v0;
	_ =	sdelay $0x1  }
0x32c: {  	v4 =	vadd.f32 $4.166666790e-02, v4;
	_ =	sdelay $0x1  }
0x32d: {  	v4 =	vmul.f32 v4, v0;
	_ =	sdelay $0x1  }
0x32e: {  	v4 =	vadd.f32 $1.666666720e-01, v4;
	_ =	sdelay $0x1  }
0x32f: {  	v4 =	vmul.f32 v4, v0;
	_ =	sdelay $0x1  }
0x330: {  	v4 =	vadd.f32 $5.000000000e-01, v4;
	_ =	sdelay $0x1  }
0x331: {  	v4 =	vmul.f32 v4, v0;
	_ =	sdelay $0x1  }
0x332: {  	v4 =	vadd.f32 $1.000000000e+00, v4  }
0x333: {  	v3 =	vtrunc.f32 v3  }
0x334: {  	v3 =	vcvt.f32.s32 v3;
	v0 =	vmul.f32 v4, v0;
	_ =	sdelay $0x1  }
0x335: {  	v3 =	vshll.u32 v3, $0x17;
	v0 =	vadd.f32 $1.000000000e+00, v0  }
0x336: {  	v3 =	vadd.s32 $0x3F800000, v3  }
0x337: {  	v0 =	vmul.f32 v3, v0;
	_ =	sdelay $0x1  }
0x338: {  	v0 =	vadd.f32 $1.000000000e+00, v0;
	_ =	sdelay $0x1  }
0x339: {  	(erf) = vrcp.f32 v0;
	_ =	sdelay $0x8  }
0x33a: {  	v3 =	vpop (erf)  }
0x33b: {  	v0 =	vmul.f32 v3, v0  }
0x33c: {  	v4 =	vld.idx.msk [tilespmem:v50+s26+$0x0], $0xffff  }
0x33d: {  	v0 =	vsub.f32 $2.000000000e+00, v0;
	_ =	sdelay $0x1  }
0x33e: {  	v0 =	vmul.f32 v0, v3;
	_ =	sdelay $0x1  }
0x33f: {  	v0 =	vmul.f32 v0, v4;
	_ =	sdelay $0x1  }
0x340: {  	[tilespmem:v48+s28+$0x0] =	vst.idx.add.f32.msk $0xffff, v0  }
0x341: {  	v0 =	vld.idx.msk [tilespmem:v52+s5+$0x0], $0xffff  }
0x342: {  	v3 =	vld.idx.msk [tilespmem:v51+s6+$0x0], $0xffff;
	_ =	sdelay $0x4  }
0x343: {  	v0 =	vadd.f32 v3, v0;
	_ =	sdelay $0x1  }
0x344: {  	v0 =	vmax.f32 v0, $-3.000000000e+01  }
0x345: {  	v0 =	vmin.f32 v0, $3.000000000e+01  }
0x346: {  	v0 =	vsub.f32 $0.0e+00, v0;
	_ =	sdelay $0x1  }
0x347: {  	v3 =	vmul.f32 $1.442695020e+00, v0;
	_ =	sdelay $0x1  }
0x348: {  	v3 =	vadd.f32 $1.258291200e+07, v3;
	_ =	sdelay $0x1  }
0x349: {  	v3 =	vadd.f32 $-1.258291200e+07, v3;
	_ =	sdelay $0x1  }
0x34a: {  	v4 =	vmul.f32 $6.933593750e-01, v3;
	_ =	sdelay $0x1  }
0x34b: {  	v0 =	vsub.f32 v0, v4;
	v4 =	vmul.f32 $2.121944420e-04, v3;
	_ =	sdelay $0x1  }
0x34c: {  	v0 =	vadd.f32 v4, v0;
	_ =	sdelay $0x1  }
0x34d: {  	v4 =	vmul.f32 $1.388888920e-03, v0;
	_ =	sdelay $0x1  }
0x34e: {  	v4 =	vadd.f32 $8.333333770e-03, v4;
	_ =	sdelay $0x1  }
0x34f: {  	v4 =	vmul.f32 v4, v0;
	_ =	sdelay $0x1  }
0x350: {  	v4 =	vadd.f32 $4.166666790e-02, v4;
	_ =	sdelay $0x1  }
0x351: {  	v4 =	vmul.f32 v4, v0;
	_ =	sdelay $0x1  }
0x352: {  	v4 =	vadd.f32 $1.666666720e-01, v4;
	_ =	sdelay $0x1  }
0x353: {  	v4 =	vmul.f32 v4, v0;
	_ =	sdelay $0x1  }
0x354: {  	v4 =	vadd.f32 $5.000000000e-01, v4;
	_ =	sdelay $0x1  }
0x355: {  	v4 =	vmul.f32 v4, v0;
	_ =	sdelay $0x1  }
0x356: {  	v4 =	vadd.f32 $1.000000000e+00, v4  }
0x357: {  	v3 =	vtrunc.f32 v3  }
0x358: {  	v3 =	vcvt.f32.s32 v3;
	v0 =	vmul.f32 v4, v0;
	_ =	sdelay $0x1  }
0x359: {  	v3 =	vshll.u32 v3, $0x17;
	v0 =	vadd.f32 $1.000000000e+00, v0  }
0x35a: {  	v3 =	vadd.s32 $0x3F800000, v3  }
0x35b: {  	v0 =	vmul.f32 v3, v0;
	_ =	sdelay $0x1  }
0x35c: {  	v0 =	vadd.f32 $1.000000000e+00, v0;
	_ =	sdelay $0x1  }
0x35d: {  	(erf) = vrcp.f32 v0;
	_ =	sdelay $0x8  }
0x35e: {  	v3 =	vpop (erf)  }
0x35f: {  	v0 =	vmul.f32 v3, v0  }
0x360: {  	v4 =	vld.idx.msk [tilespmem:v51+s26+$0x0], $0xffff  }
0x361: {  	v0 =	vsub.f32 $2.000000000e+00, v0;
	_ =	sdelay $0x1  }
0x362: {  	v0 =	vmul.f32 v0, v3;
	_ =	sdelay $0x1  }
0x363: {  	v0 =	vmul.f32 v0, v4;
	_ =	sdelay $0x1  }
0x364: {  	[tilespmem:v52+s28+$0x0] =	vst.idx.add.f32.msk $0xffff, v0  }
0x365: {  	v0 =	vld.idx.msk [tilespmem:v55+s5+$0x0], $0xffff  }
0x366: {  	v3 =	vld.idx.msk [tilespmem:v54+s6+$0x0], $0xffff;
	_ =	sdelay $0x4  }
0x367: {  	v0 =	vadd.f32 v3, v0;
	_ =	sdelay $0x1  }
0x368: {  	v0 =	vmax.f32 v0, $-3.000000000e+01  }
0x369: {  	v0 =	vmin.f32 v0, $3.000000000e+01  }
0x36a: {  	v0 =	vsub.f32 $0.0e+00, v0;
	_ =	sdelay $0x1  }
0x36b: {  	v3 =	vmul.f32 $1.442695020e+00, v0;
	_ =	sdelay $0x1  }
0x36c: {  	v3 =	vadd.f32 $1.258291200e+07, v3;
	_ =	sdelay $0x1  }
0x36d: {  	v3 =	vadd.f32 $-1.258291200e+07, v3;
	_ =	sdelay $0x1  }
0x36e: {  	v4 =	vmul.f32 $6.933593750e-01, v3;
	_ =	sdelay $0x1  }
0x36f: {  	v0 =	vsub.f32 v0, v4;
	v4 =	vmul.f32 $2.121944420e-04, v3;
	_ =	sdelay $0x1  }
0x370: {  	v0 =	vadd.f32 v4, v0;
	_ =	sdelay $0x1  }
0x371: {  	v4 =	vmul.f32 $1.388888920e-03, v0;
	_ =	sdelay $0x1  }
0x372: {  	v4 =	vadd.f32 $8.333333770e-03, v4;
	_ =	sdelay $0x1  }
0x373: {  	v4 =	vmul.f32 v4, v0;
	_ =	sdelay $0x1  }
0x374: {  	v4 =	vadd.f32 $4.166666790e-02, v4;
	_ =	sdelay $0x1  }
0x375: {  	v4 =	vmul.f32 v4, v0;
	_ =	sdelay $0x1  }
0x376: {  	v4 =	vadd.f32 $1.666666720e-01, v4;
	_ =	sdelay $0x1  }
0x377: {  	v4 =	vmul.f32 v4, v0;
	_ =	sdelay $0x1  }
0x378: {  	v4 =	vadd.f32 $5.000000000e-01, v4;
	_ =	sdelay $0x1  }
0x379: {  	v4 =	vmul.f32 v4, v0;
	_ =	sdelay $0x1  }
0x37a: {  	v4 =	vadd.f32 $1.000000000e+00, v4  }
0x37b: {  	v3 =	vtrunc.f32 v3  }
0x37c: {  	v3 =	vcvt.f32.s32 v3;
	v0 =	vmul.f32 v4, v0;
	_ =	sdelay $0x1  }
0x37d: {  	v3 =	vshll.u32 v3, $0x17;
	v0 =	vadd.f32 $1.000000000e+00, v0  }
0x37e: {  	v3 =	vadd.s32 $0x3F800000, v3  }
0x37f: {  	v0 =	vmul.f32 v3, v0;
	_ =	sdelay $0x1  }
0x380: {  	v4 =	vld [tilespmem:$0x1FED0];
	v0 =	vadd.f32 $1.000000000e+00, v0  }
0x381: {  	v3 =	vld [tilespmem:$0x1FEC0]  }
0x382: {  	v6 =	vld [tilespmem:$0x1FF00];
	(erf) = vrcp.f32 v0;
	_ =	sdelay $0x3  }
0x383: {  	v4 =	vmul.f32 v4, v1;
	v3 =	vmul.f32 v3, v2  }
0x384: {  	v7 =	vmul.f32 v57, v1;
	v6 =	vmul.f32 v6, v2  }
0x385: {  	v3 =	vadd.f32 v4, v3;
	v4 =	vld [tilespmem:$0x1FEE0]  }
0x386: {  	v6 =	vadd.f32 v7, v6;
	v7 =	vld [tilespmem:$0x1FF20];
	_ =	sdelay $0x1  }
0x387: {  	v5 =	vpop (erf)  }
0x388: {  	v0 =	vmul.f32 v5, v0  }
0x389: {  	v4 =	vmul.f32 v4, v13  }
0x38a: {  	v7 =	vmul.f32 v7, v13;
	v0 =	vsub.f32 $2.000000000e+00, v0  }
0x38b: {  	v10 =	vmul.f32 v60, v1;
	v9 =	vld [tilespmem:$0x1FF30];
	v3 =	vadd.f32 v4, v3  }
0x38c: {  	v4 =	vld [tilespmem:$0x1FEF0];
	v0 =	vmul.f32 v0, v5;
	v5 =	vadd.f32 v7, v6;
	v7 =	vmul.f32 v59, v2;
	_ =	sdelay $0x1  }
0x38d: {  	v7 =	vadd.f32 v10, v7;
	v10 =	vld [tilespmem:$0x1FF60];
	_ =	sdelay $0x2  }
0x38e: {  	v9 =	vmul.f32 v9, v15;
	v4 =	vmul.f32 v4, v15;
	_ =	sdelay $0x1  }
0x38f: {  	v5 =	vadd.f32 v9, v5;
	v3 =	vadd.f32 v4, v3;
	v4 =	vld [tilespmem:$0x1FF10];
	v10 =	vmul.f32 v10, v14  }
0x390: {  	v6 =	vld [tilespmem:$0x1FF40]  }
0x391: {  	v5 =	vadd.f32 v10, v5;
	v10 =	vld [tilespmem:$0x1FF90];
	_ =	sdelay $0x2  }
0x392: {  	v4 =	vmul.f32 v4, v14  }
0x393: {  	v6 =	vmul.f32 v6, v1  }
0x394: {  	v3 =	vadd.f32 v4, v3;
	v4 =	vmul.f32 v56, v2;
	v2 =	vmul.f32 v10, v2;
	v10 =	vld [tilespmem:$0x1FFA0];
	_ =	sdelay $0x1  }
0x395: {  	v4 =	vadd.f32 v6, v4;
	v6 =	vld [tilespmem:$0x1FF50]  }
0x396: {  	v8 =	vld.idx.msk [tilespmem:v54+s26+$0x0], $0xffff;
	_ =	sdelay $0x1  }
0x397: {  	v1 =	vmul.f32 v10, v1  }
0x398: {  	v9 =	vmul.f32 v58, v13  }
0x399: {  	v6 =	vmul.f32 v6, v13;
	v1 =	vadd.f32 v1, v2;
	v2 =	vld [tilespmem:$0x1FFC0]  }
0x39a: {  	v0 =	vmul.f32 v0, v8;
	v8 =	vimm.s32 $0x116;
	v7 =	vadd.f32 v9, v7;
	v9 =	vld [tilespmem:$0x1FF80]  }
0x39b: {  	v4 =	vadd.f32 v6, v4;
	v6 =	vld [tilespmem:$0x1FF70];
	_ =	sdelay $0x1  }
0x39c: {  	[tilespmem:v55+s28+$0x0] =	vst.idx.add.f32.msk $0xffff, v0  }
0x39d: {  	v11 =	vld [tilespmem:$0x2C80];
	v2 =	vmul.f32 v2, v13  }
0x39e: {  	v8 =	vld.idx.msk [tilespmem:v8+s2+$0x0], $0xffff;
	v9 =	vmul.f32 v9, v15  }
0x39f: {  	v0 =	vimm.s32 $0x117;
	v6 =	vmul.f32 v6, v15;
	v1 =	vadd.f32 v2, v1;
	v2 =	vld [tilespmem:$0x1FFE0]  }
0x3a0: {  	v7 =	vadd.f32 v9, v7;
	v9 =	vld [tilespmem:$0x2C90]  }
0x3a1: {  	v4 =	vadd.f32 v6, v4;
	v6 =	vld [tilespmem:$0x1FFB0]  }
0x3a2: {  	v13 =	vld [tilespmem:$0x1FFD0]  }
0x3a3: {  	s11 =	simm.s32 $0x170;
	v12 =	vimm.s32 $0x118  }
0x3a4: {  	s13 =	simm.s32 $0x190;
	s15 =	simm.s32 $0x1F0;
	v18 =	vmov s11;
	v10 =	vld.idx.msk [tilespmem:v0+s2+$0x0], $0xffff;
	v0 =	vimm.s32 $0x119;
	v2 =	vmul.f32 v2, v15  }
0x3a5: {  	v21 =	vmov s13;
	v23 =	vmov s15;
	v3 =	vadd.f32 v11, v3;
	v11 =	vld [tilespmem:$0x2CA0]  }
0x3a6: {  	v6 =	vmul.f32 v6, v14;
	v1 =	vadd.f32 v2, v1;
	v2 =	vadd.f32 v9, v5;
	v9 =	vld [tilespmem:$0x1FFF0]  }
0x3a7: {  	v16 =	vimm.s32 $0x11A;
	v3 =	vadd.f32 v8, v3;
	v8 =	vld [tilespmem:$0x2CB0];
	v13 =	vmul.f32 v13, v14  }
0x3a8: {  	s12 =	simm.s32 $0x180;
	s17 =	simm.s32 $0x0;
	v18 =	vshrl.u32 v18, $0x7;
	v23 =	vshrl.u32 v23, $0x7;
	v4 =	vadd.f32 v6, v4;
	v6 =	vld.idx.msk [tilespmem:v12+s2+$0x0], $0xffff  }
0x3a9: {  	v20 =	vmov s12;
	v25 =	vmov s17;
	v7 =	vadd.f32 v13, v7;
	v13 =	vld.idx.msk [tilespmem:v0+s2+$0x0], $0xffff  }
0x3aa: {  	v21 =	vshrl.u32 v21, $0x7;
	v20 =	vshrl.u32 v20, $0x7;
	v25 =	vand.u32 $0xFFFFFFFC, v25;
	v5 =	vld [tilespmem:$0x2CC0]  }
0x3ab: {  	v12 =	vmul.f32 $9.999999770e-03, v3;
	v0 =	vlaneseq.u32;
	v9 =	vmul.f32 v9, v14  }
0x3ac: {  	v4 =	vadd.f32 v11, v4;
	v2 =	vadd.f32 v10, v2;
	v10 =	vld.idx.msk [tilespmem:v16+s2+$0x0], $0xffff;
	v14 =	vmul.u32 $0x5, v0  }
0x3ad: {  	vm0 =	vgt.f32 v3, $0.0e+00;
	v7 =	vadd.f32 v8, v7;
	v1 =	vadd.f32 v9, v1  }
0x3ae: {  	v3 =	vsel vm0, v3, v12;
	v4 =	vadd.f32 v6, v4;
	v8 =	vadd.s32 $0x1, v14  }
0x3af: {  	v7 =	vadd.f32 v13, v7;
	v1 =	vadd.f32 v5, v1;
	v5 =	vadd.s32 $0x2, v14  }
0x3b0: {  	vm0 =	vgt.f32 v2, $0.0e+00;
	v6 =	vmul.f32 $9.999999770e-03, v2;
	v9 =	vadd.s32 $0x3, v14  }
0x3b1: {  	s3 =	simm.s32 $0x2D00;
	v11 =	vmul.f32 $9.999999770e-03, v4;
	v1 =	vadd.f32 v10, v1;
	v10 =	vadd.s32 $0x4, v14  }
0x3b2: {  	v2 =	vsel vm0, v2, v6;
	vm0 =	vgt.f32 v4, $0.0e+00;
	v6 =	vmul.f32 $9.999999770e-03, v7;
	[tilespmem:v14+s3+$0x0] =	vst.idx.msk $0xff, v3  }
0x3b3: {  	v3 =	vsel vm0, v4, v11;
	vm0 =	vgt.f32 v7, $0.0e+00;
	[tilespmem:v8+s3+$0x0] =	vst.idx.msk $0xff, v2;
	v4 =	vmul.f32 $9.999999770e-03, v1  }
0x3b4: {  	s7 =	simm.s32 $0x140;
	s18 =	simm.s32 $0x1;
	v31 =	vbroadcast v25, $0x0;
	v2 =	vsel vm0, v7, v6;
	vm0 =	vgt.f32 v1, $0.0e+00;
	[tilespmem:v5+s3+$0x0] =	vst.idx.msk $0xff, v3  }
0x3b5: {  	s14 =	simm.s32 $0x1E0;
	v17 =	vmov s7;
	v27 =	vmov s18;
	v1 =	vsel vm0, v1, v4;
	[tilespmem:v9+s3+$0x0] =	vst.idx.msk $0xff, v2  }
0x3b6: {  	v17 =	vshrl.u32 v17, $0x7;
	v22 =	vmov s14;
	v27 =	vand.u32 $0xFFFFFFFD, v27;
	[tilespmem:v10+s3+$0x0] =	vst.idx.msk $0xff, v1  }
0x3b7: {  	s24 =	simm.s32 $0x250;
	s25 =	simm.s32 $0x260;
	v22 =	vshrl.u32 v22, $0x7;
	v27 =	vbroadcast v27, $0x0;
	v4 =	vadd.s32 $0x28, v0;
	v11 =	vld [tilespmem:$0x10]  }
0x3b8: {  	s4 =	simm.s32 $0x310;
	v53 =	vimm.f32 $0.0e+00;
	v49 =	vmov s24;
	v51 =	vmov s25;
	s26 =	simm.s32 $0x270  }
0x3b9: {  	s29 =	simm.s32 $0x210;
	s8 =	simm.s32 $0x130;
	v57 =	vshrl.u32 v51, $0x7;
	v52 =	vmov s26;
	v58 =	vmov s4  }
0x3ba: {  	s30 =	simm.s32 $0x1A0;
	v32 =	vshrl.u32 v58, $0x7;
	v12 =	vmov s29;
	v16 =	vmov s8  }
0x3bb: {  	s31 =	simm.s32 $0x1B0;
	v12 =	vshrl.u32 v12, $0x7;
	v13 =	vor.u32 s30, v0;
	v16 =	vshrl.u32 v16, $0x7  }
0x3bc: {  	v14 =	vor.u32 s31, v0;
	v7 =	vor.u32 $0x30, v0;
	v8 =	vor.u32 $0x50, v0;
	[tilespmem:v4+s3+$0x0] =	vst.idx.msk $0xffff, v11  }
0x3bd: {  	vm0 =	vcmask $0x300;
	v10 =	vadd.s32 $0x38, v0;
	v1 =	vimm.s32 $0x0;
	v19 =	vld [tilespmem:$0x20]  }
0x3be: {  	v5 =	vor.u32 $0x60, v0;
	v3 =	vor.u32 $0x70, v0;
	v1 =	vsel vm0, $0x7, v1  }
0x3bf: {  	v2 =	vor.u32 $0x10, v0;
	v18 =	vshll.u32 v18, v1;
	v20 =	vshll.u32 v20, v1  }
0x3c0: {  	v21 =	vshll.u32 v21, v1;
	v18 =	vbroadcast v18, $0x0;
	v20 =	vbroadcast v20, $0x0  }
0x3c1: {  	s9 =	simm.s32 $0x150;
	v12 =	vshll.u32 v12, v1;
	v22 =	vshll.u32 v22, v1;
	v21 =	vbroadcast v21, $0x0  }
0x3c2: {  	v18 =	vor.u32 v3, v18;
	v20 =	vor.u32 v0, v20;
	v4 =	vmov s9;
	[tilespmem:v10+s3+$0x0] =	vst.idx.msk $0xff, v19  }
0x3c3: {  	s10 =	simm.s32 $0x160;
	v10 =	vbroadcast v12, $0x0;
	v12 =	vshll.u32 v16, v1;
	v16 =	vshll.u32 v17, v1;
	v17 =	vld [tilespmem:$0x1120]  }
0x3c4: {  	v21 =	vor.u32 v2, v21;
	v11 =	vmov s10;
	v4 =	vshrl.u32 v4, $0x7;
	v19 =	vld [tilespmem:$0x1130]  }
0x3c5: {  	s16 =	simm.s32 $0x200;
	v11 =	vshrl.u32 v11, $0x7;
	v4 =	vshll.u32 v4, v1;
	v12 =	vbroadcast v12, $0x0;
	v28 =	vld.idx.msk [tilespmem:v13+s2+$0x0], $0xffff  }
0x3c6: {  	v11 =	vshll.u32 v11, v1;
	v4 =	vbroadcast v4, $0x0;
	v29 =	vld.idx.msk [tilespmem:v14+s2+$0x0], $0xffff;
	v14 =	vmov s16  }
0x3c7: {  	v11 =	vbroadcast v11, $0x0;
	v18 =	vld.idx.msk [tilespmem:v18+s2+$0x0], $0xffff;
	v14 =	vshrl.u32 v14, $0x7;
	v12 =	vor.u32 v7, v12  }
0x3c8: {  	v4 =	vor.u32 v8, v4;
	v13 =	vbroadcast v22, $0x0;
	v20 =	vld.idx.msk [tilespmem:v20+s2+$0x0], $0xffff;
	v14 =	vshll.u32 v14, v1  }
0x3c9: {  	s5 =	simm.s32 $0x120;
	v23 =	vshll.u32 v23, v1;
	v11 =	vor.u32 v5, v11;
	v31 =	vld.idx.msk [tilespmem:v31+s3+$0x0], $0xffff;
	v14 =	vbroadcast v14, $0x0  }
0x3ca: {  	v15 =	vmov s5;
	v22 =	vbroadcast v23, $0x0;
	v48 =	vld.idx.msk [tilespmem:v27+s3+$0x0], $0xffff;
	v13 =	vor.u32 v5, v13  }
0x3cb: {  	v58 =	vshrl.u32 v52, $0x7;
	s5 =	simm.s32 $0x3;
	v15 =	vshrl.u32 v15, $0x7;
	v21 =	vld.idx.msk [tilespmem:v21+s2+$0x0], $0xffff;
	v14 =	vor.u32 v0, v14  }
0x3cc: {  	s28 =	simm.s32 $0x280;
	v15 =	vshll.u32 v15, v1;
	v23 =	vld.idx.msk [tilespmem:v12+s2+$0x0], $0xffff;
	v12 =	vor.u32 v3, v22;
	v22 =	vmov s5  }
0x3cd: {  	s20 =	simm.s32 $0x2A0;
	v54 =	vmov s28;
	v56 =	vshrl.u32 v49, $0x7;
	v15 =	vbroadcast v15, $0x0;
	v4 =	vld.idx.msk [tilespmem:v4+s2+$0x0], $0xffff  }
0x3ce: {  	s21 =	simm.s32 $0x1C0;
	v38 =	vor.u32 s20, v0;
	v6 =	vor.u32 $0x20, v0;
	v10 =	vor.u32 v2, v10;
	v30 =	vld.idx.msk [tilespmem:v11+s2+$0x0], $0xffff  }
0x3cf: {  	s19 =	simm.s32 $0x2;
	s22 =	simm.s32 $0x2B0;
	v59 =	vor.u32 s21, v0;
	v15 =	vor.u32 v6, v15;
	v16 =	vbroadcast v16, $0x0;
	v13 =	vld.idx.msk [tilespmem:v13+s2+$0x0], $0xffff  }
0x3d0: {  	v25 =	vor.u32 s22, v0;
	s30 =	simm.s32 $0x2E0;
	v9 =	vor.u32 $0x40, v0;
	v11 =	vmov s19;
	v14 =	vld.idx.msk [tilespmem:v14+s2+$0x0], $0xffff  }
0x3d1: {  	s23 =	simm.s32 $0x1D0;
	v55 =	vmov s30;
	v16 =	vor.u32 v9, v16;
	v11 =	vand.u32 $0xFFFFFFFE, v11;
	v22 =	vld.idx.msk [tilespmem:v22+s3+$0x0], $0xffff  }
0x3d2: {  	v60 =	vor.u32 s23, v0;
	s8 =	simm.s32 $0x220;
	v34 =	vshrl.u32 v55, $0x7;
	s9 =	simm.s32 $0x230;
	v11 =	vbroadcast v11, $0x0;
	v12 =	vld.idx.msk [tilespmem:v12+s2+$0x0], $0xffff  }
0x3d3: {  	v61 =	vmov s8;
	v34 =	vshll.u32 v34, v1;
	s10 =	simm.s32 $0x240;
	v62 =	vmov s9;
	v10 =	vld.idx.msk [tilespmem:v10+s2+$0x0], $0xffff  }
0x3d4: {  	s29 =	simm.s32 $0x290;
	v63 =	vmov s10;
	v15 =	vld.idx.msk [tilespmem:v15+s2+$0x0], $0xffff;
	v18 =	vmul.f32 v18, v48;
	v20 =	vmul.f32 v20, v48  }
0x3d5: {  	v33 =	vld.idx.msk [tilespmem:v59+s2+$0x0], $0xffff;
	v27 =	vmov s29;
	v59 =	vshrl.u32 v54, $0x7;
	v21 =	vmul.f32 v21, v48  }
0x3d6: {  	v16 =	vld.idx.msk [tilespmem:v16+s2+$0x0], $0xffff;
	v18 =	vadd.f32 v18, v53;
	v20 =	vadd.f32 v20, v53;
	v13 =	vmul.f32 v13, v22  }
0x3d7: {  	v24 =	vld [tilespmem:$0x1140];
	v21 =	vadd.f32 v21, v53;
	v12 =	vmul.f32 v12, v22;
	v14 =	vmul.f32 v14, v22  }
0x3d8: {  	v4 =	vmul.f32 v4, v31;
	v50 =	vld.idx.msk [tilespmem:v11+s3+$0x0], $0xffff;
	v22 =	vmul.f32 v10, v22;
	v11 =	vadd.f32 v13, v53  }
0x3d9: {  	v26 =	vld [tilespmem:$0x1150];
	v30 =	vmul.f32 v30, v48;
	v10 =	vadd.f32 v12, v53;
	v13 =	vadd.f32 v14, v53  }
0x3da: {  	v12 =	vadd.f32 v22, v53;
	v14 =	vmul.f32 v15, v31;
	v15 =	vmul.f32 v23, v31  }
0x3db: {  	v23 =	vmul.f32 v16, v31;
	v31 =	vshrl.u32 v62, $0x7;
	v62 =	vshll.u32 v57, v1  }
0x3dc: {  	v22 =	vld.idx.msk [tilespmem:v60+s2+$0x0], $0xffff;
	v36 =	vbroadcast v62, $0x0;
	v16 =	vadd.f32 v14, v17;
	v14 =	vadd.f32 v15, v19  }
0x3dd: {  	s31 =	simm.s32 $0x2F0;
	v15 =	vadd.f32 v23, v24;
	v23 =	vmul.f32 v28, v50;
	v24 =	vmul.f32 v29, v50  }
0x3de: {  	v17 =	vadd.f32 v4, v26;
	v4 =	vmul.f32 v33, v50;
	v28 =	vmov s31  }
0x3df: {  	v19 =	vadd.f32 v30, v53;
	v29 =	vshll.u32 v32, v1;
	v30 =	vshrl.u32 v61, $0x7  }
0x3e0: {  	v61 =	vshll.u32 v56, v1;
	v30 =	vshll.u32 v30, v1;
	v60 =	vshrl.u32 v28, $0x7  }
0x3e1: {  	v29 =	vbroadcast v29, $0x0;
	v28 =	vshll.u32 v31, v1;
	v26 =	vmul.f32 v22, v50  }
0x3e2: {  	v37 =	vbroadcast v61, $0x0;
	v30 =	vbroadcast v30, $0x0;
	v22 =	vadd.f32 v24, v53  }
0x3e3: {  	v24 =	vadd.f32 v4, v53;
	v4 =	vadd.f32 v26, v53;
	v26 =	vshrl.u32 v63, $0x7  }
0x3e4: {  	v31 =	vbroadcast v28, $0x0;
	v32 =	vor.u32 v2, v29;
	v26 =	vshll.u32 v26, v1  }
0x3e5: {  	v23 =	vadd.f32 v23, v53;
	v33 =	vor.u32 v6, v30;
	v26 =	vbroadcast v26, $0x0  }
0x3e6: {  	v28 =	vshll.u32 v59, v1;
	v31 =	vor.u32 v7, v31;
	v63 =	vshll.u32 v58, v1  }
0x3e7: {  	s7 =	simm.s32 $0x300;
	s6 =	simm.s32 $0x410;
	v35 =	vshll.u32 v60, v1;
	v29 =	vbroadcast v63, $0x0;
	v30 =	vor.u32 v9, v26;
	v26 =	vld.idx.msk [tilespmem:v38+s2+$0x0], $0xffff  }
.LBB2_2:
0x3e8: {  	p0 =	sne.s32 s6, $0x1110;
	v37 =	vor.u32 v8, v37;
	v38 =	vld.idx.msk [tilespmem:v25+s2+$0x0], $0xffff;
	v25 =	vbroadcast v34, $0x0;
	v34 =	vmov s7  }
0x3e9: {  	v35 =	vbroadcast v35, $0x0;
	v36 =	vor.u32 v5, v36;
	v34 =	vshrl.u32 v34, $0x7;
	v32 =	vld.idx.msk [tilespmem:v32+s2+$0x0], $0xffff  }
0x3ea: {  	v28 =	vbroadcast v28, $0x0;
	v33 =	vld.idx.msk [tilespmem:v33+s2+$0x0], $0xffff;
	v25 =	vor.u32 v5, v25;
	v34 =	vshll.u32 v34, v1  }
0x3eb: {  	v27 =	vshrl.u32 v27, $0x7;
	s5 =	sadd.s32 $0x4, s5;
	v35 =	vor.u32 v3, v35;
	v31 =	vld.idx.msk [tilespmem:v31+s2+$0x0], $0xffff;
	v34 =	vbroadcast v34, $0x0  }
0x3ec: {  	s7 =	sadd.s32 $0xFFFFFFFD, s5;
	s8 =	sadd.s32 $0xFFFFFFFE, s5;
	v29 =	vor.u32 v3, v29;
	s9 =	sadd.s32 $0xFFFFFFFF, s5;
	v39 =	vmov s5;
	v28 =	vor.u32 v0, v28;
	v30 =	vld.idx.msk [tilespmem:v30+s2+$0x0], $0xffff  }
0x3ed: {  	v40 =	vmov s7;
	v41 =	vmov s8;
	v37 =	vld.idx.msk [tilespmem:v37+s2+$0x0], $0xffff;
	v34 =	vor.u32 v0, v34  }
0x3ee: {  	v42 =	vmov s9;
	v40 =	vand.u32 $0xFFFFFFFC, v40;
	v41 =	vand.u32 $0xFFFFFFFD, v41;
	v36 =	vld.idx.msk [tilespmem:v36+s2+$0x0], $0xffff  }
0x3ef: {  	v42 =	vand.u32 $0xFFFFFFFE, v42;
	v40 =	vbroadcast v40, $0x0;
	v41 =	vbroadcast v41, $0x0;
	v43 =	vld.idx.msk [tilespmem:v25+s2+$0x0], $0xffff  }
0x3f0: {  	v25 =	vshll.u32 v27, v1;
	v27 =	vbroadcast v42, $0x0;
	v35 =	vld.idx.msk [tilespmem:v35+s2+$0x0], $0xffff  }
0x3f1: {  	v25 =	vbroadcast v25, $0x0;
	v39 =	vld.idx.msk [tilespmem:v39+s3+$0x0], $0xffff  }
0x3f2: {  	v34 =	vld.idx.msk [tilespmem:v34+s2+$0x0], $0xffff  }
0x3f3: {  	s7 =	sadd.s32 $0xFFFFFF90, s6;
	s8 =	sadd.s32 $0xFFFFFFB0, s4;
	v42 =	vor.u32 v2, v25;
	v29 =	vld.idx.msk [tilespmem:v29+s2+$0x0], $0xffff  }
0x3f4: {  	v45 =	vmov s6;
	v44 =	vor.u32 s7, v0;
	s7 =	sadd.s32 $0xFFFFFFA0, s6;
	v46 =	vor.u32 s8, v0;
	s8 =	sadd.s32 $0xFFFFFFC0, s4;
	s4 =	smov.u32 s6;
	v28 =	vld.idx.msk [tilespmem:v28+s2+$0x0], $0xffff  }
0x3f5: {  	s10 =	sadd.s32 $0xFFFFFF20, s6;
	s11 =	sadd.s32 $0xFFFFFF30, s6;
	v45 =	vshrl.u32 v45, $0x7;
	s9 =	sadd.s32 $0xFFFFFF10, s6;
	v47 =	vor.u32 s8, v0;
	v25 =	vor.u32 s7, v0;
	v40 =	vld.idx.msk [tilespmem:v40+s3+$0x0], $0xffff  }
0x3f6: {  	v49 =	vmov s10;
	v50 =	vmov s11;
	v48 =	vmov s9;
	s7 =	sadd.s32 $0xFFFFFF40, s6;
	v41 =	vld.idx.msk [tilespmem:v41+s3+$0x0], $0xffff  }
0x3f7: {  	v51 =	vmov s7;
	s7 =	sadd.s32 $0xFFFFFF50, s6;
	v35 =	vmul.f32 v35, v39;
	v52 =	vld.idx.msk [tilespmem:v27+s3+$0x0], $0xffff;
	v27 =	vmul.f32 v43, v39  }
0x3f8: {  	v32 =	vmul.f32 v32, v39;
	v43 =	vmov s7;
	s7 =	sadd.s32 $0xFFFFFF60, s6;
	v34 =	vmul.f32 v34, v39;
	v42 =	vld.idx.msk [tilespmem:v42+s2+$0x0], $0xffff  }
0x3f9: {  	v39 =	vmov s7;
	s7 =	sadd.s32 $0xFFFFFF70, s6;
	v10 =	vadd.f32 v35, v10;
	v46 =	vld.idx.msk [tilespmem:v46+s2+$0x0], $0xffff;
	v11 =	vadd.f32 v27, v11  }
0x3fa: {  	v12 =	vadd.f32 v32, v12;
	v35 =	vmov s7;
	s7 =	sadd.s32 $0xFFFFFF80, s6;
	v13 =	vadd.f32 v34, v13;
	v47 =	vld.idx.msk [tilespmem:v47+s2+$0x0], $0xffff  }
0x3fb: {  	v27 =	vmov s7;
	s7 =	sadd.s32 $0xFFFFFFD0, s6;
	v32 =	vmul.f32 v33, v40;
	v31 =	vmul.f32 v31, v40  }
0x3fc: {  	v30 =	vmul.f32 v30, v40;
	v34 =	vmul.f32 v37, v40;
	v33 =	vmov s7  }
0x3fd: {  	v29 =	vmul.f32 v29, v41;
	v16 =	vadd.f32 v32, v16;
	v32 =	vmul.f32 v36, v41  }
0x3fe: {  	v28 =	vmul.f32 v28, v41;
	v14 =	vadd.f32 v31, v14;
	v31 =	vmul.f32 v42, v41  }
0x3ff: {  	v15 =	vadd.f32 v30, v15;
	v26 =	vmul.f32 v26, v52;
	v30 =	vmul.f32 v38, v52  }
0x400: {  	s7 =	sadd.s32 $0xFFFFFFE0, s6;
	v17 =	vadd.f32 v34, v17;
	v34 =	vmul.f32 v46, v52;
	v36 =	vmul.f32 v47, v52  }
0x401: {  	v37 =	vmov s7;
	v18 =	vadd.f32 v29, v18;
	v19 =	vadd.f32 v32, v19  }
0x402: {  	v29 =	vshll.u32 v45, v1;
	v20 =	vadd.f32 v28, v20;
	v21 =	vadd.f32 v31, v21  }
0x403: {  	v28 =	vshrl.u32 v48, $0x7;
	v23 =	vadd.f32 v26, v23;
	v22 =	vadd.f32 v30, v22  }
0x404: {  	v26 =	vshrl.u32 v49, $0x7;
	v24 =	vadd.f32 v34, v24;
	v4 =	vadd.f32 v36, v4  }
0x405: {  	v30 =	vshrl.u32 v50, $0x7;
	v32 =	vshrl.u32 v43, $0x7;
	v31 =	vshrl.u32 v51, $0x7  }
0x406: {  	v35 =	vshrl.u32 v35, $0x7;
	v34 =	vshrl.u32 v39, $0x7;
	v36 =	vshrl.u32 v33, $0x7  }
0x407: {  	v38 =	vshrl.u32 v37, $0x7;
	v28 =	vshll.u32 v28, v1;
	v29 =	vbroadcast v29, $0x0  }
0x408: {  	v26 =	vshll.u32 v26, v1;
	v30 =	vshll.u32 v30, v1;
	v37 =	vshll.u32 v31, v1  }
.Ltmp0:
0x409: {  	v31 =	vbroadcast v28, $0x0;
	v39 =	vshll.u32 v32, v1;
	v40 =	vshll.u32 v34, v1;
	(pc) =	sbr.rel @p0 .LBB2_2-.Ltmp0, $4  }
0x40a: {  	v26 =	vbroadcast v26, $0x0;
	v28 =	vshll.u32 v35, v1;
	v32 =	vor.u32 v2, v29  }
0x40b: {  	v29 =	vbroadcast v30, $0x0;
	v33 =	vor.u32 v6, v31;
	v34 =	vshll.u32 v36, v1  }
0x40c: {  	v35 =	vshll.u32 v38, v1;
	v37 =	vbroadcast v37, $0x0;
	v31 =	vor.u32 v7, v26  }
0x40d: {  	s6 =	sadd.s32 $0x100, s6;
	s7 =	sadd.s32 $0xFFFFFFF0, s4;
	v30 =	vor.u32 v9, v29;
	v36 =	vbroadcast v39, $0x0;
	v29 =	vbroadcast v40, $0x0;
	v26 =	vld.idx.msk [tilespmem:v44+s2+$0x0], $0xffff  }
0x40e: {  	_ = 	snop  }
0x40f: {  	v6 =	vor.u32 v8, v37;
	v7 =	vbroadcast v34, $0x0  }
0x410: {  	v8 =	vmov s7;
	v58 =	vbroadcast v35, $0x0;
	s5 =	sadd.s32 $0x4, s5;
	v9 =	vor.u32 v5, v36  }
0x411: {  	v27 =	vshrl.u32 v27, $0x7;
	v8 =	vshrl.u32 v8, $0x7;
	v59 =	vmov s5  }
0x412: {  	s6 =	sadd.s32 $0xFFFFFFFD, s5;
	v5 =	vor.u32 v5, v7;
	v7 =	vshll.u32 v8, v1;
	v8 =	vld.idx.msk [tilespmem:v31+s2+$0x0], $0xffff;
	v31 =	vor.u32 v3, v58  }
0x413: {  	v32 =	vld.idx.msk [tilespmem:v32+s2+$0x0], $0xffff;
	s25 =	sadd.s32 $0xFFFFFFFE, s5;
	v60 =	vmov s6;
	v3 =	vor.u32 v3, v29;
	v7 =	vbroadcast v7, $0x0  }
0x414: {  	v30 =	vld.idx.msk [tilespmem:v30+s2+$0x0], $0xffff;
	v29 =	vmov s25;
	v1 =	vshll.u32 v27, v1;
	v35 =	vand.u32 $0xFFFFFFFC, v60  }
0x415: {  	v29 =	vand.u32 $0xFFFFFFFD, v29;
	v35 =	vbroadcast v35, $0x0;
	v7 =	vor.u32 v0, v7;
	v9 =	vld.idx.msk [tilespmem:v9+s2+$0x0], $0xffff  }
0x416: {  	v1 =	vbroadcast v1, $0x0;
	v29 =	vbroadcast v29, $0x0;
	v34 =	vld.idx.msk [tilespmem:v59+s3+$0x0], $0xffff  }
0x417: {  	v5 =	vld.idx.msk [tilespmem:v5+s2+$0x0], $0xffff  }
0x418: {  	v1 =	vor.u32 v2, v1;
	v27 =	vld.idx.msk [tilespmem:v31+s2+$0x0], $0xffff  }
0x419: {  	s5 =	sadd.s32 $0xFFFFFFFF, s5;
	v3 =	vld.idx.msk [tilespmem:v3+s2+$0x0], $0xffff  }
0x41a: {  	v28 =	vbroadcast v28, $0x0;
	s26 =	sadd.s32 $0xFFFFFFB0, s4;
	s23 =	simm.s32 $0x1280;
	v61 =	vmov s5;
	v7 =	vld.idx.msk [tilespmem:v7+s2+$0x0], $0xffff  }
0x41b: {  	s28 =	sadd.s32 $0xFFFFFFC0, s4;
	v62 =	vor.u32 s26, v0;
	v38 =	vmov s23;
	v36 =	vand.u32 $0xFFFFFFFE, v61;
	v2 =	vld.idx.msk [tilespmem:v35+s3+$0x0], $0xffff  }
0x41c: {  	s24 =	simm.s32 $0x12A0;
	s26 =	simm.s32 $0x12C0;
	v28 =	vor.u32 v0, v28;
	v0 =	vor.u32 s28, v0;
	v31 =	vbroadcast v36, $0x0;
	v29 =	vld.idx.msk [tilespmem:v29+s3+$0x0], $0xffff  }
0x41d: {  	v41 =	vmov s24;
	s25 =	simm.s32 $0x12B0;
	v43 =	vmov s26;
	v38 =	vshrl.u32 v38, $0x7;
	v1 =	vld.idx.msk [tilespmem:v1+s2+$0x0], $0xffff  }
0x41e: {  	v54 =	vshrl.u32 v41, $0x7;
	v42 =	vmov s25;
	v32 =	vmul.f32 v32, v34  }
0x41f: {  	v33 =	vld.idx.msk [tilespmem:v33+s2+$0x0], $0xffff;
	v58 =	vshrl.u32 v43, $0x7;
	v5 =	vmul.f32 v5, v34;
	v27 =	vmul.f32 v27, v34  }
0x420: {  	v6 =	vld.idx.msk [tilespmem:v6+s2+$0x0], $0xffff;
	v12 =	vadd.f32 v32, v12;
	v7 =	vmul.f32 v7, v34;
	v8 =	vmul.f32 v8, v2  }
0x421: {  	v0 =	vld.idx.msk [tilespmem:v0+s2+$0x0], $0xffff;
	v10 =	vadd.f32 v27, v10;
	v27 =	vmul.f32 v30, v2;
	v9 =	vmul.f32 v9, v29  }
0x422: {  	s18 =	simm.s32 $0x2;
	v31 =	vld.idx.msk [tilespmem:v31+s3+$0x0], $0xffff;
	v5 =	vadd.f32 v5, v11;
	v3 =	vmul.f32 v3, v29;
	v1 =	vmul.f32 v1, v29  }
0x423: {  	v28 =	vld.idx.msk [tilespmem:v28+s2+$0x0], $0xffff;
	v30 =	vmov s18;
	v7 =	vadd.f32 v7, v13;
	v8 =	vadd.f32 v8, v14  }
0x424: {  	v11 =	vld.idx.msk [tilespmem:v25+s2+$0x0], $0xffff;
	v13 =	vmul.f32 v33, v2;
	v14 =	vadd.f32 v27, v15;
	v9 =	vadd.f32 v9, v19  }
0x425: {  	s7 =	simm.s32 $0x1190;
	s8 =	simm.s32 $0x11A0;
	s10 =	simm.s32 $0x11C0;
	v25 =	vld.idx.msk [tilespmem:v62+s2+$0x0], $0xffff;
	v2 =	vmul.f32 v6, v2;
	v3 =	vadd.f32 v3, v18;
	v1 =	vadd.f32 v1, v21  }
0x426: {  	s14 =	simm.s32 $0x1240;
	v18 =	vmov s7;
	v19 =	vmov s8;
	v21 =	vmov s10  }
0x427: {  	v15 =	vmul.f32 v26, v31;
	v0 =	vmul.f32 v0, v31;
	v26 =	vmov s14  }
0x428: {  	v18 =	vshrl.u32 v18, $0x7;
	v19 =	vshrl.u32 v19, $0x7;
	v21 =	vshrl.u32 v21, $0x7  }
0x429: {  	v6 =	vadd.f32 v13, v16;
	v13 =	vmul.f32 v28, v29;
	v11 =	vmul.f32 v11, v31  }
0x42a: {  	s13 =	simm.s32 $0x1230;
	s6 =	simm.s32 $0x1180;
	v2 =	vadd.f32 v2, v17;
	v16 =	vmul.f32 v25, v31;
	v3 =	vadd.f32 v3, v8  }
0x42b: {  	v17 =	vmov s6;
	v25 =	vmov s13;
	v26 =	vshrl.u32 v26, $0x7  }
0x42c: {  	v15 =	vadd.f32 v15, v23;
	v0 =	vadd.f32 v0, v4;
	v23 =	vimm.f32 $0.0e+00  }
0x42d: {  	v17 =	vshrl.u32 v17, $0x7;
	v13 =	vadd.f32 v13, v20;
	v11 =	vadd.f32 v11, v22  }
0x42e: {  	s9 =	simm.s32 $0x11B0;
	s12 =	simm.s32 $0x1220;
	v25 =	vshrl.u32 v25, $0x7;
	v16 =	vadd.f32 v16, v24;
	v6 =	vadd.f32 v9, v6  }
0x42f: {  	s11 =	simm.s32 $0x11D0;
	v1 =	vadd.f32 v1, v2;
	v20 =	vmov s9;
	v24 =	vmov s12  }
0x430: {  	v22 =	vmov s11;
	s9 =	simm.s32 $0x1290;
	v20 =	vshrl.u32 v20, $0x7;
	v24 =	vshrl.u32 v24, $0x7  }
0x431: {  	s29 =	simm.s32 $0x1160;
	v39 =	vmov s9;
	v4 =	vadd.f32 v13, v14;
	v6 =	vadd.f32 v15, v6  }
0x432: {  	v3 =	vadd.f32 v11, v3;
	v0 =	vadd.f32 v0, v1;
	v13 =	vmov s29  }
0x433: {  	s5 =	simm.s32 $0x1170;
	s29 =	simm.s32 $0x1320;
	v13 =	vshrl.u32 v13, $0x7;
	v4 =	vadd.f32 v16, v4;
	v2 =	vadd.f32 v5, v6  }
0x434: {  	v44 =	vmov s29;
	v3 =	vadd.f32 v10, v3;
	v16 =	vmov s5  }
0x435: {  	v16 =	vshrl.u32 v16, $0x7;
	v4 =	vadd.f32 v7, v4;
	vm1 =	vgt.f32 v2, $0.0e+00  }
0x436: {  	v1 =	vmul.f32 $9.999999770e-03, v2;
	v7 =	vadd.f32 v12, v0;
	v0 =	vlaneseq.u32  }
0x437: {  	s30 =	simm.s32 $0x11E0;
	s31 =	simm.s32 $0x11F0;
	v5 =	vmul.f32 $9.999999770e-03, v3;
	vm2 =	vgt.f32 v3, $0.0e+00;
	v8 =	vor.u32 $0x10, v0  }
0x438: {  	v14 =	vor.u32 s30, v0;
	v15 =	vor.u32 s31, v0;
	v6 =	vmul.f32 $9.999999770e-03, v4  }
0x439: {  	v9 =	vsel vm1, v2, v1;
	v10 =	vsel vm2, v3, v5;
	vm1 =	vgt.f32 v4, $0.0e+00  }
0x43a: {  	v1 =	vmul.f32 $9.999999770e-03, v7;
	v2 =	vimm.s32 $0x0;
	v5 =	vor.u32 $0x20, v0  }
0x43b: {  	v3 =	vor.u32 $0x40, v0;
	v2 =	vsel vm0, $0x7, v2;
	v11 =	vsel vm1, v4, v6  }
0x43c: {  	vm1 =	vgt.f32 v7, $0.0e+00;
	v6 =	vor.u32 $0x60, v0;
	v4 =	vor.u32 $0x30, v0  }
0x43d: {  	v13 =	vshll.u32 v13, v2;
	v16 =	vshll.u32 v16, v2;
	v17 =	vshll.u32 v17, v2  }
0x43e: {  	[tilespmem:$0x2D80] =	vst v9;
	v18 =	vshll.u32 v18, v2;
	v19 =	vshll.u32 v19, v2;
	v9 =	vshll.u32 v20, v2  }
0x43f: {  	v20 =	vshll.u32 v21, v2;
	v12 =	vsel vm1, v7, v1;
	v13 =	vbroadcast v13, $0x0  }
0x440: {  	v7 =	vor.u32 $0x70, v0;
	v1 =	vor.u32 $0x50, v0;
	v16 =	vbroadcast v16, $0x0  }
0x441: {  	v27 =	vld [tilespmem:$0x2190];
	[tilespmem:$0x2D90] =	vst v10;
	v10 =	vbroadcast v17, $0x0;
	v17 =	vshll.u32 v24, v2;
	v13 =	vor.u32 v6, v13  }
0x442: {  	s16 =	simm.s32 $0x0;
	v21 =	vld [tilespmem:$0x2170];
	[tilespmem:$0x2DA0] =	vst v11;
	v11 =	vbroadcast v18, $0x0;
	v19 =	vbroadcast v19, $0x0;
	v16 =	vor.u32 v7, v16  }
0x443: {  	s2 =	simm.s32 $0x0;
	v24 =	vld [tilespmem:$0x2180];
	v18 =	vshll.u32 v25, v2;
	v25 =	vmov s16;
	[tilespmem:$0x2DB0] =	vst v12;
	v10 =	vor.u32 v0, v10  }
0x444: {  	v12 =	vshll.u32 v26, v2;
	v17 =	vbroadcast v17, $0x0;
	v28 =	vld.idx.msk [tilespmem:v14+s2+$0x0], $0xffff;
	v14 =	vor.u32 v5, v19  }
0x445: {  	s15 =	simm.s32 $0x1250;
	v25 =	vand.u32 $0xFFFFFFFC, v25;
	v11 =	vor.u32 v8, v11;
	v19 =	vld.idx.msk [tilespmem:v15+s2+$0x0], $0xffff;
	v15 =	vbroadcast v18, $0x0  }
0x446: {  	v18 =	vmov s15;
	v31 =	vbroadcast v25, $0x0;
	v17 =	vor.u32 v5, v17;
	v29 =	vld.idx.msk [tilespmem:v13+s2+$0x0], $0xffff  }
0x447: {  	v12 =	vbroadcast v12, $0x0;
	v15 =	vor.u32 v4, v15;
	v13 =	vshrl.u32 v18, $0x7;
	v16 =	vld.idx.msk [tilespmem:v16+s2+$0x0], $0xffff  }
0x448: {  	s17 =	simm.s32 $0x1;
	v18 =	vbroadcast v20, $0x0;
	v20 =	vshrl.u32 v22, $0x7;
	v22 =	vld.idx.msk [tilespmem:v10+s2+$0x0], $0xffff;
	v13 =	vshll.u32 v13, v2  }
0x449: {  	s5 =	simm.s32 $0x3;
	v26 =	vmov s17;
	v10 =	vor.u32 v3, v12;
	v14 =	vld.idx.msk [tilespmem:v14+s2+$0x0], $0xffff;
	v12 =	vbroadcast v13, $0x0  }
0x44a: {  	v26 =	vand.u32 $0xFFFFFFFD, v26;
	v13 =	vld.idx.msk [tilespmem:v11+s2+$0x0], $0xffff;
	v11 =	vor.u32 v3, v18;
	v18 =	vmov s5  }
0x44b: {  	s3 =	simm.s32 $0x2D80;
	v9 =	vbroadcast v9, $0x0;
	v63 =	vbroadcast v26, $0x0;
	v17 =	vld.idx.msk [tilespmem:v17+s2+$0x0], $0xffff;
	v12 =	vor.u32 v1, v12  }
0x44c: {  	s19 =	simm.s32 $0x12E0;
	v53 =	vshrl.u32 v39, $0x7;
	v59 =	vshrl.u32 v44, $0x7;
	v20 =	vshll.u32 v20, v2;
	v31 =	vld.idx.msk [tilespmem:v31+s3+$0x0], $0xffff  }
0x44d: {  	s21 =	simm.s32 $0x1210;
	s8 =	simm.s32 $0x1200;
	v37 =	vor.u32 s19, v0;
	s30 =	simm.s32 $0x1330;
	v9 =	vor.u32 v4, v9;
	v15 =	vld.idx.msk [tilespmem:v15+s2+$0x0], $0xffff;
	v20 =	vbroadcast v20, $0x0  }
0x44e: {  	v48 =	vor.u32 s8, v0;
	v50 =	vor.u32 s21, v0;
	s31 =	simm.s32 $0x1340;
	v45 =	vmov s30;
	v10 =	vld.idx.msk [tilespmem:v10+s2+$0x0], $0xffff  }
0x44f: {  	v46 =	vmov s31;
	v25 =	vand.u32 $0xFFFFFFFE, v30;
	v20 =	vor.u32 v1, v20;
	v18 =	vld.idx.msk [tilespmem:v18+s3+$0x0], $0xffff  }
0x450: {  	s4 =	simm.s32 $0x1260;
	v60 =	vshrl.u32 v45, $0x7;
	v38 =	vshll.u32 v38, v2;
	v30 =	vbroadcast v25, $0x0;
	v12 =	vld.idx.msk [tilespmem:v12+s2+$0x0], $0xffff  }
0x451: {  	s20 =	simm.s32 $0x12F0;
	v61 =	vshll.u32 v53, v2;
	v35 =	vshll.u32 v54, v2;
	v26 =	vmov s4;
	v32 =	vld.idx.msk [tilespmem:v63+s3+$0x0], $0xffff  }
0x452: {  	s22 =	simm.s32 $0x1270;
	s28 =	simm.s32 $0x12D0;
	v36 =	vshll.u32 v60, v2;
	v25 =	vor.u32 s20, v0;
	v49 =	vshrl.u32 v26, $0x7;
	v51 =	vld.idx.msk [tilespmem:v9+s2+$0x0], $0xffff  }
0x453: {  	v26 =	vmov s28;
	v9 =	vmov s22;
	v29 =	vmul.f32 v29, v31;
	v40 =	vld.idx.msk [tilespmem:v11+s2+$0x0], $0xffff  }
0x454: {  	v47 =	vshrl.u32 v9, $0x7;
	v20 =	vld.idx.msk [tilespmem:v20+s2+$0x0], $0xffff;
	v11 =	vmul.f32 v17, v18;
	v15 =	vmul.f32 v15, v18  }
0x455: {  	v33 =	vld.idx.msk [tilespmem:v48+s2+$0x0], $0xffff;
	v63 =	vshll.u32 v59, v2;
	v52 =	vmul.f32 v10, v18;
	v18 =	vmul.f32 v12, v18  }
0x456: {  	v55 =	vmul.f32 v14, v32;
	v17 =	vld.idx.msk [tilespmem:v30+s3+$0x0], $0xffff;
	v10 =	vadd.f32 v11, v23;
	v11 =	vadd.f32 v15, v23  }
0x457: {  	v15 =	vmul.f32 v16, v31;
	v16 =	vmul.f32 v22, v31;
	v9 =	vadd.f32 v18, v23;
	v18 =	vld.idx.msk [tilespmem:v50+s2+$0x0], $0xffff  }
0x458: {  	v57 =	vmul.f32 v40, v32;
	v12 =	vadd.f32 v52, v23;
	v22 =	vmul.f32 v13, v31  }
0x459: {  	v20 =	vmul.f32 v20, v32;
	v13 =	vadd.f32 v15, v21;
	v14 =	vadd.f32 v16, v24  }
0x45a: {  	v21 =	vmul.f32 v51, v32;
	v15 =	vadd.f32 v22, v27;
	v16 =	vadd.f32 v55, v23  }
0x45b: {  	v20 =	vadd.f32 v20, v23;
	v22 =	vmul.f32 v28, v17;
	v24 =	vmul.f32 v19, v17  }
0x45c: {  	v56 =	vld [tilespmem:$0x2160];
	v27 =	vmul.f32 v33, v17;
	v28 =	vmul.f32 v18, v17;
	v17 =	vadd.f32 v21, v23  }
0x45d: {  	v30 =	vshll.u32 v49, v2;
	v18 =	vadd.f32 v57, v23;
	v21 =	vadd.f32 v22, v23  }
0x45e: {  	v31 =	vshrl.u32 v42, $0x7;
	v22 =	vadd.f32 v24, v23;
	v24 =	vadd.f32 v27, v23  }
0x45f: {  	v27 =	vbroadcast v30, $0x0;
	v23 =	vadd.f32 v28, v23;
	v28 =	vshll.u32 v47, v2  }
0x460: {  	v62 =	vshll.u32 v31, v2;
	v31 =	vbroadcast v61, $0x0;
	v28 =	vbroadcast v28, $0x0  }
0x461: {  	v19 =	vadd.f32 v29, v56;
	v34 =	vor.u32 v6, v27;
	v27 =	vbroadcast v38, $0x0  }
0x462: {  	v29 =	vshll.u32 v58, v2;
	v31 =	vor.u32 v8, v31;
	v33 =	vor.u32 v7, v28  }
0x463: {  	v30 =	vshrl.u32 v46, $0x7;
	v32 =	vor.u32 v0, v27;
	v28 =	vbroadcast v35, $0x0  }
0x464: {  	s7 =	simm.s32 $0x1350;
	s6 =	simm.s32 $0x1360;
	v27 =	vld.idx.msk [tilespmem:v37+s2+$0x0], $0xffff;
	v37 =	vbroadcast v63, $0x0;
	v35 =	vshll.u32 v30, v2;
	v30 =	vbroadcast v62, $0x0  }
.LBB2_4:
0x465: {  	p0 =	sne.s32 s6, $0x2060;
	v38 =	vor.u32 v5, v28;
	v28 =	vld.idx.msk [tilespmem:v25+s2+$0x0], $0xffff;
	v25 =	vbroadcast v36, $0x0;
	v36 =	vmov s7  }
0x466: {  	v35 =	vbroadcast v35, $0x0;
	v34 =	vld.idx.msk [tilespmem:v34+s2+$0x0], $0xffff;
	v37 =	vor.u32 v5, v37;
	v36 =	vshrl.u32 v36, $0x7  }
0x467: {  	v29 =	vbroadcast v29, $0x0;
	v33 =	vld.idx.msk [tilespmem:v33+s2+$0x0], $0xffff;
	v25 =	vor.u32 v4, v25;
	v36 =	vshll.u32 v36, v2  }
0x468: {  	v26 =	vshrl.u32 v26, $0x7;
	s5 =	sadd.s32 $0x4, s5;
	v35 =	vor.u32 v3, v35;
	v32 =	vld.idx.msk [tilespmem:v32+s2+$0x0], $0xffff;
	v36 =	vbroadcast v36, $0x0  }
0x469: {  	s7 =	sadd.s32 $0xFFFFFFFD, s5;
	s8 =	sadd.s32 $0xFFFFFFFE, s5;
	v30 =	vor.u32 v4, v30;
	s9 =	sadd.s32 $0xFFFFFFFF, s5;
	v39 =	vmov s5;
	v29 =	vor.u32 v3, v29;
	v31 =	vld.idx.msk [tilespmem:v31+s2+$0x0], $0xffff  }
0x46a: {  	v40 =	vmov s7;
	v41 =	vmov s8;
	v38 =	vld.idx.msk [tilespmem:v38+s2+$0x0], $0xffff;
	v36 =	vor.u32 v1, v36  }
0x46b: {  	v42 =	vmov s9;
	v40 =	vand.u32 $0xFFFFFFFC, v40;
	v41 =	vand.u32 $0xFFFFFFFD, v41;
	v37 =	vld.idx.msk [tilespmem:v37+s2+$0x0], $0xffff  }
0x46c: {  	v42 =	vand.u32 $0xFFFFFFFE, v42;
	v40 =	vbroadcast v40, $0x0;
	v41 =	vbroadcast v41, $0x0;
	v43 =	vld.idx.msk [tilespmem:v25+s2+$0x0], $0xffff  }
0x46d: {  	v42 =	vbroadcast v42, $0x0;
	v25 =	vshll.u32 v26, v2;
	v35 =	vld.idx.msk [tilespmem:v35+s2+$0x0], $0xffff  }
0x46e: {  	s7 =	sadd.s32 $0x80, s6;
	s8 =	sadd.s32 $0x90, s6;
	s9 =	sadd.s32 $0xA0, s4;
	v26 =	vmov s6;
	v44 =	vbroadcast v25, $0x0;
	v39 =	vld.idx.msk [tilespmem:v39+s3+$0x0], $0xffff  }
0x46f: {  	v45 =	vor.u32 s7, v0;
	v46 =	vor.u32 s9, v0;
	s7 =	sadd.s32 $0xB0, s4;
	s4 =	smov.u32 s6;
	v25 =	vor.u32 s8, v0;
	v36 =	vld.idx.msk [tilespmem:v36+s2+$0x0], $0xffff  }
0x470: {  	s10 =	sadd.s32 $0x30, s6;
	s9 =	sadd.s32 $0x20, s6;
	v48 =	vor.u32 s7, v0;
	v47 =	vshrl.u32 v26, $0x7;
	s8 =	sadd.s32 $0x10, s6;
	v44 =	vor.u32 v1, v44;
	v30 =	vld.idx.msk [tilespmem:v30+s2+$0x0], $0xffff  }
0x471: {  	v51 =	vmov s10;
	v50 =	vmov s9;
	s7 =	sadd.s32 $0x40, s6;
	s9 =	sadd.s32 $0x60, s6;
	v49 =	vmov s8;
	s8 =	sadd.s32 $0x50, s6;
	v29 =	vld.idx.msk [tilespmem:v29+s2+$0x0], $0xffff  }
0x472: {  	v52 =	vmov s7;
	v54 =	vmov s9;
	s7 =	sadd.s32 $0x70, s6;
	s9 =	sadd.s32 $0xD0, s6;
	v53 =	vmov s8;
	s8 =	sadd.s32 $0xC0, s6;
	v40 =	vld.idx.msk [tilespmem:v40+s3+$0x0], $0xffff  }
0x473: {  	v56 =	vmov s9;
	v26 =	vmov s7;
	s7 =	sadd.s32 $0xE0, s6;
	v55 =	vmov s8;
	v41 =	vld.idx.msk [tilespmem:v41+s3+$0x0], $0xffff  }
0x474: {  	v57 =	vmov s7;
	v37 =	vmul.f32 v37, v39;
	v43 =	vmul.f32 v43, v39;
	v42 =	vld.idx.msk [tilespmem:v42+s3+$0x0], $0xffff  }
0x475: {  	v47 =	vshll.u32 v47, v2;
	v35 =	vmul.f32 v35, v39;
	v36 =	vmul.f32 v36, v39;
	v44 =	vld.idx.msk [tilespmem:v44+s2+$0x0], $0xffff  }
0x476: {  	v39 =	vshrl.u32 v49, $0x7;
	v10 =	vadd.f32 v37, v10;
	v11 =	vadd.f32 v43, v11;
	v46 =	vld.idx.msk [tilespmem:v46+s2+$0x0], $0xffff  }
0x477: {  	v37 =	vshrl.u32 v50, $0x7;
	v12 =	vadd.f32 v35, v12;
	v9 =	vadd.f32 v36, v9;
	v43 =	vld.idx.msk [tilespmem:v48+s2+$0x0], $0xffff  }
0x478: {  	v35 =	vshrl.u32 v51, $0x7;
	v33 =	vmul.f32 v33, v40;
	v32 =	vmul.f32 v32, v40  }
0x479: {  	v36 =	vshrl.u32 v52, $0x7;
	v31 =	vmul.f32 v31, v40;
	v38 =	vmul.f32 v38, v41  }
0x47a: {  	v30 =	vmul.f32 v30, v41;
	v29 =	vmul.f32 v29, v41;
	v13 =	vadd.f32 v33, v13  }
0x47b: {  	v33 =	vmul.f32 v34, v40;
	v14 =	vadd.f32 v32, v14;
	v32 =	vmul.f32 v44, v41  }
0x47c: {  	v15 =	vadd.f32 v31, v15;
	v27 =	vmul.f32 v27, v42;
	v28 =	vmul.f32 v28, v42  }
0x47d: {  	v16 =	vadd.f32 v38, v16;
	v31 =	vmul.f32 v46, v42;
	v34 =	vmul.f32 v43, v42  }
0x47e: {  	v38 =	vshrl.u32 v53, $0x7;
	v17 =	vadd.f32 v30, v17;
	v18 =	vadd.f32 v29, v18  }
0x47f: {  	v29 =	vshrl.u32 v54, $0x7;
	v19 =	vadd.f32 v33, v19;
	v20 =	vadd.f32 v32, v20  }
0x480: {  	v30 =	vshrl.u32 v55, $0x7;
	v21 =	vadd.f32 v27, v21;
	v22 =	vadd.f32 v28, v22  }
0x481: {  	v27 =	vshrl.u32 v56, $0x7;
	v24 =	vadd.f32 v31, v24;
	v23 =	vadd.f32 v34, v23  }
0x482: {  	v28 =	vbroadcast v47, $0x0;
	v31 =	vshll.u32 v39, v2;
	v39 =	vshrl.u32 v57, $0x7  }
0x483: {  	v35 =	vshll.u32 v35, v2;
	v32 =	vshll.u32 v37, v2;
	v37 =	vshll.u32 v36, v2  }
.Ltmp1:
0x484: {  	v38 =	vshll.u32 v38, v2;
	v29 =	vshll.u32 v29, v2;
	v31 =	vbroadcast v31, $0x0;
	(pc) =	sbr.rel @p0 .LBB2_4-.Ltmp1, $4  }
0x485: {  	v40 =	vshll.u32 v30, v2;
	v34 =	vor.u32 v6, v28;
	v28 =	vbroadcast v32, $0x0  }
0x486: {  	v30 =	vbroadcast v35, $0x0;
	v36 =	vshll.u32 v27, v2;
	v33 =	vor.u32 v7, v31  }
0x487: {  	v35 =	vshll.u32 v39, v2;
	v32 =	vor.u32 v0, v28;
	v28 =	vbroadcast v37, $0x0  }
0x488: {  	s7 =	sadd.s32 $0xF0, s4;
	s6 =	sadd.s32 $0x100, s6;
	v31 =	vor.u32 v8, v30;
	v30 =	vbroadcast v38, $0x0;
	v37 =	vbroadcast v40, $0x0;
	v27 =	vld.idx.msk [tilespmem:v45+s2+$0x0], $0xffff  }
0x489: {  	_ =	sdelay $0x1  }
0x48a: {  	v6 =	vor.u32 v5, v28;
	v7 =	vbroadcast v36, $0x0  }
0x48b: {  	v60 =	vbroadcast v35, $0x0;
	v5 =	vor.u32 v5, v37  }
0x48c: {  	v8 =	vmov s7;
	v28 =	vld.idx.msk [tilespmem:v34+s2+$0x0], $0xffff;
	v26 =	vshrl.u32 v26, $0x7;
	v7 =	vor.u32 v4, v7  }
0x48d: {  	v33 =	vld.idx.msk [tilespmem:v33+s2+$0x0], $0xffff;
	s5 =	sadd.s32 $0x4, s5;
	v29 =	vbroadcast v29, $0x0;
	v8 =	vshrl.u32 v8, $0x7;
	v34 =	vor.u32 v3, v60  }
0x48e: {  	v32 =	vld.idx.msk [tilespmem:v32+s2+$0x0], $0xffff;
	s6 =	sadd.s32 $0xFFFFFFFD, s5;
	s13 =	sadd.s32 $0xFFFFFFFE, s5;
	v8 =	vshll.u32 v8, v2;
	v4 =	vor.u32 v4, v30;
	v30 =	vmov s5  }
0x48f: {  	v61 =	vmov s6;
	v62 =	vmov s13;
	v8 =	vbroadcast v8, $0x0;
	v6 =	vld.idx.msk [tilespmem:v6+s2+$0x0], $0xffff  }
0x490: {  	v2 =	vshll.u32 v26, v2;
	v3 =	vor.u32 v3, v29;
	v35 =	vand.u32 $0xFFFFFFFC, v61;
	v5 =	vld.idx.msk [tilespmem:v5+s2+$0x0], $0xffff  }
0x491: {  	v36 =	vand.u32 $0xFFFFFFFD, v62;
	v35 =	vbroadcast v35, $0x0;
	v8 =	vor.u32 v1, v8;
	v7 =	vld.idx.msk [tilespmem:v7+s2+$0x0], $0xffff  }
0x492: {  	s5 =	sadd.s32 $0xFFFFFFFF, s5;
	v2 =	vbroadcast v2, $0x0;
	v36 =	vbroadcast v36, $0x0;
	v34 =	vld.idx.msk [tilespmem:v34+s2+$0x0], $0xffff  }
0x493: {  	v26 =	vmov s5;
	v29 =	vld.idx.msk [tilespmem:v30+s3+$0x0], $0xffff  }
0x494: {  	v26 =	vand.u32 $0xFFFFFFFE, v26;
	v1 =	vor.u32 v1, v2;
	v2 =	vld.idx.msk [tilespmem:v4+s2+$0x0], $0xffff  }
0x495: {  	v26 =	vbroadcast v26, $0x0;
	v3 =	vld.idx.msk [tilespmem:v3+s2+$0x0], $0xffff  }
0x496: {  	v8 =	vld.idx.msk [tilespmem:v8+s2+$0x0], $0xffff  }
0x497: {  	s14 =	sadd.s32 $0xA0, s4;
	s15 =	sadd.s32 $0xB0, s4;
	v4 =	vld.idx.msk [tilespmem:v35+s3+$0x0], $0xffff  }
0x498: {  	v30 =	vor.u32 s14, v0;
	v0 =	vor.u32 s15, v0;
	v63 =	vld.idx.msk [tilespmem:v36+s3+$0x0], $0xffff  }
0x499: {  	v1 =	vld.idx.msk [tilespmem:v1+s2+$0x0], $0xffff;
	v5 =	vmul.f32 v5, v29;
	v7 =	vmul.f32 v7, v29  }
0x49a: {  	v31 =	vld.idx.msk [tilespmem:v31+s2+$0x0], $0xffff;
	v34 =	vmul.f32 v34, v29  }
0x49b: {  	v26 =	vld.idx.msk [tilespmem:v26+s3+$0x0], $0xffff;
	v5 =	vadd.f32 v5, v10;
	v7 =	vadd.f32 v7, v11;
	v8 =	vmul.f32 v8, v29  }
0x49c: {  	v10 =	vld.idx.msk [tilespmem:v25+s2+$0x0], $0xffff;
	v11 =	vadd.f32 v34, v12;
	v12 =	vmul.f32 v33, v4;
	v25 =	vmul.f32 v32, v4  }
0x49d: {  	v0 =	vld.idx.msk [tilespmem:v0+s2+$0x0], $0xffff;
	v6 =	vmul.f32 v6, v63;
	v2 =	vmul.f32 v2, v63  }
0x49e: {  	v3 =	vmul.f32 v3, v63;
	v1 =	vmul.f32 v1, v63;
	v8 =	vadd.f32 v8, v9  }
0x49f: {  	v9 =	vmul.f32 v31, v4;
	v12 =	vadd.f32 v12, v13;
	v13 =	vadd.f32 v25, v14  }
0x4a0: {  	v4 =	vmul.f32 v28, v4;
	v6 =	vadd.f32 v6, v16;
	v2 =	vadd.f32 v2, v17  }
0x4a1: {  	s24 =	simm.s32 $0x1;
	s30 =	simm.s32 $0x2280;
	v29 =	vld.idx.msk [tilespmem:v30+s2+$0x0], $0xffff;
	v14 =	vmul.f32 v27, v26;
	v3 =	vadd.f32 v3, v18;
	v1 =	vadd.f32 v1, v20  }
0x4a2: {  	v0 =	vmul.f32 v0, v26;
	v16 =	vmov s24;
	v25 =	vmov s30  }
0x4a3: {  	v16 =	vand.u32 $0xFFFFFFFD, v16;
	v9 =	vadd.f32 v9, v15;
	v4 =	vadd.f32 v4, v19  }
0x4a4: {  	s20 =	simm.s32 $0x21B0;
	v10 =	vmul.f32 v10, v26;
	v14 =	vadd.f32 v14, v21;
	v0 =	vadd.f32 v0, v23  }
0x4a5: {  	v2 =	vadd.f32 v2, v12;
	v3 =	vadd.f32 v3, v13;
	v13 =	vmov s20  }
0x4a6: {  	s16 =	simm.s32 $0x21A0;
	v15 =	vmul.f32 v29, v26;
	v10 =	vadd.f32 v10, v22;
	v4 =	vadd.f32 v6, v4  }
0x4a7: {  	v1 =	vadd.f32 v1, v9;
	v9 =	vmov s16;
	v22 =	vbroadcast v16, $0x0  }
0x4a8: {  	s21 =	simm.s32 $0x2210;
	v15 =	vadd.f32 v15, v24;
	v9 =	vshrl.u32 v9, $0x7;
	v2 =	vadd.f32 v10, v2  }
0x4a9: {  	v4 =	vadd.f32 v14, v4;
	v0 =	vadd.f32 v0, v1;
	v14 =	vmov s21  }
0x4aa: {  	s4 =	simm.s32 $0x3;
	v3 =	vadd.f32 v15, v3;
	v14 =	vshrl.u32 v14, $0x7;
	v2 =	vadd.f32 v7, v2  }
0x4ab: {  	s18 =	simm.s32 $0x2200;
	v15 =	vmov s4;
	v4 =	vadd.f32 v5, v4;
	v6 =	vadd.f32 v8, v0  }
0x4ac: {  	v3 =	vadd.f32 v11, v3;
	v11 =	vmov s18;
	v5 =	vmul.f32 $9.999999770e-03, v2  }
0x4ad: {  	v1 =	vmul.f32 $9.999999770e-03, v4;
	vm1 =	vgt.f32 v4, $0.0e+00;
	vm13 =	vgt.f32 v2, $0.0e+00  }
0x4ae: {  	vm15 =	vgt.f32 v6, $0.0e+00;
	v5 =	vsel vm13, v2, v5;
	v2 =	vmul.f32 $9.999999770e-03, v6  }
0x4af: {  	v11 =	vshrl.u32 v11, $0x7;
	v7 =	vsel vm1, v4, v1;
	v1 =	vmul.f32 $9.999999770e-03, v3  }
0x4b0: {  	vm14 =	vgt.f32 v3, $0.0e+00;
	v8 =	vsel vm15, v6, v2;
	v2 =	vimm.s32 $0x0  }
0x4b1: {  	s17 =	simm.s32 $0x21C0;
	v3 =	vsel vm14, v3, v1;
	v1 =	vlaneseq.u32;
	v6 =	vsel vm0, $0x7, v2  }
0x4b2: {  	s19 =	simm.s32 $0x21D0;
	[tilespmem:$0x2D00] =	vst v7;
	v7 =	vshrl.u32 v13, $0x7;
	v10 =	vor.u32 s17, v1;
	v11 =	vshll.u32 v11, v6  }
0x4b3: {  	[tilespmem:$0x2D10] =	vst v5;
	v12 =	vor.u32 s19, v1;
	v13 =	vshll.u32 v14, v6;
	v11 =	vbroadcast v11, $0x0  }
0x4b4: {  	[tilespmem:$0x2D20] =	vst v3;
	v9 =	vshll.u32 v9, v6;
	v5 =	vshll.u32 v7, v6;
	v13 =	vbroadcast v13, $0x0  }
0x4b5: {  	s22 =	simm.s32 $0x21E0;
	s3 =	simm.s32 $0x2D00;
	v3 =	vld [tilespmem:$0x29A0];
	[tilespmem:$0x2D30] =	vst v8;
	v7 =	vor.u32 $0x10, v1;
	v9 =	vbroadcast v9, $0x0;
	v11 =	vor.u32 v1, v11  }
0x4b6: {  	s23 =	simm.s32 $0x0;
	s2 =	simm.s32 $0x0;
	v4 =	vor.u32 $0x20, v1;
	v18 =	vor.u32 s22, v1;
	v15 =	vld.idx.msk [tilespmem:v15+s3+$0x0], $0xffff;
	v13 =	vor.u32 v7, v13  }
0x4b7: {  	s25 =	simm.s32 $0x2;
	v8 =	vmov s23;
	v14 =	vbroadcast v5, $0x0;
	v19 =	vor.u32 v4, v9;
	v9 =	vld.idx.msk [tilespmem:v10+s2+$0x0], $0xffff  }
0x4b8: {  	v2 =	vor.u32 $0x30, v1;
	v10 =	vand.u32 $0xFFFFFFFC, v8;
	v8 =	vld.idx.msk [tilespmem:v12+s2+$0x0], $0xffff;
	v12 =	vmov s25  }
0x4b9: {  	s8 =	simm.s32 $0x2230;
	v22 =	vld.idx.msk [tilespmem:v22+s3+$0x0], $0xffff;
	v14 =	vor.u32 v2, v14;
	v20 =	vbroadcast v10, $0x0;
	v10 =	vand.u32 $0xFFFFFFFE, v12  }
0x4ba: {  	s5 =	simm.s32 $0x2220;
	v25 =	vshrl.u32 v25, $0x7;
	v23 =	vmov s8;
	v12 =	vbroadcast v10, $0x0;
	v11 =	vld.idx.msk [tilespmem:v11+s2+$0x0], $0xffff  }
0x4bb: {  	s26 =	simm.s32 $0x2240;
	s28 =	simm.s32 $0x2250;
	v23 =	vshrl.u32 v23, $0x7;
	v0 =	vimm.f32 $0.0e+00;
	v10 =	vmov s5;
	v13 =	vld.idx.msk [tilespmem:v13+s2+$0x0], $0xffff  }
0x4bc: {  	s29 =	simm.s32 $0x21F0;
	v17 =	vor.u32 s26, v1;
	v16 =	vor.u32 s28, v1;
	v21 =	vshrl.u32 v10, $0x7;
	v10 =	vld.idx.msk [tilespmem:v18+s2+$0x0], $0xffff  }
0x4bd: {  	v24 =	vor.u32 s29, v1;
	v23 =	vshll.u32 v23, v6;
	v18 =	vld.idx.msk [tilespmem:v19+s2+$0x0], $0xffff;
	v19 =	vshll.u32 v21, v6  }
0x4be: {  	s31 =	simm.s32 $0x2260;
	v27 =	vbroadcast v23, $0x0;
	v21 =	vld.idx.msk [tilespmem:v14+s2+$0x0], $0xffff;
	v14 =	vshll.u32 v25, v6;
	v28 =	vbroadcast v19, $0x0  }
0x4bf: {  	v29 =	vbroadcast v14, $0x0;
	v14 =	vimm.f32 $0.0e+00;
	v23 =	vld.idx.msk [tilespmem:v20+s3+$0x0], $0xffff;
	v20 =	vor.u32 s31, v1  }
0x4c0: {  	v19 =	vld.idx.msk [tilespmem:v12+s3+$0x0], $0xffff;
	v12 =	vimm.f32 $0.0e+00;
	v25 =	vmul.f32 v11, v15;
	v26 =	vmul.f32 v13, v15  }
0x4c1: {  	s7 =	simm.s32 $0x2290;
	s6 =	simm.s32 $0x22A0;
	v5 =	vld [tilespmem:$0x29B0];
	v15 =	vimm.f32 $0.0e+00;
	v11 =	vimm.f32 $0.0e+00;
	v13 =	vimm.f32 $0.0e+00  }
.LBB2_6:
0x4c2: {  	p0 =	sne.s32 s6, $0x2920;
	v28 =	vor.u32 v4, v28;
	v30 =	vmov s7;
	v0 =	vadd.f32 v25, v0  }
0x4c3: {  	v25 =	vor.u32 v2, v27;
	v27 =	vshrl.u32 v30, $0x7;
	v15 =	vadd.f32 v26, v15  }
0x4c4: {  	v18 =	vmul.f32 v18, v23;
	v21 =	vmul.f32 v21, v23;
	v26 =	vshll.u32 v27, v6;
	v23 =	vld.idx.msk [tilespmem:v24+s2+$0x0], $0xffff  }
0x4c5: {  	s4 =	sadd.s32 $0x4, s4;
	v24 =	vor.u32 v1, v29;
	v27 =	vmul.f32 v9, v22;
	v26 =	vbroadcast v26, $0x0  }
0x4c6: {  	s7 =	sadd.s32 $0xFFFFFFFD, s4;
	s8 =	sadd.s32 $0xFFFFFFFE, s4;
	s9 =	sadd.s32 $0xFFFFFFFF, s4;
	v29 =	vmov s4;
	v22 =	vmul.f32 v8, v22;
	v30 =	vmul.f32 v10, v19  }
0x4c7: {  	v8 =	vmov s7;
	v10 =	vmov s8;
	v9 =	vld.idx.msk [tilespmem:v17+s2+$0x0], $0xffff;
	v17 =	vor.u32 v7, v26  }
0x4c8: {  	v10 =	vand.u32 $0xFFFFFFFD, v10;
	v26 =	vand.u32 $0xFFFFFFFC, v8;
	v8 =	vld.idx.msk [tilespmem:v16+s2+$0x0], $0xffff;
	v16 =	vmov s9  }
0x4c9: {  	v31 =	vbroadcast v10, $0x0;
	v26 =	vbroadcast v26, $0x0;
	v16 =	vand.u32 $0xFFFFFFFE, v16;
	v10 =	vld.idx.msk [tilespmem:v20+s2+$0x0], $0xffff  }
0x4ca: {  	v5 =	vadd.f32 v21, v5;
	v19 =	vmul.f32 v23, v19;
	v20 =	vbroadcast v16, $0x0;
	v32 =	vld.idx.msk [tilespmem:v24+s2+$0x0], $0xffff  }
0x4cb: {  	v3 =	vadd.f32 v18, v3;
	v11 =	vadd.f32 v27, v11;
	v33 =	vld.idx.msk [tilespmem:v29+s3+$0x0], $0xffff  }
0x4cc: {  	s7 =	sadd.s32 $0x20, s6;
	v21 =	vmov s6;
	s8 =	sadd.s32 $0x30, s6;
	v13 =	vadd.f32 v22, v13;
	v14 =	vadd.f32 v30, v14;
	v34 =	vld.idx.msk [tilespmem:v17+s2+$0x0], $0xffff  }
0x4cd: {  	s9 =	sadd.s32 $0x10, s6;
	v16 =	vor.u32 s8, v1;
	v12 =	vadd.f32 v19, v12;
	v17 =	vor.u32 s7, v1;
	s7 =	sadd.s32 $0x50, s5;
	s5 =	smov.u32 s6;
	v18 =	vld.idx.msk [tilespmem:v28+s2+$0x0], $0xffff  }
.Ltmp2:
0x4ce: {  	v22 =	vmov s9;
	s8 =	sadd.s32 $0x60, s6;
	v19 =	vshrl.u32 v21, $0x7;
	v24 =	vor.u32 s7, v1;
	v21 =	vld.idx.msk [tilespmem:v25+s2+$0x0], $0xffff;
	(pc) =	sbr.rel @p0 .LBB2_6-.Ltmp2, $4  }
0x4cf: {  	v22 =	vshrl.u32 v22, $0x7;
	v19 =	vshll.u32 v19, v6;
	v25 =	vmov s8;
	v23 =	vld.idx.msk [tilespmem:v26+s3+$0x0], $0xffff  }
0x4d0: {  	v28 =	vbroadcast v19, $0x0;
	v19 =	vshll.u32 v22, v6;
	v25 =	vshrl.u32 v25, $0x7;
	v22 =	vld.idx.msk [tilespmem:v31+s3+$0x0], $0xffff  }
0x4d1: {  	s7 =	sadd.s32 $0x40, s6;
	v27 =	vbroadcast v19, $0x0;
	v26 =	vshll.u32 v25, v6;
	v25 =	vmul.f32 v32, v33;
	v19 =	vld.idx.msk [tilespmem:v20+s3+$0x0], $0xffff  }
0x4d2: {  	s6 =	sadd.s32 $0x80, s6;
	v20 =	vor.u32 s7, v1;
	v29 =	vbroadcast v26, $0x0;
	s7 =	sadd.s32 $0x70, s5;
	v26 =	vmul.f32 v34, v33  }
0x4d3: {  	v30 =	vmov s7  }
0x4d4: {  	s4 =	sadd.s32 $0x4, s4;
	v4 =	vor.u32 v4, v28;
	v30 =	vshrl.u32 v30, $0x7  }
0x4d5: {  	v2 =	vor.u32 v2, v27;
	v29 =	vor.u32 v1, v29;
	s26 =	sadd.s32 $0xFFFFFFFE, s4;
	v6 =	vshll.u32 v30, v6  }
0x4d6: {  	s6 =	sadd.s32 $0xFFFFFFFD, s4;
	v63 =	vmov s4;
	s4 =	sadd.s32 $0xFFFFFFFF, s4;
	v33 =	vmov s26;
	v6 =	vbroadcast v6, $0x0  }
0x4d7: {  	v24 =	vld.idx.msk [tilespmem:v24+s2+$0x0], $0xffff;
	v32 =	vmov s6;
	v35 =	vmov s4;
	v34 =	vand.u32 $0xFFFFFFFD, v33  }
0x4d8: {  	v17 =	vld.idx.msk [tilespmem:v17+s2+$0x0], $0xffff;
	v27 =	vbroadcast v34, $0x0;
	v6 =	vor.u32 v7, v6;
	v7 =	vand.u32 $0xFFFFFFFC, v32  }
0x4d9: {  	v16 =	vld.idx.msk [tilespmem:v16+s2+$0x0], $0xffff;
	v28 =	vand.u32 $0xFFFFFFFE, v35;
	v7 =	vbroadcast v7, $0x0  }
0x4da: {  	v20 =	vld.idx.msk [tilespmem:v20+s2+$0x0], $0xffff;
	v28 =	vbroadcast v28, $0x0  }
0x4db: {  	v4 =	vld.idx.msk [tilespmem:v4+s2+$0x0], $0xffff  }
0x4dc: {  	s28 =	sadd.s32 $0x50, s5;
	v29 =	vld.idx.msk [tilespmem:v29+s2+$0x0], $0xffff  }
0x4dd: {  	v36 =	vor.u32 s28, v1;
	v30 =	vld.idx.msk [tilespmem:v63+s3+$0x0], $0xffff  }
0x4de: {  	v0 =	vadd.f32 v25, v0;
	v42 =	vlaneseq.u32;
	v37 =	vld.idx.msk [tilespmem:v27+s3+$0x0], $0xffff  }
0x4df: {  	v21 =	vmul.f32 v21, v23;
	v15 =	vadd.f32 v26, v15;
	v18 =	vmul.f32 v18, v23;
	v7 =	vld.idx.msk [tilespmem:v7+s3+$0x0], $0xffff  }
0x4e0: {  	v43 =	vmul.u32 $0x2, v42;
	v9 =	vmul.f32 v9, v22;
	v8 =	vmul.f32 v8, v22;
	v39 =	vld.idx.msk [tilespmem:v28+s3+$0x0], $0xffff  }
0x4e1: {  	v10 =	vmul.f32 v10, v19;
	v5 =	vadd.f32 v21, v5;
	v3 =	vadd.f32 v18, v3;
	v2 =	vld.idx.msk [tilespmem:v2+s2+$0x0], $0xffff  }
0x4e2: {  	v47 =	vor.u32 $0x29C0, v43;
	v49 =	vor.u32 $0x29C1, v43;
	v9 =	vadd.f32 v9, v11;
	v1 =	vld.idx.msk [tilespmem:v36+s2+$0x0], $0xffff  }
0x4e3: {  	v8 =	vadd.f32 v8, v13;
	v38 =	vmul.f32 v24, v19;
	v40 =	vmul.f32 v29, v30  }
0x4e4: {  	v10 =	vadd.f32 v10, v14;
	v6 =	vld.idx.msk [tilespmem:v6+s2+$0x0], $0xffff;
	v41 =	vmul.f32 v17, v37;
	v4 =	vmul.f32 v4, v7  }
0x4e5: {  	v12 =	vadd.f32 v38, v12;
	v16 =	vmul.f32 v16, v37;
	v44 =	vmul.f32 v20, v39  }
0x4e6: {  	v2 =	vmul.f32 v2, v7;
	v45 =	vadd.f32 v41, v9;
	v3 =	vadd.f32 v4, v3  }
0x4e7: {  	v1 =	vmul.f32 v1, v39;
	v46 =	vadd.f32 v16, v8;
	v48 =	vadd.f32 v44, v10  }
0x4e8: {  	v50 =	vor.u32 $0x29E0, v43;
	v2 =	vadd.f32 v2, v5;
	v3 =	vadd.f32 v45, v3  }
0x4e9: {  	v0 =	vadd.f32 v40, v0;
	v6 =	vmul.f32 v6, v30;
	v1 =	vadd.f32 v1, v12  }
0x4ea: {  	v5 =	vor.u32 $0x29E1, v43;
	v2 =	vadd.f32 v46, v2;
	v3 =	vadd.f32 v48, v3  }
0x4eb: {  	s29 =	simm.s32 $0x0;
	v6 =	vadd.f32 v6, v15  }
0x4ec: {  	v51 =	vld.idx.msk [tilespmem:v47+s29+$0x0], $0xffff;
	v1 =	vadd.f32 v1, v2;
	v0 =	vadd.f32 v0, v3  }
0x4ed: {  	v52 =	vld.idx.msk [tilespmem:v49+s29+$0x0], $0xffff  }
0x4ee: {  	v54 =	vld.idx.msk [tilespmem:v50+s29+$0x0], $0xffff;
	v1 =	vadd.f32 v6, v1;
	v53 =	vmul.f32 $9.999999770e-03, v0  }
0x4ef: {  	v5 =	vld.idx.msk [tilespmem:v5+s29+$0x0], $0xffff;
	vm0 =	vgt.f32 v0, $0.0e+00  }
0x4f0: {  	v55 =	vmul.f32 $9.999999770e-03, v1;
	v0 =	vsel vm0, v0, v53  }
0x4f1: {  	vm14 =	vgt.f32 v1, $0.0e+00;
	v2 =	vmul.f32 v51, v0  }
0x4f2: {  	v1 =	vsel vm14, v1, v55;
	v0 =	vmul.f32 v52, v0  }
0x4f3: {  	v56 =	vmul.f32 v54, v1;
	v2 =	vadd.f32 $0.0e+00, v2  }
0x4f4: {  	v1 =	vmul.f32 v5, v1;
	v0 =	vadd.f32 $0.0e+00, v0  }
0x4f5: {  	v2 =	vadd.f32 v56, v2  }
0x4f6: {  	v0 =	vadd.f32 v1, v0  }
0x4f7: {  	(xrf2) =	vadd.scan.msk.f32 $0xffff, v2  }
0x4f8: {  	(xrf2) =	vadd.scan.msk.f32 $0xffff, v0;
	_ =	sdelay $0x2  }
0x4f9: {  	v57 =	vand.u32 $0x1, v42  }
0x4fa: {  	v0 =	vor.u32 $0x2A00, v57;
	_ =	sdelay $0x4  }
0x4fb: {  	v0 =	vld.idx.msk [tilespmem:v0+s29+$0x0], $0xffff;
	v58, _, _ =	vpop (xrf2)  }
0x4fc: {  	v59, _, _ =	vpop (xrf2)  }
0x4fd: {  	v1 =	vbroadcast v58, $0xF;
	v2 =	vbroadcast v59, $0xF  }
0x4fe: {  	vm15 =	vmmov $0x1  }
0x4ff: {  	v1 =	vsel vm15, v1, v2  }
0x500: {  	v0 =	vadd.f32 v1, v0;
	_ =	sdelay $0x1  }
0x501: {  	v0 =	vmax.f32 v0, $-3.000000000e+01  }
0x502: {  	v0 =	vmin.f32 v0, $3.000000000e+01  }
0x503: {  	v0 =	vsub.f32 $0.0e+00, v0;
	_ =	sdelay $0x1  }
0x504: {  	v60 =	vmul.f32 $1.442695020e+00, v0;
	_ =	sdelay $0x1  }
0x505: {  	v1 =	vadd.f32 $1.258291200e+07, v60;
	_ =	sdelay $0x1  }
0x506: {  	v1 =	vadd.f32 $-1.258291200e+07, v1;
	_ =	sdelay $0x1  }
0x507: {  	v61 =	vmul.f32 $-6.933593750e-01, v1;
	_ =	sdelay $0x1  }
0x508: {  	v62 =	vmul.f32 $2.121944420e-04, v1;
	v0 =	vadd.f32 v61, v0;
	_ =	sdelay $0x1  }
0x509: {  	v0 =	vadd.f32 v62, v0;
	_ =	sdelay $0x1  }
0x50a: {  	v2 =	vmul.f32 $1.388888920e-03, v0;
	_ =	sdelay $0x1  }
0x50b: {  	v2 =	vadd.f32 $8.333333770e-03, v2;
	_ =	sdelay $0x1  }
0x50c: {  	v2 =	vmul.f32 v2, v0;
	_ =	sdelay $0x1  }
0x50d: {  	v2 =	vadd.f32 $4.166666790e-02, v2;
	_ =	sdelay $0x1  }
0x50e: {  	v2 =	vmul.f32 v2, v0;
	_ =	sdelay $0x1  }
0x50f: {  	v2 =	vadd.f32 $1.666666720e-01, v2;
	_ =	sdelay $0x1  }
0x510: {  	v2 =	vmul.f32 v2, v0;
	_ =	sdelay $0x1  }
0x511: {  	v2 =	vadd.f32 $5.000000000e-01, v2;
	_ =	sdelay $0x1  }
0x512: {  	v2 =	vmul.f32 v2, v0;
	_ =	sdelay $0x1  }
0x513: {  	v2 =	vadd.f32 $1.000000000e+00, v2  }
0x514: {  	v1 =	vtrunc.f32 v1  }
0x515: {  	v1 =	vcvt.f32.s32 v1;
	v0 =	vmul.f32 v2, v0;
	_ =	sdelay $0x1  }
0x516: {  	v1 =	vshll.u32 v1, $0x17;
	v0 =	vadd.f32 $1.000000000e+00, v0  }
0x517: {  	v1 =	vadd.s32 $0x3F800000, v1  }
0x518: {  	v0 =	vmul.f32 v1, v0;
	_ =	sdelay $0x1  }
0x519: {  	v0 =	vadd.f32 $1.000000000e+00, v0;
	_ =	sdelay $0x1  }
0x51a: {  	(erf) = vrcp.f32 v0;
	_ =	sdelay $0x8  }
0x51b: {  	v63 =	vpop (erf)  }
0x51c: {  	v0 =	vmul.f32 v63, v0;
	_ =	sdelay $0x1  }
0x51d: {  	v0 =	vsub.f32 $2.000000000e+00, v0;
	_ =	sdelay $0x1  }
0x51e: {  	v0 =	vmul.f32 v0, v63;
	_ =	sdelay $0x1  }
0x51f: {  	s30 =	simm.s32 $0x2E00;
	s31 =	simm.s32 $0x3;
	[tilespmem:$0x2E00] =	vst v0  }
0x520: {  	[hbm4b:s1+s29] =	stream.linear.scatter [tilespmem:s30], [sflag:$0x3], $0x2, $0x38;
	[tilespmem:$0x2E80] =	vst v63  }
0x521: {  	_ =	swait.ge [sflag:s31], $0x2  }
0x522: {  	[sflag:s31] =	ssyncset.done $0x0  }
0x523: {  	[sflag:s31] =	ssyncadd.s32 $0xFFFFFFFE  }
0x524: {  	_ =	sfence.sel $0x180000  }
0x525: {  	[bflag:$0x0] =	sbarrier.arrive $0xFFFF  }
0x526: {  	_ =	strace $0x90000047  }
0x527: {  	s0 =	sadd.s32 $0x100000, s0;
	[bflag:$0x2] =	sbarrier.arrive $0xFFFF  }
0x528: {  	[sflag:s0] =	ssyncadd.tile.s32 $0x1;
	_ =	shalt  }
.Lfunc_end2:
_tile_overlayer_lowered:
.L_overlay_start_2:
0x529: {  	(tag) =	ssettag $0x2  }
0x52a: {  	s0 =	rddreg [dreg:$0x0];
	s2 =	stileid.u32  }
0x52b: {  	s1 =	rddreg [dreg:$0x1];
	p0 =	sne.s32 s2, $0x0  }
0x52c: {  	s3 =	rddreg [dreg:$0x2];
	[bflag:$0x3] =	sbarrier.arrive $0xFFFF;
	s2 =	simm.s32 @!p0 $0x1C03  }
0x52d: {  	[timem:s3], [sflag:s2] =	dma.local @!p0 [hbm:s0], s1  }
0x52e: {  	s0 =	simm.s32 @!p0 $0x3  }
0x52f: {  	_ =	swait.ge @!p0 [sflag:s0], s1  }
0x530: {  	s1 =	ssub.s32 @!p0 $0x0, s1;
	[sflag:s0] =	ssyncset.done @!p0 $0x0  }
0x531: {  	[sflag:s0] =	ssyncadd.s32 @!p0 s1  }
0x532: {  	[bflag:$0x3] =	sbarrier.arrive $0xFFFF  }
0x533: {  	_ =	shalt  }

</sc_bundles>
